<compile_context>
chip_gen: v7x
topology: tpu7x:2x2x1
jax: 0.10.2.dev20260603
libtpu: 0.0.44.dev20260713+nightly
codegen_flags: <defaults>
</compile_context>

<pallas_src>
import functools

import jax
import jax.numpy as jnp
from jax import lax
from jax.experimental import pallas as pl
from jax.experimental.pallas import tpu as pltpu
from jax.experimental.pallas import tpu_sc as plsc

_N = 10000
_E = 160000
_D = 256
_H = 128
_EPS = 1e-5

_N_PAD = 10240
_E_PAD = 163840
_ROWS = 1280
_ROWS_K1 = _ROWS // 32
_ROWS_K3 = _ROWS // 16
_BN = 512
_GRID = _N_PAD // _BN

_mesh = plsc.VectorSubcoreMesh(core_axis_name="c", subcore_axis_name="s")
_sc_params = pltpu.CompilerParams(needs_layout_passes=False)


def _deg_kernel(dst2, ew2, out, dstall, ewall, degbuf, tmp, res, shared):
    c = lax.axis_index("c")
    s = lax.axis_index("s")
    w = s * 2 + c

    @functools.partial(plsc.parallel_loop, 0, _N_PAD // 16)
    def _zero(i):
        degbuf[pl.ds(i * 16, 16)] = jnp.zeros((16,), jnp.float32)

    pltpu.sync_copy(dst2.at[pl.ds(w * _ROWS_K1, _ROWS_K1)], dstall)
    pltpu.sync_copy(ew2.at[pl.ds(w * _ROWS_K1, _ROWS_K1)], ewall)

    lanes = lax.iota(jnp.int32, 16)

    def _chunk(i, carry):
        for j in range(8):
            dv = dstall[i, 0, pl.ds(j * 16, 16)]
            ev = ewall[i, 0, pl.ds(j * 16, 16)]
            for l in range(16):
                plsc.addupdate_scatter(degbuf, [dv], ev, mask=lanes == l)
        return carry

    lax.fori_loop(0, _ROWS_K1, _chunk, 0)

    pltpu.sync_copy(degbuf, shared.at[s])
    plsc.subcore_barrier()

    base = s * (_N_PAD // 16)
    for p in range(16):
        pltpu.sync_copy(shared.at[p, pl.ds(base, _N_PAD // 16)], tmp.at[p])

    def _red(i, carry):
        acc = tmp[0, pl.ds(i * 16, 16)]
        for p in range(1, 16):
            acc = acc + tmp[p, pl.ds(i * 16, 16)]
        res[pl.ds(i * 16, 16)] = acc
        return carry

    lax.fori_loop(0, _N_PAD // 16 // 16, _red, 0)
    pltpu.sync_copy(res, out.at[c, pl.ds(base, _N_PAD // 16)])


_deg_call = functools.partial(
    pl.kernel,
    out_type=jax.ShapeDtypeStruct((2, _N_PAD), jnp.float32),
    mesh=_mesh,
    compiler_params=_sc_params,
    scratch_types=[
        pltpu.VMEM((_ROWS_K1, 1, 128), jnp.int32),
        pltpu.VMEM((_ROWS_K1, 1, 128), jnp.float32),
        pltpu.VMEM((_N_PAD,), jnp.float32),
        pltpu.VMEM((16, _N_PAD // 16), jnp.float32),
        pltpu.VMEM((_N_PAD // 16,), jnp.float32),
        pltpu.VMEM_SHARED((16, _N_PAD), jnp.float32),
    ],
)(_deg_kernel)


def _mm_body(x_ref, w_ref, deg_ref, h2_ref, dis_ref):
    xb = x_ref[...]
    wm = w_ref[...]
    h = lax.dot_general(xb, wm, (((1,), (1,)), ((), ())),
                        preferred_element_type=jnp.float32)
    deg = deg_ref[0, :] + deg_ref[1, :] + 1.0
    dis = lax.rsqrt(deg)
    hs = h * dis[:, None]
    h2_ref[0] = hs[:, :_H]
    h2_ref[1] = hs[:, _H:]
    dis_ref[...] = dis[:, None]


def _mm_call(xp, W, deg2):
    return pl.pallas_call(
        _mm_body,
        grid=(_GRID,),
        in_specs=[
            pl.BlockSpec((_BN, _D), lambda i: (i, 0)),
            pl.BlockSpec((_D, _D), lambda i: (0, 0)),
            pl.BlockSpec((2, _BN), lambda i: (0, i)),
        ],
        out_specs=[
            pl.BlockSpec((2, _BN, _H), lambda i: (0, i, 0)),
            pl.BlockSpec((_BN, 1), lambda i: (i, 0)),
        ],
        out_shape=[
            jax.ShapeDtypeStruct((2, _N_PAD, _H), jnp.float32),
            jax.ShapeDtypeStruct((_N_PAD, 1), jnp.float32),
        ],
    )(xp, W, deg2)


_ACC_ROWS = 10000
_ZROWS = _ACC_ROWS // 16


def _agg_kernel(h2flat, src2, dst2, ew2, out,
                gbuf0, gbuf1, gbuf2,
                srcb0, srcb1, srcb2, dstb0, dstb1, dstb2,
                ewb0, ewb1, ewb2, sdst0, sdst1, soff0, soff1, acc,
                gsem0, gsem1, gsem2, ssem0, ssem1, esem0, esem1, esem2):
    c = lax.axis_index("c")
    s = lax.axis_index("s")

    gb = (gbuf0, gbuf1, gbuf2)
    srcb = (srcb0, srcb1, srcb2)
    dstb = (dstb0, dstb1, dstb2)
    ewb = (ewb0, ewb1, ewb2)
    sdst = (sdst0, sdst1)
    soff = (soff0, soff1)
    gsem = (gsem0, gsem1, gsem2)
    ssem = (ssem0, ssem1)
    esem = (esem0, esem1, esem2)

    @functools.partial(plsc.parallel_loop, 0, 128)
    def _zrow(r):
        for k in range(8):
            gbuf0[r, pl.ds(k * 16, 16)] = jnp.zeros((16,), jnp.float32)

    zbase = jnp.minimum(s * 632, _ACC_ROWS - 632)
    for k in range(4):
        pltpu.sync_copy(gbuf0, acc.at[pl.ds(zbase + k * 128, 128)])
    pltpu.sync_copy(gbuf0.at[pl.ds(0, 120)],
                    acc.at[pl.ds(zbase + 512, 120)])
    plsc.subcore_barrier()

    ebase = s * _ROWS_K3
    off = c * _N_PAD

    def _edge_dma_start(i, q):
        r = ebase + i
        pltpu.async_copy(src2.at[r], srcb[q], esem[q])
        pltpu.async_copy(dst2.at[r], dstb[q], esem[q])
        pltpu.async_copy(ew2.at[r], ewb[q], esem[q])

    def _edge_dma_wait(i, q):
        r = ebase + i
        pltpu.make_async_copy(src2.at[r], srcb[q], esem[q]).wait()
        pltpu.make_async_copy(dst2.at[r], dstb[q], esem[q]).wait()
        pltpu.make_async_copy(ew2.at[r], ewb[q], esem[q]).wait()

    def _prep_and_gather(i, q, p):
        _edge_dma_wait(i, q)
        for j in range(8):
            soff[p][pl.ds(j * 16, 16)] = srcb[q][0, pl.ds(j * 16, 16)] + off
        pltpu.async_copy(h2flat.at[soff[p]], gb[q], gsem[q])

    def _wait_scatter(q, p):
        pltpu.make_async_copy(gb[q], acc.at[sdst[p].at[0]], ssem[p]).wait()

    def _slot(i, q, has_next, has_next2, guard_first):
        b = q % 3
        p = q % 2
        q1 = (q + 1) % 3
        p1 = (q + 1) % 2
        q2 = (q + 2) % 3

        if guard_first:
            @pl.when(i >= 2)
            def _():
                _wait_scatter(q1, p)
        else:
            _wait_scatter(q1, p)

        if has_next:
            _prep_and_gather(i + 1, q1, p1)
        if has_next2:
            _edge_dma_start(i + 2, q2)

        pltpu.make_async_copy(h2flat.at[soff[p]], gb[b], gsem[b]).wait()

        @functools.partial(plsc.parallel_loop, 0, 128, unroll=8)
        def _scale(e):
            g = (e // 16) * 16
            grp = ewb[b][0, pl.ds(g, 16)]
            lane = jnp.zeros((16,), jnp.int32) + (e % 16)
            cf = jnp.take(grp, lane, mode="promise_in_bounds")
            for k in range(8):
                gb[b][e, pl.ds(k * 16, 16)] = gb[b][e, pl.ds(k * 16, 16)] * cf

        for j in range(8):
            sdst[p][0, pl.ds(j * 16, 16)] = dstb[b][0, pl.ds(j * 16, 16)]
        pltpu.async_copy(gb[b], acc.at[sdst[p].at[0]], ssem[p], add=True)

    _edge_dma_start(0, 0)
    _edge_dma_start(1, 1)
    _prep_and_gather(0, 0, 0)

    def _round(t, carry):
        i0 = t * 6
        for q in range(6):
            _slot(i0 + q, q, True, True, True)
        return carry

    lax.fori_loop(0, (_ROWS_K3 - 2) // 6, _round, 0)

    _slot(_ROWS_K3 - 2, 0, True, False, False)
    _slot(_ROWS_K3 - 1, 1, False, False, False)
    _wait_scatter(0, 0)
    _wait_scatter(1, 1)
    plsc.subcore_barrier()

    obase = jnp.minimum(s * 632, _ACC_ROWS - 632)
    pltpu.sync_copy(acc.at[pl.ds(obase, 632)],
                    out.at[c, pl.ds(obase, 632)])


_agg_call = functools.partial(
    pl.kernel,
    out_type=jax.ShapeDtypeStruct((2, _N_PAD, _H), jnp.float32),
    mesh=_mesh,
    compiler_params=_sc_params,
    scratch_types=[
        pltpu.VMEM((128, _H), jnp.float32),
        pltpu.VMEM((128, _H), jnp.float32),
        pltpu.VMEM((128, _H), jnp.float32),
        pltpu.VMEM((1, 128), jnp.int32),
        pltpu.VMEM((1, 128), jnp.int32),
        pltpu.VMEM((1, 128), jnp.int32),
        pltpu.VMEM((1, 128), jnp.int32),
        pltpu.VMEM((1, 128), jnp.int32),
        pltpu.VMEM((1, 128), jnp.int32),
        pltpu.VMEM((1, 128), jnp.float32),
        pltpu.VMEM((1, 128), jnp.float32),
        pltpu.VMEM((1, 128), jnp.float32),
        pltpu.VMEM((1, 128), jnp.int32),
        pltpu.VMEM((1, 128), jnp.int32),
        pltpu.VMEM((128,), jnp.int32),
        pltpu.VMEM((128,), jnp.int32),
        pltpu.VMEM_SHARED((_ACC_ROWS, _H), jnp.float32),
        pltpu.SemaphoreType.DMA,
        pltpu.SemaphoreType.DMA,
        pltpu.SemaphoreType.DMA,
        pltpu.SemaphoreType.DMA,
        pltpu.SemaphoreType.DMA,
        pltpu.SemaphoreType.DMA,
        pltpu.SemaphoreType.DMA,
        pltpu.SemaphoreType.DMA,
    ],
)(_agg_kernel)


def _fin_body(agg_ref, h2_ref, dis_ref, b_ref, g_ref, be_ref, o_ref):
    s0 = agg_ref[0] + h2_ref[0]
    s1 = agg_ref[1] + h2_ref[1]
    sfull = jnp.concatenate([s0, s1], axis=1)
    sfull = sfull * dis_ref[...] + b_ref[...]
    mu = jnp.mean(sfull, axis=-1, keepdims=True)
    zc = sfull - mu
    var = jnp.mean(zc * zc, axis=-1, keepdims=True)
    o = zc * lax.rsqrt(var + _EPS) * g_ref[...] + be_ref[...]
    o_ref[...] = jnp.maximum(o, 0.0)


def _fin_call(agg, h2, dis, b2, g2, be2):
    return pl.pallas_call(
        _fin_body,
        grid=(_GRID,),
        in_specs=[
            pl.BlockSpec((2, _BN, _H), lambda i: (0, i, 0)),
            pl.BlockSpec((2, _BN, _H), lambda i: (0, i, 0)),
            pl.BlockSpec((_BN, 1), lambda i: (i, 0)),
            pl.BlockSpec((1, _D), lambda i: (0, 0)),
            pl.BlockSpec((1, _D), lambda i: (0, 0)),
            pl.BlockSpec((1, _D), lambda i: (0, 0)),
        ],
        out_specs=pl.BlockSpec((_BN, _D), lambda i: (i, 0)),
        out_shape=jax.ShapeDtypeStruct((_N_PAD, _D), jnp.float32),
    )(agg, h2, dis, b2, g2, be2)


def kernel(x, edge_index, edge_weight, W, b, gamma, beta):
    src = edge_index[0].astype(jnp.int32)
    dst = edge_index[1].astype(jnp.int32)
    ew = edge_weight.astype(jnp.float32)

    npad = _E_PAD - _E
    fill = jnp.arange(npad, dtype=jnp.int32) % _N
    src2 = jnp.concatenate([src, fill]).reshape(_ROWS, 1, 128)
    dst2 = jnp.concatenate([dst, fill]).reshape(_ROWS, 1, 128)
    ew2 = jnp.concatenate([ew, jnp.zeros((npad,), jnp.float32)]).reshape(
        _ROWS, 1, 128)

    deg2 = _deg_call(dst2, ew2)

    xp = jnp.pad(x, ((0, _N_PAD - _N), (0, 0)))
    h2, dis = _mm_call(xp, W, deg2)

    h2flat = h2.reshape(2 * _N_PAD, _H)
    agg = _agg_call(h2flat, src2, dst2, ew2)

    out = _fin_call(agg, h2, dis,
                    b.reshape(1, _D), gamma.reshape(1, _D),
                    beta.reshape(1, _D))
    return out[:_N]

# --- scband reference (transcript-rebuilt; emitter-appended) ---
"""Pipeline reference for scband-gnnlayer-54004918780389 (READ-ONLY COPY).

The authoritative reference and input builder live on the scoring server;
editing this copy changes nothing except your own understanding.
"""

import jax, jax.numpy as jnp
import numpy as np

N_NODES = 10000
N_EDGES = 160000
D_IN = 256
D_OUT = 256
EPS = 1e-5


def setup_inputs(seed: int = 0) -> dict:
    key = jax.random.key(seed)
    ks = jax.random.split(key, 8)
    x = jax.random.normal(ks[0], (N_NODES, D_IN), dtype=jnp.float32)
    edge_index = jax.random.randint(ks[1], (2, N_EDGES), 0, N_NODES).astype(jnp.int64)
    edge_weight = jax.random.uniform(ks[2], (N_EDGES,), dtype=jnp.float32)
    # GCNConv linear weight (PyG stores as [out_channels, in_channels], bias applied after aggregation)
    W = jax.random.normal(ks[3], (D_OUT, D_IN), dtype=jnp.float32) * (1.0 / np.sqrt(D_IN))
    b = jnp.zeros((D_OUT,), dtype=jnp.float32)
    # LayerNorm params
    gamma = jnp.ones((D_OUT,), dtype=jnp.float32)
    beta = jnp.zeros((D_OUT,), dtype=jnp.float32)
    return {"x": x, "edge_index": edge_index, "edge_weight": edge_weight,
            "W": W, "b": b, "gamma": gamma, "beta": beta}


def reference(x, edge_index, edge_weight, W, b, gamma, beta):
    # --- GCNConv (normalize=True, add_self_loops=True) ---
    src = edge_index[0]
    dst = edge_index[1]
    loop = jnp.arange(N_NODES, dtype=src.dtype)
    src_f = jnp.concatenate([src, loop], axis=0)
    dst_f = jnp.concatenate([dst, loop], axis=0)
    ew_f = jnp.concatenate([edge_weight, jnp.ones((N_NODES,), dtype=edge_weight.dtype)], axis=0)
    # symmetric normalization deg^{-1/2} A deg^{-1/2}, degree from weighted in-edges (dst)
    deg = jax.ops.segment_sum(ew_f, dst_f, num_segments=N_NODES)
    deg_inv_sqrt = jnp.where(deg > 0, 1.0 / jnp.sqrt(deg), 0.0)
    norm = deg_inv_sqrt[src_f] * ew_f * deg_inv_sqrt[dst_f]
    # linear transform then propagate
    h = x @ W.T
    msgs = h[src_f] * norm[:, None]
    out = jax.ops.segment_sum(msgs, dst_f, num_segments=N_NODES)
    out = out + b
    # --- LayerNorm ---
    mu = jnp.mean(out, axis=-1, keepdims=True)
    var = jnp.var(out, axis=-1, keepdims=True)
    out = (out - mu) / jnp.sqrt(var + EPS) * gamma + beta
    # --- ReLU --- (dropout is identity in eval/reference)
    out = jax.nn.relu(out)
    return out

if __name__ == "__main__":
    import jax
    _d = setup_inputs()
    print(jax.jit(kernel)(*tuple(_d.values())))

</pallas_src>

<mosaic_0001>
#map = affine_map<(d0, d1) -> (0, 0)>
#map1 = affine_map<(d0, d1) -> (0, 0, 0)>
module attributes {stable_mosaic.version = 14 : i64} {
  func.func @_agg_kernel(%arg0: i32, %arg1: i32, %arg2: memref<20480x128xf32, #tpu.memory_space<hbm>>, %arg3: memref<1280x1x128xi32, #tpu.memory_space<hbm>>, %arg4: memref<1280x1x128xi32, #tpu.memory_space<hbm>>, %arg5: memref<1280x1x128xf32, #tpu.memory_space<hbm>>, %arg6: memref<2x10240x128xf32, #tpu.memory_space<hbm>>, %arg7: memref<128x128xf32, #tpu.memory_space<vmem>>, %arg8: memref<128x128xf32, #tpu.memory_space<vmem>>, %arg9: memref<128x128xf32, #tpu.memory_space<vmem>>, %arg10: memref<1x128xi32, #tpu.memory_space<vmem>>, %arg11: memref<1x128xi32, #tpu.memory_space<vmem>>, %arg12: memref<1x128xi32, #tpu.memory_space<vmem>>, %arg13: memref<1x128xi32, #tpu.memory_space<vmem>>, %arg14: memref<1x128xi32, #tpu.memory_space<vmem>>, %arg15: memref<1x128xi32, #tpu.memory_space<vmem>>, %arg16: memref<1x128xf32, #tpu.memory_space<vmem>>, %arg17: memref<1x128xf32, #tpu.memory_space<vmem>>, %arg18: memref<1x128xf32, #tpu.memory_space<vmem>>, %arg19: memref<1x128xi32, #tpu.memory_space<vmem>>, %arg20: memref<1x128xi32, #tpu.memory_space<vmem>>, %arg21: memref<128xi32, #tpu.memory_space<vmem>>, %arg22: memref<128xi32, #tpu.memory_space<vmem>>, %arg23: memref<10000x128xf32, #tpu.memory_space<vmem_shared>>, %arg24: memref<!tpu.dma_semaphore, #tpu.memory_space<semaphore_mem>>, %arg25: memref<!tpu.dma_semaphore, #tpu.memory_space<semaphore_mem>>, %arg26: memref<!tpu.dma_semaphore, #tpu.memory_space<semaphore_mem>>, %arg27: memref<!tpu.dma_semaphore, #tpu.memory_space<semaphore_mem>>, %arg28: memref<!tpu.dma_semaphore, #tpu.memory_space<semaphore_mem>>, %arg29: memref<!tpu.dma_semaphore, #tpu.memory_space<semaphore_mem>>, %arg30: memref<!tpu.dma_semaphore, #tpu.memory_space<semaphore_mem>>, %arg31: memref<!tpu.dma_semaphore, #tpu.memory_space<semaphore_mem>>) attributes {dimension_semantics = [#tpu.dimension_semantics<core_parallel>, #tpu.dimension_semantics<subcore_parallel>], iteration_bounds = array<i64: 2, 16>, scalar_prefetch = 0 : i64, scratch_operands = 25 : i64, tpu.core_type = #tpu.core_type<sc_vector_subcore>, window_params = [{transform_indices = #map}, {transform_indices = #map1}, {transform_indices = #map1}, {transform_indices = #map1}, {transform_indices = #map1}]} {
    %mul3A = arith.constant 632 : i32
    %mul3A_0 = arith.muli %arg1, %mul3A : i32
    %min3A = arith.constant 9368 : i32
    %min3A_1 = arith.minsi %mul3A_0, %min3A : i32
    %add3A = arith.constant 0 : i32
    %add3A_2 = arith.addi %min3A_1, %add3A : i32
    "tpu.region"() ({
      %run_scoped3A = tpu.sem_alloc : memref<!tpu.dma_semaphore, #tpu.memory_space<semaphore_mem>>
      %dma_start3A_435 = arith.constant 0 : i32
      %dma_start3A_436 = tpu.memref_slice %arg23[%add3A_2, %dma_start3A_435] : memref<10000x128xf32, #tpu.memory_space<vmem_shared>> -> memref<128x128xf32, #tpu.memory_space<vmem_shared>>
      %dma_start3A_437 = arith.constant 0 : i32
      %dma_start3A_438 = tpu.memref_slice %arg23[%add3A_2, %dma_start3A_437] : memref<10000x128xf32, #tpu.memory_space<vmem_shared>> -> memref<128x128xf32, #tpu.memory_space<vmem_shared>>
      tpu.enqueue_dma source(%arg7 : memref<128x128xf32, #tpu.memory_space<vmem>>) target(%dma_start3A_438 : memref<128x128xf32, #tpu.memory_space<vmem_shared>>) target_semaphore(%run_scoped3A : memref<!tpu.dma_semaphore, #tpu.memory_space<semaphore_mem>>)
      %dma_wait3A_439 = arith.constant 0 : i32
      %dma_wait3A_440 = tpu.memref_slice %arg23[%add3A_2, %dma_wait3A_439] : memref<10000x128xf32, #tpu.memory_space<vmem_shared>> -> memref<128x128xf32, #tpu.memory_space<vmem_shared>>
      %dma_wait3A_441 = arith.constant 0 : i32
      %dma_wait3A_442 = tpu.memref_slice %arg23[%add3A_2, %dma_wait3A_441] : memref<10000x128xf32, #tpu.memory_space<vmem_shared>> -> memref<128x128xf32, #tpu.memory_space<vmem_shared>>
      tpu.wait_dma2 semaphore(%run_scoped3A : memref<!tpu.dma_semaphore, #tpu.memory_space<semaphore_mem>>) src(%arg7 : memref<128x128xf32, #tpu.memory_space<vmem>>) dst(%dma_wait3A_442 : memref<128x128xf32, #tpu.memory_space<vmem_shared>>)
      tpu.yield
    }) : () -> ()
    %add3A_3 = arith.constant 128 : i32
    %add3A_4 = arith.addi %min3A_1, %add3A_3 : i32
    "tpu.region"() ({
      %run_scoped3A = tpu.sem_alloc : memref<!tpu.dma_semaphore, #tpu.memory_space<semaphore_mem>>
      %dma_start3A_435 = arith.constant 0 : i32
      %dma_start3A_436 = tpu.memref_slice %arg23[%add3A_4, %dma_start3A_435] : memref<10000x128xf32, #tpu.memory_space<vmem_shared>> -> memref<128x128xf32, #tpu.memory_space<vmem_shared>>
      %dma_start3A_437 = arith.constant 0 : i32
      %dma_start3A_438 = tpu.memref_slice %arg23[%add3A_4, %dma_start3A_437] : memref<10000x128xf32, #tpu.memory_space<vmem_shared>> -> memref<128x128xf32, #tpu.memory_space<vmem_shared>>
      tpu.enqueue_dma source(%arg7 : memref<128x128xf32, #tpu.memory_space<vmem>>) target(%dma_start3A_438 : memref<128x128xf32, #tpu.memory_space<vmem_shared>>) target_semaphore(%run_scoped3A : memref<!tpu.dma_semaphore, #tpu.memory_space<semaphore_mem>>)
      %dma_wait3A_439 = arith.constant 0 : i32
      %dma_wait3A_440 = tpu.memref_slice %arg23[%add3A_4, %dma_wait3A_439] : memref<10000x128xf32, #tpu.memory_space<vmem_shared>> -> memref<128x128xf32, #tpu.memory_space<vmem_shared>>
      %dma_wait3A_441 = arith.constant 0 : i32
      %dma_wait3A_442 = tpu.memref_slice %arg23[%add3A_4, %dma_wait3A_441] : memref<10000x128xf32, #tpu.memory_space<vmem_shared>> -> memref<128x128xf32, #tpu.memory_space<vmem_shared>>
      tpu.wait_dma2 semaphore(%run_scoped3A : memref<!tpu.dma_semaphore, #tpu.memory_space<semaphore_mem>>) src(%arg7 : memref<128x128xf32, #tpu.memory_space<vmem>>) dst(%dma_wait3A_442 : memref<128x128xf32, #tpu.memory_space<vmem_shared>>)
      tpu.yield
    }) : () -> ()
    %add3A_5 = arith.constant 256 : i32
    %add3A_6 = arith.addi %min3A_1, %add3A_5 : i32
    "tpu.region"() ({
      %run_scoped3A = tpu.sem_alloc : memref<!tpu.dma_semaphore, #tpu.memory_space<semaphore_mem>>
      %dma_start3A_435 = arith.constant 0 : i32
      %dma_start3A_436 = tpu.memref_slice %arg23[%add3A_6, %dma_start3A_435] : memref<10000x128xf32, #tpu.memory_space<vmem_shared>> -> memref<128x128xf32, #tpu.memory_space<vmem_shared>>
      %dma_start3A_437 = arith.constant 0 : i32
      %dma_start3A_438 = tpu.memref_slice %arg23[%add3A_6, %dma_start3A_437] : memref<10000x128xf32, #tpu.memory_space<vmem_shared>> -> memref<128x128xf32, #tpu.memory_space<vmem_shared>>
      tpu.enqueue_dma source(%arg7 : memref<128x128xf32, #tpu.memory_space<vmem>>) target(%dma_start3A_438 : memref<128x128xf32, #tpu.memory_space<vmem_shared>>) target_semaphore(%run_scoped3A : memref<!tpu.dma_semaphore, #tpu.memory_space<semaphore_mem>>)
      %dma_wait3A_439 = arith.constant 0 : i32
      %dma_wait3A_440 = tpu.memref_slice %arg23[%add3A_6, %dma_wait3A_439] : memref<10000x128xf32, #tpu.memory_space<vmem_shared>> -> memref<128x128xf32, #tpu.memory_space<vmem_shared>>
      %dma_wait3A_441 = arith.constant 0 : i32
      %dma_wait3A_442 = tpu.memref_slice %arg23[%add3A_6, %dma_wait3A_441] : memref<10000x128xf32, #tpu.memory_space<vmem_shared>> -> memref<128x128xf32, #tpu.memory_space<vmem_shared>>
      tpu.wait_dma2 semaphore(%run_scoped3A : memref<!tpu.dma_semaphore, #tpu.memory_space<semaphore_mem>>) src(%arg7 : memref<128x128xf32, #tpu.memory_space<vmem>>) dst(%dma_wait3A_442 : memref<128x128xf32, #tpu.memory_space<vmem_shared>>)
      tpu.yield
    }) : () -> ()
    %add3A_7 = arith.constant 384 : i32
    %add3A_8 = arith.addi %min3A_1, %add3A_7 : i32
    "tpu.region"() ({
      %run_scoped3A = tpu.sem_alloc : memref<!tpu.dma_semaphore, #tpu.memory_space<semaphore_mem>>
      %dma_start3A_435 = arith.constant 0 : i32
      %dma_start3A_436 = tpu.memref_slice %arg23[%add3A_8, %dma_start3A_435] : memref<10000x128xf32, #tpu.memory_space<vmem_shared>> -> memref<128x128xf32, #tpu.memory_space<vmem_shared>>
      %dma_start3A_437 = arith.constant 0 : i32
      %dma_start3A_438 = tpu.memref_slice %arg23[%add3A_8, %dma_start3A_437] : memref<10000x128xf32, #tpu.memory_space<vmem_shared>> -> memref<128x128xf32, #tpu.memory_space<vmem_shared>>
      tpu.enqueue_dma source(%arg7 : memref<128x128xf32, #tpu.memory_space<vmem>>) target(%dma_start3A_438 : memref<128x128xf32, #tpu.memory_space<vmem_shared>>) target_semaphore(%run_scoped3A : memref<!tpu.dma_semaphore, #tpu.memory_space<semaphore_mem>>)
      %dma_wait3A_439 = arith.constant 0 : i32
      %dma_wait3A_440 = tpu.memref_slice %arg23[%add3A_8, %dma_wait3A_439] : memref<10000x128xf32, #tpu.memory_space<vmem_shared>> -> memref<128x128xf32, #tpu.memory_space<vmem_shared>>
      %dma_wait3A_441 = arith.constant 0 : i32
      %dma_wait3A_442 = tpu.memref_slice %arg23[%add3A_8, %dma_wait3A_441] : memref<10000x128xf32, #tpu.memory_space<vmem_shared>> -> memref<128x128xf32, #tpu.memory_space<vmem_shared>>
      tpu.wait_dma2 semaphore(%run_scoped3A : memref<!tpu.dma_semaphore, #tpu.memory_space<semaphore_mem>>) src(%arg7 : memref<128x128xf32, #tpu.memory_space<vmem>>) dst(%dma_wait3A_442 : memref<128x128xf32, #tpu.memory_space<vmem_shared>>)
      tpu.yield
    }) : () -> ()
    %add3A_9 = arith.constant 512 : i32
    %add3A_10 = arith.addi %min3A_1, %add3A_9 : i32
    "tpu.region"() ({
      %run_scoped3A = tpu.sem_alloc : memref<!tpu.dma_semaphore, #tpu.memory_space<semaphore_mem>>
      %dma_start3A_435 = arith.constant 0 : i32
      %dma_start3A_436 = arith.constant 0 : i32
      %dma_start3A_437 = tpu.memref_slice %arg7[%dma_start3A_435, %dma_start3A_436] : memref<128x128xf32, #tpu.memory_space<vmem>> -> memref<120x128xf32, #tpu.memory_space<vmem>>
      %dma_start3A_438 = arith.constant 0 : i32
      %dma_start3A_439 = tpu.memref_slice %arg23[%add3A_10, %dma_start3A_438] : memref<10000x128xf32, #tpu.memory_space<vmem_shared>> -> memref<120x128xf32, #tpu.memory_space<vmem_shared>>
      %dma_start3A_440 = arith.constant 0 : i32
      %dma_start3A_441 = tpu.memref_slice %arg23[%add3A_10, %dma_start3A_440] : memref<10000x128xf32, #tpu.memory_space<vmem_shared>> -> memref<120x128xf32, #tpu.memory_space<vmem_shared>>
      %dma_start3A_442 = arith.constant 0 : i32
      %dma_start3A_443 = arith.constant 0 : i32
      %dma_start3A_444 = tpu.memref_slice %arg7[%dma_start3A_442, %dma_start3A_443] : memref<128x128xf32, #tpu.memory_space<vmem>> -> memref<120x128xf32, #tpu.memory_space<vmem>>
      tpu.enqueue_dma source(%dma_start3A_444 : memref<120x128xf32, #tpu.memory_space<vmem>>) target(%dma_start3A_441 : memref<120x128xf32, #tpu.memory_space<vmem_shared>>) target_semaphore(%run_scoped3A : memref<!tpu.dma_semaphore, #tpu.memory_space<semaphore_mem>>)
      %dma_wait3A_445 = arith.constant 0 : i32
      %dma_wait3A_446 = arith.constant 0 : i32
      %dma_wait3A_447 = tpu.memref_slice %arg7[%dma_wait3A_445, %dma_wait3A_446] : memref<128x128xf32, #tpu.memory_space<vmem>> -> memref<120x128xf32, #tpu.memory_space<vmem>>
      %dma_wait3A_448 = arith.constant 0 : i32
      %dma_wait3A_449 = tpu.memref_slice %arg23[%add3A_10, %dma_wait3A_448] : memref<10000x128xf32, #tpu.memory_space<vmem_shared>> -> memref<120x128xf32, #tpu.memory_space<vmem_shared>>
      %dma_wait3A_450 = arith.constant 0 : i32
      %dma_wait3A_451 = tpu.memref_slice %arg23[%add3A_10, %dma_wait3A_450] : memref<10000x128xf32, #tpu.memory_space<vmem_shared>> -> memref<120x128xf32, #tpu.memory_space<vmem_shared>>
      %dma_wait3A_452 = arith.constant 0 : i32
      %dma_wait3A_453 = arith.constant 0 : i32
      %dma_wait3A_454 = tpu.memref_slice %arg7[%dma_wait3A_452, %dma_wait3A_453] : memref<128x128xf32, #tpu.memory_space<vmem>> -> memref<120x128xf32, #tpu.memory_space<vmem>>
      tpu.wait_dma2 semaphore(%run_scoped3A : memref<!tpu.dma_semaphore, #tpu.memory_space<semaphore_mem>>) src(%dma_wait3A_454 : memref<120x128xf32, #tpu.memory_space<vmem>>) dst(%dma_wait3A_451 : memref<120x128xf32, #tpu.memory_space<vmem_shared>>)
      tpu.yield
    }) : () -> ()
    %barrier3A = arith.constant 0 : index
    tpu.barrier barrier_id(%barrier3A)
    %mul3A_11 = arith.constant 80 : i32
    %mul3A_12 = arith.muli %arg1, %mul3A_11 : i32
    %mul3A_13 = arith.constant 10240 : i32
    %mul3A_14 = arith.muli %arg0, %mul3A_13 : i32
    %add3A_15 = arith.constant 0 : i32
    %add3A_16 = arith.addi %mul3A_12, %add3A_15 : i32
    %dma_start3A = arith.constant 0 : i32
    %dma_start3A_17 = arith.constant 0 : i32
    %dma_start3A_18 = tpu.memref_slice %arg3[%add3A_16, %dma_start3A, %dma_start3A_17] : memref<1280x1x128xi32, #tpu.memory_space<hbm>> -> memref<1x1x128xi32, #tpu.memory_space<hbm>>
    %dma_start3A_19 = tpu.memref_squeeze %dma_start3A_18 : memref<1x1x128xi32, #tpu.memory_space<hbm>> -> memref<1x128xi32, #tpu.memory_space<hbm>>
    %dma_start3A_20 = arith.constant 0 : i32
    %dma_start3A_21 = arith.constant 0 : i32
    %dma_start3A_22 = tpu.memref_slice %arg3[%add3A_16, %dma_start3A_20, %dma_start3A_21] : memref<1280x1x128xi32, #tpu.memory_space<hbm>> -> memref<1x1x128xi32, #tpu.memory_space<hbm>>
    %dma_start3A_23 = tpu.memref_squeeze %dma_start3A_22 : memref<1x1x128xi32, #tpu.memory_space<hbm>> -> memref<1x128xi32, #tpu.memory_space<hbm>>
    tpu.enqueue_dma source(%dma_start3A_23 : memref<1x128xi32, #tpu.memory_space<hbm>>) target(%arg10 : memref<1x128xi32, #tpu.memory_space<vmem>>) target_semaphore(%arg29 : memref<!tpu.dma_semaphore, #tpu.memory_space<semaphore_mem>>)
    %dma_start3A_24 = arith.constant 0 : i32
    %dma_start3A_25 = arith.constant 0 : i32
    %dma_start3A_26 = tpu.memref_slice %arg4[%add3A_16, %dma_start3A_24, %dma_start3A_25] : memref<1280x1x128xi32, #tpu.memory_space<hbm>> -> memref<1x1x128xi32, #tpu.memory_space<hbm>>
    %dma_start3A_27 = tpu.memref_squeeze %dma_start3A_26 : memref<1x1x128xi32, #tpu.memory_space<hbm>> -> memref<1x128xi32, #tpu.memory_space<hbm>>
    %dma_start3A_28 = arith.constant 0 : i32
    %dma_start3A_29 = arith.constant 0 : i32
    %dma_start3A_30 = tpu.memref_slice %arg4[%add3A_16, %dma_start3A_28, %dma_start3A_29] : memref<1280x1x128xi32, #tpu.memory_space<hbm>> -> memref<1x1x128xi32, #tpu.memory_space<hbm>>
    %dma_start3A_31 = tpu.memref_squeeze %dma_start3A_30 : memref<1x1x128xi32, #tpu.memory_space<hbm>> -> memref<1x128xi32, #tpu.memory_space<hbm>>
    tpu.enqueue_dma source(%dma_start3A_31 : memref<1x128xi32, #tpu.memory_space<hbm>>) target(%arg13 : memref<1x128xi32, #tpu.memory_space<vmem>>) target_semaphore(%arg29 : memref<!tpu.dma_semaphore, #tpu.memory_space<semaphore_mem>>)
    %dma_start3A_32 = arith.constant 0 : i32
    %dma_start3A_33 = arith.constant 0 : i32
    %dma_start3A_34 = tpu.memref_slice %arg5[%add3A_16, %dma_start3A_32, %dma_start3A_33] : memref<1280x1x128xf32, #tpu.memory_space<hbm>> -> memref<1x1x128xf32, #tpu.memory_space<hbm>>
    %dma_start3A_35 = tpu.memref_squeeze %dma_start3A_34 : memref<1x1x128xf32, #tpu.memory_space<hbm>> -> memref<1x128xf32, #tpu.memory_space<hbm>>
    %dma_start3A_36 = arith.constant 0 : i32
    %dma_start3A_37 = arith.constant 0 : i32
    %dma_start3A_38 = tpu.memref_slice %arg5[%add3A_16, %dma_start3A_36, %dma_start3A_37] : memref<1280x1x128xf32, #tpu.memory_space<hbm>> -> memref<1x1x128xf32, #tpu.memory_space<hbm>>
    %dma_start3A_39 = tpu.memref_squeeze %dma_start3A_38 : memref<1x1x128xf32, #tpu.memory_space<hbm>> -> memref<1x128xf32, #tpu.memory_space<hbm>>
    tpu.enqueue_dma source(%dma_start3A_39 : memref<1x128xf32, #tpu.memory_space<hbm>>) target(%arg16 : memref<1x128xf32, #tpu.memory_space<vmem>>) target_semaphore(%arg29 : memref<!tpu.dma_semaphore, #tpu.memory_space<semaphore_mem>>)
    %add3A_40 = arith.constant 1 : i32
    %add3A_41 = arith.addi %mul3A_12, %add3A_40 : i32
    %dma_start3A_42 = arith.constant 0 : i32
    %dma_start3A_43 = arith.constant 0 : i32
    %dma_start3A_44 = tpu.memref_slice %arg3[%add3A_41, %dma_start3A_42, %dma_start3A_43] : memref<1280x1x128xi32, #tpu.memory_space<hbm>> -> memref<1x1x128xi32, #tpu.memory_space<hbm>>
    %dma_start3A_45 = tpu.memref_squeeze %dma_start3A_44 : memref<1x1x128xi32, #tpu.memory_space<hbm>> -> memref<1x128xi32, #tpu.memory_space<hbm>>
    %dma_start3A_46 = arith.constant 0 : i32
    %dma_start3A_47 = arith.constant 0 : i32
    %dma_start3A_48 = tpu.memref_slice %arg3[%add3A_41, %dma_start3A_46, %dma_start3A_47] : memref<1280x1x128xi32, #tpu.memory_space<hbm>> -> memref<1x1x128xi32, #tpu.memory_space<hbm>>
    %dma_start3A_49 = tpu.memref_squeeze %dma_start3A_48 : memref<1x1x128xi32, #tpu.memory_space<hbm>> -> memref<1x128xi32, #tpu.memory_space<hbm>>
    tpu.enqueue_dma source(%dma_start3A_49 : memref<1x128xi32, #tpu.memory_space<hbm>>) target(%arg11 : memref<1x128xi32, #tpu.memory_space<vmem>>) target_semaphore(%arg30 : memref<!tpu.dma_semaphore, #tpu.memory_space<semaphore_mem>>)
    %dma_start3A_50 = arith.constant 0 : i32
    %dma_start3A_51 = arith.constant 0 : i32
    %dma_start3A_52 = tpu.memref_slice %arg4[%add3A_41, %dma_start3A_50, %dma_start3A_51] : memref<1280x1x128xi32, #tpu.memory_space<hbm>> -> memref<1x1x128xi32, #tpu.memory_space<hbm>>
    %dma_start3A_53 = tpu.memref_squeeze %dma_start3A_52 : memref<1x1x128xi32, #tpu.memory_space<hbm>> -> memref<1x128xi32, #tpu.memory_space<hbm>>
    %dma_start3A_54 = arith.constant 0 : i32
    %dma_start3A_55 = arith.constant 0 : i32
    %dma_start3A_56 = tpu.memref_slice %arg4[%add3A_41, %dma_start3A_54, %dma_start3A_55] : memref<1280x1x128xi32, #tpu.memory_space<hbm>> -> memref<1x1x128xi32, #tpu.memory_space<hbm>>
    %dma_start3A_57 = tpu.memref_squeeze %dma_start3A_56 : memref<1x1x128xi32, #tpu.memory_space<hbm>> -> memref<1x128xi32, #tpu.memory_space<hbm>>
    tpu.enqueue_dma source(%dma_start3A_57 : memref<1x128xi32, #tpu.memory_space<hbm>>) target(%arg14 : memref<1x128xi32, #tpu.memory_space<vmem>>) target_semaphore(%arg30 : memref<!tpu.dma_semaphore, #tpu.memory_space<semaphore_mem>>)
    %dma_start3A_58 = arith.constant 0 : i32
    %dma_start3A_59 = arith.constant 0 : i32
    %dma_start3A_60 = tpu.memref_slice %arg5[%add3A_41, %dma_start3A_58, %dma_start3A_59] : memref<1280x1x128xf32, #tpu.memory_space<hbm>> -> memref<1x1x128xf32, #tpu.memory_space<hbm>>
    %dma_start3A_61 = tpu.memref_squeeze %dma_start3A_60 : memref<1x1x128xf32, #tpu.memory_space<hbm>> -> memref<1x128xf32, #tpu.memory_space<hbm>>
    %dma_start3A_62 = arith.constant 0 : i32
    %dma_start3A_63 = arith.constant 0 : i32
    %dma_start3A_64 = tpu.memref_slice %arg5[%add3A_41, %dma_start3A_62, %dma_start3A_63] : memref<1280x1x128xf32, #tpu.memory_space<hbm>> -> memref<1x1x128xf32, #tpu.memory_space<hbm>>
    %dma_start3A_65 = tpu.memref_squeeze %dma_start3A_64 : memref<1x1x128xf32, #tpu.memory_space<hbm>> -> memref<1x128xf32, #tpu.memory_space<hbm>>
    tpu.enqueue_dma source(%dma_start3A_65 : memref<1x128xf32, #tpu.memory_space<hbm>>) target(%arg17 : memref<1x128xf32, #tpu.memory_space<vmem>>) target_semaphore(%arg30 : memref<!tpu.dma_semaphore, #tpu.memory_space<semaphore_mem>>)
    %add3A_66 = arith.constant 0 : i32
    %add3A_67 = arith.addi %mul3A_12, %add3A_66 : i32
    %dma_wait3A = arith.constant 0 : i32
    %dma_wait3A_68 = arith.constant 0 : i32
    %dma_wait3A_69 = tpu.memref_slice %arg3[%add3A_67, %dma_wait3A, %dma_wait3A_68] : memref<1280x1x128xi32, #tpu.memory_space<hbm>> -> memref<1x1x128xi32, #tpu.memory_space<hbm>>
    %dma_wait3A_70 = tpu.memref_squeeze %dma_wait3A_69 : memref<1x1x128xi32, #tpu.memory_space<hbm>> -> memref<1x128xi32, #tpu.memory_space<hbm>>
    %dma_wait3A_71 = arith.constant 0 : i32
    %dma_wait3A_72 = arith.constant 0 : i32
    %dma_wait3A_73 = tpu.memref_slice %arg3[%add3A_67, %dma_wait3A_71, %dma_wait3A_72] : memref<1280x1x128xi32, #tpu.memory_space<hbm>> -> memref<1x1x128xi32, #tpu.memory_space<hbm>>
    %dma_wait3A_74 = tpu.memref_squeeze %dma_wait3A_73 : memref<1x1x128xi32, #tpu.memory_space<hbm>> -> memref<1x128xi32, #tpu.memory_space<hbm>>
    tpu.wait_dma2 semaphore(%arg29 : memref<!tpu.dma_semaphore, #tpu.memory_space<semaphore_mem>>) src(%dma_wait3A_74 : memref<1x128xi32, #tpu.memory_space<hbm>>) dst(%arg10 : memref<1x128xi32, #tpu.memory_space<vmem>>)
    %dma_wait3A_75 = arith.constant 0 : i32
    %dma_wait3A_76 = arith.constant 0 : i32
    %dma_wait3A_77 = tpu.memref_slice %arg4[%add3A_67, %dma_wait3A_75, %dma_wait3A_76] : memref<1280x1x128xi32, #tpu.memory_space<hbm>> -> memref<1x1x128xi32, #tpu.memory_space<hbm>>
    %dma_wait3A_78 = tpu.memref_squeeze %dma_wait3A_77 : memref<1x1x128xi32, #tpu.memory_space<hbm>> -> memref<1x128xi32, #tpu.memory_space<hbm>>
    %dma_wait3A_79 = arith.constant 0 : i32
    %dma_wait3A_80 = arith.constant 0 : i32
    %dma_wait3A_81 = tpu.memref_slice %arg4[%add3A_67, %dma_wait3A_79, %dma_wait3A_80] : memref<1280x1x128xi32, #tpu.memory_space<hbm>> -> memref<1x1x128xi32, #tpu.memory_space<hbm>>
    %dma_wait3A_82 = tpu.memref_squeeze %dma_wait3A_81 : memref<1x1x128xi32, #tpu.memory_space<hbm>> -> memref<1x128xi32, #tpu.memory_space<hbm>>
    tpu.wait_dma2 semaphore(%arg29 : memref<!tpu.dma_semaphore, #tpu.memory_space<semaphore_mem>>) src(%dma_wait3A_82 : memref<1x128xi32, #tpu.memory_space<hbm>>) dst(%arg13 : memref<1x128xi32, #tpu.memory_space<vmem>>)
    %dma_wait3A_83 = arith.constant 0 : i32
    %dma_wait3A_84 = arith.constant 0 : i32
    %dma_wait3A_85 = tpu.memref_slice %arg5[%add3A_67, %dma_wait3A_83, %dma_wait3A_84] : memref<1280x1x128xf32, #tpu.memory_space<hbm>> -> memref<1x1x128xf32, #tpu.memory_space<hbm>>
    %dma_wait3A_86 = tpu.memref_squeeze %dma_wait3A_85 : memref<1x1x128xf32, #tpu.memory_space<hbm>> -> memref<1x128xf32, #tpu.memory_space<hbm>>
    %dma_wait3A_87 = arith.constant 0 : i32
    %dma_wait3A_88 = arith.constant 0 : i32
    %dma_wait3A_89 = tpu.memref_slice %arg5[%add3A_67, %dma_wait3A_87, %dma_wait3A_88] : memref<1280x1x128xf32, #tpu.memory_space<hbm>> -> memref<1x1x128xf32, #tpu.memory_space<hbm>>
    %dma_wait3A_90 = tpu.memref_squeeze %dma_wait3A_89 : memref<1x1x128xf32, #tpu.memory_space<hbm>> -> memref<1x128xf32, #tpu.memory_space<hbm>>
    tpu.wait_dma2 semaphore(%arg29 : memref<!tpu.dma_semaphore, #tpu.memory_space<semaphore_mem>>) src(%dma_wait3A_90 : memref<1x128xf32, #tpu.memory_space<hbm>>) dst(%arg16 : memref<1x128xf32, #tpu.memory_space<vmem>>)
    %get3A = arith.constant 0 : i32
    %get3A_91 = arith.index_cast %get3A : i32 to index
    %get3A_92 = arith.constant 0 : index
    %get3A_93 = tpu.vector_load %arg10[%get3A_91, %get3A_92] {strides = array<i32>} : memref<1x128xi32, #tpu.memory_space<vmem>>, vector<16xi32>,
    %add3A_94 = vector.broadcast %mul3A_14 : i32 to vector<16xi32>
    %add3A_95 = arith.addi %get3A_93, %add3A_94 : vector<16xi32>
    %swap3A = arith.constant 0 : index
    %swap3A_96 = tpu.vector_load %arg21[%swap3A] {strides = array<i32>} : memref<128xi32, #tpu.memory_space<vmem>>, vector<16xi32>,
    tpu.vector_store %arg21[%swap3A], %add3A_95 {strides = array<i32>} : memref<128xi32, #tpu.memory_space<vmem>>, vector<16xi32>,
    %get3A_97 = arith.constant 0 : i32
    %get3A_98 = arith.index_cast %get3A_97 : i32 to index
    %get3A_99 = arith.constant 16 : index
    %get3A_100 = tpu.vector_load %arg10[%get3A_98, %get3A_99] {strides = array<i32>} : memref<1x128xi32, #tpu.memory_space<vmem>>, vector<16xi32>,
    %add3A_101 = vector.broadcast %mul3A_14 : i32 to vector<16xi32>
    %add3A_102 = arith.addi %get3A_100, %add3A_101 : vector<16xi32>
    %swap3A_103 = arith.constant 16 : index
    %swap3A_104 = tpu.vector_load %arg21[%swap3A_103] {strides = array<i32>} : memref<128xi32, #tpu.memory_space<vmem>>, vector<16xi32>,
    tpu.vector_store %arg21[%swap3A_103], %add3A_102 {strides = array<i32>} : memref<128xi32, #tpu.memory_space<vmem>>, vector<16xi32>,
    %get3A_105 = arith.constant 0 : i32
    %get3A_106 = arith.index_cast %get3A_105 : i32 to index
    %get3A_107 = arith.constant 32 : index
    %get3A_108 = tpu.vector_load %arg10[%get3A_106, %get3A_107] {strides = array<i32>} : memref<1x128xi32, #tpu.memory_space<vmem>>, vector<16xi32>,
    %add3A_109 = vector.broadcast %mul3A_14 : i32 to vector<16xi32>
    %add3A_110 = arith.addi %get3A_108, %add3A_109 : vector<16xi32>
    %swap3A_111 = arith.constant 32 : index
    %swap3A_112 = tpu.vector_load %arg21[%swap3A_111] {strides = array<i32>} : memref<128xi32, #tpu.memory_space<vmem>>, vector<16xi32>,
    tpu.vector_store %arg21[%swap3A_111], %add3A_110 {strides = array<i32>} : memref<128xi32, #tpu.memory_space<vmem>>, vector<16xi32>,
    %get3A_113 = arith.constant 0 : i32
    %get3A_114 = arith.index_cast %get3A_113 : i32 to index
    %get3A_115 = arith.constant 48 : index
    %get3A_116 = tpu.vector_load %arg10[%get3A_114, %get3A_115] {strides = array<i32>} : memref<1x128xi32, #tpu.memory_space<vmem>>, vector<16xi32>,
    %add3A_117 = vector.broadcast %mul3A_14 : i32 to vector<16xi32>
    %add3A_118 = arith.addi %get3A_116, %add3A_117 : vector<16xi32>
    %swap3A_119 = arith.constant 48 : index
    %swap3A_120 = tpu.vector_load %arg21[%swap3A_119] {strides = array<i32>} : memref<128xi32, #tpu.memory_space<vmem>>, vector<16xi32>,
    tpu.vector_store %arg21[%swap3A_119], %add3A_118 {strides = array<i32>} : memref<128xi32, #tpu.memory_space<vmem>>, vector<16xi32>,
    %get3A_121 = arith.constant 0 : i32
    %get3A_122 = arith.index_cast %get3A_121 : i32 to index
    %get3A_123 = arith.constant 64 : index
    %get3A_124 = tpu.vector_load %arg10[%get3A_122, %get3A_123] {strides = array<i32>} : memref<1x128xi32, #tpu.memory_space<vmem>>, vector<16xi32>,
    %add3A_125 = vector.broadcast %mul3A_14 : i32 to vector<16xi32>
    %add3A_126 = arith.addi %get3A_124, %add3A_125 : vector<16xi32>
    %swap3A_127 = arith.constant 64 : index
    %swap3A_128 = tpu.vector_load %arg21[%swap3A_127] {strides = array<i32>} : memref<128xi32, #tpu.memory_space<vmem>>, vector<16xi32>,
    tpu.vector_store %arg21[%swap3A_127], %add3A_126 {strides = array<i32>} : memref<128xi32, #tpu.memory_space<vmem>>, vector<16xi32>,
    %get3A_129 = arith.constant 0 : i32
    %get3A_130 = arith.index_cast %get3A_129 : i32 to index
    %get3A_131 = arith.constant 80 : index
    %get3A_132 = tpu.vector_load %arg10[%get3A_130, %get3A_131] {strides = array<i32>} : memref<1x128xi32, #tpu.memory_space<vmem>>, vector<16xi32>,
    %add3A_133 = vector.broadcast %mul3A_14 : i32 to vector<16xi32>
    %add3A_134 = arith.addi %get3A_132, %add3A_133 : vector<16xi32>
    %swap3A_135 = arith.constant 80 : index
    %swap3A_136 = tpu.vector_load %arg21[%swap3A_135] {strides = array<i32>} : memref<128xi32, #tpu.memory_space<vmem>>, vector<16xi32>,
    tpu.vector_store %arg21[%swap3A_135], %add3A_134 {strides = array<i32>} : memref<128xi32, #tpu.memory_space<vmem>>, vector<16xi32>,
    %get3A_137 = arith.constant 0 : i32
    %get3A_138 = arith.index_cast %get3A_137 : i32 to index
    %get3A_139 = arith.constant 96 : index
    %get3A_140 = tpu.vector_load %arg10[%get3A_138, %get3A_139] {strides = array<i32>} : memref<1x128xi32, #tpu.memory_space<vmem>>, vector<16xi32>,
    %add3A_141 = vector.broadcast %mul3A_14 : i32 to vector<16xi32>
    %add3A_142 = arith.addi %get3A_140, %add3A_141 : vector<16xi32>
    %swap3A_143 = arith.constant 96 : index
    %swap3A_144 = tpu.vector_load %arg21[%swap3A_143] {strides = array<i32>} : memref<128xi32, #tpu.memory_space<vmem>>, vector<16xi32>,
    tpu.vector_store %arg21[%swap3A_143], %add3A_142 {strides = array<i32>} : memref<128xi32, #tpu.memory_space<vmem>>, vector<16xi32>,
    %get3A_145 = arith.constant 0 : i32
    %get3A_146 = arith.index_cast %get3A_145 : i32 to index
    %get3A_147 = arith.constant 112 : index
    %get3A_148 = tpu.vector_load %arg10[%get3A_146, %get3A_147] {strides = array<i32>} : memref<1x128xi32, #tpu.memory_space<vmem>>, vector<16xi32>,
    %add3A_149 = vector.broadcast %mul3A_14 : i32 to vector<16xi32>
    %add3A_150 = arith.addi %get3A_148, %add3A_149 : vector<16xi32>
    %swap3A_151 = arith.constant 112 : index
    %swap3A_152 = tpu.vector_load %arg21[%swap3A_151] {strides = array<i32>} : memref<128xi32, #tpu.memory_space<vmem>>, vector<16xi32>,
    tpu.vector_store %arg21[%swap3A_151], %add3A_150 {strides = array<i32>} : memref<128xi32, #tpu.memory_space<vmem>>, vector<16xi32>,
    %dma_start3A_153 = arith.constant 0 : i32
    %dma_start3A_154 = arith.constant 0 : i32
    %dma_start3A_155 = tpu.memref_slice %arg2[%dma_start3A_153, %dma_start3A_154] : memref<20480x128xf32, #tpu.memory_space<hbm>> -> memref<20480x128xf32, #tpu.memory_space<hbm>>
    tpu.enqueue_indirect_dma source(%dma_start3A_155 : memref<20480x128xf32, #tpu.memory_space<hbm>>) target(%arg7 : memref<128x128xf32, #tpu.memory_space<vmem>>) offsets(%arg21 : memref<128xi32, #tpu.memory_space<vmem>>) semaphore(%arg24 : memref<!tpu.dma_semaphore, #tpu.memory_space<semaphore_mem>>)
    %scan3A = arith.constant 0 : i32
    %scan3A_156 = arith.constant 0 : i32
    %scan3A_157 = arith.constant 13 : i32
    %scan3A_158 = arith.addi %scan3A_156, %scan3A_157 : i32
    %scan3A_159 = arith.constant 1 : i32
    scf.for %scan3A_435 = %scan3A_156 to %scan3A_158 step %scan3A_159  : i32 {
      %mul3A_436 = arith.constant 6 : i32
      %mul3A_437 = arith.muli %scan3A_435, %mul3A_436 : i32
      %add3A_438 = arith.constant 0 : i32
      %add3A_439 = arith.addi %mul3A_437, %add3A_438 : i32
      %ge3A = arith.constant 2 : i32
      %ge3A_440 = arith.cmpi sge, %add3A_439, %ge3A : i32
      %convert_element_type3A = arith.extui %ge3A_440 : i1 to i32
      %cond3A = arith.constant 0 : i32
      %cond3A_441 = arith.cmpi ne, %convert_element_type3A, %cond3A : i32
      scf.if %cond3A_441 {
        %dma_wait3A_1647 = arith.constant 0 : i32
        %dma_wait3A_1648 = arith.constant 0 : i32
        %dma_wait3A_1649 = tpu.memref_slice %arg19[%dma_wait3A_1647, %dma_wait3A_1648] : memref<1x128xi32, #tpu.memory_space<vmem>> -> memref<1x128xi32, #tpu.memory_space<vmem>>
        %dma_wait3A_1650 = tpu.memref_squeeze %dma_wait3A_1649 : memref<1x128xi32, #tpu.memory_space<vmem>> -> memref<128xi32, #tpu.memory_space<vmem>>
        %dma_wait3A_1651 = arith.constant 0 : i32
        %dma_wait3A_1652 = arith.constant 0 : i32
        %dma_wait3A_1653 = tpu.memref_slice %arg23[%dma_wait3A_1651, %dma_wait3A_1652] : memref<10000x128xf32, #tpu.memory_space<vmem_shared>> -> memref<10000x128xf32, #tpu.memory_space<vmem_shared>>
        tpu.wait_indirect_dma semaphore(%arg27 : memref<!tpu.dma_semaphore, #tpu.memory_space<semaphore_mem>>) src(%arg8 : memref<128x128xf32, #tpu.memory_space<vmem>>) dst(%dma_wait3A_1653 : memref<10000x128xf32, #tpu.memory_space<vmem_shared>>)
      } else {
      }
      %add3A_442 = arith.constant 1 : i32
      %add3A_443 = arith.addi %add3A_439, %add3A_442 : i32
      %add3A_444 = arith.addi %mul3A_12, %add3A_443 : i32
      %dma_wait3A_445 = arith.constant 0 : i32
      %dma_wait3A_446 = arith.constant 0 : i32
      %dma_wait3A_447 = tpu.memref_slice %arg3[%add3A_444, %dma_wait3A_445, %dma_wait3A_446] : memref<1280x1x128xi32, #tpu.memory_space<hbm>> -> memref<1x1x128xi32, #tpu.memory_space<hbm>>
      %dma_wait3A_448 = tpu.memref_squeeze %dma_wait3A_447 : memref<1x1x128xi32, #tpu.memory_space<hbm>> -> memref<1x128xi32, #tpu.memory_space<hbm>>
      %dma_wait3A_449 = arith.constant 0 : i32
      %dma_wait3A_450 = arith.constant 0 : i32
      %dma_wait3A_451 = tpu.memref_slice %arg3[%add3A_444, %dma_wait3A_449, %dma_wait3A_450] : memref<1280x1x128xi32, #tpu.memory_space<hbm>> -> memref<1x1x128xi32, #tpu.memory_space<hbm>>
      %dma_wait3A_452 = tpu.memref_squeeze %dma_wait3A_451 : memref<1x1x128xi32, #tpu.memory_space<hbm>> -> memref<1x128xi32, #tpu.memory_space<hbm>>
      tpu.wait_dma2 semaphore(%arg30 : memref<!tpu.dma_semaphore, #tpu.memory_space<semaphore_mem>>) src(%dma_wait3A_452 : memref<1x128xi32, #tpu.memory_space<hbm>>) dst(%arg11 : memref<1x128xi32, #tpu.memory_space<vmem>>)
      %dma_wait3A_453 = arith.constant 0 : i32
      %dma_wait3A_454 = arith.constant 0 : i32
      %dma_wait3A_455 = tpu.memref_slice %arg4[%add3A_444, %dma_wait3A_453, %dma_wait3A_454] : memref<1280x1x128xi32, #tpu.memory_space<hbm>> -> memref<1x1x128xi32, #tpu.memory_space<hbm>>
      %dma_wait3A_456 = tpu.memref_squeeze %dma_wait3A_455 : memref<1x1x128xi32, #tpu.memory_space<hbm>> -> memref<1x128xi32, #tpu.memory_space<hbm>>
      %dma_wait3A_457 = arith.constant 0 : i32
      %dma_wait3A_458 = arith.constant 0 : i32
      %dma_wait3A_459 = tpu.memref_slice %arg4[%add3A_444, %dma_wait3A_457, %dma_wait3A_458] : memref<1280x1x128xi32, #tpu.memory_space<hbm>> -> memref<1x1x128xi32, #tpu.memory_space<hbm>>
      %dma_wait3A_460 = tpu.memref_squeeze %dma_wait3A_459 : memref<1x1x128xi32, #tpu.memory_space<hbm>> -> memref<1x128xi32, #tpu.memory_space<hbm>>
      tpu.wait_dma2 semaphore(%arg30 : memref<!tpu.dma_semaphore, #tpu.memory_space<semaphore_mem>>) src(%dma_wait3A_460 : memref<1x128xi32, #tpu.memory_space<hbm>>) dst(%arg14 : memref<1x128xi32, #tpu.memory_space<vmem>>)
      %dma_wait3A_461 = arith.constant 0 : i32
      %dma_wait3A_462 = arith.constant 0 : i32
      %dma_wait3A_463 = tpu.memref_slice %arg5[%add3A_444, %dma_wait3A_461, %dma_wait3A_462] : memref<1280x1x128xf32, #tpu.memory_space<hbm>> -> memref<1x1x128xf32, #tpu.memory_space<hbm>>
      %dma_wait3A_464 = tpu.memref_squeeze %dma_wait3A_463 : memref<1x1x128xf32, #tpu.memory_space<hbm>> -> memref<1x128xf32, #tpu.memory_space<hbm>>
      %dma_wait3A_465 = arith.constant 0 : i32
      %dma_wait3A_466 = arith.constant 0 : i32
      %dma_wait3A_467 = tpu.memref_slice %arg5[%add3A_444, %dma_wait3A_465, %dma_wait3A_466] : memref<1280x1x128xf32, #tpu.memory_space<hbm>> -> memref<1x1x128xf32, #tpu.memory_space<hbm>>
      %dma_wait3A_468 = tpu.memref_squeeze %dma_wait3A_467 : memref<1x1x128xf32, #tpu.memory_space<hbm>> -> memref<1x128xf32, #tpu.memory_space<hbm>>
      tpu.wait_dma2 semaphore(%arg30 : memref<!tpu.dma_semaphore, #tpu.memory_space<semaphore_mem>>) src(%dma_wait3A_468 : memref<1x128xf32, #tpu.memory_space<hbm>>) dst(%arg17 : memref<1x128xf32, #tpu.memory_space<vmem>>)
      %get3A_469 = arith.constant 0 : i32
      %get3A_470 = arith.index_cast %get3A_469 : i32 to index
      %get3A_471 = arith.constant 0 : index
      %get3A_472 = tpu.vector_load %arg11[%get3A_470, %get3A_471] {strides = array<i32>} : memref<1x128xi32, #tpu.memory_space<vmem>>, vector<16xi32>,
      %add3A_473 = vector.broadcast %mul3A_14 : i32 to vector<16xi32>
      %add3A_474 = arith.addi %get3A_472, %add3A_473 : vector<16xi32>
      %swap3A_475 = arith.constant 0 : index
      %swap3A_476 = tpu.vector_load %arg22[%swap3A_475] {strides = array<i32>} : memref<128xi32, #tpu.memory_space<vmem>>, vector<16xi32>,
      tpu.vector_store %arg22[%swap3A_475], %add3A_474 {strides = array<i32>} : memref<128xi32, #tpu.memory_space<vmem>>, vector<16xi32>,
      %get3A_477 = arith.constant 0 : i32
      %get3A_478 = arith.index_cast %get3A_477 : i32 to index
      %get3A_479 = arith.constant 16 : index
      %get3A_480 = tpu.vector_load %arg11[%get3A_478, %get3A_479] {strides = array<i32>} : memref<1x128xi32, #tpu.memory_space<vmem>>, vector<16xi32>,
      %add3A_481 = vector.broadcast %mul3A_14 : i32 to vector<16xi32>
      %add3A_482 = arith.addi %get3A_480, %add3A_481 : vector<16xi32>
      %swap3A_483 = arith.constant 16 : index
      %swap3A_484 = tpu.vector_load %arg22[%swap3A_483] {strides = array<i32>} : memref<128xi32, #tpu.memory_space<vmem>>, vector<16xi32>,
      tpu.vector_store %arg22[%swap3A_483], %add3A_482 {strides = array<i32>} : memref<128xi32, #tpu.memory_space<vmem>>, vector<16xi32>,
      %get3A_485 = arith.constant 0 : i32
      %get3A_486 = arith.index_cast %get3A_485 : i32 to index
      %get3A_487 = arith.constant 32 : index
      %get3A_488 = tpu.vector_load %arg11[%get3A_486, %get3A_487] {strides = array<i32>} : memref<1x128xi32, #tpu.memory_space<vmem>>, vector<16xi32>,
      %add3A_489 = vector.broadcast %mul3A_14 : i32 to vector<16xi32>
      %add3A_490 = arith.addi %get3A_488, %add3A_489 : vector<16xi32>
      %swap3A_491 = arith.constant 32 : index
      %swap3A_492 = tpu.vector_load %arg22[%swap3A_491] {strides = array<i32>} : memref<128xi32, #tpu.memory_space<vmem>>, vector<16xi32>,
      tpu.vector_store %arg22[%swap3A_491], %add3A_490 {strides = array<i32>} : memref<128xi32, #tpu.memory_space<vmem>>, vector<16xi32>,
      %get3A_493 = arith.constant 0 : i32
      %get3A_494 = arith.index_cast %get3A_493 : i32 to index
      %get3A_495 = arith.constant 48 : index
      %get3A_496 = tpu.vector_load %arg11[%get3A_494, %get3A_495] {strides = array<i32>} : memref<1x128xi32, #tpu.memory_space<vmem>>, vector<16xi32>,
      %add3A_497 = vector.broadcast %mul3A_14 : i32 to vector<16xi32>
      %add3A_498 = arith.addi %get3A_496, %add3A_497 : vector<16xi32>
      %swap3A_499 = arith.constant 48 : index
      %swap3A_500 = tpu.vector_load %arg22[%swap3A_499] {strides = array<i32>} : memref<128xi32, #tpu.memory_space<vmem>>, vector<16xi32>,
      tpu.vector_store %arg22[%swap3A_499], %add3A_498 {strides = array<i32>} : memref<128xi32, #tpu.memory_space<vmem>>, vector<16xi32>,
      %get3A_501 = arith.constant 0 : i32
      %get3A_502 = arith.index_cast %get3A_501 : i32 to index
      %get3A_503 = arith.constant 64 : index
      %get3A_504 = tpu.vector_load %arg11[%get3A_502, %get3A_503] {strides = array<i32>} : memref<1x128xi32, #tpu.memory_space<vmem>>, vector<16xi32>,
      %add3A_505 = vector.broadcast %mul3A_14 : i32 to vector<16xi32>
      %add3A_506 = arith.addi %get3A_504, %add3A_505 : vector<16xi32>
      %swap3A_507 = arith.constant 64 : index
      %swap3A_508 = tpu.vector_load %arg22[%swap3A_507] {strides = array<i32>} : memref<128xi32, #tpu.memory_space<vmem>>, vector<16xi32>,
      tpu.vector_store %arg22[%swap3A_507], %add3A_506 {strides = array<i32>} : memref<128xi32, #tpu.memory_space<vmem>>, vector<16xi32>,
      %get3A_509 = arith.constant 0 : i32
      %get3A_510 = arith.index_cast %get3A_509 : i32 to index
      %get3A_511 = arith.constant 80 : index
      %get3A_512 = tpu.vector_load %arg11[%get3A_510, %get3A_511] {strides = array<i32>} : memref<1x128xi32, #tpu.memory_space<vmem>>, vector<16xi32>,
      %add3A_513 = vector.broadcast %mul3A_14 : i32 to vector<16xi32>
      %add3A_514 = arith.addi %get3A_512, %add3A_513 : vector<16xi32>
      %swap3A_515 = arith.constant 80 : index
      %swap3A_516 = tpu.vector_load %arg22[%swap3A_515] {strides = array<i32>} : memref<128xi32, #tpu.memory_space<vmem>>, vector<16xi32>,
      tpu.vector_store %arg22[%swap3A_515], %add3A_514 {strides = array<i32>} : memref<128xi32, #tpu.memory_space<vmem>>, vector<16xi32>,
      %get3A_517 = arith.constant 0 : i32
      %get3A_518 = arith.index_cast %get3A_517 : i32 to index
      %get3A_519 = arith.constant 96 : index
      %get3A_520 = tpu.vector_load %arg11[%get3A_518, %get3A_519] {strides = array<i32>} : memref<1x128xi32, #tpu.memory_space<vmem>>, vector<16xi32>,
      %add3A_521 = vector.broadcast %mul3A_14 : i32 to vector<16xi32>
      %add3A_522 = arith.addi %get3A_520, %add3A_521 : vector<16xi32>
      %swap3A_523 = arith.constant 96 : index
      %swap3A_524 = tpu.vector_load %arg22[%swap3A_523] {strides = array<i32>} : memref<128xi32, #tpu.memory_space<vmem>>, vector<16xi32>,
      tpu.vector_store %arg22[%swap3A_523], %add3A_522 {strides = array<i32>} : memref<128xi32, #tpu.memory_space<vmem>>, vector<16xi32>,
      %get3A_525 = arith.constant 0 : i32
      %get3A_526 = arith.index_cast %get3A_525 : i32 to index
      %get3A_527 = arith.constant 112 : index
      %get3A_528 = tpu.vector_load %arg11[%get3A_526, %get3A_527] {strides = array<i32>} : memref<1x128xi32, #tpu.memory_space<vmem>>, vector<16xi32>,
      %add3A_529 = vector.broadcast %mul3A_14 : i32 to vector<16xi32>
      %add3A_530 = arith.addi %get3A_528, %add3A_529 : vector<16xi32>
      %swap3A_531 = arith.constant 112 : index
      %swap3A_532 = tpu.vector_load %arg22[%swap3A_531] {strides = array<i32>} : memref<128xi32, #tpu.memory_space<vmem>>, vector<16xi32>,
      tpu.vector_store %arg22[%swap3A_531], %add3A_530 {strides = array<i32>} : memref<128xi32, #tpu.memory_space<vmem>>, vector<16xi32>,
      %dma_start3A_533 = arith.constant 0 : i32
      %dma_start3A_534 = arith.constant 0 : i32
      %dma_start3A_535 = tpu.memref_slice %arg2[%dma_start3A_533, %dma_start3A_534] : memref<20480x128xf32, #tpu.memory_space<hbm>> -> memref<20480x128xf32, #tpu.memory_space<hbm>>
      tpu.enqueue_indirect_dma source(%dma_start3A_535 : memref<20480x128xf32, #tpu.memory_space<hbm>>) target(%arg8 : memref<128x128xf32, #tpu.memory_space<vmem>>) offsets(%arg22 : memref<128xi32, #tpu.memory_space<vmem>>) semaphore(%arg25 : memref<!tpu.dma_semaphore, #tpu.memory_space<semaphore_mem>>)
      %add3A_536 = arith.constant 2 : i32
      %add3A_537 = arith.addi %add3A_439, %add3A_536 : i32
      %add3A_538 = arith.addi %mul3A_12, %add3A_537 : i32
      %dma_start3A_539 = arith.constant 0 : i32
      %dma_start3A_540 = arith.constant 0 : i32
      %dma_start3A_541 = tpu.memref_slice %arg3[%add3A_538, %dma_start3A_539, %dma_start3A_540] : memref<1280x1x128xi32, #tpu.memory_space<hbm>> -> memref<1x1x128xi32, #tpu.memory_space<hbm>>
      %dma_start3A_542 = tpu.memref_squeeze %dma_start3A_541 : memref<1x1x128xi32, #tpu.memory_space<hbm>> -> memref<1x128xi32, #tpu.memory_space<hbm>>
      %dma_start3A_543 = arith.constant 0 : i32
      %dma_start3A_544 = arith.constant 0 : i32
      %dma_start3A_545 = tpu.memref_slice %arg3[%add3A_538, %dma_start3A_543, %dma_start3A_544] : memref<1280x1x128xi32, #tpu.memory_space<hbm>> -> memref<1x1x128xi32, #tpu.memory_space<hbm>>
      %dma_start3A_546 = tpu.memref_squeeze %dma_start3A_545 : memref<1x1x128xi32, #tpu.memory_space<hbm>> -> memref<1x128xi32, #tpu.memory_space<hbm>>
      tpu.enqueue_dma source(%dma_start3A_546 : memref<1x128xi32, #tpu.memory_space<hbm>>) target(%arg12 : memref<1x128xi32, #tpu.memory_space<vmem>>) target_semaphore(%arg31 : memref<!tpu.dma_semaphore, #tpu.memory_space<semaphore_mem>>)
      %dma_start3A_547 = arith.constant 0 : i32
      %dma_start3A_548 = arith.constant 0 : i32
      %dma_start3A_549 = tpu.memref_slice %arg4[%add3A_538, %dma_start3A_547, %dma_start3A_548] : memref<1280x1x128xi32, #tpu.memory_space<hbm>> -> memref<1x1x128xi32, #tpu.memory_space<hbm>>
      %dma_start3A_550 = tpu.memref_squeeze %dma_start3A_549 : memref<1x1x128xi32, #tpu.memory_space<hbm>> -> memref<1x128xi32, #tpu.memory_space<hbm>>
      %dma_start3A_551 = arith.constant 0 : i32
      %dma_start3A_552 = arith.constant 0 : i32
      %dma_start3A_553 = tpu.memref_slice %arg4[%add3A_538, %dma_start3A_551, %dma_start3A_552] : memref<1280x1x128xi32, #tpu.memory_space<hbm>> -> memref<1x1x128xi32, #tpu.memory_space<hbm>>
      %dma_start3A_554 = tpu.memref_squeeze %dma_start3A_553 : memref<1x1x128xi32, #tpu.memory_space<hbm>> -> memref<1x128xi32, #tpu.memory_space<hbm>>
      tpu.enqueue_dma source(%dma_start3A_554 : memref<1x128xi32, #tpu.memory_space<hbm>>) target(%arg15 : memref<1x128xi32, #tpu.memory_space<vmem>>) target_semaphore(%arg31 : memref<!tpu.dma_semaphore, #tpu.memory_space<semaphore_mem>>)
      %dma_start3A_555 = arith.constant 0 : i32
      %dma_start3A_556 = arith.constant 0 : i32
      %dma_start3A_557 = tpu.memref_slice %arg5[%add3A_538, %dma_start3A_555, %dma_start3A_556] : memref<1280x1x128xf32, #tpu.memory_space<hbm>> -> memref<1x1x128xf32, #tpu.memory_space<hbm>>
      %dma_start3A_558 = tpu.memref_squeeze %dma_start3A_557 : memref<1x1x128xf32, #tpu.memory_space<hbm>> -> memref<1x128xf32, #tpu.memory_space<hbm>>
      %dma_start3A_559 = arith.constant 0 : i32
      %dma_start3A_560 = arith.constant 0 : i32
      %dma_start3A_561 = tpu.memref_slice %arg5[%add3A_538, %dma_start3A_559, %dma_start3A_560] : memref<1280x1x128xf32, #tpu.memory_space<hbm>> -> memref<1x1x128xf32, #tpu.memory_space<hbm>>
      %dma_start3A_562 = tpu.memref_squeeze %dma_start3A_561 : memref<1x1x128xf32, #tpu.memory_space<hbm>> -> memref<1x128xf32, #tpu.memory_space<hbm>>
      tpu.enqueue_dma source(%dma_start3A_562 : memref<1x128xf32, #tpu.memory_space<hbm>>) target(%arg18 : memref<1x128xf32, #tpu.memory_space<vmem>>) target_semaphore(%arg31 : memref<!tpu.dma_semaphore, #tpu.memory_space<semaphore_mem>>)
      %dma_wait3A_563 = arith.constant 0 : i32
      %dma_wait3A_564 = arith.constant 0 : i32
      %dma_wait3A_565 = tpu.memref_slice %arg2[%dma_wait3A_563, %dma_wait3A_564] : memref<20480x128xf32, #tpu.memory_space<hbm>> -> memref<20480x128xf32, #tpu.memory_space<hbm>>
      tpu.wait_indirect_dma semaphore(%arg24 : memref<!tpu.dma_semaphore, #tpu.memory_space<semaphore_mem>>) src(%dma_wait3A_565 : memref<20480x128xf32, #tpu.memory_space<hbm>>) dst(%arg7 : memref<128x128xf32, #tpu.memory_space<vmem>>)
      %get3A_566 = arith.constant 0 : i32
      %get3A_567 = arith.index_cast %get3A_566 : i32 to index
      %get3A_568 = arith.constant 0 : index
      %get3A_569 = tpu.vector_load %arg13[%get3A_567, %get3A_568] {strides = array<i32>} : memref<1x128xi32, #tpu.memory_space<vmem>>, vector<16xi32>,
      %swap3A_570 = arith.constant 0 : i32
      %swap3A_571 = arith.index_cast %swap3A_570 : i32 to index
      %swap3A_572 = arith.constant 0 : index
      %swap3A_573 = tpu.vector_load %arg19[%swap3A_571, %swap3A_572] {strides = array<i32>} : memref<1x128xi32, #tpu.memory_space<vmem>>, vector<16xi32>,
      tpu.vector_store %arg19[%swap3A_571, %swap3A_572], %get3A_569 {strides = array<i32>} : memref<1x128xi32, #tpu.memory_space<vmem>>, vector<16xi32>,
      %get3A_574 = arith.constant 0 : i32
      %get3A_575 = arith.index_cast %get3A_574 : i32 to index
      %get3A_576 = arith.constant 16 : index
      %get3A_577 = tpu.vector_load %arg13[%get3A_575, %get3A_576] {strides = array<i32>} : memref<1x128xi32, #tpu.memory_space<vmem>>, vector<16xi32>,
      %swap3A_578 = arith.constant 0 : i32
      %swap3A_579 = arith.index_cast %swap3A_578 : i32 to index
      %swap3A_580 = arith.constant 16 : index
      %swap3A_581 = tpu.vector_load %arg19[%swap3A_579, %swap3A_580] {strides = array<i32>} : memref<1x128xi32, #tpu.memory_space<vmem>>, vector<16xi32>,
      tpu.vector_store %arg19[%swap3A_579, %swap3A_580], %get3A_577 {strides = array<i32>} : memref<1x128xi32, #tpu.memory_space<vmem>>, vector<16xi32>,
      %get3A_582 = arith.constant 0 : i32
      %get3A_583 = arith.index_cast %get3A_582 : i32 to index
      %get3A_584 = arith.constant 32 : index
      %get3A_585 = tpu.vector_load %arg13[%get3A_583, %get3A_584] {strides = array<i32>} : memref<1x128xi32, #tpu.memory_space<vmem>>, vector<16xi32>,
      %swap3A_586 = arith.constant 0 : i32
      %swap3A_587 = arith.index_cast %swap3A_586 : i32 to index
      %swap3A_588 = arith.constant 32 : index
      %swap3A_589 = tpu.vector_load %arg19[%swap3A_587, %swap3A_588] {strides = array<i32>} : memref<1x128xi32, #tpu.memory_space<vmem>>, vector<16xi32>,
      tpu.vector_store %arg19[%swap3A_587, %swap3A_588], %get3A_585 {strides = array<i32>} : memref<1x128xi32, #tpu.memory_space<vmem>>, vector<16xi32>,
      %get3A_590 = arith.constant 0 : i32
      %get3A_591 = arith.index_cast %get3A_590 : i32 to index
      %get3A_592 = arith.constant 48 : index
      %get3A_593 = tpu.vector_load %arg13[%get3A_591, %get3A_592] {strides = array<i32>} : memref<1x128xi32, #tpu.memory_space<vmem>>, vector<16xi32>,
      %swap3A_594 = arith.constant 0 : i32
      %swap3A_595 = arith.index_cast %swap3A_594 : i32 to index
      %swap3A_596 = arith.constant 48 : index
      %swap3A_597 = tpu.vector_load %arg19[%swap3A_595, %swap3A_596] {strides = array<i32>} : memref<1x128xi32, #tpu.memory_space<vmem>>, vector<16xi32>,
      tpu.vector_store %arg19[%swap3A_595, %swap3A_596], %get3A_593 {strides = array<i32>} : memref<1x128xi32, #tpu.memory_space<vmem>>, vector<16xi32>,
      %get3A_598 = arith.constant 0 : i32
      %get3A_599 = arith.index_cast %get3A_598 : i32 to index
      %get3A_600 = arith.constant 64 : index
      %get3A_601 = tpu.vector_load %arg13[%get3A_599, %get3A_600] {strides = array<i32>} : memref<1x128xi32, #tpu.memory_space<vmem>>, vector<16xi32>,
      %swap3A_602 = arith.constant 0 : i32
      %swap3A_603 = arith.index_cast %swap3A_602 : i32 to index
      %swap3A_604 = arith.constant 64 : index
      %swap3A_605 = tpu.vector_load %arg19[%swap3A_603, %swap3A_604] {strides = array<i32>} : memref<1x128xi32, #tpu.memory_space<vmem>>, vector<16xi32>,
      tpu.vector_store %arg19[%swap3A_603, %swap3A_604], %get3A_601 {strides = array<i32>} : memref<1x128xi32, #tpu.memory_space<vmem>>, vector<16xi32>,
      %get3A_606 = arith.constant 0 : i32
      %get3A_607 = arith.index_cast %get3A_606 : i32 to index
      %get3A_608 = arith.constant 80 : index
      %get3A_609 = tpu.vector_load %arg13[%get3A_607, %get3A_608] {strides = array<i32>} : memref<1x128xi32, #tpu.memory_space<vmem>>, vector<16xi32>,
      %swap3A_610 = arith.constant 0 : i32
      %swap3A_611 = arith.index_cast %swap3A_610 : i32 to index
      %swap3A_612 = arith.constant 80 : index
      %swap3A_613 = tpu.vector_load %arg19[%swap3A_611, %swap3A_612] {strides = array<i32>} : memref<1x128xi32, #tpu.memory_space<vmem>>, vector<16xi32>,
      tpu.vector_store %arg19[%swap3A_611, %swap3A_612], %get3A_609 {strides = array<i32>} : memref<1x128xi32, #tpu.memory_space<vmem>>, vector<16xi32>,
      %get3A_614 = arith.constant 0 : i32
      %get3A_615 = arith.index_cast %get3A_614 : i32 to index
      %get3A_616 = arith.constant 96 : index
      %get3A_617 = tpu.vector_load %arg13[%get3A_615, %get3A_616] {strides = array<i32>} : memref<1x128xi32, #tpu.memory_space<vmem>>, vector<16xi32>,
      %swap3A_618 = arith.constant 0 : i32
      %swap3A_619 = arith.index_cast %swap3A_618 : i32 to index
      %swap3A_620 = arith.constant 96 : index
      %swap3A_621 = tpu.vector_load %arg19[%swap3A_619, %swap3A_620] {strides = array<i32>} : memref<1x128xi32, #tpu.memory_space<vmem>>, vector<16xi32>,
      tpu.vector_store %arg19[%swap3A_619, %swap3A_620], %get3A_617 {strides = array<i32>} : memref<1x128xi32, #tpu.memory_space<vmem>>, vector<16xi32>,
      %get3A_622 = arith.constant 0 : i32
      %get3A_623 = arith.index_cast %get3A_622 : i32 to index
      %get3A_624 = arith.constant 112 : index
      %get3A_625 = tpu.vector_load %arg13[%get3A_623, %get3A_624] {strides = array<i32>} : memref<1x128xi32, #tpu.memory_space<vmem>>, vector<16xi32>,
      %swap3A_626 = arith.constant 0 : i32
      %swap3A_627 = arith.index_cast %swap3A_626 : i32 to index
      %swap3A_628 = arith.constant 112 : index
      %swap3A_629 = tpu.vector_load %arg19[%swap3A_627, %swap3A_628] {strides = array<i32>} : memref<1x128xi32, #tpu.memory_space<vmem>>, vector<16xi32>,
      tpu.vector_store %arg19[%swap3A_627, %swap3A_628], %get3A_625 {strides = array<i32>} : memref<1x128xi32, #tpu.memory_space<vmem>>, vector<16xi32>,
      %dma_start3A_630 = arith.constant 0 : i32
      %dma_start3A_631 = arith.constant 0 : i32
      %dma_start3A_632 = tpu.memref_slice %arg19[%dma_start3A_630, %dma_start3A_631] : memref<1x128xi32, #tpu.memory_space<vmem>> -> memref<1x128xi32, #tpu.memory_space<vmem>>
      %dma_start3A_633 = tpu.memref_squeeze %dma_start3A_632 : memref<1x128xi32, #tpu.memory_space<vmem>> -> memref<128xi32, #tpu.memory_space<vmem>>
      %dma_start3A_634 = arith.constant 0 : i32
      %dma_start3A_635 = arith.constant 0 : i32
      %dma_start3A_636 = tpu.memref_slice %arg23[%dma_start3A_634, %dma_start3A_635] : memref<10000x128xf32, #tpu.memory_space<vmem_shared>> -> memref<10000x128xf32, #tpu.memory_space<vmem_shared>>
      tpu.enqueue_indirect_dma source(%arg7 : memref<128x128xf32, #tpu.memory_space<vmem>>) target(%dma_start3A_636 : memref<10000x128xf32, #tpu.memory_space<vmem_shared>>) offsets(%dma_start3A_633 : memref<128xi32, #tpu.memory_space<vmem>>) semaphore(%arg27 : memref<!tpu.dma_semaphore, #tpu.memory_space<semaphore_mem>>) {add = true}
      %add3A_637 = arith.constant 1 : i32
      %add3A_638 = arith.addi %mul3A_437, %add3A_637 : i32
      %ge3A_639 = arith.constant 2 : i32
      %ge3A_640 = arith.cmpi sge, %add3A_638, %ge3A_639 : i32
      %convert_element_type3A_641 = arith.extui %ge3A_640 : i1 to i32
      %cond3A_642 = arith.constant 0 : i32
      %cond3A_643 = arith.cmpi ne, %convert_element_type3A_641, %cond3A_642 : i32
      scf.if %cond3A_643 {
        %dma_wait3A_1647 = arith.constant 0 : i32
        %dma_wait3A_1648 = arith.constant 0 : i32
        %dma_wait3A_1649 = tpu.memref_slice %arg20[%dma_wait3A_1647, %dma_wait3A_1648] : memref<1x128xi32, #tpu.memory_space<vmem>> -> memref<1x128xi32, #tpu.memory_space<vmem>>
        %dma_wait3A_1650 = tpu.memref_squeeze %dma_wait3A_1649 : memref<1x128xi32, #tpu.memory_space<vmem>> -> memref<128xi32, #tpu.memory_space<vmem>>
        %dma_wait3A_1651 = arith.constant 0 : i32
        %dma_wait3A_1652 = arith.constant 0 : i32
        %dma_wait3A_1653 = tpu.memref_slice %arg23[%dma_wait3A_1651, %dma_wait3A_1652] : memref<10000x128xf32, #tpu.memory_space<vmem_shared>> -> memref<10000x128xf32, #tpu.memory_space<vmem_shared>>
        tpu.wait_indirect_dma semaphore(%arg28 : memref<!tpu.dma_semaphore, #tpu.memory_space<semaphore_mem>>) src(%arg9 : memref<128x128xf32, #tpu.memory_space<vmem>>) dst(%dma_wait3A_1653 : memref<10000x128xf32, #tpu.memory_space<vmem_shared>>)
      } else {
      }
      %add3A_644 = arith.constant 1 : i32
      %add3A_645 = arith.addi %add3A_638, %add3A_644 : i32
      %add3A_646 = arith.addi %mul3A_12, %add3A_645 : i32
      %dma_wait3A_647 = arith.constant 0 : i32
      %dma_wait3A_648 = arith.constant 0 : i32
      %dma_wait3A_649 = tpu.memref_slice %arg3[%add3A_646, %dma_wait3A_647, %dma_wait3A_648] : memref<1280x1x128xi32, #tpu.memory_space<hbm>> -> memref<1x1x128xi32, #tpu.memory_space<hbm>>
      %dma_wait3A_650 = tpu.memref_squeeze %dma_wait3A_649 : memref<1x1x128xi32, #tpu.memory_space<hbm>> -> memref<1x128xi32, #tpu.memory_space<hbm>>
      %dma_wait3A_651 = arith.constant 0 : i32
      %dma_wait3A_652 = arith.constant 0 : i32
      %dma_wait3A_653 = tpu.memref_slice %arg3[%add3A_646, %dma_wait3A_651, %dma_wait3A_652] : memref<1280x1x128xi32, #tpu.memory_space<hbm>> -> memref<1x1x128xi32, #tpu.memory_space<hbm>>
      %dma_wait3A_654 = tpu.memref_squeeze %dma_wait3A_653 : memref<1x1x128xi32, #tpu.memory_space<hbm>> -> memref<1x128xi32, #tpu.memory_space<hbm>>
      tpu.wait_dma2 semaphore(%arg31 : memref<!tpu.dma_semaphore, #tpu.memory_space<semaphore_mem>>) src(%dma_wait3A_654 : memref<1x128xi32, #tpu.memory_space<hbm>>) dst(%arg12 : memref<1x128xi32, #tpu.memory_space<vmem>>)
      %dma_wait3A_655 = arith.constant 0 : i32
      %dma_wait3A_656 = arith.constant 0 : i32
      %dma_wait3A_657 = tpu.memref_slice %arg4[%add3A_646, %dma_wait3A_655, %dma_wait3A_656] : memref<1280x1x128xi32, #tpu.memory_space<hbm>> -> memref<1x1x128xi32, #tpu.memory_space<hbm>>
      %dma_wait3A_658 = tpu.memref_squeeze %dma_wait3A_657 : memref<1x1x128xi32, #tpu.memory_space<hbm>> -> memref<1x128xi32, #tpu.memory_space<hbm>>
      %dma_wait3A_659 = arith.constant 0 : i32
      %dma_wait3A_660 = arith.constant 0 : i32
      %dma_wait3A_661 = tpu.memref_slice %arg4[%add3A_646, %dma_wait3A_659, %dma_wait3A_660] : memref<1280x1x128xi32, #tpu.memory_space<hbm>> -> memref<1x1x128xi32, #tpu.memory_space<hbm>>
      %dma_wait3A_662 = tpu.memref_squeeze %dma_wait3A_661 : memref<1x1x128xi32, #tpu.memory_space<hbm>> -> memref<1x128xi32, #tpu.memory_space<hbm>>
      tpu.wait_dma2 semaphore(%arg31 : memref<!tpu.dma_semaphore, #tpu.memory_space<semaphore_mem>>) src(%dma_wait3A_662 : memref<1x128xi32, #tpu.memory_space<hbm>>) dst(%arg15 : memref<1x128xi32, #tpu.memory_space<vmem>>)
      %dma_wait3A_663 = arith.constant 0 : i32
      %dma_wait3A_664 = arith.constant 0 : i32
      %dma_wait3A_665 = tpu.memref_slice %arg5[%add3A_646, %dma_wait3A_663, %dma_wait3A_664] : memref<1280x1x128xf32, #tpu.memory_space<hbm>> -> memref<1x1x128xf32, #tpu.memory_space<hbm>>
      %dma_wait3A_666 = tpu.memref_squeeze %dma_wait3A_665 : memref<1x1x128xf32, #tpu.memory_space<hbm>> -> memref<1x128xf32, #tpu.memory_space<hbm>>
      %dma_wait3A_667 = arith.constant 0 : i32
      %dma_wait3A_668 = arith.constant 0 : i32
      %dma_wait3A_669 = tpu.memref_slice %arg5[%add3A_646, %dma_wait3A_667, %dma_wait3A_668] : memref<1280x1x128xf32, #tpu.memory_space<hbm>> -> memref<1x1x128xf32, #tpu.memory_space<hbm>>
      %dma_wait3A_670 = tpu.memref_squeeze %dma_wait3A_669 : memref<1x1x128xf32, #tpu.memory_space<hbm>> -> memref<1x128xf32, #tpu.memory_space<hbm>>
      tpu.wait_dma2 semaphore(%arg31 : memref<!tpu.dma_semaphore, #tpu.memory_space<semaphore_mem>>) src(%dma_wait3A_670 : memref<1x128xf32, #tpu.memory_space<hbm>>) dst(%arg18 : memref<1x128xf32, #tpu.memory_space<vmem>>)
      %get3A_671 = arith.constant 0 : i32
      %get3A_672 = arith.index_cast %get3A_671 : i32 to index
      %get3A_673 = arith.constant 0 : index
      %get3A_674 = tpu.vector_load %arg12[%get3A_672, %get3A_673] {strides = array<i32>} : memref<1x128xi32, #tpu.memory_space<vmem>>, vector<16xi32>,
      %add3A_675 = vector.broadcast %mul3A_14 : i32 to vector<16xi32>
      %add3A_676 = arith.addi %get3A_674, %add3A_675 : vector<16xi32>
      %swap3A_677 = arith.constant 0 : index
      %swap3A_678 = tpu.vector_load %arg21[%swap3A_677] {strides = array<i32>} : memref<128xi32, #tpu.memory_space<vmem>>, vector<16xi32>,
      tpu.vector_store %arg21[%swap3A_677], %add3A_676 {strides = array<i32>} : memref<128xi32, #tpu.memory_space<vmem>>, vector<16xi32>,
      %get3A_679 = arith.constant 0 : i32
      %get3A_680 = arith.index_cast %get3A_679 : i32 to index
      %get3A_681 = arith.constant 16 : index
      %get3A_682 = tpu.vector_load %arg12[%get3A_680, %get3A_681] {strides = array<i32>} : memref<1x128xi32, #tpu.memory_space<vmem>>, vector<16xi32>,
      %add3A_683 = vector.broadcast %mul3A_14 : i32 to vector<16xi32>
      %add3A_684 = arith.addi %get3A_682, %add3A_683 : vector<16xi32>
      %swap3A_685 = arith.constant 16 : index
      %swap3A_686 = tpu.vector_load %arg21[%swap3A_685] {strides = array<i32>} : memref<128xi32, #tpu.memory_space<vmem>>, vector<16xi32>,
      tpu.vector_store %arg21[%swap3A_685], %add3A_684 {strides = array<i32>} : memref<128xi32, #tpu.memory_space<vmem>>, vector<16xi32>,
      %get3A_687 = arith.constant 0 : i32
      %get3A_688 = arith.index_cast %get3A_687 : i32 to index
      %get3A_689 = arith.constant 32 : index
      %get3A_690 = tpu.vector_load %arg12[%get3A_688, %get3A_689] {strides = array<i32>} : memref<1x128xi32, #tpu.memory_space<vmem>>, vector<16xi32>,
      %add3A_691 = vector.broadcast %mul3A_14 : i32 to vector<16xi32>
      %add3A_692 = arith.addi %get3A_690, %add3A_691 : vector<16xi32>
      %swap3A_693 = arith.constant 32 : index
      %swap3A_694 = tpu.vector_load %arg21[%swap3A_693] {strides = array<i32>} : memref<128xi32, #tpu.memory_space<vmem>>, vector<16xi32>,
      tpu.vector_store %arg21[%swap3A_693], %add3A_692 {strides = array<i32>} : memref<128xi32, #tpu.memory_space<vmem>>, vector<16xi32>,
      %get3A_695 = arith.constant 0 : i32
      %get3A_696 = arith.index_cast %get3A_695 : i32 to index
      %get3A_697 = arith.constant 48 : index
      %get3A_698 = tpu.vector_load %arg12[%get3A_696, %get3A_697] {strides = array<i32>} : memref<1x128xi32, #tpu.memory_space<vmem>>, vector<16xi32>,
      %add3A_699 = vector.broadcast %mul3A_14 : i32 to vector<16xi32>
      %add3A_700 = arith.addi %get3A_698, %add3A_699 : vector<16xi32>
      %swap3A_701 = arith.constant 48 : index
      %swap3A_702 = tpu.vector_load %arg21[%swap3A_701] {strides = array<i32>} : memref<128xi32, #tpu.memory_space<vmem>>, vector<16xi32>,
      tpu.vector_store %arg21[%swap3A_701], %add3A_700 {strides = array<i32>} : memref<128xi32, #tpu.memory_space<vmem>>, vector<16xi32>,
      %get3A_703 = arith.constant 0 : i32
      %get3A_704 = arith.index_cast %get3A_703 : i32 to index
      %get3A_705 = arith.constant 64 : index
      %get3A_706 = tpu.vector_load %arg12[%get3A_704, %get3A_705] {strides = array<i32>} : memref<1x128xi32, #tpu.memory_space<vmem>>, vector<16xi32>,
      %add3A_707 = vector.broadcast %mul3A_14 : i32 to vector<16xi32>
      %add3A_708 = arith.addi %get3A_706, %add3A_707 : vector<16xi32>
      %swap3A_709 = arith.constant 64 : index
      %swap3A_710 = tpu.vector_load %arg21[%swap3A_709] {strides = array<i32>} : memref<128xi32, #tpu.memory_space<vmem>>, vector<16xi32>,
      tpu.vector_store %arg21[%swap3A_709], %add3A_708 {strides = array<i32>} : memref<128xi32, #tpu.memory_space<vmem>>, vector<16xi32>,
      %get3A_711 = arith.constant 0 : i32
      %get3A_712 = arith.index_cast %get3A_711 : i32 to index
      %get3A_713 = arith.constant 80 : index
      %get3A_714 = tpu.vector_load %arg12[%get3A_712, %get3A_713] {strides = array<i32>} : memref<1x128xi32, #tpu.memory_space<vmem>>, vector<16xi32>,
      %add3A_715 = vector.broadcast %mul3A_14 : i32 to vector<16xi32>
      %add3A_716 = arith.addi %get3A_714, %add3A_715 : vector<16xi32>
      %swap3A_717 = arith.constant 80 : index
      %swap3A_718 = tpu.vector_load %arg21[%swap3A_717] {strides = array<i32>} : memref<128xi32, #tpu.memory_space<vmem>>, vector<16xi32>,
      tpu.vector_store %arg21[%swap3A_717], %add3A_716 {strides = array<i32>} : memref<128xi32, #tpu.memory_space<vmem>>, vector<16xi32>,
      %get3A_719 = arith.constant 0 : i32
      %get3A_720 = arith.index_cast %get3A_719 : i32 to index
      %get3A_721 = arith.constant 96 : index
      %get3A_722 = tpu.vector_load %arg12[%get3A_720, %get3A_721] {strides = array<i32>} : memref<1x128xi32, #tpu.memory_space<vmem>>, vector<16xi32>,
      %add3A_723 = vector.broadcast %mul3A_14 : i32 to vector<16xi32>
      %add3A_724 = arith.addi %get3A_722, %add3A_723 : vector<16xi32>
      %swap3A_725 = arith.constant 96 : index
      %swap3A_726 = tpu.vector_load %arg21[%swap3A_725] {strides = array<i32>} : memref<128xi32, #tpu.memory_space<vmem>>, vector<16xi32>,
      tpu.vector_store %arg21[%swap3A_725], %add3A_724 {strides = array<i32>} : memref<128xi32, #tpu.memory_space<vmem>>, vector<16xi32>,
      %get3A_727 = arith.constant 0 : i32
      %get3A_728 = arith.index_cast %get3A_727 : i32 to index
      %get3A_729 = arith.constant 112 : index
      %get3A_730 = tpu.vector_load %arg12[%get3A_728, %get3A_729] {strides = array<i32>} : memref<1x128xi32, #tpu.memory_space<vmem>>, vector<16xi32>,
      %add3A_731 = vector.broadcast %mul3A_14 : i32 to vector<16xi32>
      %add3A_732 = arith.addi %get3A_730, %add3A_731 : vector<16xi32>
      %swap3A_733 = arith.constant 112 : index
      %swap3A_734 = tpu.vector_load %arg21[%swap3A_733] {strides = array<i32>} : memref<128xi32, #tpu.memory_space<vmem>>, vector<16xi32>,
      tpu.vector_store %arg21[%swap3A_733], %add3A_732 {strides = array<i32>} : memref<128xi32, #tpu.memory_space<vmem>>, vector<16xi32>,
      %dma_start3A_735 = arith.constant 0 : i32
      %dma_start3A_736 = arith.constant 0 : i32
      %dma_start3A_737 = tpu.memref_slice %arg2[%dma_start3A_735, %dma_start3A_736] : memref<20480x128xf32, #tpu.memory_space<hbm>> -> memref<20480x128xf32, #tpu.memory_space<hbm>>
      tpu.enqueue_indirect_dma source(%dma_start3A_737 : memref<20480x128xf32, #tpu.memory_space<hbm>>) target(%arg9 : memref<128x128xf32, #tpu.memory_space<vmem>>) offsets(%arg21 : memref<128xi32, #tpu.memory_space<vmem>>) semaphore(%arg26 : memref<!tpu.dma_semaphore, #tpu.memory_space<semaphore_mem>>)
      %add3A_738 = arith.constant 2 : i32
      %add3A_739 = arith.addi %add3A_638, %add3A_738 : i32
      %add3A_740 = arith.addi %mul3A_12, %add3A_739 : i32
      %dma_start3A_741 = arith.constant 0 : i32
      %dma_start3A_742 = arith.constant 0 : i32
      %dma_start3A_743 = tpu.memref_slice %arg3[%add3A_740, %dma_start3A_741, %dma_start3A_742] : memref<1280x1x128xi32, #tpu.memory_space<hbm>> -> memref<1x1x128xi32, #tpu.memory_space<hbm>>
      %dma_start3A_744 = tpu.memref_squeeze %dma_start3A_743 : memref<1x1x128xi32, #tpu.memory_space<hbm>> -> memref<1x128xi32, #tpu.memory_space<hbm>>
      %dma_start3A_745 = arith.constant 0 : i32
      %dma_start3A_746 = arith.constant 0 : i32
      %dma_start3A_747 = tpu.memref_slice %arg3[%add3A_740, %dma_start3A_745, %dma_start3A_746] : memref<1280x1x128xi32, #tpu.memory_space<hbm>> -> memref<1x1x128xi32, #tpu.memory_space<hbm>>
      %dma_start3A_748 = tpu.memref_squeeze %dma_start3A_747 : memref<1x1x128xi32, #tpu.memory_space<hbm>> -> memref<1x128xi32, #tpu.memory_space<hbm>>
      tpu.enqueue_dma source(%dma_start3A_748 : memref<1x128xi32, #tpu.memory_space<hbm>>) target(%arg10 : memref<1x128xi32, #tpu.memory_space<vmem>>) target_semaphore(%arg29 : memref<!tpu.dma_semaphore, #tpu.memory_space<semaphore_mem>>)
      %dma_start3A_749 = arith.constant 0 : i32
      %dma_start3A_750 = arith.constant 0 : i32
      %dma_start3A_751 = tpu.memref_slice %arg4[%add3A_740, %dma_start3A_749, %dma_start3A_750] : memref<1280x1x128xi32, #tpu.memory_space<hbm>> -> memref<1x1x128xi32, #tpu.memory_space<hbm>>
      %dma_start3A_752 = tpu.memref_squeeze %dma_start3A_751 : memref<1x1x128xi32, #tpu.memory_space<hbm>> -> memref<1x128xi32, #tpu.memory_space<hbm>>
      %dma_start3A_753 = arith.constant 0 : i32
      %dma_start3A_754 = arith.constant 0 : i32
      %dma_start3A_755 = tpu.memref_slice %arg4[%add3A_740, %dma_start3A_753, %dma_start3A_754] : memref<1280x1x128xi32, #tpu.memory_space<hbm>> -> memref<1x1x128xi32, #tpu.memory_space<hbm>>
      %dma_start3A_756 = tpu.memref_squeeze %dma_start3A_755 : memref<1x1x128xi32, #tpu.memory_space<hbm>> -> memref<1x128xi32, #tpu.memory_space<hbm>>
      tpu.enqueue_dma source(%dma_start3A_756 : memref<1x128xi32, #tpu.memory_space<hbm>>) target(%arg13 : memref<1x128xi32, #tpu.memory_space<vmem>>) target_semaphore(%arg29 : memref<!tpu.dma_semaphore, #tpu.memory_space<semaphore_mem>>)
      %dma_start3A_757 = arith.constant 0 : i32
      %dma_start3A_758 = arith.constant 0 : i32
      %dma_start3A_759 = tpu.memref_slice %arg5[%add3A_740, %dma_start3A_757, %dma_start3A_758] : memref<1280x1x128xf32, #tpu.memory_space<hbm>> -> memref<1x1x128xf32, #tpu.memory_space<hbm>>
      %dma_start3A_760 = tpu.memref_squeeze %dma_start3A_759 : memref<1x1x128xf32, #tpu.memory_space<hbm>> -> memref<1x128xf32, #tpu.memory_space<hbm>>
      %dma_start3A_761 = arith.constant 0 : i32
      %dma_start3A_762 = arith.constant 0 : i32
      %dma_start3A_763 = tpu.memref_slice %arg5[%add3A_740, %dma_start3A_761, %dma_start3A_762] : memref<1280x1x128xf32, #tpu.memory_space<hbm>> -> memref<1x1x128xf32, #tpu.memory_space<hbm>>
      %dma_start3A_764 = tpu.memref_squeeze %dma_start3A_763 : memref<1x1x128xf32, #tpu.memory_space<hbm>> -> memref<1x128xf32, #tpu.memory_space<hbm>>
      tpu.enqueue_dma source(%dma_start3A_764 : memref<1x128xf32, #tpu.memory_space<hbm>>) target(%arg16 : memref<1x128xf32, #tpu.memory_space<vmem>>) target_semaphore(%arg29 : memref<!tpu.dma_semaphore, #tpu.memory_space<semaphore_mem>>)
      %dma_wait3A_765 = arith.constant 0 : i32
      %dma_wait3A_766 = arith.constant 0 : i32
      %dma_wait3A_767 = tpu.memref_slice %arg2[%dma_wait3A_765, %dma_wait3A_766] : memref<20480x128xf32, #tpu.memory_space<hbm>> -> memref<20480x128xf32, #tpu.memory_space<hbm>>
      tpu.wait_indirect_dma semaphore(%arg25 : memref<!tpu.dma_semaphore, #tpu.memory_space<semaphore_mem>>) src(%dma_wait3A_767 : memref<20480x128xf32, #tpu.memory_space<hbm>>) dst(%arg8 : memref<128x128xf32, #tpu.memory_space<vmem>>)
      %get3A_768 = arith.constant 0 : i32
      %get3A_769 = arith.index_cast %get3A_768 : i32 to index
      %get3A_770 = arith.constant 0 : index
      %get3A_771 = tpu.vector_load %arg14[%get3A_769, %get3A_770] {strides = array<i32>} : memref<1x128xi32, #tpu.memory_space<vmem>>, vector<16xi32>,
      %swap3A_772 = arith.constant 0 : i32
      %swap3A_773 = arith.index_cast %swap3A_772 : i32 to index
      %swap3A_774 = arith.constant 0 : index
      %swap3A_775 = tpu.vector_load %arg20[%swap3A_773, %swap3A_774] {strides = array<i32>} : memref<1x128xi32, #tpu.memory_space<vmem>>, vector<16xi32>,
      tpu.vector_store %arg20[%swap3A_773, %swap3A_774], %get3A_771 {strides = array<i32>} : memref<1x128xi32, #tpu.memory_space<vmem>>, vector<16xi32>,
      %get3A_776 = arith.constant 0 : i32
      %get3A_777 = arith.index_cast %get3A_776 : i32 to index
      %get3A_778 = arith.constant 16 : index
      %get3A_779 = tpu.vector_load %arg14[%get3A_777, %get3A_778] {strides = array<i32>} : memref<1x128xi32, #tpu.memory_space<vmem>>, vector<16xi32>,
      %swap3A_780 = arith.constant 0 : i32
      %swap3A_781 = arith.index_cast %swap3A_780 : i32 to index
      %swap3A_782 = arith.constant 16 : index
      %swap3A_783 = tpu.vector_load %arg20[%swap3A_781, %swap3A_782] {strides = array<i32>} : memref<1x128xi32, #tpu.memory_space<vmem>>, vector<16xi32>,
      tpu.vector_store %arg20[%swap3A_781, %swap3A_782], %get3A_779 {strides = array<i32>} : memref<1x128xi32, #tpu.memory_space<vmem>>, vector<16xi32>,
      %get3A_784 = arith.constant 0 : i32
      %get3A_785 = arith.index_cast %get3A_784 : i32 to index
      %get3A_786 = arith.constant 32 : index
      %get3A_787 = tpu.vector_load %arg14[%get3A_785, %get3A_786] {strides = array<i32>} : memref<1x128xi32, #tpu.memory_space<vmem>>, vector<16xi32>,
      %swap3A_788 = arith.constant 0 : i32
      %swap3A_789 = arith.index_cast %swap3A_788 : i32 to index
      %swap3A_790 = arith.constant 32 : index
      %swap3A_791 = tpu.vector_load %arg20[%swap3A_789, %swap3A_790] {strides = array<i32>} : memref<1x128xi32, #tpu.memory_space<vmem>>, vector<16xi32>,
      tpu.vector_store %arg20[%swap3A_789, %swap3A_790], %get3A_787 {strides = array<i32>} : memref<1x128xi32, #tpu.memory_space<vmem>>, vector<16xi32>,
      %get3A_792 = arith.constant 0 : i32
      %get3A_793 = arith.index_cast %get3A_792 : i32 to index
      %get3A_794 = arith.constant 48 : index
      %get3A_795 = tpu.vector_load %arg14[%get3A_793, %get3A_794] {strides = array<i32>} : memref<1x128xi32, #tpu.memory_space<vmem>>, vector<16xi32>,
      %swap3A_796 = arith.constant 0 : i32
      %swap3A_797 = arith.index_cast %swap3A_796 : i32 to index
      %swap3A_798 = arith.constant 48 : index
      %swap3A_799 = tpu.vector_load %arg20[%swap3A_797, %swap3A_798] {strides = array<i32>} : memref<1x128xi32, #tpu.memory_space<vmem>>, vector<16xi32>,
      tpu.vector_store %arg20[%swap3A_797, %swap3A_798], %get3A_795 {strides = array<i32>} : memref<1x128xi32, #tpu.memory_space<vmem>>, vector<16xi32>,
      %get3A_800 = arith.constant 0 : i32
      %get3A_801 = arith.index_cast %get3A_800 : i32 to index
      %get3A_802 = arith.constant 64 : index
      %get3A_803 = tpu.vector_load %arg14[%get3A_801, %get3A_802] {strides = array<i32>} : memref<1x128xi32, #tpu.memory_space<vmem>>, vector<16xi32>,
      %swap3A_804 = arith.constant 0 : i32
      %swap3A_805 = arith.index_cast %swap3A_804 : i32 to index
      %swap3A_806 = arith.constant 64 : index
      %swap3A_807 = tpu.vector_load %arg20[%swap3A_805, %swap3A_806] {strides = array<i32>} : memref<1x128xi32, #tpu.memory_space<vmem>>, vector<16xi32>,
      tpu.vector_store %arg20[%swap3A_805, %swap3A_806], %get3A_803 {strides = array<i32>} : memref<1x128xi32, #tpu.memory_space<vmem>>, vector<16xi32>,
      %get3A_808 = arith.constant 0 : i32
      %get3A_809 = arith.index_cast %get3A_808 : i32 to index
      %get3A_810 = arith.constant 80 : index
      %get3A_811 = tpu.vector_load %arg14[%get3A_809, %get3A_810] {strides = array<i32>} : memref<1x128xi32, #tpu.memory_space<vmem>>, vector<16xi32>,
      %swap3A_812 = arith.constant 0 : i32
      %swap3A_813 = arith.index_cast %swap3A_812 : i32 to index
      %swap3A_814 = arith.constant 80 : index
      %swap3A_815 = tpu.vector_load %arg20[%swap3A_813, %swap3A_814] {strides = array<i32>} : memref<1x128xi32, #tpu.memory_space<vmem>>, vector<16xi32>,
      tpu.vector_store %arg20[%swap3A_813, %swap3A_814], %get3A_811 {strides = array<i32>} : memref<1x128xi32, #tpu.memory_space<vmem>>, vector<16xi32>,
      %get3A_816 = arith.constant 0 : i32
      %get3A_817 = arith.index_cast %get3A_816 : i32 to index
      %get3A_818 = arith.constant 96 : index
      %get3A_819 = tpu.vector_load %arg14[%get3A_817, %get3A_818] {strides = array<i32>} : memref<1x128xi32, #tpu.memory_space<vmem>>, vector<16xi32>,
      %swap3A_820 = arith.constant 0 : i32
      %swap3A_821 = arith.index_cast %swap3A_820 : i32 to index
      %swap3A_822 = arith.constant 96 : index
      %swap3A_823 = tpu.vector_load %arg20[%swap3A_821, %swap3A_822] {strides = array<i32>} : memref<1x128xi32, #tpu.memory_space<vmem>>, vector<16xi32>,
      tpu.vector_store %arg20[%swap3A_821, %swap3A_822], %get3A_819 {strides = array<i32>} : memref<1x128xi32, #tpu.memory_space<vmem>>, vector<16xi32>,
      %get3A_824 = arith.constant 0 : i32
      %get3A_825 = arith.index_cast %get3A_824 : i32 to index
      %get3A_826 = arith.constant 112 : index
      %get3A_827 = tpu.vector_load %arg14[%get3A_825, %get3A_826] {strides = array<i32>} : memref<1x128xi32, #tpu.memory_space<vmem>>, vector<16xi32>,
      %swap3A_828 = arith.constant 0 : i32
      %swap3A_829 = arith.index_cast %swap3A_828 : i32 to index
      %swap3A_830 = arith.constant 112 : index
      %swap3A_831 = tpu.vector_load %arg20[%swap3A_829, %swap3A_830] {strides = array<i32>} : memref<1x128xi32, #tpu.memory_space<vmem>>, vector<16xi32>,
      tpu.vector_store %arg20[%swap3A_829, %swap3A_830], %get3A_827 {strides = array<i32>} : memref<1x128xi32, #tpu.memory_space<vmem>>, vector<16xi32>,
      %dma_start3A_832 = arith.constant 0 : i32
      %dma_start3A_833 = arith.constant 0 : i32
      %dma_start3A_834 = tpu.memref_slice %arg20[%dma_start3A_832, %dma_start3A_833] : memref<1x128xi32, #tpu.memory_space<vmem>> -> memref<1x128xi32, #tpu.memory_space<vmem>>
      %dma_start3A_835 = tpu.memref_squeeze %dma_start3A_834 : memref<1x128xi32, #tpu.memory_space<vmem>> -> memref<128xi32, #tpu.memory_space<vmem>>
      %dma_start3A_836 = arith.constant 0 : i32
      %dma_start3A_837 = arith.constant 0 : i32
      %dma_start3A_838 = tpu.memref_slice %arg23[%dma_start3A_836, %dma_start3A_837] : memref<10000x128xf32, #tpu.memory_space<vmem_shared>> -> memref<10000x128xf32, #tpu.memory_space<vmem_shared>>
      tpu.enqueue_indirect_dma source(%arg8 : memref<128x128xf32, #tpu.memory_space<vmem>>) target(%dma_start3A_838 : memref<10000x128xf32, #tpu.memory_space<vmem_shared>>) offsets(%dma_start3A_835 : memref<128xi32, #tpu.memory_space<vmem>>) semaphore(%arg28 : memref<!tpu.dma_semaphore, #tpu.memory_space<semaphore_mem>>) {add = true}
      %add3A_839 = arith.constant 2 : i32
      %add3A_840 = arith.addi %mul3A_437, %add3A_839 : i32
      %ge3A_841 = arith.constant 2 : i32
      %ge3A_842 = arith.cmpi sge, %add3A_840, %ge3A_841 : i32
      %convert_element_type3A_843 = arith.extui %ge3A_842 : i1 to i32
      %cond3A_844 = arith.constant 0 : i32
      %cond3A_845 = arith.cmpi ne, %convert_element_type3A_843, %cond3A_844 : i32
      scf.if %cond3A_845 {
        %dma_wait3A_1647 = arith.constant 0 : i32
        %dma_wait3A_1648 = arith.constant 0 : i32
        %dma_wait3A_1649 = tpu.memref_slice %arg19[%dma_wait3A_1647, %dma_wait3A_1648] : memref<1x128xi32, #tpu.memory_space<vmem>> -> memref<1x128xi32, #tpu.memory_space<vmem>>
        %dma_wait3A_1650 = tpu.memref_squeeze %dma_wait3A_1649 : memref<1x128xi32, #tpu.memory_space<vmem>> -> memref<128xi32, #tpu.memory_space<vmem>>
        %dma_wait3A_1651 = arith.constant 0 : i32
        %dma_wait3A_1652 = arith.constant 0 : i32
        %dma_wait3A_1653 = tpu.memref_slice %arg23[%dma_wait3A_1651, %dma_wait3A_1652] : memref<10000x128xf32, #tpu.memory_space<vmem_shared>> -> memref<10000x128xf32, #tpu.memory_space<vmem_shared>>
        tpu.wait_indirect_dma semaphore(%arg27 : memref<!tpu.dma_semaphore, #tpu.memory_space<semaphore_mem>>) src(%arg7 : memref<128x128xf32, #tpu.memory_space<vmem>>) dst(%dma_wait3A_1653 : memref<10000x128xf32, #tpu.memory_space<vmem_shared>>)
      } else {
      }
      %add3A_846 = arith.constant 1 : i32
      %add3A_847 = arith.addi %add3A_840, %add3A_846 : i32
      %add3A_848 = arith.addi %mul3A_12, %add3A_847 : i32
      %dma_wait3A_849 = arith.constant 0 : i32
      %dma_wait3A_850 = arith.constant 0 : i32
      %dma_wait3A_851 = tpu.memref_slice %arg3[%add3A_848, %dma_wait3A_849, %dma_wait3A_850] : memref<1280x1x128xi32, #tpu.memory_space<hbm>> -> memref<1x1x128xi32, #tpu.memory_space<hbm>>
      %dma_wait3A_852 = tpu.memref_squeeze %dma_wait3A_851 : memref<1x1x128xi32, #tpu.memory_space<hbm>> -> memref<1x128xi32, #tpu.memory_space<hbm>>
      %dma_wait3A_853 = arith.constant 0 : i32
      %dma_wait3A_854 = arith.constant 0 : i32
      %dma_wait3A_855 = tpu.memref_slice %arg3[%add3A_848, %dma_wait3A_853, %dma_wait3A_854] : memref<1280x1x128xi32, #tpu.memory_space<hbm>> -> memref<1x1x128xi32, #tpu.memory_space<hbm>>
      %dma_wait3A_856 = tpu.memref_squeeze %dma_wait3A_855 : memref<1x1x128xi32, #tpu.memory_space<hbm>> -> memref<1x128xi32, #tpu.memory_space<hbm>>
      tpu.wait_dma2 semaphore(%arg29 : memref<!tpu.dma_semaphore, #tpu.memory_space<semaphore_mem>>) src(%dma_wait3A_856 : memref<1x128xi32, #tpu.memory_space<hbm>>) dst(%arg10 : memref<1x128xi32, #tpu.memory_space<vmem>>)
      %dma_wait3A_857 = arith.constant 0 : i32
      %dma_wait3A_858 = arith.constant 0 : i32
      %dma_wait3A_859 = tpu.memref_slice %arg4[%add3A_848, %dma_wait3A_857, %dma_wait3A_858] : memref<1280x1x128xi32, #tpu.memory_space<hbm>> -> memref<1x1x128xi32, #tpu.memory_space<hbm>>
      %dma_wait3A_860 = tpu.memref_squeeze %dma_wait3A_859 : memref<1x1x128xi32, #tpu.memory_space<hbm>> -> memref<1x128xi32, #tpu.memory_space<hbm>>
      %dma_wait3A_861 = arith.constant 0 : i32
      %dma_wait3A_862 = arith.constant 0 : i32
      %dma_wait3A_863 = tpu.memref_slice %arg4[%add3A_848, %dma_wait3A_861, %dma_wait3A_862] : memref<1280x1x128xi32, #tpu.memory_space<hbm>> -> memref<1x1x128xi32, #tpu.memory_space<hbm>>
      %dma_wait3A_864 = tpu.memref_squeeze %dma_wait3A_863 : memref<1x1x128xi32, #tpu.memory_space<hbm>> -> memref<1x128xi32, #tpu.memory_space<hbm>>
      tpu.wait_dma2 semaphore(%arg29 : memref<!tpu.dma_semaphore, #tpu.memory_space<semaphore_mem>>) src(%dma_wait3A_864 : memref<1x128xi32, #tpu.memory_space<hbm>>) dst(%arg13 : memref<1x128xi32, #tpu.memory_space<vmem>>)
      %dma_wait3A_865 = arith.constant 0 : i32
      %dma_wait3A_866 = arith.constant 0 : i32
      %dma_wait3A_867 = tpu.memref_slice %arg5[%add3A_848, %dma_wait3A_865, %dma_wait3A_866] : memref<1280x1x128xf32, #tpu.memory_space<hbm>> -> memref<1x1x128xf32, #tpu.memory_space<hbm>>
      %dma_wait3A_868 = tpu.memref_squeeze %dma_wait3A_867 : memref<1x1x128xf32, #tpu.memory_space<hbm>> -> memref<1x128xf32, #tpu.memory_space<hbm>>
      %dma_wait3A_869 = arith.constant 0 : i32
      %dma_wait3A_870 = arith.constant 0 : i32
      %dma_wait3A_871 = tpu.memref_slice %arg5[%add3A_848, %dma_wait3A_869, %dma_wait3A_870] : memref<1280x1x128xf32, #tpu.memory_space<hbm>> -> memref<1x1x128xf32, #tpu.memory_space<hbm>>
      %dma_wait3A_872 = tpu.memref_squeeze %dma_wait3A_871 : memref<1x1x128xf32, #tpu.memory_space<hbm>> -> memref<1x128xf32, #tpu.memory_space<hbm>>
      tpu.wait_dma2 semaphore(%arg29 : memref<!tpu.dma_semaphore, #tpu.memory_space<semaphore_mem>>) src(%dma_wait3A_872 : memref<1x128xf32, #tpu.memory_space<hbm>>) dst(%arg16 : memref<1x128xf32, #tpu.memory_space<vmem>>)
      %get3A_873 = arith.constant 0 : i32
      %get3A_874 = arith.index_cast %get3A_873 : i32 to index
      %get3A_875 = arith.constant 0 : index
      %get3A_876 = tpu.vector_load %arg10[%get3A_874, %get3A_875] {strides = array<i32>} : memref<1x128xi32, #tpu.memory_space<vmem>>, vector<16xi32>,
      %add3A_877 = vector.broadcast %mul3A_14 : i32 to vector<16xi32>
      %add3A_878 = arith.addi %get3A_876, %add3A_877 : vector<16xi32>
      %swap3A_879 = arith.constant 0 : index
      %swap3A_880 = tpu.vector_load %arg22[%swap3A_879] {strides = array<i32>} : memref<128xi32, #tpu.memory_space<vmem>>, vector<16xi32>,
      tpu.vector_store %arg22[%swap3A_879], %add3A_878 {strides = array<i32>} : memref<128xi32, #tpu.memory_space<vmem>>, vector<16xi32>,
      %get3A_881 = arith.constant 0 : i32
      %get3A_882 = arith.index_cast %get3A_881 : i32 to index
      %get3A_883 = arith.constant 16 : index
      %get3A_884 = tpu.vector_load %arg10[%get3A_882, %get3A_883] {strides = array<i32>} : memref<1x128xi32, #tpu.memory_space<vmem>>, vector<16xi32>,
      %add3A_885 = vector.broadcast %mul3A_14 : i32 to vector<16xi32>
      %add3A_886 = arith.addi %get3A_884, %add3A_885 : vector<16xi32>
      %swap3A_887 = arith.constant 16 : index
      %swap3A_888 = tpu.vector_load %arg22[%swap3A_887] {strides = array<i32>} : memref<128xi32, #tpu.memory_space<vmem>>, vector<16xi32>,
      tpu.vector_store %arg22[%swap3A_887], %add3A_886 {strides = array<i32>} : memref<128xi32, #tpu.memory_space<vmem>>, vector<16xi32>,
      %get3A_889 = arith.constant 0 : i32
      %get3A_890 = arith.index_cast %get3A_889 : i32 to index
      %get3A_891 = arith.constant 32 : index
      %get3A_892 = tpu.vector_load %arg10[%get3A_890, %get3A_891] {strides = array<i32>} : memref<1x128xi32, #tpu.memory_space<vmem>>, vector<16xi32>,
      %add3A_893 = vector.broadcast %mul3A_14 : i32 to vector<16xi32>
      %add3A_894 = arith.addi %get3A_892, %add3A_893 : vector<16xi32>
      %swap3A_895 = arith.constant 32 : index
      %swap3A_896 = tpu.vector_load %arg22[%swap3A_895] {strides = array<i32>} : memref<128xi32, #tpu.memory_space<vmem>>, vector<16xi32>,
      tpu.vector_store %arg22[%swap3A_895], %add3A_894 {strides = array<i32>} : memref<128xi32, #tpu.memory_space<vmem>>, vector<16xi32>,
      %get3A_897 = arith.constant 0 : i32
      %get3A_898 = arith.index_cast %get3A_897 : i32 to index
      %get3A_899 = arith.constant 48 : index
      %get3A_900 = tpu.vector_load %arg10[%get3A_898, %get3A_899] {strides = array<i32>} : memref<1x128xi32, #tpu.memory_space<vmem>>, vector<16xi32>,
      %add3A_901 = vector.broadcast %mul3A_14 : i32 to vector<16xi32>
      %add3A_902 = arith.addi %get3A_900, %add3A_901 : vector<16xi32>
      %swap3A_903 = arith.constant 48 : index
      %swap3A_904 = tpu.vector_load %arg22[%swap3A_903] {strides = array<i32>} : memref<128xi32, #tpu.memory_space<vmem>>, vector<16xi32>,
      tpu.vector_store %arg22[%swap3A_903], %add3A_902 {strides = array<i32>} : memref<128xi32, #tpu.memory_space<vmem>>, vector<16xi32>,
      %get3A_905 = arith.constant 0 : i32
      %get3A_906 = arith.index_cast %get3A_905 : i32 to index
      %get3A_907 = arith.constant 64 : index
      %get3A_908 = tpu.vector_load %arg10[%get3A_906, %get3A_907] {strides = array<i32>} : memref<1x128xi32, #tpu.memory_space<vmem>>, vector<16xi32>,
      %add3A_909 = vector.broadcast %mul3A_14 : i32 to vector<16xi32>
      %add3A_910 = arith.addi %get3A_908, %add3A_909 : vector<16xi32>
      %swap3A_911 = arith.constant 64 : index
      %swap3A_912 = tpu.vector_load %arg22[%swap3A_911] {strides = array<i32>} : memref<128xi32, #tpu.memory_space<vmem>>, vector<16xi32>,
      tpu.vector_store %arg22[%swap3A_911], %add3A_910 {strides = array<i32>} : memref<128xi32, #tpu.memory_space<vmem>>, vector<16xi32>,
      %get3A_913 = arith.constant 0 : i32
      %get3A_914 = arith.index_cast %get3A_913 : i32 to index
      %get3A_915 = arith.constant 80 : index
      %get3A_916 = tpu.vector_load %arg10[%get3A_914, %get3A_915] {strides = array<i32>} : memref<1x128xi32, #tpu.memory_space<vmem>>, vector<16xi32>,
      %add3A_917 = vector.broadcast %mul3A_14 : i32 to vector<16xi32>
      %add3A_918 = arith.addi %get3A_916, %add3A_917 : vector<16xi32>
      %swap3A_919 = arith.constant 80 : index
      %swap3A_920 = tpu.vector_load %arg22[%swap3A_919] {strides = array<i32>} : memref<128xi32, #tpu.memory_space<vmem>>, vector<16xi32>,
      tpu.vector_store %arg22[%swap3A_919], %add3A_918 {strides = array<i32>} : memref<128xi32, #tpu.memory_space<vmem>>, vector<16xi32>,
      %get3A_921 = arith.constant 0 : i32
      %get3A_922 = arith.index_cast %get3A_921 : i32 to index
      %get3A_923 = arith.constant 96 : index
      %get3A_924 = tpu.vector_load %arg10[%get3A_922, %get3A_923] {strides = array<i32>} : memref<1x128xi32, #tpu.memory_space<vmem>>, vector<16xi32>,
      %add3A_925 = vector.broadcast %mul3A_14 : i32 to vector<16xi32>
      %add3A_926 = arith.addi %get3A_924, %add3A_925 : vector<16xi32>
      %swap3A_927 = arith.constant 96 : index
      %swap3A_928 = tpu.vector_load %arg22[%swap3A_927] {strides = array<i32>} : memref<128xi32, #tpu.memory_space<vmem>>, vector<16xi32>,
      tpu.vector_store %arg22[%swap3A_927], %add3A_926 {strides = array<i32>} : memref<128xi32, #tpu.memory_space<vmem>>, vector<16xi32>,
      %get3A_929 = arith.constant 0 : i32
      %get3A_930 = arith.index_cast %get3A_929 : i32 to index
      %get3A_931 = arith.constant 112 : index
      %get3A_932 = tpu.vector_load %arg10[%get3A_930, %get3A_931] {strides = array<i32>} : memref<1x128xi32, #tpu.memory_space<vmem>>, vector<16xi32>,
      %add3A_933 = vector.broadcast %mul3A_14 : i32 to vector<16xi32>
      %add3A_934 = arith.addi %get3A_932, %add3A_933 : vector<16xi32>
      %swap3A_935 = arith.constant 112 : index
      %swap3A_936 = tpu.vector_load %arg22[%swap3A_935] {strides = array<i32>} : memref<128xi32, #tpu.memory_space<vmem>>, vector<16xi32>,
      tpu.vector_store %arg22[%swap3A_935], %add3A_934 {strides = array<i32>} : memref<128xi32, #tpu.memory_space<vmem>>, vector<16xi32>,
      %dma_start3A_937 = arith.constant 0 : i32
      %dma_start3A_938 = arith.constant 0 : i32
      %dma_start3A_939 = tpu.memref_slice %arg2[%dma_start3A_937, %dma_start3A_938] : memref<20480x128xf32, #tpu.memory_space<hbm>> -> memref<20480x128xf32, #tpu.memory_space<hbm>>
      tpu.enqueue_indirect_dma source(%dma_start3A_939 : memref<20480x128xf32, #tpu.memory_space<hbm>>) target(%arg7 : memref<128x128xf32, #tpu.memory_space<vmem>>) offsets(%arg22 : memref<128xi32, #tpu.memory_space<vmem>>) semaphore(%arg24 : memref<!tpu.dma_semaphore, #tpu.memory_space<semaphore_mem>>)
      %add3A_940 = arith.constant 2 : i32
      %add3A_941 = arith.addi %add3A_840, %add3A_940 : i32
      %add3A_942 = arith.addi %mul3A_12, %add3A_941 : i32
      %dma_start3A_943 = arith.constant 0 : i32
      %dma_start3A_944 = arith.constant 0 : i32
      %dma_start3A_945 = tpu.memref_slice %arg3[%add3A_942, %dma_start3A_943, %dma_start3A_944] : memref<1280x1x128xi32, #tpu.memory_space<hbm>> -> memref<1x1x128xi32, #tpu.memory_space<hbm>>
      %dma_start3A_946 = tpu.memref_squeeze %dma_start3A_945 : memref<1x1x128xi32, #tpu.memory_space<hbm>> -> memref<1x128xi32, #tpu.memory_space<hbm>>
      %dma_start3A_947 = arith.constant 0 : i32
      %dma_start3A_948 = arith.constant 0 : i32
      %dma_start3A_949 = tpu.memref_slice %arg3[%add3A_942, %dma_start3A_947, %dma_start3A_948] : memref<1280x1x128xi32, #tpu.memory_space<hbm>> -> memref<1x1x128xi32, #tpu.memory_space<hbm>>
      %dma_start3A_950 = tpu.memref_squeeze %dma_start3A_949 : memref<1x1x128xi32, #tpu.memory_space<hbm>> -> memref<1x128xi32, #tpu.memory_space<hbm>>
      tpu.enqueue_dma source(%dma_start3A_950 : memref<1x128xi32, #tpu.memory_space<hbm>>) target(%arg11 : memref<1x128xi32, #tpu.memory_space<vmem>>) target_semaphore(%arg30 : memref<!tpu.dma_semaphore, #tpu.memory_space<semaphore_mem>>)
      %dma_start3A_951 = arith.constant 0 : i32
      %dma_start3A_952 = arith.constant 0 : i32
      %dma_start3A_953 = tpu.memref_slice %arg4[%add3A_942, %dma_start3A_951, %dma_start3A_952] : memref<1280x1x128xi32, #tpu.memory_space<hbm>> -> memref<1x1x128xi32, #tpu.memory_space<hbm>>
      %dma_start3A_954 = tpu.memref_squeeze %dma_start3A_953 : memref<1x1x128xi32, #tpu.memory_space<hbm>> -> memref<1x128xi32, #tpu.memory_space<hbm>>
      %dma_start3A_955 = arith.constant 0 : i32
      %dma_start3A_956 = arith.constant 0 : i32
      %dma_start3A_957 = tpu.memref_slice %arg4[%add3A_942, %dma_start3A_955, %dma_start3A_956] : memref<1280x1x128xi32, #tpu.memory_space<hbm>> -> memref<1x1x128xi32, #tpu.memory_space<hbm>>
      %dma_start3A_958 = tpu.memref_squeeze %dma_start3A_957 : memref<1x1x128xi32, #tpu.memory_space<hbm>> -> memref<1x128xi32, #tpu.memory_space<hbm>>
      tpu.enqueue_dma source(%dma_start3A_958 : memref<1x128xi32, #tpu.memory_space<hbm>>) target(%arg14 : memref<1x128xi32, #tpu.memory_space<vmem>>) target_semaphore(%arg30 : memref<!tpu.dma_semaphore, #tpu.memory_space<semaphore_mem>>)
      %dma_start3A_959 = arith.constant 0 : i32
      %dma_start3A_960 = arith.constant 0 : i32
      %dma_start3A_961 = tpu.memref_slice %arg5[%add3A_942, %dma_start3A_959, %dma_start3A_960] : memref<1280x1x128xf32, #tpu.memory_space<hbm>> -> memref<1x1x128xf32, #tpu.memory_space<hbm>>
      %dma_start3A_962 = tpu.memref_squeeze %dma_start3A_961 : memref<1x1x128xf32, #tpu.memory_space<hbm>> -> memref<1x128xf32, #tpu.memory_space<hbm>>
      %dma_start3A_963 = arith.constant 0 : i32
      %dma_start3A_964 = arith.constant 0 : i32
      %dma_start3A_965 = tpu.memref_slice %arg5[%add3A_942, %dma_start3A_963, %dma_start3A_964] : memref<1280x1x128xf32, #tpu.memory_space<hbm>> -> memref<1x1x128xf32, #tpu.memory_space<hbm>>
      %dma_start3A_966 = tpu.memref_squeeze %dma_start3A_965 : memref<1x1x128xf32, #tpu.memory_space<hbm>> -> memref<1x128xf32, #tpu.memory_space<hbm>>
      tpu.enqueue_dma source(%dma_start3A_966 : memref<1x128xf32, #tpu.memory_space<hbm>>) target(%arg17 : memref<1x128xf32, #tpu.memory_space<vmem>>) target_semaphore(%arg30 : memref<!tpu.dma_semaphore, #tpu.memory_space<semaphore_mem>>)
      %dma_wait3A_967 = arith.constant 0 : i32
      %dma_wait3A_968 = arith.constant 0 : i32
      %dma_wait3A_969 = tpu.memref_slice %arg2[%dma_wait3A_967, %dma_wait3A_968] : memref<20480x128xf32, #tpu.memory_space<hbm>> -> memref<20480x128xf32, #tpu.memory_space<hbm>>
      tpu.wait_indirect_dma semaphore(%arg26 : memref<!tpu.dma_semaphore, #tpu.memory_space<semaphore_mem>>) src(%dma_wait3A_969 : memref<20480x128xf32, #tpu.memory_space<hbm>>) dst(%arg9 : memref<128x128xf32, #tpu.memory_space<vmem>>)
      %get3A_970 = arith.constant 0 : i32
      %get3A_971 = arith.index_cast %get3A_970 : i32 to index
      %get3A_972 = arith.constant 0 : index
      %get3A_973 = tpu.vector_load %arg15[%get3A_971, %get3A_972] {strides = array<i32>} : memref<1x128xi32, #tpu.memory_space<vmem>>, vector<16xi32>,
      %swap3A_974 = arith.constant 0 : i32
      %swap3A_975 = arith.index_cast %swap3A_974 : i32 to index
      %swap3A_976 = arith.constant 0 : index
      %swap3A_977 = tpu.vector_load %arg19[%swap3A_975, %swap3A_976] {strides = array<i32>} : memref<1x128xi32, #tpu.memory_space<vmem>>, vector<16xi32>,
      tpu.vector_store %arg19[%swap3A_975, %swap3A_976], %get3A_973 {strides = array<i32>} : memref<1x128xi32, #tpu.memory_space<vmem>>, vector<16xi32>,
      %get3A_978 = arith.constant 0 : i32
      %get3A_979 = arith.index_cast %get3A_978 : i32 to index
      %get3A_980 = arith.constant 16 : index
      %get3A_981 = tpu.vector_load %arg15[%get3A_979, %get3A_980] {strides = array<i32>} : memref<1x128xi32, #tpu.memory_space<vmem>>, vector<16xi32>,
      %swap3A_982 = arith.constant 0 : i32
      %swap3A_983 = arith.index_cast %swap3A_982 : i32 to index
      %swap3A_984 = arith.constant 16 : index
      %swap3A_985 = tpu.vector_load %arg19[%swap3A_983, %swap3A_984] {strides = array<i32>} : memref<1x128xi32, #tpu.memory_space<vmem>>, vector<16xi32>,
      tpu.vector_store %arg19[%swap3A_983, %swap3A_984], %get3A_981 {strides = array<i32>} : memref<1x128xi32, #tpu.memory_space<vmem>>, vector<16xi32>,
      %get3A_986 = arith.constant 0 : i32
      %get3A_987 = arith.index_cast %get3A_986 : i32 to index
      %get3A_988 = arith.constant 32 : index
      %get3A_989 = tpu.vector_load %arg15[%get3A_987, %get3A_988] {strides = array<i32>} : memref<1x128xi32, #tpu.memory_space<vmem>>, vector<16xi32>,
      %swap3A_990 = arith.constant 0 : i32
      %swap3A_991 = arith.index_cast %swap3A_990 : i32 to index
      %swap3A_992 = arith.constant 32 : index
      %swap3A_993 = tpu.vector_load %arg19[%swap3A_991, %swap3A_992] {strides = array<i32>} : memref<1x128xi32, #tpu.memory_space<vmem>>, vector<16xi32>,
      tpu.vector_store %arg19[%swap3A_991, %swap3A_992], %get3A_989 {strides = array<i32>} : memref<1x128xi32, #tpu.memory_space<vmem>>, vector<16xi32>,
      %get3A_994 = arith.constant 0 : i32
      %get3A_995 = arith.index_cast %get3A_994 : i32 to index
      %get3A_996 = arith.constant 48 : index
      %get3A_997 = tpu.vector_load %arg15[%get3A_995, %get3A_996] {strides = array<i32>} : memref<1x128xi32, #tpu.memory_space<vmem>>, vector<16xi32>,
      %swap3A_998 = arith.constant 0 : i32
      %swap3A_999 = arith.index_cast %swap3A_998 : i32 to index
      %swap3A_1000 = arith.constant 48 : index
      %swap3A_1001 = tpu.vector_load %arg19[%swap3A_999, %swap3A_1000] {strides = array<i32>} : memref<1x128xi32, #tpu.memory_space<vmem>>, vector<16xi32>,
      tpu.vector_store %arg19[%swap3A_999, %swap3A_1000], %get3A_997 {strides = array<i32>} : memref<1x128xi32, #tpu.memory_space<vmem>>, vector<16xi32>,
      %get3A_1002 = arith.constant 0 : i32
      %get3A_1003 = arith.index_cast %get3A_1002 : i32 to index
      %get3A_1004 = arith.constant 64 : index
      %get3A_1005 = tpu.vector_load %arg15[%get3A_1003, %get3A_1004] {strides = array<i32>} : memref<1x128xi32, #tpu.memory_space<vmem>>, vector<16xi32>,
      %swap3A_1006 = arith.constant 0 : i32
      %swap3A_1007 = arith.index_cast %swap3A_1006 : i32 to index
      %swap3A_1008 = arith.constant 64 : index
      %swap3A_1009 = tpu.vector_load %arg19[%swap3A_1007, %swap3A_1008] {strides = array<i32>} : memref<1x128xi32, #tpu.memory_space<vmem>>, vector<16xi32>,
      tpu.vector_store %arg19[%swap3A_1007, %swap3A_1008], %get3A_1005 {strides = array<i32>} : memref<1x128xi32, #tpu.memory_space<vmem>>, vector<16xi32>,
      %get3A_1010 = arith.constant 0 : i32
      %get3A_1011 = arith.index_cast %get3A_1010 : i32 to index
      %get3A_1012 = arith.constant 80 : index
      %get3A_1013 = tpu.vector_load %arg15[%get3A_1011, %get3A_1012] {strides = array<i32>} : memref<1x128xi32, #tpu.memory_space<vmem>>, vector<16xi32>,
      %swap3A_1014 = arith.constant 0 : i32
      %swap3A_1015 = arith.index_cast %swap3A_1014 : i32 to index
      %swap3A_1016 = arith.constant 80 : index
      %swap3A_1017 = tpu.vector_load %arg19[%swap3A_1015, %swap3A_1016] {strides = array<i32>} : memref<1x128xi32, #tpu.memory_space<vmem>>, vector<16xi32>,
      tpu.vector_store %arg19[%swap3A_1015, %swap3A_1016], %get3A_1013 {strides = array<i32>} : memref<1x128xi32, #tpu.memory_space<vmem>>, vector<16xi32>,
      %get3A_1018 = arith.constant 0 : i32
      %get3A_1019 = arith.index_cast %get3A_1018 : i32 to index
      %get3A_1020 = arith.constant 96 : index
      %get3A_1021 = tpu.vector_load %arg15[%get3A_1019, %get3A_1020] {strides = array<i32>} : memref<1x128xi32, #tpu.memory_space<vmem>>, vector<16xi32>,
      %swap3A_1022 = arith.constant 0 : i32
      %swap3A_1023 = arith.index_cast %swap3A_1022 : i32 to index
      %swap3A_1024 = arith.constant 96 : index
      %swap3A_1025 = tpu.vector_load %arg19[%swap3A_1023, %swap3A_1024] {strides = array<i32>} : memref<1x128xi32, #tpu.memory_space<vmem>>, vector<16xi32>,
      tpu.vector_store %arg19[%swap3A_1023, %swap3A_1024], %get3A_1021 {strides = array<i32>} : memref<1x128xi32, #tpu.memory_space<vmem>>, vector<16xi32>,
      %get3A_1026 = arith.constant 0 : i32
      %get3A_1027 = arith.index_cast %get3A_1026 : i32 to index
      %get3A_1028 = arith.constant 112 : index
      %get3A_1029 = tpu.vector_load %arg15[%get3A_1027, %get3A_1028] {strides = array<i32>} : memref<1x128xi32, #tpu.memory_space<vmem>>, vector<16xi32>,
      %swap3A_1030 = arith.constant 0 : i32
      %swap3A_1031 = arith.index_cast %swap3A_1030 : i32 to index
      %swap3A_1032 = arith.constant 112 : index
      %swap3A_1033 = tpu.vector_load %arg19[%swap3A_1031, %swap3A_1032] {strides = array<i32>} : memref<1x128xi32, #tpu.memory_space<vmem>>, vector<16xi32>,
      tpu.vector_store %arg19[%swap3A_1031, %swap3A_1032], %get3A_1029 {strides = array<i32>} : memref<1x128xi32, #tpu.memory_space<vmem>>, vector<16xi32>,
      %dma_start3A_1034 = arith.constant 0 : i32
      %dma_start3A_1035 = arith.constant 0 : i32
      %dma_start3A_1036 = tpu.memref_slice %arg19[%dma_start3A_1034, %dma_start3A_1035] : memref<1x128xi32, #tpu.memory_space<vmem>> -> memref<1x128xi32, #tpu.memory_space<vmem>>
      %dma_start3A_1037 = tpu.memref_squeeze %dma_start3A_1036 : memref<1x128xi32, #tpu.memory_space<vmem>> -> memref<128xi32, #tpu.memory_space<vmem>>
      %dma_start3A_1038 = arith.constant 0 : i32
      %dma_start3A_1039 = arith.constant 0 : i32
      %dma_start3A_1040 = tpu.memref_slice %arg23[%dma_start3A_1038, %dma_start3A_1039] : memref<10000x128xf32, #tpu.memory_space<vmem_shared>> -> memref<10000x128xf32, #tpu.memory_space<vmem_shared>>
      tpu.enqueue_indirect_dma source(%arg9 : memref<128x128xf32, #tpu.memory_space<vmem>>) target(%dma_start3A_1040 : memref<10000x128xf32, #tpu.memory_space<vmem_shared>>) offsets(%dma_start3A_1037 : memref<128xi32, #tpu.memory_space<vmem>>) semaphore(%arg27 : memref<!tpu.dma_semaphore, #tpu.memory_space<semaphore_mem>>) {add = true}
      %add3A_1041 = arith.constant 3 : i32
      %add3A_1042 = arith.addi %mul3A_437, %add3A_1041 : i32
      %ge3A_1043 = arith.constant 2 : i32
      %ge3A_1044 = arith.cmpi sge, %add3A_1042, %ge3A_1043 : i32
      %convert_element_type3A_1045 = arith.extui %ge3A_1044 : i1 to i32
      %cond3A_1046 = arith.constant 0 : i32
      %cond3A_1047 = arith.cmpi ne, %convert_element_type3A_1045, %cond3A_1046 : i32
      scf.if %cond3A_1047 {
        %dma_wait3A_1647 = arith.constant 0 : i32
        %dma_wait3A_1648 = arith.constant 0 : i32
        %dma_wait3A_1649 = tpu.memref_slice %arg20[%dma_wait3A_1647, %dma_wait3A_1648] : memref<1x128xi32, #tpu.memory_space<vmem>> -> memref<1x128xi32, #tpu.memory_space<vmem>>
        %dma_wait3A_1650 = tpu.memref_squeeze %dma_wait3A_1649 : memref<1x128xi32, #tpu.memory_space<vmem>> -> memref<128xi32, #tpu.memory_space<vmem>>
        %dma_wait3A_1651 = arith.constant 0 : i32
        %dma_wait3A_1652 = arith.constant 0 : i32
        %dma_wait3A_1653 = tpu.memref_slice %arg23[%dma_wait3A_1651, %dma_wait3A_1652] : memref<10000x128xf32, #tpu.memory_space<vmem_shared>> -> memref<10000x128xf32, #tpu.memory_space<vmem_shared>>
        tpu.wait_indirect_dma semaphore(%arg28 : memref<!tpu.dma_semaphore, #tpu.memory_space<semaphore_mem>>) src(%arg8 : memref<128x128xf32, #tpu.memory_space<vmem>>) dst(%dma_wait3A_1653 : memref<10000x128xf32, #tpu.memory_space<vmem_shared>>)
      } else {
      }
      %add3A_1048 = arith.constant 1 : i32
      %add3A_1049 = arith.addi %add3A_1042, %add3A_1048 : i32
      %add3A_1050 = arith.addi %mul3A_12, %add3A_1049 : i32
      %dma_wait3A_1051 = arith.constant 0 : i32
      %dma_wait3A_1052 = arith.constant 0 : i32
      %dma_wait3A_1053 = tpu.memref_slice %arg3[%add3A_1050, %dma_wait3A_1051, %dma_wait3A_1052] : memref<1280x1x128xi32, #tpu.memory_space<hbm>> -> memref<1x1x128xi32, #tpu.memory_space<hbm>>
      %dma_wait3A_1054 = tpu.memref_squeeze %dma_wait3A_1053 : memref<1x1x128xi32, #tpu.memory_space<hbm>> -> memref<1x128xi32, #tpu.memory_space<hbm>>
      %dma_wait3A_1055 = arith.constant 0 : i32
      %dma_wait3A_1056 = arith.constant 0 : i32
      %dma_wait3A_1057 = tpu.memref_slice %arg3[%add3A_1050, %dma_wait3A_1055, %dma_wait3A_1056] : memref<1280x1x128xi32, #tpu.memory_space<hbm>> -> memref<1x1x128xi32, #tpu.memory_space<hbm>>
      %dma_wait3A_1058 = tpu.memref_squeeze %dma_wait3A_1057 : memref<1x1x128xi32, #tpu.memory_space<hbm>> -> memref<1x128xi32, #tpu.memory_space<hbm>>
      tpu.wait_dma2 semaphore(%arg30 : memref<!tpu.dma_semaphore, #tpu.memory_space<semaphore_mem>>) src(%dma_wait3A_1058 : memref<1x128xi32, #tpu.memory_space<hbm>>) dst(%arg11 : memref<1x128xi32, #tpu.memory_space<vmem>>)
      %dma_wait3A_1059 = arith.constant 0 : i32
      %dma_wait3A_1060 = arith.constant 0 : i32
      %dma_wait3A_1061 = tpu.memref_slice %arg4[%add3A_1050, %dma_wait3A_1059, %dma_wait3A_1060] : memref<1280x1x128xi32, #tpu.memory_space<hbm>> -> memref<1x1x128xi32, #tpu.memory_space<hbm>>
      %dma_wait3A_1062 = tpu.memref_squeeze %dma_wait3A_1061 : memref<1x1x128xi32, #tpu.memory_space<hbm>> -> memref<1x128xi32, #tpu.memory_space<hbm>>
      %dma_wait3A_1063 = arith.constant 0 : i32
      %dma_wait3A_1064 = arith.constant 0 : i32
      %dma_wait3A_1065 = tpu.memref_slice %arg4[%add3A_1050, %dma_wait3A_1063, %dma_wait3A_1064] : memref<1280x1x128xi32, #tpu.memory_space<hbm>> -> memref<1x1x128xi32, #tpu.memory_space<hbm>>
      %dma_wait3A_1066 = tpu.memref_squeeze %dma_wait3A_1065 : memref<1x1x128xi32, #tpu.memory_space<hbm>> -> memref<1x128xi32, #tpu.memory_space<hbm>>
      tpu.wait_dma2 semaphore(%arg30 : memref<!tpu.dma_semaphore, #tpu.memory_space<semaphore_mem>>) src(%dma_wait3A_1066 : memref<1x128xi32, #tpu.memory_space<hbm>>) dst(%arg14 : memref<1x128xi32, #tpu.memory_space<vmem>>)
      %dma_wait3A_1067 = arith.constant 0 : i32
      %dma_wait3A_1068 = arith.constant 0 : i32
      %dma_wait3A_1069 = tpu.memref_slice %arg5[%add3A_1050, %dma_wait3A_1067, %dma_wait3A_1068] : memref<1280x1x128xf32, #tpu.memory_space<hbm>> -> memref<1x1x128xf32, #tpu.memory_space<hbm>>
      %dma_wait3A_1070 = tpu.memref_squeeze %dma_wait3A_1069 : memref<1x1x128xf32, #tpu.memory_space<hbm>> -> memref<1x128xf32, #tpu.memory_space<hbm>>
      %dma_wait3A_1071 = arith.constant 0 : i32
      %dma_wait3A_1072 = arith.constant 0 : i32
      %dma_wait3A_1073 = tpu.memref_slice %arg5[%add3A_1050, %dma_wait3A_1071, %dma_wait3A_1072] : memref<1280x1x128xf32, #tpu.memory_space<hbm>> -> memref<1x1x128xf32, #tpu.memory_space<hbm>>
      %dma_wait3A_1074 = tpu.memref_squeeze %dma_wait3A_1073 : memref<1x1x128xf32, #tpu.memory_space<hbm>> -> memref<1x128xf32, #tpu.memory_space<hbm>>
      tpu.wait_dma2 semaphore(%arg30 : memref<!tpu.dma_semaphore, #tpu.memory_space<semaphore_mem>>) src(%dma_wait3A_1074 : memref<1x128xf32, #tpu.memory_space<hbm>>) dst(%arg17 : memref<1x128xf32, #tpu.memory_space<vmem>>)
      %get3A_1075 = arith.constant 0 : i32
      %get3A_1076 = arith.index_cast %get3A_1075 : i32 to index
      %get3A_1077 = arith.constant 0 : index
      %get3A_1078 = tpu.vector_load %arg11[%get3A_1076, %get3A_1077] {strides = array<i32>} : memref<1x128xi32, #tpu.memory_space<vmem>>, vector<16xi32>,
      %add3A_1079 = vector.broadcast %mul3A_14 : i32 to vector<16xi32>
      %add3A_1080 = arith.addi %get3A_1078, %add3A_1079 : vector<16xi32>
      %swap3A_1081 = arith.constant 0 : index
      %swap3A_1082 = tpu.vector_load %arg21[%swap3A_1081] {strides = array<i32>} : memref<128xi32, #tpu.memory_space<vmem>>, vector<16xi32>,
      tpu.vector_store %arg21[%swap3A_1081], %add3A_1080 {strides = array<i32>} : memref<128xi32, #tpu.memory_space<vmem>>, vector<16xi32>,
      %get3A_1083 = arith.constant 0 : i32
      %get3A_1084 = arith.index_cast %get3A_1083 : i32 to index
      %get3A_1085 = arith.constant 16 : index
      %get3A_1086 = tpu.vector_load %arg11[%get3A_1084, %get3A_1085] {strides = array<i32>} : memref<1x128xi32, #tpu.memory_space<vmem>>, vector<16xi32>,
      %add3A_1087 = vector.broadcast %mul3A_14 : i32 to vector<16xi32>
      %add3A_1088 = arith.addi %get3A_1086, %add3A_1087 : vector<16xi32>
      %swap3A_1089 = arith.constant 16 : index
      %swap3A_1090 = tpu.vector_load %arg21[%swap3A_1089] {strides = array<i32>} : memref<128xi32, #tpu.memory_space<vmem>>, vector<16xi32>,
      tpu.vector_store %arg21[%swap3A_1089], %add3A_1088 {strides = array<i32>} : memref<128xi32, #tpu.memory_space<vmem>>, vector<16xi32>,
      %get3A_1091 = arith.constant 0 : i32
      %get3A_1092 = arith.index_cast %get3A_1091 : i32 to index
      %get3A_1093 = arith.constant 32 : index
      %get3A_1094 = tpu.vector_load %arg11[%get3A_1092, %get3A_1093] {strides = array<i32>} : memref<1x128xi32, #tpu.memory_space<vmem>>, vector<16xi32>,
      %add3A_1095 = vector.broadcast %mul3A_14 : i32 to vector<16xi32>
      %add3A_1096 = arith.addi %get3A_1094, %add3A_1095 : vector<16xi32>
      %swap3A_1097 = arith.constant 32 : index
      %swap3A_1098 = tpu.vector_load %arg21[%swap3A_1097] {strides = array<i32>} : memref<128xi32, #tpu.memory_space<vmem>>, vector<16xi32>,
      tpu.vector_store %arg21[%swap3A_1097], %add3A_1096 {strides = array<i32>} : memref<128xi32, #tpu.memory_space<vmem>>, vector<16xi32>,
      %get3A_1099 = arith.constant 0 : i32
      %get3A_1100 = arith.index_cast %get3A_1099 : i32 to index
      %get3A_1101 = arith.constant 48 : index
      %get3A_1102 = tpu.vector_load %arg11[%get3A_1100, %get3A_1101] {strides = array<i32>} : memref<1x128xi32, #tpu.memory_space<vmem>>, vector<16xi32>,
      %add3A_1103 = vector.broadcast %mul3A_14 : i32 to vector<16xi32>
      %add3A_1104 = arith.addi %get3A_1102, %add3A_1103 : vector<16xi32>
      %swap3A_1105 = arith.constant 48 : index
      %swap3A_1106 = tpu.vector_load %arg21[%swap3A_1105] {strides = array<i32>} : memref<128xi32, #tpu.memory_space<vmem>>, vector<16xi32>,
      tpu.vector_store %arg21[%swap3A_1105], %add3A_1104 {strides = array<i32>} : memref<128xi32, #tpu.memory_space<vmem>>, vector<16xi32>,
      %get3A_1107 = arith.constant 0 : i32
      %get3A_1108 = arith.index_cast %get3A_1107 : i32 to index
      %get3A_1109 = arith.constant 64 : index
      %get3A_1110 = tpu.vector_load %arg11[%get3A_1108, %get3A_1109] {strides = array<i32>} : memref<1x128xi32, #tpu.memory_space<vmem>>, vector<16xi32>,
      %add3A_1111 = vector.broadcast %mul3A_14 : i32 to vector<16xi32>
      %add3A_1112 = arith.addi %get3A_1110, %add3A_1111 : vector<16xi32>
      %swap3A_1113 = arith.constant 64 : index
      %swap3A_1114 = tpu.vector_load %arg21[%swap3A_1113] {strides = array<i32>} : memref<128xi32, #tpu.memory_space<vmem>>, vector<16xi32>,
      tpu.vector_store %arg21[%swap3A_1113], %add3A_1112 {strides = array<i32>} : memref<128xi32, #tpu.memory_space<vmem>>, vector<16xi32>,
      %get3A_1115 = arith.constant 0 : i32
      %get3A_1116 = arith.index_cast %get3A_1115 : i32 to index
      %get3A_1117 = arith.constant 80 : index
      %get3A_1118 = tpu.vector_load %arg11[%get3A_1116, %get3A_1117] {strides = array<i32>} : memref<1x128xi32, #tpu.memory_space<vmem>>, vector<16xi32>,
      %add3A_1119 = vector.broadcast %mul3A_14 : i32 to vector<16xi32>
      %add3A_1120 = arith.addi %get3A_1118, %add3A_1119 : vector<16xi32>
      %swap3A_1121 = arith.constant 80 : index
      %swap3A_1122 = tpu.vector_load %arg21[%swap3A_1121] {strides = array<i32>} : memref<128xi32, #tpu.memory_space<vmem>>, vector<16xi32>,
      tpu.vector_store %arg21[%swap3A_1121], %add3A_1120 {strides = array<i32>} : memref<128xi32, #tpu.memory_space<vmem>>, vector<16xi32>,
      %get3A_1123 = arith.constant 0 : i32
      %get3A_1124 = arith.index_cast %get3A_1123 : i32 to index
      %get3A_1125 = arith.constant 96 : index
      %get3A_1126 = tpu.vector_load %arg11[%get3A_1124, %get3A_1125] {strides = array<i32>} : memref<1x128xi32, #tpu.memory_space<vmem>>, vector<16xi32>,
      %add3A_1127 = vector.broadcast %mul3A_14 : i32 to vector<16xi32>
      %add3A_1128 = arith.addi %get3A_1126, %add3A_1127 : vector<16xi32>
      %swap3A_1129 = arith.constant 96 : index
      %swap3A_1130 = tpu.vector_load %arg21[%swap3A_1129] {strides = array<i32>} : memref<128xi32, #tpu.memory_space<vmem>>, vector<16xi32>,
      tpu.vector_store %arg21[%swap3A_1129], %add3A_1128 {strides = array<i32>} : memref<128xi32, #tpu.memory_space<vmem>>, vector<16xi32>,
      %get3A_1131 = arith.constant 0 : i32
      %get3A_1132 = arith.index_cast %get3A_1131 : i32 to index
      %get3A_1133 = arith.constant 112 : index
      %get3A_1134 = tpu.vector_load %arg11[%get3A_1132, %get3A_1133] {strides = array<i32>} : memref<1x128xi32, #tpu.memory_space<vmem>>, vector<16xi32>,
      %add3A_1135 = vector.broadcast %mul3A_14 : i32 to vector<16xi32>
      %add3A_1136 = arith.addi %get3A_1134, %add3A_1135 : vector<16xi32>
      %swap3A_1137 = arith.constant 112 : index
      %swap3A_1138 = tpu.vector_load %arg21[%swap3A_1137] {strides = array<i32>} : memref<128xi32, #tpu.memory_space<vmem>>, vector<16xi32>,
      tpu.vector_store %arg21[%swap3A_1137], %add3A_1136 {strides = array<i32>} : memref<128xi32, #tpu.memory_space<vmem>>, vector<16xi32>,
      %dma_start3A_1139 = arith.constant 0 : i32
      %dma_start3A_1140 = arith.constant 0 : i32
      %dma_start3A_1141 = tpu.memref_slice %arg2[%dma_start3A_1139, %dma_start3A_1140] : memref<20480x128xf32, #tpu.memory_space<hbm>> -> memref<20480x128xf32, #tpu.memory_space<hbm>>
      tpu.enqueue_indirect_dma source(%dma_start3A_1141 : memref<20480x128xf32, #tpu.memory_space<hbm>>) target(%arg8 : memref<128x128xf32, #tpu.memory_space<vmem>>) offsets(%arg21 : memref<128xi32, #tpu.memory_space<vmem>>) semaphore(%arg25 : memref<!tpu.dma_semaphore, #tpu.memory_space<semaphore_mem>>)
      %add3A_1142 = arith.constant 2 : i32
      %add3A_1143 = arith.addi %add3A_1042, %add3A_1142 : i32
      %add3A_1144 = arith.addi %mul3A_12, %add3A_1143 : i32
      %dma_start3A_1145 = arith.constant 0 : i32
      %dma_start3A_1146 = arith.constant 0 : i32
      %dma_start3A_1147 = tpu.memref_slice %arg3[%add3A_1144, %dma_start3A_1145, %dma_start3A_1146] : memref<1280x1x128xi32, #tpu.memory_space<hbm>> -> memref<1x1x128xi32, #tpu.memory_space<hbm>>
      %dma_start3A_1148 = tpu.memref_squeeze %dma_start3A_1147 : memref<1x1x128xi32, #tpu.memory_space<hbm>> -> memref<1x128xi32, #tpu.memory_space<hbm>>
      %dma_start3A_1149 = arith.constant 0 : i32
      %dma_start3A_1150 = arith.constant 0 : i32
      %dma_start3A_1151 = tpu.memref_slice %arg3[%add3A_1144, %dma_start3A_1149, %dma_start3A_1150] : memref<1280x1x128xi32, #tpu.memory_space<hbm>> -> memref<1x1x128xi32, #tpu.memory_space<hbm>>
      %dma_start3A_1152 = tpu.memref_squeeze %dma_start3A_1151 : memref<1x1x128xi32, #tpu.memory_space<hbm>> -> memref<1x128xi32, #tpu.memory_space<hbm>>
      tpu.enqueue_dma source(%dma_start3A_1152 : memref<1x128xi32, #tpu.memory_space<hbm>>) target(%arg12 : memref<1x128xi32, #tpu.memory_space<vmem>>) target_semaphore(%arg31 : memref<!tpu.dma_semaphore, #tpu.memory_space<semaphore_mem>>)
      %dma_start3A_1153 = arith.constant 0 : i32
      %dma_start3A_1154 = arith.constant 0 : i32
      %dma_start3A_1155 = tpu.memref_slice %arg4[%add3A_1144, %dma_start3A_1153, %dma_start3A_1154] : memref<1280x1x128xi32, #tpu.memory_space<hbm>> -> memref<1x1x128xi32, #tpu.memory_space<hbm>>
      %dma_start3A_1156 = tpu.memref_squeeze %dma_start3A_1155 : memref<1x1x128xi32, #tpu.memory_space<hbm>> -> memref<1x128xi32, #tpu.memory_space<hbm>>
      %dma_start3A_1157 = arith.constant 0 : i32
      %dma_start3A_1158 = arith.constant 0 : i32
      %dma_start3A_1159 = tpu.memref_slice %arg4[%add3A_1144, %dma_start3A_1157, %dma_start3A_1158] : memref<1280x1x128xi32, #tpu.memory_space<hbm>> -> memref<1x1x128xi32, #tpu.memory_space<hbm>>
      %dma_start3A_1160 = tpu.memref_squeeze %dma_start3A_1159 : memref<1x1x128xi32, #tpu.memory_space<hbm>> -> memref<1x128xi32, #tpu.memory_space<hbm>>
      tpu.enqueue_dma source(%dma_start3A_1160 : memref<1x128xi32, #tpu.memory_space<hbm>>) target(%arg15 : memref<1x128xi32, #tpu.memory_space<vmem>>) target_semaphore(%arg31 : memref<!tpu.dma_semaphore, #tpu.memory_space<semaphore_mem>>)
      %dma_start3A_1161 = arith.constant 0 : i32
      %dma_start3A_1162 = arith.constant 0 : i32
      %dma_start3A_1163 = tpu.memref_slice %arg5[%add3A_1144, %dma_start3A_1161, %dma_start3A_1162] : memref<1280x1x128xf32, #tpu.memory_space<hbm>> -> memref<1x1x128xf32, #tpu.memory_space<hbm>>
      %dma_start3A_1164 = tpu.memref_squeeze %dma_start3A_1163 : memref<1x1x128xf32, #tpu.memory_space<hbm>> -> memref<1x128xf32, #tpu.memory_space<hbm>>
      %dma_start3A_1165 = arith.constant 0 : i32
      %dma_start3A_1166 = arith.constant 0 : i32
      %dma_start3A_1167 = tpu.memref_slice %arg5[%add3A_1144, %dma_start3A_1165, %dma_start3A_1166] : memref<1280x1x128xf32, #tpu.memory_space<hbm>> -> memref<1x1x128xf32, #tpu.memory_space<hbm>>
      %dma_start3A_1168 = tpu.memref_squeeze %dma_start3A_1167 : memref<1x1x128xf32, #tpu.memory_space<hbm>> -> memref<1x128xf32, #tpu.memory_space<hbm>>
      tpu.enqueue_dma source(%dma_start3A_1168 : memref<1x128xf32, #tpu.memory_space<hbm>>) target(%arg18 : memref<1x128xf32, #tpu.memory_space<vmem>>) target_semaphore(%arg31 : memref<!tpu.dma_semaphore, #tpu.memory_space<semaphore_mem>>)
      %dma_wait3A_1169 = arith.constant 0 : i32
      %dma_wait3A_1170 = arith.constant 0 : i32
      %dma_wait3A_1171 = tpu.memref_slice %arg2[%dma_wait3A_1169, %dma_wait3A_1170] : memref<20480x128xf32, #tpu.memory_space<hbm>> -> memref<20480x128xf32, #tpu.memory_space<hbm>>
      tpu.wait_indirect_dma semaphore(%arg24 : memref<!tpu.dma_semaphore, #tpu.memory_space<semaphore_mem>>) src(%dma_wait3A_1171 : memref<20480x128xf32, #tpu.memory_space<hbm>>) dst(%arg7 : memref<128x128xf32, #tpu.memory_space<vmem>>)
      %get3A_1172 = arith.constant 0 : i32
      %get3A_1173 = arith.index_cast %get3A_1172 : i32 to index
      %get3A_1174 = arith.constant 0 : index
      %get3A_1175 = tpu.vector_load %arg13[%get3A_1173, %get3A_1174] {strides = array<i32>} : memref<1x128xi32, #tpu.memory_space<vmem>>, vector<16xi32>,
      %swap3A_1176 = arith.constant 0 : i32
      %swap3A_1177 = arith.index_cast %swap3A_1176 : i32 to index
      %swap3A_1178 = arith.constant 0 : index
      %swap3A_1179 = tpu.vector_load %arg20[%swap3A_1177, %swap3A_1178] {strides = array<i32>} : memref<1x128xi32, #tpu.memory_space<vmem>>, vector<16xi32>,
      tpu.vector_store %arg20[%swap3A_1177, %swap3A_1178], %get3A_1175 {strides = array<i32>} : memref<1x128xi32, #tpu.memory_space<vmem>>, vector<16xi32>,
      %get3A_1180 = arith.constant 0 : i32
      %get3A_1181 = arith.index_cast %get3A_1180 : i32 to index
      %get3A_1182 = arith.constant 16 : index
      %get3A_1183 = tpu.vector_load %arg13[%get3A_1181, %get3A_1182] {strides = array<i32>} : memref<1x128xi32, #tpu.memory_space<vmem>>, vector<16xi32>,
      %swap3A_1184 = arith.constant 0 : i32
      %swap3A_1185 = arith.index_cast %swap3A_1184 : i32 to index
      %swap3A_1186 = arith.constant 16 : index
      %swap3A_1187 = tpu.vector_load %arg20[%swap3A_1185, %swap3A_1186] {strides = array<i32>} : memref<1x128xi32, #tpu.memory_space<vmem>>, vector<16xi32>,
      tpu.vector_store %arg20[%swap3A_1185, %swap3A_1186], %get3A_1183 {strides = array<i32>} : memref<1x128xi32, #tpu.memory_space<vmem>>, vector<16xi32>,
      %get3A_1188 = arith.constant 0 : i32
      %get3A_1189 = arith.index_cast %get3A_1188 : i32 to index
      %get3A_1190 = arith.constant 32 : index
      %get3A_1191 = tpu.vector_load %arg13[%get3A_1189, %get3A_1190] {strides = array<i32>} : memref<1x128xi32, #tpu.memory_space<vmem>>, vector<16xi32>,
      %swap3A_1192 = arith.constant 0 : i32
      %swap3A_1193 = arith.index_cast %swap3A_1192 : i32 to index
      %swap3A_1194 = arith.constant 32 : index
      %swap3A_1195 = tpu.vector_load %arg20[%swap3A_1193, %swap3A_1194] {strides = array<i32>} : memref<1x128xi32, #tpu.memory_space<vmem>>, vector<16xi32>,
      tpu.vector_store %arg20[%swap3A_1193, %swap3A_1194], %get3A_1191 {strides = array<i32>} : memref<1x128xi32, #tpu.memory_space<vmem>>, vector<16xi32>,
      %get3A_1196 = arith.constant 0 : i32
      %get3A_1197 = arith.index_cast %get3A_1196 : i32 to index
      %get3A_1198 = arith.constant 48 : index
      %get3A_1199 = tpu.vector_load %arg13[%get3A_1197, %get3A_1198] {strides = array<i32>} : memref<1x128xi32, #tpu.memory_space<vmem>>, vector<16xi32>,
      %swap3A_1200 = arith.constant 0 : i32
      %swap3A_1201 = arith.index_cast %swap3A_1200 : i32 to index
      %swap3A_1202 = arith.constant 48 : index
      %swap3A_1203 = tpu.vector_load %arg20[%swap3A_1201, %swap3A_1202] {strides = array<i32>} : memref<1x128xi32, #tpu.memory_space<vmem>>, vector<16xi32>,
      tpu.vector_store %arg20[%swap3A_1201, %swap3A_1202], %get3A_1199 {strides = array<i32>} : memref<1x128xi32, #tpu.memory_space<vmem>>, vector<16xi32>,
      %get3A_1204 = arith.constant 0 : i32
      %get3A_1205 = arith.index_cast %get3A_1204 : i32 to index
      %get3A_1206 = arith.constant 64 : index
      %get3A_1207 = tpu.vector_load %arg13[%get3A_1205, %get3A_1206] {strides = array<i32>} : memref<1x128xi32, #tpu.memory_space<vmem>>, vector<16xi32>,
      %swap3A_1208 = arith.constant 0 : i32
      %swap3A_1209 = arith.index_cast %swap3A_1208 : i32 to index
      %swap3A_1210 = arith.constant 64 : index
      %swap3A_1211 = tpu.vector_load %arg20[%swap3A_1209, %swap3A_1210] {strides = array<i32>} : memref<1x128xi32, #tpu.memory_space<vmem>>, vector<16xi32>,
      tpu.vector_store %arg20[%swap3A_1209, %swap3A_1210], %get3A_1207 {strides = array<i32>} : memref<1x128xi32, #tpu.memory_space<vmem>>, vector<16xi32>,
      %get3A_1212 = arith.constant 0 : i32
      %get3A_1213 = arith.index_cast %get3A_1212 : i32 to index
      %get3A_1214 = arith.constant 80 : index
      %get3A_1215 = tpu.vector_load %arg13[%get3A_1213, %get3A_1214] {strides = array<i32>} : memref<1x128xi32, #tpu.memory_space<vmem>>, vector<16xi32>,
      %swap3A_1216 = arith.constant 0 : i32
      %swap3A_1217 = arith.index_cast %swap3A_1216 : i32 to index
      %swap3A_1218 = arith.constant 80 : index
      %swap3A_1219 = tpu.vector_load %arg20[%swap3A_1217, %swap3A_1218] {strides = array<i32>} : memref<1x128xi32, #tpu.memory_space<vmem>>, vector<16xi32>,
      tpu.vector_store %arg20[%swap3A_1217, %swap3A_1218], %get3A_1215 {strides = array<i32>} : memref<1x128xi32, #tpu.memory_space<vmem>>, vector<16xi32>,
      %get3A_1220 = arith.constant 0 : i32
      %get3A_1221 = arith.index_cast %get3A_1220 : i32 to index
      %get3A_1222 = arith.constant 96 : index
      %get3A_1223 = tpu.vector_load %arg13[%get3A_1221, %get3A_1222] {strides = array<i32>} : memref<1x128xi32, #tpu.memory_space<vmem>>, vector<16xi32>,
      %swap3A_1224 = arith.constant 0 : i32
      %swap3A_1225 = arith.index_cast %swap3A_1224 : i32 to index
      %swap3A_1226 = arith.constant 96 : index
      %swap3A_1227 = tpu.vector_load %arg20[%swap3A_1225, %swap3A_1226] {strides = array<i32>} : memref<1x128xi32, #tpu.memory_space<vmem>>, vector<16xi32>,
      tpu.vector_store %arg20[%swap3A_1225, %swap3A_1226], %get3A_1223 {strides = array<i32>} : memref<1x128xi32, #tpu.memory_space<vmem>>, vector<16xi32>,
      %get3A_1228 = arith.constant 0 : i32
      %get3A_1229 = arith.index_cast %get3A_1228 : i32 to index
      %get3A_1230 = arith.constant 112 : index
      %get3A_1231 = tpu.vector_load %arg13[%get3A_1229, %get3A_1230] {strides = array<i32>} : memref<1x128xi32, #tpu.memory_space<vmem>>, vector<16xi32>,
      %swap3A_1232 = arith.constant 0 : i32
      %swap3A_1233 = arith.index_cast %swap3A_1232 : i32 to index
      %swap3A_1234 = arith.constant 112 : index
      %swap3A_1235 = tpu.vector_load %arg20[%swap3A_1233, %swap3A_1234] {strides = array<i32>} : memref<1x128xi32, #tpu.memory_space<vmem>>, vector<16xi32>,
      tpu.vector_store %arg20[%swap3A_1233, %swap3A_1234], %get3A_1231 {strides = array<i32>} : memref<1x128xi32, #tpu.memory_space<vmem>>, vector<16xi32>,
      %dma_start3A_1236 = arith.constant 0 : i32
      %dma_start3A_1237 = arith.constant 0 : i32
      %dma_start3A_1238 = tpu.memref_slice %arg20[%dma_start3A_1236, %dma_start3A_1237] : memref<1x128xi32, #tpu.memory_space<vmem>> -> memref<1x128xi32, #tpu.memory_space<vmem>>
      %dma_start3A_1239 = tpu.memref_squeeze %dma_start3A_1238 : memref<1x128xi32, #tpu.memory_space<vmem>> -> memref<128xi32, #tpu.memory_space<vmem>>
      %dma_start3A_1240 = arith.constant 0 : i32
      %dma_start3A_1241 = arith.constant 0 : i32
      %dma_start3A_1242 = tpu.memref_slice %arg23[%dma_start3A_1240, %dma_start3A_1241] : memref<10000x128xf32, #tpu.memory_space<vmem_shared>> -> memref<10000x128xf32, #tpu.memory_space<vmem_shared>>
      tpu.enqueue_indirect_dma source(%arg7 : memref<128x128xf32, #tpu.memory_space<vmem>>) target(%dma_start3A_1242 : memref<10000x128xf32, #tpu.memory_space<vmem_shared>>) offsets(%dma_start3A_1239 : memref<128xi32, #tpu.memory_space<vmem>>) semaphore(%arg28 : memref<!tpu.dma_semaphore, #tpu.memory_space<semaphore_mem>>) {add = true}
      %add3A_1243 = arith.constant 4 : i32
      %add3A_1244 = arith.addi %mul3A_437, %add3A_1243 : i32
      %ge3A_1245 = arith.constant 2 : i32
      %ge3A_1246 = arith.cmpi sge, %add3A_1244, %ge3A_1245 : i32
      %convert_element_type3A_1247 = arith.extui %ge3A_1246 : i1 to i32
      %cond3A_1248 = arith.constant 0 : i32
      %cond3A_1249 = arith.cmpi ne, %convert_element_type3A_1247, %cond3A_1248 : i32
      scf.if %cond3A_1249 {
        %dma_wait3A_1647 = arith.constant 0 : i32
        %dma_wait3A_1648 = arith.constant 0 : i32
        %dma_wait3A_1649 = tpu.memref_slice %arg19[%dma_wait3A_1647, %dma_wait3A_1648] : memref<1x128xi32, #tpu.memory_space<vmem>> -> memref<1x128xi32, #tpu.memory_space<vmem>>
        %dma_wait3A_1650 = tpu.memref_squeeze %dma_wait3A_1649 : memref<1x128xi32, #tpu.memory_space<vmem>> -> memref<128xi32, #tpu.memory_space<vmem>>
        %dma_wait3A_1651 = arith.constant 0 : i32
        %dma_wait3A_1652 = arith.constant 0 : i32
        %dma_wait3A_1653 = tpu.memref_slice %arg23[%dma_wait3A_1651, %dma_wait3A_1652] : memref<10000x128xf32, #tpu.memory_space<vmem_shared>> -> memref<10000x128xf32, #tpu.memory_space<vmem_shared>>
        tpu.wait_indirect_dma semaphore(%arg27 : memref<!tpu.dma_semaphore, #tpu.memory_space<semaphore_mem>>) src(%arg9 : memref<128x128xf32, #tpu.memory_space<vmem>>) dst(%dma_wait3A_1653 : memref<10000x128xf32, #tpu.memory_space<vmem_shared>>)
      } else {
      }
      %add3A_1250 = arith.constant 1 : i32
      %add3A_1251 = arith.addi %add3A_1244, %add3A_1250 : i32
      %add3A_1252 = arith.addi %mul3A_12, %add3A_1251 : i32
      %dma_wait3A_1253 = arith.constant 0 : i32
      %dma_wait3A_1254 = arith.constant 0 : i32
      %dma_wait3A_1255 = tpu.memref_slice %arg3[%add3A_1252, %dma_wait3A_1253, %dma_wait3A_1254] : memref<1280x1x128xi32, #tpu.memory_space<hbm>> -> memref<1x1x128xi32, #tpu.memory_space<hbm>>
      %dma_wait3A_1256 = tpu.memref_squeeze %dma_wait3A_1255 : memref<1x1x128xi32, #tpu.memory_space<hbm>> -> memref<1x128xi32, #tpu.memory_space<hbm>>
      %dma_wait3A_1257 = arith.constant 0 : i32
      %dma_wait3A_1258 = arith.constant 0 : i32
      %dma_wait3A_1259 = tpu.memref_slice %arg3[%add3A_1252, %dma_wait3A_1257, %dma_wait3A_1258] : memref<1280x1x128xi32, #tpu.memory_space<hbm>> -> memref<1x1x128xi32, #tpu.memory_space<hbm>>
      %dma_wait3A_1260 = tpu.memref_squeeze %dma_wait3A_1259 : memref<1x1x128xi32, #tpu.memory_space<hbm>> -> memref<1x128xi32, #tpu.memory_space<hbm>>
      tpu.wait_dma2 semaphore(%arg31 : memref<!tpu.dma_semaphore, #tpu.memory_space<semaphore_mem>>) src(%dma_wait3A_1260 : memref<1x128xi32, #tpu.memory_space<hbm>>) dst(%arg12 : memref<1x128xi32, #tpu.memory_space<vmem>>)
      %dma_wait3A_1261 = arith.constant 0 : i32
      %dma_wait3A_1262 = arith.constant 0 : i32
      %dma_wait3A_1263 = tpu.memref_slice %arg4[%add3A_1252, %dma_wait3A_1261, %dma_wait3A_1262] : memref<1280x1x128xi32, #tpu.memory_space<hbm>> -> memref<1x1x128xi32, #tpu.memory_space<hbm>>
      %dma_wait3A_1264 = tpu.memref_squeeze %dma_wait3A_1263 : memref<1x1x128xi32, #tpu.memory_space<hbm>> -> memref<1x128xi32, #tpu.memory_space<hbm>>
      %dma_wait3A_1265 = arith.constant 0 : i32
      %dma_wait3A_1266 = arith.constant 0 : i32
      %dma_wait3A_1267 = tpu.memref_slice %arg4[%add3A_1252, %dma_wait3A_1265, %dma_wait3A_1266] : memref<1280x1x128xi32, #tpu.memory_space<hbm>> -> memref<1x1x128xi32, #tpu.memory_space<hbm>>
      %dma_wait3A_1268 = tpu.memref_squeeze %dma_wait3A_1267 : memref<1x1x128xi32, #tpu.memory_space<hbm>> -> memref<1x128xi32, #tpu.memory_space<hbm>>
      tpu.wait_dma2 semaphore(%arg31 : memref<!tpu.dma_semaphore, #tpu.memory_space<semaphore_mem>>) src(%dma_wait3A_1268 : memref<1x128xi32, #tpu.memory_space<hbm>>) dst(%arg15 : memref<1x128xi32, #tpu.memory_space<vmem>>)
      %dma_wait3A_1269 = arith.constant 0 : i32
      %dma_wait3A_1270 = arith.constant 0 : i32
      %dma_wait3A_1271 = tpu.memref_slice %arg5[%add3A_1252, %dma_wait3A_1269, %dma_wait3A_1270] : memref<1280x1x128xf32, #tpu.memory_space<hbm>> -> memref<1x1x128xf32, #tpu.memory_space<hbm>>
      %dma_wait3A_1272 = tpu.memref_squeeze %dma_wait3A_1271 : memref<1x1x128xf32, #tpu.memory_space<hbm>> -> memref<1x128xf32, #tpu.memory_space<hbm>>
      %dma_wait3A_1273 = arith.constant 0 : i32
      %dma_wait3A_1274 = arith.constant 0 : i32
      %dma_wait3A_1275 = tpu.memref_slice %arg5[%add3A_1252, %dma_wait3A_1273, %dma_wait3A_1274] : memref<1280x1x128xf32, #tpu.memory_space<hbm>> -> memref<1x1x128xf32, #tpu.memory_space<hbm>>
      %dma_wait3A_1276 = tpu.memref_squeeze %dma_wait3A_1275 : memref<1x1x128xf32, #tpu.memory_space<hbm>> -> memref<1x128xf32, #tpu.memory_space<hbm>>
      tpu.wait_dma2 semaphore(%arg31 : memref<!tpu.dma_semaphore, #tpu.memory_space<semaphore_mem>>) src(%dma_wait3A_1276 : memref<1x128xf32, #tpu.memory_space<hbm>>) dst(%arg18 : memref<1x128xf32, #tpu.memory_space<vmem>>)
      %get3A_1277 = arith.constant 0 : i32
      %get3A_1278 = arith.index_cast %get3A_1277 : i32 to index
      %get3A_1279 = arith.constant 0 : index
      %get3A_1280 = tpu.vector_load %arg12[%get3A_1278, %get3A_1279] {strides = array<i32>} : memref<1x128xi32, #tpu.memory_space<vmem>>, vector<16xi32>,
      %add3A_1281 = vector.broadcast %mul3A_14 : i32 to vector<16xi32>
      %add3A_1282 = arith.addi %get3A_1280, %add3A_1281 : vector<16xi32>
      %swap3A_1283 = arith.constant 0 : index
      %swap3A_1284 = tpu.vector_load %arg22[%swap3A_1283] {strides = array<i32>} : memref<128xi32, #tpu.memory_space<vmem>>, vector<16xi32>,
      tpu.vector_store %arg22[%swap3A_1283], %add3A_1282 {strides = array<i32>} : memref<128xi32, #tpu.memory_space<vmem>>, vector<16xi32>,
      %get3A_1285 = arith.constant 0 : i32
      %get3A_1286 = arith.index_cast %get3A_1285 : i32 to index
      %get3A_1287 = arith.constant 16 : index
      %get3A_1288 = tpu.vector_load %arg12[%get3A_1286, %get3A_1287] {strides = array<i32>} : memref<1x128xi32, #tpu.memory_space<vmem>>, vector<16xi32>,
      %add3A_1289 = vector.broadcast %mul3A_14 : i32 to vector<16xi32>
      %add3A_1290 = arith.addi %get3A_1288, %add3A_1289 : vector<16xi32>
      %swap3A_1291 = arith.constant 16 : index
      %swap3A_1292 = tpu.vector_load %arg22[%swap3A_1291] {strides = array<i32>} : memref<128xi32, #tpu.memory_space<vmem>>, vector<16xi32>,
      tpu.vector_store %arg22[%swap3A_1291], %add3A_1290 {strides = array<i32>} : memref<128xi32, #tpu.memory_space<vmem>>, vector<16xi32>,
      %get3A_1293 = arith.constant 0 : i32
      %get3A_1294 = arith.index_cast %get3A_1293 : i32 to index
      %get3A_1295 = arith.constant 32 : index
      %get3A_1296 = tpu.vector_load %arg12[%get3A_1294, %get3A_1295] {strides = array<i32>} : memref<1x128xi32, #tpu.memory_space<vmem>>, vector<16xi32>,
      %add3A_1297 = vector.broadcast %mul3A_14 : i32 to vector<16xi32>
      %add3A_1298 = arith.addi %get3A_1296, %add3A_1297 : vector<16xi32>
      %swap3A_1299 = arith.constant 32 : index
      %swap3A_1300 = tpu.vector_load %arg22[%swap3A_1299] {strides = array<i32>} : memref<128xi32, #tpu.memory_space<vmem>>, vector<16xi32>,
      tpu.vector_store %arg22[%swap3A_1299], %add3A_1298 {strides = array<i32>} : memref<128xi32, #tpu.memory_space<vmem>>, vector<16xi32>,
      %get3A_1301 = arith.constant 0 : i32
      %get3A_1302 = arith.index_cast %get3A_1301 : i32 to index
      %get3A_1303 = arith.constant 48 : index
      %get3A_1304 = tpu.vector_load %arg12[%get3A_1302, %get3A_1303] {strides = array<i32>} : memref<1x128xi32, #tpu.memory_space<vmem>>, vector<16xi32>,
      %add3A_1305 = vector.broadcast %mul3A_14 : i32 to vector<16xi32>
      %add3A_1306 = arith.addi %get3A_1304, %add3A_1305 : vector<16xi32>
      %swap3A_1307 = arith.constant 48 : index
      %swap3A_1308 = tpu.vector_load %arg22[%swap3A_1307] {strides = array<i32>} : memref<128xi32, #tpu.memory_space<vmem>>, vector<16xi32>,
      tpu.vector_store %arg22[%swap3A_1307], %add3A_1306 {strides = array<i32>} : memref<128xi32, #tpu.memory_space<vmem>>, vector<16xi32>,
      %get3A_1309 = arith.constant 0 : i32
      %get3A_1310 = arith.index_cast %get3A_1309 : i32 to index
      %get3A_1311 = arith.constant 64 : index
      %get3A_1312 = tpu.vector_load %arg12[%get3A_1310, %get3A_1311] {strides = array<i32>} : memref<1x128xi32, #tpu.memory_space<vmem>>, vector<16xi32>,
      %add3A_1313 = vector.broadcast %mul3A_14 : i32 to vector<16xi32>
      %add3A_1314 = arith.addi %get3A_1312, %add3A_1313 : vector<16xi32>
      %swap3A_1315 = arith.constant 64 : index
      %swap3A_1316 = tpu.vector_load %arg22[%swap3A_1315] {strides = array<i32>} : memref<128xi32, #tpu.memory_space<vmem>>, vector<16xi32>,
      tpu.vector_store %arg22[%swap3A_1315], %add3A_1314 {strides = array<i32>} : memref<128xi32, #tpu.memory_space<vmem>>, vector<16xi32>,
      %get3A_1317 = arith.constant 0 : i32
      %get3A_1318 = arith.index_cast %get3A_1317 : i32 to index
      %get3A_1319 = arith.constant 80 : index
      %get3A_1320 = tpu.vector_load %arg12[%get3A_1318, %get3A_1319] {strides = array<i32>} : memref<1x128xi32, #tpu.memory_space<vmem>>, vector<16xi32>,
      %add3A_1321 = vector.broadcast %mul3A_14 : i32 to vector<16xi32>
      %add3A_1322 = arith.addi %get3A_1320, %add3A_1321 : vector<16xi32>
      %swap3A_1323 = arith.constant 80 : index
      %swap3A_1324 = tpu.vector_load %arg22[%swap3A_1323] {strides = array<i32>} : memref<128xi32, #tpu.memory_space<vmem>>, vector<16xi32>,
      tpu.vector_store %arg22[%swap3A_1323], %add3A_1322 {strides = array<i32>} : memref<128xi32, #tpu.memory_space<vmem>>, vector<16xi32>,
      %get3A_1325 = arith.constant 0 : i32
      %get3A_1326 = arith.index_cast %get3A_1325 : i32 to index
      %get3A_1327 = arith.constant 96 : index
      %get3A_1328 = tpu.vector_load %arg12[%get3A_1326, %get3A_1327] {strides = array<i32>} : memref<1x128xi32, #tpu.memory_space<vmem>>, vector<16xi32>,
      %add3A_1329 = vector.broadcast %mul3A_14 : i32 to vector<16xi32>
      %add3A_1330 = arith.addi %get3A_1328, %add3A_1329 : vector<16xi32>
      %swap3A_1331 = arith.constant 96 : index
      %swap3A_1332 = tpu.vector_load %arg22[%swap3A_1331] {strides = array<i32>} : memref<128xi32, #tpu.memory_space<vmem>>, vector<16xi32>,
      tpu.vector_store %arg22[%swap3A_1331], %add3A_1330 {strides = array<i32>} : memref<128xi32, #tpu.memory_space<vmem>>, vector<16xi32>,
      %get3A_1333 = arith.constant 0 : i32
      %get3A_1334 = arith.index_cast %get3A_1333 : i32 to index
      %get3A_1335 = arith.constant 112 : index
      %get3A_1336 = tpu.vector_load %arg12[%get3A_1334, %get3A_1335] {strides = array<i32>} : memref<1x128xi32, #tpu.memory_space<vmem>>, vector<16xi32>,
      %add3A_1337 = vector.broadcast %mul3A_14 : i32 to vector<16xi32>
      %add3A_1338 = arith.addi %get3A_1336, %add3A_1337 : vector<16xi32>
      %swap3A_1339 = arith.constant 112 : index
      %swap3A_1340 = tpu.vector_load %arg22[%swap3A_1339] {strides = array<i32>} : memref<128xi32, #tpu.memory_space<vmem>>, vector<16xi32>,
      tpu.vector_store %arg22[%swap3A_1339], %add3A_1338 {strides = array<i32>} : memref<128xi32, #tpu.memory_space<vmem>>, vector<16xi32>,
      %dma_start3A_1341 = arith.constant 0 : i32
      %dma_start3A_1342 = arith.constant 0 : i32
      %dma_start3A_1343 = tpu.memref_slice %arg2[%dma_start3A_1341, %dma_start3A_1342] : memref<20480x128xf32, #tpu.memory_space<hbm>> -> memref<20480x128xf32, #tpu.memory_space<hbm>>
      tpu.enqueue_indirect_dma source(%dma_start3A_1343 : memref<20480x128xf32, #tpu.memory_space<hbm>>) target(%arg9 : memref<128x128xf32, #tpu.memory_space<vmem>>) offsets(%arg22 : memref<128xi32, #tpu.memory_space<vmem>>) semaphore(%arg26 : memref<!tpu.dma_semaphore, #tpu.memory_space<semaphore_mem>>)
      %add3A_1344 = arith.constant 2 : i32
      %add3A_1345 = arith.addi %add3A_1244, %add3A_1344 : i32
      %add3A_1346 = arith.addi %mul3A_12, %add3A_1345 : i32
      %dma_start3A_1347 = arith.constant 0 : i32
      %dma_start3A_1348 = arith.constant 0 : i32
      %dma_start3A_1349 = tpu.memref_slice %arg3[%add3A_1346, %dma_start3A_1347, %dma_start3A_1348] : memref<1280x1x128xi32, #tpu.memory_space<hbm>> -> memref<1x1x128xi32, #tpu.memory_space<hbm>>
      %dma_start3A_1350 = tpu.memref_squeeze %dma_start3A_1349 : memref<1x1x128xi32, #tpu.memory_space<hbm>> -> memref<1x128xi32, #tpu.memory_space<hbm>>
      %dma_start3A_1351 = arith.constant 0 : i32
      %dma_start3A_1352 = arith.constant 0 : i32
      %dma_start3A_1353 = tpu.memref_slice %arg3[%add3A_1346, %dma_start3A_1351, %dma_start3A_1352] : memref<1280x1x128xi32, #tpu.memory_space<hbm>> -> memref<1x1x128xi32, #tpu.memory_space<hbm>>
      %dma_start3A_1354 = tpu.memref_squeeze %dma_start3A_1353 : memref<1x1x128xi32, #tpu.memory_space<hbm>> -> memref<1x128xi32, #tpu.memory_space<hbm>>
      tpu.enqueue_dma source(%dma_start3A_1354 : memref<1x128xi32, #tpu.memory_space<hbm>>) target(%arg10 : memref<1x128xi32, #tpu.memory_space<vmem>>) target_semaphore(%arg29 : memref<!tpu.dma_semaphore, #tpu.memory_space<semaphore_mem>>)
      %dma_start3A_1355 = arith.constant 0 : i32
      %dma_start3A_1356 = arith.constant 0 : i32
      %dma_start3A_1357 = tpu.memref_slice %arg4[%add3A_1346, %dma_start3A_1355, %dma_start3A_1356] : memref<1280x1x128xi32, #tpu.memory_space<hbm>> -> memref<1x1x128xi32, #tpu.memory_space<hbm>>
      %dma_start3A_1358 = tpu.memref_squeeze %dma_start3A_1357 : memref<1x1x128xi32, #tpu.memory_space<hbm>> -> memref<1x128xi32, #tpu.memory_space<hbm>>
      %dma_start3A_1359 = arith.constant 0 : i32
      %dma_start3A_1360 = arith.constant 0 : i32
      %dma_start3A_1361 = tpu.memref_slice %arg4[%add3A_1346, %dma_start3A_1359, %dma_start3A_1360] : memref<1280x1x128xi32, #tpu.memory_space<hbm>> -> memref<1x1x128xi32, #tpu.memory_space<hbm>>
      %dma_start3A_1362 = tpu.memref_squeeze %dma_start3A_1361 : memref<1x1x128xi32, #tpu.memory_space<hbm>> -> memref<1x128xi32, #tpu.memory_space<hbm>>
      tpu.enqueue_dma source(%dma_start3A_1362 : memref<1x128xi32, #tpu.memory_space<hbm>>) target(%arg13 : memref<1x128xi32, #tpu.memory_space<vmem>>) target_semaphore(%arg29 : memref<!tpu.dma_semaphore, #tpu.memory_space<semaphore_mem>>)
      %dma_start3A_1363 = arith.constant 0 : i32
      %dma_start3A_1364 = arith.constant 0 : i32
      %dma_start3A_1365 = tpu.memref_slice %arg5[%add3A_1346, %dma_start3A_1363, %dma_start3A_1364] : memref<1280x1x128xf32, #tpu.memory_space<hbm>> -> memref<1x1x128xf32, #tpu.memory_space<hbm>>
      %dma_start3A_1366 = tpu.memref_squeeze %dma_start3A_1365 : memref<1x1x128xf32, #tpu.memory_space<hbm>> -> memref<1x128xf32, #tpu.memory_space<hbm>>
      %dma_start3A_1367 = arith.constant 0 : i32
      %dma_start3A_1368 = arith.constant 0 : i32
      %dma_start3A_1369 = tpu.memref_slice %arg5[%add3A_1346, %dma_start3A_1367, %dma_start3A_1368] : memref<1280x1x128xf32, #tpu.memory_space<hbm>> -> memref<1x1x128xf32, #tpu.memory_space<hbm>>
      %dma_start3A_1370 = tpu.memref_squeeze %dma_start3A_1369 : memref<1x1x128xf32, #tpu.memory_space<hbm>> -> memref<1x128xf32, #tpu.memory_space<hbm>>
      tpu.enqueue_dma source(%dma_start3A_1370 : memref<1x128xf32, #tpu.memory_space<hbm>>) target(%arg16 : memref<1x128xf32, #tpu.memory_space<vmem>>) target_semaphore(%arg29 : memref<!tpu.dma_semaphore, #tpu.memory_space<semaphore_mem>>)
      %dma_wait3A_1371 = arith.constant 0 : i32
      %dma_wait3A_1372 = arith.constant 0 : i32
      %dma_wait3A_1373 = tpu.memref_slice %arg2[%dma_wait3A_1371, %dma_wait3A_1372] : memref<20480x128xf32, #tpu.memory_space<hbm>> -> memref<20480x128xf32, #tpu.memory_space<hbm>>
      tpu.wait_indirect_dma semaphore(%arg25 : memref<!tpu.dma_semaphore, #tpu.memory_space<semaphore_mem>>) src(%dma_wait3A_1373 : memref<20480x128xf32, #tpu.memory_space<hbm>>) dst(%arg8 : memref<128x128xf32, #tpu.memory_space<vmem>>)
      %get3A_1374 = arith.constant 0 : i32
      %get3A_1375 = arith.index_cast %get3A_1374 : i32 to index
      %get3A_1376 = arith.constant 0 : index
      %get3A_1377 = tpu.vector_load %arg14[%get3A_1375, %get3A_1376] {strides = array<i32>} : memref<1x128xi32, #tpu.memory_space<vmem>>, vector<16xi32>,
      %swap3A_1378 = arith.constant 0 : i32
      %swap3A_1379 = arith.index_cast %swap3A_1378 : i32 to index
      %swap3A_1380 = arith.constant 0 : index
      %swap3A_1381 = tpu.vector_load %arg19[%swap3A_1379, %swap3A_1380] {strides = array<i32>} : memref<1x128xi32, #tpu.memory_space<vmem>>, vector<16xi32>,
      tpu.vector_store %arg19[%swap3A_1379, %swap3A_1380], %get3A_1377 {strides = array<i32>} : memref<1x128xi32, #tpu.memory_space<vmem>>, vector<16xi32>,
      %get3A_1382 = arith.constant 0 : i32
      %get3A_1383 = arith.index_cast %get3A_1382 : i32 to index
      %get3A_1384 = arith.constant 16 : index
      %get3A_1385 = tpu.vector_load %arg14[%get3A_1383, %get3A_1384] {strides = array<i32>} : memref<1x128xi32, #tpu.memory_space<vmem>>, vector<16xi32>,
      %swap3A_1386 = arith.constant 0 : i32
      %swap3A_1387 = arith.index_cast %swap3A_1386 : i32 to index
      %swap3A_1388 = arith.constant 16 : index
      %swap3A_1389 = tpu.vector_load %arg19[%swap3A_1387, %swap3A_1388] {strides = array<i32>} : memref<1x128xi32, #tpu.memory_space<vmem>>, vector<16xi32>,
      tpu.vector_store %arg19[%swap3A_1387, %swap3A_1388], %get3A_1385 {strides = array<i32>} : memref<1x128xi32, #tpu.memory_space<vmem>>, vector<16xi32>,
      %get3A_1390 = arith.constant 0 : i32
      %get3A_1391 = arith.index_cast %get3A_1390 : i32 to index
      %get3A_1392 = arith.constant 32 : index
      %get3A_1393 = tpu.vector_load %arg14[%get3A_1391, %get3A_1392] {strides = array<i32>} : memref<1x128xi32, #tpu.memory_space<vmem>>, vector<16xi32>,
      %swap3A_1394 = arith.constant 0 : i32
      %swap3A_1395 = arith.index_cast %swap3A_1394 : i32 to index
      %swap3A_1396 = arith.constant 32 : index
      %swap3A_1397 = tpu.vector_load %arg19[%swap3A_1395, %swap3A_1396] {strides = array<i32>} : memref<1x128xi32, #tpu.memory_space<vmem>>, vector<16xi32>,
      tpu.vector_store %arg19[%swap3A_1395, %swap3A_1396], %get3A_1393 {strides = array<i32>} : memref<1x128xi32, #tpu.memory_space<vmem>>, vector<16xi32>,
      %get3A_1398 = arith.constant 0 : i32
      %get3A_1399 = arith.index_cast %get3A_1398 : i32 to index
      %get3A_1400 = arith.constant 48 : index
      %get3A_1401 = tpu.vector_load %arg14[%get3A_1399, %get3A_1400] {strides = array<i32>} : memref<1x128xi32, #tpu.memory_space<vmem>>, vector<16xi32>,
      %swap3A_1402 = arith.constant 0 : i32
      %swap3A_1403 = arith.index_cast %swap3A_1402 : i32 to index
      %swap3A_1404 = arith.constant 48 : index
      %swap3A_1405 = tpu.vector_load %arg19[%swap3A_1403, %swap3A_1404] {strides = array<i32>} : memref<1x128xi32, #tpu.memory_space<vmem>>, vector<16xi32>,
      tpu.vector_store %arg19[%swap3A_1403, %swap3A_1404], %get3A_1401 {strides = array<i32>} : memref<1x128xi32, #tpu.memory_space<vmem>>, vector<16xi32>,
      %get3A_1406 = arith.constant 0 : i32
      %get3A_1407 = arith.index_cast %get3A_1406 : i32 to index
      %get3A_1408 = arith.constant 64 : index
      %get3A_1409 = tpu.vector_load %arg14[%get3A_1407, %get3A_1408] {strides = array<i32>} : memref<1x128xi32, #tpu.memory_space<vmem>>, vector<16xi32>,
      %swap3A_1410 = arith.constant 0 : i32
      %swap3A_1411 = arith.index_cast %swap3A_1410 : i32 to index
      %swap3A_1412 = arith.constant 64 : index
      %swap3A_1413 = tpu.vector_load %arg19[%swap3A_1411, %swap3A_1412] {strides = array<i32>} : memref<1x128xi32, #tpu.memory_space<vmem>>, vector<16xi32>,
      tpu.vector_store %arg19[%swap3A_1411, %swap3A_1412], %get3A_1409 {strides = array<i32>} : memref<1x128xi32, #tpu.memory_space<vmem>>, vector<16xi32>,
      %get3A_1414 = arith.constant 0 : i32
      %get3A_1415 = arith.index_cast %get3A_1414 : i32 to index
      %get3A_1416 = arith.constant 80 : index
      %get3A_1417 = tpu.vector_load %arg14[%get3A_1415, %get3A_1416] {strides = array<i32>} : memref<1x128xi32, #tpu.memory_space<vmem>>, vector<16xi32>,
      %swap3A_1418 = arith.constant 0 : i32
      %swap3A_1419 = arith.index_cast %swap3A_1418 : i32 to index
      %swap3A_1420 = arith.constant 80 : index
      %swap3A_1421 = tpu.vector_load %arg19[%swap3A_1419, %swap3A_1420] {strides = array<i32>} : memref<1x128xi32, #tpu.memory_space<vmem>>, vector<16xi32>,
      tpu.vector_store %arg19[%swap3A_1419, %swap3A_1420], %get3A_1417 {strides = array<i32>} : memref<1x128xi32, #tpu.memory_space<vmem>>, vector<16xi32>,
      %get3A_1422 = arith.constant 0 : i32
      %get3A_1423 = arith.index_cast %get3A_1422 : i32 to index
      %get3A_1424 = arith.constant 96 : index
      %get3A_1425 = tpu.vector_load %arg14[%get3A_1423, %get3A_1424] {strides = array<i32>} : memref<1x128xi32, #tpu.memory_space<vmem>>, vector<16xi32>,
      %swap3A_1426 = arith.constant 0 : i32
      %swap3A_1427 = arith.index_cast %swap3A_1426 : i32 to index
      %swap3A_1428 = arith.constant 96 : index
      %swap3A_1429 = tpu.vector_load %arg19[%swap3A_1427, %swap3A_1428] {strides = array<i32>} : memref<1x128xi32, #tpu.memory_space<vmem>>, vector<16xi32>,
      tpu.vector_store %arg19[%swap3A_1427, %swap3A_1428], %get3A_1425 {strides = array<i32>} : memref<1x128xi32, #tpu.memory_space<vmem>>, vector<16xi32>,
      %get3A_1430 = arith.constant 0 : i32
      %get3A_1431 = arith.index_cast %get3A_1430 : i32 to index
      %get3A_1432 = arith.constant 112 : index
      %get3A_1433 = tpu.vector_load %arg14[%get3A_1431, %get3A_1432] {strides = array<i32>} : memref<1x128xi32, #tpu.memory_space<vmem>>, vector<16xi32>,
      %swap3A_1434 = arith.constant 0 : i32
      %swap3A_1435 = arith.index_cast %swap3A_1434 : i32 to index
      %swap3A_1436 = arith.constant 112 : index
      %swap3A_1437 = tpu.vector_load %arg19[%swap3A_1435, %swap3A_1436] {strides = array<i32>} : memref<1x128xi32, #tpu.memory_space<vmem>>, vector<16xi32>,
      tpu.vector_store %arg19[%swap3A_1435, %swap3A_1436], %get3A_1433 {strides = array<i32>} : memref<1x128xi32, #tpu.memory_space<vmem>>, vector<16xi32>,
      %dma_start3A_1438 = arith.constant 0 : i32
      %dma_start3A_1439 = arith.constant 0 : i32
      %dma_start3A_1440 = tpu.memref_slice %arg19[%dma_start3A_1438, %dma_start3A_1439] : memref<1x128xi32, #tpu.memory_space<vmem>> -> memref<1x128xi32, #tpu.memory_space<vmem>>
      %dma_start3A_1441 = tpu.memref_squeeze %dma_start3A_1440 : memref<1x128xi32, #tpu.memory_space<vmem>> -> memref<128xi32, #tpu.memory_space<vmem>>
      %dma_start3A_1442 = arith.constant 0 : i32
      %dma_start3A_1443 = arith.constant 0 : i32
      %dma_start3A_1444 = tpu.memref_slice %arg23[%dma_start3A_1442, %dma_start3A_1443] : memref<10000x128xf32, #tpu.memory_space<vmem_shared>> -> memref<10000x128xf32, #tpu.memory_space<vmem_shared>>
      tpu.enqueue_indirect_dma source(%arg8 : memref<128x128xf32, #tpu.memory_space<vmem>>) target(%dma_start3A_1444 : memref<10000x128xf32, #tpu.memory_space<vmem_shared>>) offsets(%dma_start3A_1441 : memref<128xi32, #tpu.memory_space<vmem>>) semaphore(%arg27 : memref<!tpu.dma_semaphore, #tpu.memory_space<semaphore_mem>>) {add = true}
      %add3A_1445 = arith.constant 5 : i32
      %add3A_1446 = arith.addi %mul3A_437, %add3A_1445 : i32
      %ge3A_1447 = arith.constant 2 : i32
      %ge3A_1448 = arith.cmpi sge, %add3A_1446, %ge3A_1447 : i32
      %convert_element_type3A_1449 = arith.extui %ge3A_1448 : i1 to i32
      %cond3A_1450 = arith.constant 0 : i32
      %cond3A_1451 = arith.cmpi ne, %convert_element_type3A_1449, %cond3A_1450 : i32
      scf.if %cond3A_1451 {
        %dma_wait3A_1647 = arith.constant 0 : i32
        %dma_wait3A_1648 = arith.constant 0 : i32
        %dma_wait3A_1649 = tpu.memref_slice %arg20[%dma_wait3A_1647, %dma_wait3A_1648] : memref<1x128xi32, #tpu.memory_space<vmem>> -> memref<1x128xi32, #tpu.memory_space<vmem>>
        %dma_wait3A_1650 = tpu.memref_squeeze %dma_wait3A_1649 : memref<1x128xi32, #tpu.memory_space<vmem>> -> memref<128xi32, #tpu.memory_space<vmem>>
        %dma_wait3A_1651 = arith.constant 0 : i32
        %dma_wait3A_1652 = arith.constant 0 : i32
        %dma_wait3A_1653 = tpu.memref_slice %arg23[%dma_wait3A_1651, %dma_wait3A_1652] : memref<10000x128xf32, #tpu.memory_space<vmem_shared>> -> memref<10000x128xf32, #tpu.memory_space<vmem_shared>>
        tpu.wait_indirect_dma semaphore(%arg28 : memref<!tpu.dma_semaphore, #tpu.memory_space<semaphore_mem>>) src(%arg7 : memref<128x128xf32, #tpu.memory_space<vmem>>) dst(%dma_wait3A_1653 : memref<10000x128xf32, #tpu.memory_space<vmem_shared>>)
      } else {
      }
      %add3A_1452 = arith.constant 1 : i32
      %add3A_1453 = arith.addi %add3A_1446, %add3A_1452 : i32
      %add3A_1454 = arith.addi %mul3A_12, %add3A_1453 : i32
      %dma_wait3A_1455 = arith.constant 0 : i32
      %dma_wait3A_1456 = arith.constant 0 : i32
      %dma_wait3A_1457 = tpu.memref_slice %arg3[%add3A_1454, %dma_wait3A_1455, %dma_wait3A_1456] : memref<1280x1x128xi32, #tpu.memory_space<hbm>> -> memref<1x1x128xi32, #tpu.memory_space<hbm>>
      %dma_wait3A_1458 = tpu.memref_squeeze %dma_wait3A_1457 : memref<1x1x128xi32, #tpu.memory_space<hbm>> -> memref<1x128xi32, #tpu.memory_space<hbm>>
      %dma_wait3A_1459 = arith.constant 0 : i32
      %dma_wait3A_1460 = arith.constant 0 : i32
      %dma_wait3A_1461 = tpu.memref_slice %arg3[%add3A_1454, %dma_wait3A_1459, %dma_wait3A_1460] : memref<1280x1x128xi32, #tpu.memory_space<hbm>> -> memref<1x1x128xi32, #tpu.memory_space<hbm>>
      %dma_wait3A_1462 = tpu.memref_squeeze %dma_wait3A_1461 : memref<1x1x128xi32, #tpu.memory_space<hbm>> -> memref<1x128xi32, #tpu.memory_space<hbm>>
      tpu.wait_dma2 semaphore(%arg29 : memref<!tpu.dma_semaphore, #tpu.memory_space<semaphore_mem>>) src(%dma_wait3A_1462 : memref<1x128xi32, #tpu.memory_space<hbm>>) dst(%arg10 : memref<1x128xi32, #tpu.memory_space<vmem>>)
      %dma_wait3A_1463 = arith.constant 0 : i32
      %dma_wait3A_1464 = arith.constant 0 : i32
      %dma_wait3A_1465 = tpu.memref_slice %arg4[%add3A_1454, %dma_wait3A_1463, %dma_wait3A_1464] : memref<1280x1x128xi32, #tpu.memory_space<hbm>> -> memref<1x1x128xi32, #tpu.memory_space<hbm>>
      %dma_wait3A_1466 = tpu.memref_squeeze %dma_wait3A_1465 : memref<1x1x128xi32, #tpu.memory_space<hbm>> -> memref<1x128xi32, #tpu.memory_space<hbm>>
      %dma_wait3A_1467 = arith.constant 0 : i32
      %dma_wait3A_1468 = arith.constant 0 : i32
      %dma_wait3A_1469 = tpu.memref_slice %arg4[%add3A_1454, %dma_wait3A_1467, %dma_wait3A_1468] : memref<1280x1x128xi32, #tpu.memory_space<hbm>> -> memref<1x1x128xi32, #tpu.memory_space<hbm>>
      %dma_wait3A_1470 = tpu.memref_squeeze %dma_wait3A_1469 : memref<1x1x128xi32, #tpu.memory_space<hbm>> -> memref<1x128xi32, #tpu.memory_space<hbm>>
      tpu.wait_dma2 semaphore(%arg29 : memref<!tpu.dma_semaphore, #tpu.memory_space<semaphore_mem>>) src(%dma_wait3A_1470 : memref<1x128xi32, #tpu.memory_space<hbm>>) dst(%arg13 : memref<1x128xi32, #tpu.memory_space<vmem>>)
      %dma_wait3A_1471 = arith.constant 0 : i32
      %dma_wait3A_1472 = arith.constant 0 : i32
      %dma_wait3A_1473 = tpu.memref_slice %arg5[%add3A_1454, %dma_wait3A_1471, %dma_wait3A_1472] : memref<1280x1x128xf32, #tpu.memory_space<hbm>> -> memref<1x1x128xf32, #tpu.memory_space<hbm>>
      %dma_wait3A_1474 = tpu.memref_squeeze %dma_wait3A_1473 : memref<1x1x128xf32, #tpu.memory_space<hbm>> -> memref<1x128xf32, #tpu.memory_space<hbm>>
      %dma_wait3A_1475 = arith.constant 0 : i32
      %dma_wait3A_1476 = arith.constant 0 : i32
      %dma_wait3A_1477 = tpu.memref_slice %arg5[%add3A_1454, %dma_wait3A_1475, %dma_wait3A_1476] : memref<1280x1x128xf32, #tpu.memory_space<hbm>> -> memref<1x1x128xf32, #tpu.memory_space<hbm>>
      %dma_wait3A_1478 = tpu.memref_squeeze %dma_wait3A_1477 : memref<1x1x128xf32, #tpu.memory_space<hbm>> -> memref<1x128xf32, #tpu.memory_space<hbm>>
      tpu.wait_dma2 semaphore(%arg29 : memref<!tpu.dma_semaphore, #tpu.memory_space<semaphore_mem>>) src(%dma_wait3A_1478 : memref<1x128xf32, #tpu.memory_space<hbm>>) dst(%arg16 : memref<1x128xf32, #tpu.memory_space<vmem>>)
      %get3A_1479 = arith.constant 0 : i32
      %get3A_1480 = arith.index_cast %get3A_1479 : i32 to index
      %get3A_1481 = arith.constant 0 : index
      %get3A_1482 = tpu.vector_load %arg10[%get3A_1480, %get3A_1481] {strides = array<i32>} : memref<1x128xi32, #tpu.memory_space<vmem>>, vector<16xi32>,
      %add3A_1483 = vector.broadcast %mul3A_14 : i32 to vector<16xi32>
      %add3A_1484 = arith.addi %get3A_1482, %add3A_1483 : vector<16xi32>
      %swap3A_1485 = arith.constant 0 : index
      %swap3A_1486 = tpu.vector_load %arg21[%swap3A_1485] {strides = array<i32>} : memref<128xi32, #tpu.memory_space<vmem>>, vector<16xi32>,
      tpu.vector_store %arg21[%swap3A_1485], %add3A_1484 {strides = array<i32>} : memref<128xi32, #tpu.memory_space<vmem>>, vector<16xi32>,
      %get3A_1487 = arith.constant 0 : i32
      %get3A_1488 = arith.index_cast %get3A_1487 : i32 to index
      %get3A_1489 = arith.constant 16 : index
      %get3A_1490 = tpu.vector_load %arg10[%get3A_1488, %get3A_1489] {strides = array<i32>} : memref<1x128xi32, #tpu.memory_space<vmem>>, vector<16xi32>,
      %add3A_1491 = vector.broadcast %mul3A_14 : i32 to vector<16xi32>
      %add3A_1492 = arith.addi %get3A_1490, %add3A_1491 : vector<16xi32>
      %swap3A_1493 = arith.constant 16 : index
      %swap3A_1494 = tpu.vector_load %arg21[%swap3A_1493] {strides = array<i32>} : memref<128xi32, #tpu.memory_space<vmem>>, vector<16xi32>,
      tpu.vector_store %arg21[%swap3A_1493], %add3A_1492 {strides = array<i32>} : memref<128xi32, #tpu.memory_space<vmem>>, vector<16xi32>,
      %get3A_1495 = arith.constant 0 : i32
      %get3A_1496 = arith.index_cast %get3A_1495 : i32 to index
      %get3A_1497 = arith.constant 32 : index
      %get3A_1498 = tpu.vector_load %arg10[%get3A_1496, %get3A_1497] {strides = array<i32>} : memref<1x128xi32, #tpu.memory_space<vmem>>, vector<16xi32>,
      %add3A_1499 = vector.broadcast %mul3A_14 : i32 to vector<16xi32>
      %add3A_1500 = arith.addi %get3A_1498, %add3A_1499 : vector<16xi32>
      %swap3A_1501 = arith.constant 32 : index
      %swap3A_1502 = tpu.vector_load %arg21[%swap3A_1501] {strides = array<i32>} : memref<128xi32, #tpu.memory_space<vmem>>, vector<16xi32>,
      tpu.vector_store %arg21[%swap3A_1501], %add3A_1500 {strides = array<i32>} : memref<128xi32, #tpu.memory_space<vmem>>, vector<16xi32>,
      %get3A_1503 = arith.constant 0 : i32
      %get3A_1504 = arith.index_cast %get3A_1503 : i32 to index
      %get3A_1505 = arith.constant 48 : index
      %get3A_1506 = tpu.vector_load %arg10[%get3A_1504, %get3A_1505] {strides = array<i32>} : memref<1x128xi32, #tpu.memory_space<vmem>>, vector<16xi32>,
      %add3A_1507 = vector.broadcast %mul3A_14 : i32 to vector<16xi32>
      %add3A_1508 = arith.addi %get3A_1506, %add3A_1507 : vector<16xi32>
      %swap3A_1509 = arith.constant 48 : index
      %swap3A_1510 = tpu.vector_load %arg21[%swap3A_1509] {strides = array<i32>} : memref<128xi32, #tpu.memory_space<vmem>>, vector<16xi32>,
      tpu.vector_store %arg21[%swap3A_1509], %add3A_1508 {strides = array<i32>} : memref<128xi32, #tpu.memory_space<vmem>>, vector<16xi32>,
      %get3A_1511 = arith.constant 0 : i32
      %get3A_1512 = arith.index_cast %get3A_1511 : i32 to index
      %get3A_1513 = arith.constant 64 : index
      %get3A_1514 = tpu.vector_load %arg10[%get3A_1512, %get3A_1513] {strides = array<i32>} : memref<1x128xi32, #tpu.memory_space<vmem>>, vector<16xi32>,
      %add3A_1515 = vector.broadcast %mul3A_14 : i32 to vector<16xi32>
      %add3A_1516 = arith.addi %get3A_1514, %add3A_1515 : vector<16xi32>
      %swap3A_1517 = arith.constant 64 : index
      %swap3A_1518 = tpu.vector_load %arg21[%swap3A_1517] {strides = array<i32>} : memref<128xi32, #tpu.memory_space<vmem>>, vector<16xi32>,
      tpu.vector_store %arg21[%swap3A_1517], %add3A_1516 {strides = array<i32>} : memref<128xi32, #tpu.memory_space<vmem>>, vector<16xi32>,
      %get3A_1519 = arith.constant 0 : i32
      %get3A_1520 = arith.index_cast %get3A_1519 : i32 to index
      %get3A_1521 = arith.constant 80 : index
      %get3A_1522 = tpu.vector_load %arg10[%get3A_1520, %get3A_1521] {strides = array<i32>} : memref<1x128xi32, #tpu.memory_space<vmem>>, vector<16xi32>,
      %add3A_1523 = vector.broadcast %mul3A_14 : i32 to vector<16xi32>
      %add3A_1524 = arith.addi %get3A_1522, %add3A_1523 : vector<16xi32>
      %swap3A_1525 = arith.constant 80 : index
      %swap3A_1526 = tpu.vector_load %arg21[%swap3A_1525] {strides = array<i32>} : memref<128xi32, #tpu.memory_space<vmem>>, vector<16xi32>,
      tpu.vector_store %arg21[%swap3A_1525], %add3A_1524 {strides = array<i32>} : memref<128xi32, #tpu.memory_space<vmem>>, vector<16xi32>,
      %get3A_1527 = arith.constant 0 : i32
      %get3A_1528 = arith.index_cast %get3A_1527 : i32 to index
      %get3A_1529 = arith.constant 96 : index
      %get3A_1530 = tpu.vector_load %arg10[%get3A_1528, %get3A_1529] {strides = array<i32>} : memref<1x128xi32, #tpu.memory_space<vmem>>, vector<16xi32>,
      %add3A_1531 = vector.broadcast %mul3A_14 : i32 to vector<16xi32>
      %add3A_1532 = arith.addi %get3A_1530, %add3A_1531 : vector<16xi32>
      %swap3A_1533 = arith.constant 96 : index
      %swap3A_1534 = tpu.vector_load %arg21[%swap3A_1533] {strides = array<i32>} : memref<128xi32, #tpu.memory_space<vmem>>, vector<16xi32>,
      tpu.vector_store %arg21[%swap3A_1533], %add3A_1532 {strides = array<i32>} : memref<128xi32, #tpu.memory_space<vmem>>, vector<16xi32>,
      %get3A_1535 = arith.constant 0 : i32
      %get3A_1536 = arith.index_cast %get3A_1535 : i32 to index
      %get3A_1537 = arith.constant 112 : index
      %get3A_1538 = tpu.vector_load %arg10[%get3A_1536, %get3A_1537] {strides = array<i32>} : memref<1x128xi32, #tpu.memory_space<vmem>>, vector<16xi32>,
      %add3A_1539 = vector.broadcast %mul3A_14 : i32 to vector<16xi32>
      %add3A_1540 = arith.addi %get3A_1538, %add3A_1539 : vector<16xi32>
      %swap3A_1541 = arith.constant 112 : index
      %swap3A_1542 = tpu.vector_load %arg21[%swap3A_1541] {strides = array<i32>} : memref<128xi32, #tpu.memory_space<vmem>>, vector<16xi32>,
      tpu.vector_store %arg21[%swap3A_1541], %add3A_1540 {strides = array<i32>} : memref<128xi32, #tpu.memory_space<vmem>>, vector<16xi32>,
      %dma_start3A_1543 = arith.constant 0 : i32
      %dma_start3A_1544 = arith.constant 0 : i32
      %dma_start3A_1545 = tpu.memref_slice %arg2[%dma_start3A_1543, %dma_start3A_1544] : memref<20480x128xf32, #tpu.memory_space<hbm>> -> memref<20480x128xf32, #tpu.memory_space<hbm>>
      tpu.enqueue_indirect_dma source(%dma_start3A_1545 : memref<20480x128xf32, #tpu.memory_space<hbm>>) target(%arg7 : memref<128x128xf32, #tpu.memory_space<vmem>>) offsets(%arg21 : memref<128xi32, #tpu.memory_space<vmem>>) semaphore(%arg24 : memref<!tpu.dma_semaphore, #tpu.memory_space<semaphore_mem>>)
      %add3A_1546 = arith.constant 2 : i32
      %add3A_1547 = arith.addi %add3A_1446, %add3A_1546 : i32
      %add3A_1548 = arith.addi %mul3A_12, %add3A_1547 : i32
      %dma_start3A_1549 = arith.constant 0 : i32
      %dma_start3A_1550 = arith.constant 0 : i32
      %dma_start3A_1551 = tpu.memref_slice %arg3[%add3A_1548, %dma_start3A_1549, %dma_start3A_1550] : memref<1280x1x128xi32, #tpu.memory_space<hbm>> -> memref<1x1x128xi32, #tpu.memory_space<hbm>>
      %dma_start3A_1552 = tpu.memref_squeeze %dma_start3A_1551 : memref<1x1x128xi32, #tpu.memory_space<hbm>> -> memref<1x128xi32, #tpu.memory_space<hbm>>
      %dma_start3A_1553 = arith.constant 0 : i32
      %dma_start3A_1554 = arith.constant 0 : i32
      %dma_start3A_1555 = tpu.memref_slice %arg3[%add3A_1548, %dma_start3A_1553, %dma_start3A_1554] : memref<1280x1x128xi32, #tpu.memory_space<hbm>> -> memref<1x1x128xi32, #tpu.memory_space<hbm>>
      %dma_start3A_1556 = tpu.memref_squeeze %dma_start3A_1555 : memref<1x1x128xi32, #tpu.memory_space<hbm>> -> memref<1x128xi32, #tpu.memory_space<hbm>>
      tpu.enqueue_dma source(%dma_start3A_1556 : memref<1x128xi32, #tpu.memory_space<hbm>>) target(%arg11 : memref<1x128xi32, #tpu.memory_space<vmem>>) target_semaphore(%arg30 : memref<!tpu.dma_semaphore, #tpu.memory_space<semaphore_mem>>)
      %dma_start3A_1557 = arith.constant 0 : i32
      %dma_start3A_1558 = arith.constant 0 : i32
      %dma_start3A_1559 = tpu.memref_slice %arg4[%add3A_1548, %dma_start3A_1557, %dma_start3A_1558] : memref<1280x1x128xi32, #tpu.memory_space<hbm>> -> memref<1x1x128xi32, #tpu.memory_space<hbm>>
      %dma_start3A_1560 = tpu.memref_squeeze %dma_start3A_1559 : memref<1x1x128xi32, #tpu.memory_space<hbm>> -> memref<1x128xi32, #tpu.memory_space<hbm>>
      %dma_start3A_1561 = arith.constant 0 : i32
      %dma_start3A_1562 = arith.constant 0 : i32
      %dma_start3A_1563 = tpu.memref_slice %arg4[%add3A_1548, %dma_start3A_1561, %dma_start3A_1562] : memref<1280x1x128xi32, #tpu.memory_space<hbm>> -> memref<1x1x128xi32, #tpu.memory_space<hbm>>
      %dma_start3A_1564 = tpu.memref_squeeze %dma_start3A_1563 : memref<1x1x128xi32, #tpu.memory_space<hbm>> -> memref<1x128xi32, #tpu.memory_space<hbm>>
      tpu.enqueue_dma source(%dma_start3A_1564 : memref<1x128xi32, #tpu.memory_space<hbm>>) target(%arg14 : memref<1x128xi32, #tpu.memory_space<vmem>>) target_semaphore(%arg30 : memref<!tpu.dma_semaphore, #tpu.memory_space<semaphore_mem>>)
      %dma_start3A_1565 = arith.constant 0 : i32
      %dma_start3A_1566 = arith.constant 0 : i32
      %dma_start3A_1567 = tpu.memref_slice %arg5[%add3A_1548, %dma_start3A_1565, %dma_start3A_1566] : memref<1280x1x128xf32, #tpu.memory_space<hbm>> -> memref<1x1x128xf32, #tpu.memory_space<hbm>>
      %dma_start3A_1568 = tpu.memref_squeeze %dma_start3A_1567 : memref<1x1x128xf32, #tpu.memory_space<hbm>> -> memref<1x128xf32, #tpu.memory_space<hbm>>
      %dma_start3A_1569 = arith.constant 0 : i32
      %dma_start3A_1570 = arith.constant 0 : i32
      %dma_start3A_1571 = tpu.memref_slice %arg5[%add3A_1548, %dma_start3A_1569, %dma_start3A_1570] : memref<1280x1x128xf32, #tpu.memory_space<hbm>> -> memref<1x1x128xf32, #tpu.memory_space<hbm>>
      %dma_start3A_1572 = tpu.memref_squeeze %dma_start3A_1571 : memref<1x1x128xf32, #tpu.memory_space<hbm>> -> memref<1x128xf32, #tpu.memory_space<hbm>>
      tpu.enqueue_dma source(%dma_start3A_1572 : memref<1x128xf32, #tpu.memory_space<hbm>>) target(%arg17 : memref<1x128xf32, #tpu.memory_space<vmem>>) target_semaphore(%arg30 : memref<!tpu.dma_semaphore, #tpu.memory_space<semaphore_mem>>)
      %dma_wait3A_1573 = arith.constant 0 : i32
      %dma_wait3A_1574 = arith.constant 0 : i32
      %dma_wait3A_1575 = tpu.memref_slice %arg2[%dma_wait3A_1573, %dma_wait3A_1574] : memref<20480x128xf32, #tpu.memory_space<hbm>> -> memref<20480x128xf32, #tpu.memory_space<hbm>>
      tpu.wait_indirect_dma semaphore(%arg26 : memref<!tpu.dma_semaphore, #tpu.memory_space<semaphore_mem>>) src(%dma_wait3A_1575 : memref<20480x128xf32, #tpu.memory_space<hbm>>) dst(%arg9 : memref<128x128xf32, #tpu.memory_space<vmem>>)
      %get3A_1576 = arith.constant 0 : i32
      %get3A_1577 = arith.index_cast %get3A_1576 : i32 to index
      %get3A_1578 = arith.constant 0 : index
      %get3A_1579 = tpu.vector_load %arg15[%get3A_1577, %get3A_1578] {strides = array<i32>} : memref<1x128xi32, #tpu.memory_space<vmem>>, vector<16xi32>,
      %swap3A_1580 = arith.constant 0 : i32
      %swap3A_1581 = arith.index_cast %swap3A_1580 : i32 to index
      %swap3A_1582 = arith.constant 0 : index
      %swap3A_1583 = tpu.vector_load %arg20[%swap3A_1581, %swap3A_1582] {strides = array<i32>} : memref<1x128xi32, #tpu.memory_space<vmem>>, vector<16xi32>,
      tpu.vector_store %arg20[%swap3A_1581, %swap3A_1582], %get3A_1579 {strides = array<i32>} : memref<1x128xi32, #tpu.memory_space<vmem>>, vector<16xi32>,
      %get3A_1584 = arith.constant 0 : i32
      %get3A_1585 = arith.index_cast %get3A_1584 : i32 to index
      %get3A_1586 = arith.constant 16 : index
      %get3A_1587 = tpu.vector_load %arg15[%get3A_1585, %get3A_1586] {strides = array<i32>} : memref<1x128xi32, #tpu.memory_space<vmem>>, vector<16xi32>,
      %swap3A_1588 = arith.constant 0 : i32
      %swap3A_1589 = arith.index_cast %swap3A_1588 : i32 to index
      %swap3A_1590 = arith.constant 16 : index
      %swap3A_1591 = tpu.vector_load %arg20[%swap3A_1589, %swap3A_1590] {strides = array<i32>} : memref<1x128xi32, #tpu.memory_space<vmem>>, vector<16xi32>,
      tpu.vector_store %arg20[%swap3A_1589, %swap3A_1590], %get3A_1587 {strides = array<i32>} : memref<1x128xi32, #tpu.memory_space<vmem>>, vector<16xi32>,
      %get3A_1592 = arith.constant 0 : i32
      %get3A_1593 = arith.index_cast %get3A_1592 : i32 to index
      %get3A_1594 = arith.constant 32 : index
      %get3A_1595 = tpu.vector_load %arg15[%get3A_1593, %get3A_1594] {strides = array<i32>} : memref<1x128xi32, #tpu.memory_space<vmem>>, vector<16xi32>,
      %swap3A_1596 = arith.constant 0 : i32
      %swap3A_1597 = arith.index_cast %swap3A_1596 : i32 to index
      %swap3A_1598 = arith.constant 32 : index
      %swap3A_1599 = tpu.vector_load %arg20[%swap3A_1597, %swap3A_1598] {strides = array<i32>} : memref<1x128xi32, #tpu.memory_space<vmem>>, vector<16xi32>,
      tpu.vector_store %arg20[%swap3A_1597, %swap3A_1598], %get3A_1595 {strides = array<i32>} : memref<1x128xi32, #tpu.memory_space<vmem>>, vector<16xi32>,
      %get3A_1600 = arith.constant 0 : i32
      %get3A_1601 = arith.index_cast %get3A_1600 : i32 to index
      %get3A_1602 = arith.constant 48 : index
      %get3A_1603 = tpu.vector_load %arg15[%get3A_1601, %get3A_1602] {strides = array<i32>} : memref<1x128xi32, #tpu.memory_space<vmem>>, vector<16xi32>,
      %swap3A_1604 = arith.constant 0 : i32
      %swap3A_1605 = arith.index_cast %swap3A_1604 : i32 to index
      %swap3A_1606 = arith.constant 48 : index
      %swap3A_1607 = tpu.vector_load %arg20[%swap3A_1605, %swap3A_1606] {strides = array<i32>} : memref<1x128xi32, #tpu.memory_space<vmem>>, vector<16xi32>,
      tpu.vector_store %arg20[%swap3A_1605, %swap3A_1606], %get3A_1603 {strides = array<i32>} : memref<1x128xi32, #tpu.memory_space<vmem>>, vector<16xi32>,
      %get3A_1608 = arith.constant 0 : i32
      %get3A_1609 = arith.index_cast %get3A_1608 : i32 to index
      %get3A_1610 = arith.constant 64 : index
      %get3A_1611 = tpu.vector_load %arg15[%get3A_1609, %get3A_1610] {strides = array<i32>} : memref<1x128xi32, #tpu.memory_space<vmem>>, vector<16xi32>,
      %swap3A_1612 = arith.constant 0 : i32
      %swap3A_1613 = arith.index_cast %swap3A_1612 : i32 to index
      %swap3A_1614 = arith.constant 64 : index
      %swap3A_1615 = tpu.vector_load %arg20[%swap3A_1613, %swap3A_1614] {strides = array<i32>} : memref<1x128xi32, #tpu.memory_space<vmem>>, vector<16xi32>,
      tpu.vector_store %arg20[%swap3A_1613, %swap3A_1614], %get3A_1611 {strides = array<i32>} : memref<1x128xi32, #tpu.memory_space<vmem>>, vector<16xi32>,
      %get3A_1616 = arith.constant 0 : i32
      %get3A_1617 = arith.index_cast %get3A_1616 : i32 to index
      %get3A_1618 = arith.constant 80 : index
      %get3A_1619 = tpu.vector_load %arg15[%get3A_1617, %get3A_1618] {strides = array<i32>} : memref<1x128xi32, #tpu.memory_space<vmem>>, vector<16xi32>,
      %swap3A_1620 = arith.constant 0 : i32
      %swap3A_1621 = arith.index_cast %swap3A_1620 : i32 to index
      %swap3A_1622 = arith.constant 80 : index
      %swap3A_1623 = tpu.vector_load %arg20[%swap3A_1621, %swap3A_1622] {strides = array<i32>} : memref<1x128xi32, #tpu.memory_space<vmem>>, vector<16xi32>,
      tpu.vector_store %arg20[%swap3A_1621, %swap3A_1622], %get3A_1619 {strides = array<i32>} : memref<1x128xi32, #tpu.memory_space<vmem>>, vector<16xi32>,
      %get3A_1624 = arith.constant 0 : i32
      %get3A_1625 = arith.index_cast %get3A_1624 : i32 to index
      %get3A_1626 = arith.constant 96 : index
      %get3A_1627 = tpu.vector_load %arg15[%get3A_1625, %get3A_1626] {strides = array<i32>} : memref<1x128xi32, #tpu.memory_space<vmem>>, vector<16xi32>,
      %swap3A_1628 = arith.constant 0 : i32
      %swap3A_1629 = arith.index_cast %swap3A_1628 : i32 to index
      %swap3A_1630 = arith.constant 96 : index
      %swap3A_1631 = tpu.vector_load %arg20[%swap3A_1629, %swap3A_1630] {strides = array<i32>} : memref<1x128xi32, #tpu.memory_space<vmem>>, vector<16xi32>,
      tpu.vector_store %arg20[%swap3A_1629, %swap3A_1630], %get3A_1627 {strides = array<i32>} : memref<1x128xi32, #tpu.memory_space<vmem>>, vector<16xi32>,
      %get3A_1632 = arith.constant 0 : i32
      %get3A_1633 = arith.index_cast %get3A_1632 : i32 to index
      %get3A_1634 = arith.constant 112 : index
      %get3A_1635 = tpu.vector_load %arg15[%get3A_1633, %get3A_1634] {strides = array<i32>} : memref<1x128xi32, #tpu.memory_space<vmem>>, vector<16xi32>,
      %swap3A_1636 = arith.constant 0 : i32
      %swap3A_1637 = arith.index_cast %swap3A_1636 : i32 to index
      %swap3A_1638 = arith.constant 112 : index
      %swap3A_1639 = tpu.vector_load %arg20[%swap3A_1637, %swap3A_1638] {strides = array<i32>} : memref<1x128xi32, #tpu.memory_space<vmem>>, vector<16xi32>,
      tpu.vector_store %arg20[%swap3A_1637, %swap3A_1638], %get3A_1635 {strides = array<i32>} : memref<1x128xi32, #tpu.memory_space<vmem>>, vector<16xi32>,
      %dma_start3A_1640 = arith.constant 0 : i32
      %dma_start3A_1641 = arith.constant 0 : i32
      %dma_start3A_1642 = tpu.memref_slice %arg20[%dma_start3A_1640, %dma_start3A_1641] : memref<1x128xi32, #tpu.memory_space<vmem>> -> memref<1x128xi32, #tpu.memory_space<vmem>>
      %dma_start3A_1643 = tpu.memref_squeeze %dma_start3A_1642 : memref<1x128xi32, #tpu.memory_space<vmem>> -> memref<128xi32, #tpu.memory_space<vmem>>
      %dma_start3A_1644 = arith.constant 0 : i32
      %dma_start3A_1645 = arith.constant 0 : i32
      %dma_start3A_1646 = tpu.memref_slice %arg23[%dma_start3A_1644, %dma_start3A_1645] : memref<10000x128xf32, #tpu.memory_space<vmem_shared>> -> memref<10000x128xf32, #tpu.memory_space<vmem_shared>>
      tpu.enqueue_indirect_dma source(%arg9 : memref<128x128xf32, #tpu.memory_space<vmem>>) target(%dma_start3A_1646 : memref<10000x128xf32, #tpu.memory_space<vmem_shared>>) offsets(%dma_start3A_1643 : memref<128xi32, #tpu.memory_space<vmem>>) semaphore(%arg28 : memref<!tpu.dma_semaphore, #tpu.memory_space<semaphore_mem>>) {add = true}
    }
    %scan3A_160 = arith.constant 13 : i32
    %dma_wait3A_161 = arith.constant 0 : i32
    %dma_wait3A_162 = arith.constant 0 : i32
    %dma_wait3A_163 = tpu.memref_slice %arg19[%dma_wait3A_161, %dma_wait3A_162] : memref<1x128xi32, #tpu.memory_space<vmem>> -> memref<1x128xi32, #tpu.memory_space<vmem>>
    %dma_wait3A_164 = tpu.memref_squeeze %dma_wait3A_163 : memref<1x128xi32, #tpu.memory_space<vmem>> -> memref<128xi32, #tpu.memory_space<vmem>>
    %dma_wait3A_165 = arith.constant 0 : i32
    %dma_wait3A_166 = arith.constant 0 : i32
    %dma_wait3A_167 = tpu.memref_slice %arg23[%dma_wait3A_165, %dma_wait3A_166] : memref<10000x128xf32, #tpu.memory_space<vmem_shared>> -> memref<10000x128xf32, #tpu.memory_space<vmem_shared>>
    tpu.wait_indirect_dma semaphore(%arg27 : memref<!tpu.dma_semaphore, #tpu.memory_space<semaphore_mem>>) src(%arg8 : memref<128x128xf32, #tpu.memory_space<vmem>>) dst(%dma_wait3A_167 : memref<10000x128xf32, #tpu.memory_space<vmem_shared>>)
    %add3A_168 = arith.constant 79 : i32
    %add3A_169 = arith.addi %mul3A_12, %add3A_168 : i32
    %dma_wait3A_170 = arith.constant 0 : i32
    %dma_wait3A_171 = arith.constant 0 : i32
    %dma_wait3A_172 = tpu.memref_slice %arg3[%add3A_169, %dma_wait3A_170, %dma_wait3A_171] : memref<1280x1x128xi32, #tpu.memory_space<hbm>> -> memref<1x1x128xi32, #tpu.memory_space<hbm>>
    %dma_wait3A_173 = tpu.memref_squeeze %dma_wait3A_172 : memref<1x1x128xi32, #tpu.memory_space<hbm>> -> memref<1x128xi32, #tpu.memory_space<hbm>>
    %dma_wait3A_174 = arith.constant 0 : i32
    %dma_wait3A_175 = arith.constant 0 : i32
    %dma_wait3A_176 = tpu.memref_slice %arg3[%add3A_169, %dma_wait3A_174, %dma_wait3A_175] : memref<1280x1x128xi32, #tpu.memory_space<hbm>> -> memref<1x1x128xi32, #tpu.memory_space<hbm>>
    %dma_wait3A_177 = tpu.memref_squeeze %dma_wait3A_176 : memref<1x1x128xi32, #tpu.memory_space<hbm>> -> memref<1x128xi32, #tpu.memory_space<hbm>>
    tpu.wait_dma2 semaphore(%arg30 : memref<!tpu.dma_semaphore, #tpu.memory_space<semaphore_mem>>) src(%dma_wait3A_177 : memref<1x128xi32, #tpu.memory_space<hbm>>) dst(%arg11 : memref<1x128xi32, #tpu.memory_space<vmem>>)
    %dma_wait3A_178 = arith.constant 0 : i32
    %dma_wait3A_179 = arith.constant 0 : i32
    %dma_wait3A_180 = tpu.memref_slice %arg4[%add3A_169, %dma_wait3A_178, %dma_wait3A_179] : memref<1280x1x128xi32, #tpu.memory_space<hbm>> -> memref<1x1x128xi32, #tpu.memory_space<hbm>>
    %dma_wait3A_181 = tpu.memref_squeeze %dma_wait3A_180 : memref<1x1x128xi32, #tpu.memory_space<hbm>> -> memref<1x128xi32, #tpu.memory_space<hbm>>
    %dma_wait3A_182 = arith.constant 0 : i32
    %dma_wait3A_183 = arith.constant 0 : i32
    %dma_wait3A_184 = tpu.memref_slice %arg4[%add3A_169, %dma_wait3A_182, %dma_wait3A_183] : memref<1280x1x128xi32, #tpu.memory_space<hbm>> -> memref<1x1x128xi32, #tpu.memory_space<hbm>>
    %dma_wait3A_185 = tpu.memref_squeeze %dma_wait3A_184 : memref<1x1x128xi32, #tpu.memory_space<hbm>> -> memref<1x128xi32, #tpu.memory_space<hbm>>
    tpu.wait_dma2 semaphore(%arg30 : memref<!tpu.dma_semaphore, #tpu.memory_space<semaphore_mem>>) src(%dma_wait3A_185 : memref<1x128xi32, #tpu.memory_space<hbm>>) dst(%arg14 : memref<1x128xi32, #tpu.memory_space<vmem>>)
    %dma_wait3A_186 = arith.constant 0 : i32
    %dma_wait3A_187 = arith.constant 0 : i32
    %dma_wait3A_188 = tpu.memref_slice %arg5[%add3A_169, %dma_wait3A_186, %dma_wait3A_187] : memref<1280x1x128xf32, #tpu.memory_space<hbm>> -> memref<1x1x128xf32, #tpu.memory_space<hbm>>
    %dma_wait3A_189 = tpu.memref_squeeze %dma_wait3A_188 : memref<1x1x128xf32, #tpu.memory_space<hbm>> -> memref<1x128xf32, #tpu.memory_space<hbm>>
    %dma_wait3A_190 = arith.constant 0 : i32
    %dma_wait3A_191 = arith.constant 0 : i32
    %dma_wait3A_192 = tpu.memref_slice %arg5[%add3A_169, %dma_wait3A_190, %dma_wait3A_191] : memref<1280x1x128xf32, #tpu.memory_space<hbm>> -> memref<1x1x128xf32, #tpu.memory_space<hbm>>
    %dma_wait3A_193 = tpu.memref_squeeze %dma_wait3A_192 : memref<1x1x128xf32, #tpu.memory_space<hbm>> -> memref<1x128xf32, #tpu.memory_space<hbm>>
    tpu.wait_dma2 semaphore(%arg30 : memref<!tpu.dma_semaphore, #tpu.memory_space<semaphore_mem>>) src(%dma_wait3A_193 : memref<1x128xf32, #tpu.memory_space<hbm>>) dst(%arg17 : memref<1x128xf32, #tpu.memory_space<vmem>>)
    %get3A_194 = arith.constant 0 : i32
    %get3A_195 = arith.index_cast %get3A_194 : i32 to index
    %get3A_196 = arith.constant 0 : index
    %get3A_197 = tpu.vector_load %arg11[%get3A_195, %get3A_196] {strides = array<i32>} : memref<1x128xi32, #tpu.memory_space<vmem>>, vector<16xi32>,
    %add3A_198 = vector.broadcast %mul3A_14 : i32 to vector<16xi32>
    %add3A_199 = arith.addi %get3A_197, %add3A_198 : vector<16xi32>
    %swap3A_200 = arith.constant 0 : index
    %swap3A_201 = tpu.vector_load %arg22[%swap3A_200] {strides = array<i32>} : memref<128xi32, #tpu.memory_space<vmem>>, vector<16xi32>,
    tpu.vector_store %arg22[%swap3A_200], %add3A_199 {strides = array<i32>} : memref<128xi32, #tpu.memory_space<vmem>>, vector<16xi32>,
    %get3A_202 = arith.constant 0 : i32
    %get3A_203 = arith.index_cast %get3A_202 : i32 to index
    %get3A_204 = arith.constant 16 : index
    %get3A_205 = tpu.vector_load %arg11[%get3A_203, %get3A_204] {strides = array<i32>} : memref<1x128xi32, #tpu.memory_space<vmem>>, vector<16xi32>,
    %add3A_206 = vector.broadcast %mul3A_14 : i32 to vector<16xi32>
    %add3A_207 = arith.addi %get3A_205, %add3A_206 : vector<16xi32>
    %swap3A_208 = arith.constant 16 : index
    %swap3A_209 = tpu.vector_load %arg22[%swap3A_208] {strides = array<i32>} : memref<128xi32, #tpu.memory_space<vmem>>, vector<16xi32>,
    tpu.vector_store %arg22[%swap3A_208], %add3A_207 {strides = array<i32>} : memref<128xi32, #tpu.memory_space<vmem>>, vector<16xi32>,
    %get3A_210 = arith.constant 0 : i32
    %get3A_211 = arith.index_cast %get3A_210 : i32 to index
    %get3A_212 = arith.constant 32 : index
    %get3A_213 = tpu.vector_load %arg11[%get3A_211, %get3A_212] {strides = array<i32>} : memref<1x128xi32, #tpu.memory_space<vmem>>, vector<16xi32>,
    %add3A_214 = vector.broadcast %mul3A_14 : i32 to vector<16xi32>
    %add3A_215 = arith.addi %get3A_213, %add3A_214 : vector<16xi32>
    %swap3A_216 = arith.constant 32 : index
    %swap3A_217 = tpu.vector_load %arg22[%swap3A_216] {strides = array<i32>} : memref<128xi32, #tpu.memory_space<vmem>>, vector<16xi32>,
    tpu.vector_store %arg22[%swap3A_216], %add3A_215 {strides = array<i32>} : memref<128xi32, #tpu.memory_space<vmem>>, vector<16xi32>,
    %get3A_218 = arith.constant 0 : i32
    %get3A_219 = arith.index_cast %get3A_218 : i32 to index
    %get3A_220 = arith.constant 48 : index
    %get3A_221 = tpu.vector_load %arg11[%get3A_219, %get3A_220] {strides = array<i32>} : memref<1x128xi32, #tpu.memory_space<vmem>>, vector<16xi32>,
    %add3A_222 = vector.broadcast %mul3A_14 : i32 to vector<16xi32>
    %add3A_223 = arith.addi %get3A_221, %add3A_222 : vector<16xi32>
    %swap3A_224 = arith.constant 48 : index
    %swap3A_225 = tpu.vector_load %arg22[%swap3A_224] {strides = array<i32>} : memref<128xi32, #tpu.memory_space<vmem>>, vector<16xi32>,
    tpu.vector_store %arg22[%swap3A_224], %add3A_223 {strides = array<i32>} : memref<128xi32, #tpu.memory_space<vmem>>, vector<16xi32>,
    %get3A_226 = arith.constant 0 : i32
    %get3A_227 = arith.index_cast %get3A_226 : i32 to index
    %get3A_228 = arith.constant 64 : index
    %get3A_229 = tpu.vector_load %arg11[%get3A_227, %get3A_228] {strides = array<i32>} : memref<1x128xi32, #tpu.memory_space<vmem>>, vector<16xi32>,
    %add3A_230 = vector.broadcast %mul3A_14 : i32 to vector<16xi32>
    %add3A_231 = arith.addi %get3A_229, %add3A_230 : vector<16xi32>
    %swap3A_232 = arith.constant 64 : index
    %swap3A_233 = tpu.vector_load %arg22[%swap3A_232] {strides = array<i32>} : memref<128xi32, #tpu.memory_space<vmem>>, vector<16xi32>,
    tpu.vector_store %arg22[%swap3A_232], %add3A_231 {strides = array<i32>} : memref<128xi32, #tpu.memory_space<vmem>>, vector<16xi32>,
    %get3A_234 = arith.constant 0 : i32
    %get3A_235 = arith.index_cast %get3A_234 : i32 to index
    %get3A_236 = arith.constant 80 : index
    %get3A_237 = tpu.vector_load %arg11[%get3A_235, %get3A_236] {strides = array<i32>} : memref<1x128xi32, #tpu.memory_space<vmem>>, vector<16xi32>,
    %add3A_238 = vector.broadcast %mul3A_14 : i32 to vector<16xi32>
    %add3A_239 = arith.addi %get3A_237, %add3A_238 : vector<16xi32>
    %swap3A_240 = arith.constant 80 : index
    %swap3A_241 = tpu.vector_load %arg22[%swap3A_240] {strides = array<i32>} : memref<128xi32, #tpu.memory_space<vmem>>, vector<16xi32>,
    tpu.vector_store %arg22[%swap3A_240], %add3A_239 {strides = array<i32>} : memref<128xi32, #tpu.memory_space<vmem>>, vector<16xi32>,
    %get3A_242 = arith.constant 0 : i32
    %get3A_243 = arith.index_cast %get3A_242 : i32 to index
    %get3A_244 = arith.constant 96 : index
    %get3A_245 = tpu.vector_load %arg11[%get3A_243, %get3A_244] {strides = array<i32>} : memref<1x128xi32, #tpu.memory_space<vmem>>, vector<16xi32>,
    %add3A_246 = vector.broadcast %mul3A_14 : i32 to vector<16xi32>
    %add3A_247 = arith.addi %get3A_245, %add3A_246 : vector<16xi32>
    %swap3A_248 = arith.constant 96 : index
    %swap3A_249 = tpu.vector_load %arg22[%swap3A_248] {strides = array<i32>} : memref<128xi32, #tpu.memory_space<vmem>>, vector<16xi32>,
    tpu.vector_store %arg22[%swap3A_248], %add3A_247 {strides = array<i32>} : memref<128xi32, #tpu.memory_space<vmem>>, vector<16xi32>,
    %get3A_250 = arith.constant 0 : i32
    %get3A_251 = arith.index_cast %get3A_250 : i32 to index
    %get3A_252 = arith.constant 112 : index
    %get3A_253 = tpu.vector_load %arg11[%get3A_251, %get3A_252] {strides = array<i32>} : memref<1x128xi32, #tpu.memory_space<vmem>>, vector<16xi32>,
    %add3A_254 = vector.broadcast %mul3A_14 : i32 to vector<16xi32>
    %add3A_255 = arith.addi %get3A_253, %add3A_254 : vector<16xi32>
    %swap3A_256 = arith.constant 112 : index
    %swap3A_257 = tpu.vector_load %arg22[%swap3A_256] {strides = array<i32>} : memref<128xi32, #tpu.memory_space<vmem>>, vector<16xi32>,
    tpu.vector_store %arg22[%swap3A_256], %add3A_255 {strides = array<i32>} : memref<128xi32, #tpu.memory_space<vmem>>, vector<16xi32>,
    %dma_start3A_258 = arith.constant 0 : i32
    %dma_start3A_259 = arith.constant 0 : i32
    %dma_start3A_260 = tpu.memref_slice %arg2[%dma_start3A_258, %dma_start3A_259] : memref<20480x128xf32, #tpu.memory_space<hbm>> -> memref<20480x128xf32, #tpu.memory_space<hbm>>
    tpu.enqueue_indirect_dma source(%dma_start3A_260 : memref<20480x128xf32, #tpu.memory_space<hbm>>) target(%arg8 : memref<128x128xf32, #tpu.memory_space<vmem>>) offsets(%arg22 : memref<128xi32, #tpu.memory_space<vmem>>) semaphore(%arg25 : memref<!tpu.dma_semaphore, #tpu.memory_space<semaphore_mem>>)
    %dma_wait3A_261 = arith.constant 0 : i32
    %dma_wait3A_262 = arith.constant 0 : i32
    %dma_wait3A_263 = tpu.memref_slice %arg2[%dma_wait3A_261, %dma_wait3A_262] : memref<20480x128xf32, #tpu.memory_space<hbm>> -> memref<20480x128xf32, #tpu.memory_space<hbm>>
    tpu.wait_indirect_dma semaphore(%arg24 : memref<!tpu.dma_semaphore, #tpu.memory_space<semaphore_mem>>) src(%dma_wait3A_263 : memref<20480x128xf32, #tpu.memory_space<hbm>>) dst(%arg7 : memref<128x128xf32, #tpu.memory_space<vmem>>)
    %get3A_264 = arith.constant 0 : i32
    %get3A_265 = arith.index_cast %get3A_264 : i32 to index
    %get3A_266 = arith.constant 0 : index
    %get3A_267 = tpu.vector_load %arg13[%get3A_265, %get3A_266] {strides = array<i32>} : memref<1x128xi32, #tpu.memory_space<vmem>>, vector<16xi32>,
    %swap3A_268 = arith.constant 0 : i32
    %swap3A_269 = arith.index_cast %swap3A_268 : i32 to index
    %swap3A_270 = arith.constant 0 : index
    %swap3A_271 = tpu.vector_load %arg19[%swap3A_269, %swap3A_270] {strides = array<i32>} : memref<1x128xi32, #tpu.memory_space<vmem>>, vector<16xi32>,
    tpu.vector_store %arg19[%swap3A_269, %swap3A_270], %get3A_267 {strides = array<i32>} : memref<1x128xi32, #tpu.memory_space<vmem>>, vector<16xi32>,
    %get3A_272 = arith.constant 0 : i32
    %get3A_273 = arith.index_cast %get3A_272 : i32 to index
    %get3A_274 = arith.constant 16 : index
    %get3A_275 = tpu.vector_load %arg13[%get3A_273, %get3A_274] {strides = array<i32>} : memref<1x128xi32, #tpu.memory_space<vmem>>, vector<16xi32>,
    %swap3A_276 = arith.constant 0 : i32
    %swap3A_277 = arith.index_cast %swap3A_276 : i32 to index
    %swap3A_278 = arith.constant 16 : index
    %swap3A_279 = tpu.vector_load %arg19[%swap3A_277, %swap3A_278] {strides = array<i32>} : memref<1x128xi32, #tpu.memory_space<vmem>>, vector<16xi32>,
    tpu.vector_store %arg19[%swap3A_277, %swap3A_278], %get3A_275 {strides = array<i32>} : memref<1x128xi32, #tpu.memory_space<vmem>>, vector<16xi32>,
    %get3A_280 = arith.constant 0 : i32
    %get3A_281 = arith.index_cast %get3A_280 : i32 to index
    %get3A_282 = arith.constant 32 : index
    %get3A_283 = tpu.vector_load %arg13[%get3A_281, %get3A_282] {strides = array<i32>} : memref<1x128xi32, #tpu.memory_space<vmem>>, vector<16xi32>,
    %swap3A_284 = arith.constant 0 : i32
    %swap3A_285 = arith.index_cast %swap3A_284 : i32 to index
    %swap3A_286 = arith.constant 32 : index
    %swap3A_287 = tpu.vector_load %arg19[%swap3A_285, %swap3A_286] {strides = array<i32>} : memref<1x128xi32, #tpu.memory_space<vmem>>, vector<16xi32>,
    tpu.vector_store %arg19[%swap3A_285, %swap3A_286], %get3A_283 {strides = array<i32>} : memref<1x128xi32, #tpu.memory_space<vmem>>, vector<16xi32>,
    %get3A_288 = arith.constant 0 : i32
    %get3A_289 = arith.index_cast %get3A_288 : i32 to index
    %get3A_290 = arith.constant 48 : index
    %get3A_291 = tpu.vector_load %arg13[%get3A_289, %get3A_290] {strides = array<i32>} : memref<1x128xi32, #tpu.memory_space<vmem>>, vector<16xi32>,
    %swap3A_292 = arith.constant 0 : i32
    %swap3A_293 = arith.index_cast %swap3A_292 : i32 to index
    %swap3A_294 = arith.constant 48 : index
    %swap3A_295 = tpu.vector_load %arg19[%swap3A_293, %swap3A_294] {strides = array<i32>} : memref<1x128xi32, #tpu.memory_space<vmem>>, vector<16xi32>,
    tpu.vector_store %arg19[%swap3A_293, %swap3A_294], %get3A_291 {strides = array<i32>} : memref<1x128xi32, #tpu.memory_space<vmem>>, vector<16xi32>,
    %get3A_296 = arith.constant 0 : i32
    %get3A_297 = arith.index_cast %get3A_296 : i32 to index
    %get3A_298 = arith.constant 64 : index
    %get3A_299 = tpu.vector_load %arg13[%get3A_297, %get3A_298] {strides = array<i32>} : memref<1x128xi32, #tpu.memory_space<vmem>>, vector<16xi32>,
    %swap3A_300 = arith.constant 0 : i32
    %swap3A_301 = arith.index_cast %swap3A_300 : i32 to index
    %swap3A_302 = arith.constant 64 : index
    %swap3A_303 = tpu.vector_load %arg19[%swap3A_301, %swap3A_302] {strides = array<i32>} : memref<1x128xi32, #tpu.memory_space<vmem>>, vector<16xi32>,
    tpu.vector_store %arg19[%swap3A_301, %swap3A_302], %get3A_299 {strides = array<i32>} : memref<1x128xi32, #tpu.memory_space<vmem>>, vector<16xi32>,
    %get3A_304 = arith.constant 0 : i32
    %get3A_305 = arith.index_cast %get3A_304 : i32 to index
    %get3A_306 = arith.constant 80 : index
    %get3A_307 = tpu.vector_load %arg13[%get3A_305, %get3A_306] {strides = array<i32>} : memref<1x128xi32, #tpu.memory_space<vmem>>, vector<16xi32>,
    %swap3A_308 = arith.constant 0 : i32
    %swap3A_309 = arith.index_cast %swap3A_308 : i32 to index
    %swap3A_310 = arith.constant 80 : index
    %swap3A_311 = tpu.vector_load %arg19[%swap3A_309, %swap3A_310] {strides = array<i32>} : memref<1x128xi32, #tpu.memory_space<vmem>>, vector<16xi32>,
    tpu.vector_store %arg19[%swap3A_309, %swap3A_310], %get3A_307 {strides = array<i32>} : memref<1x128xi32, #tpu.memory_space<vmem>>, vector<16xi32>,
    %get3A_312 = arith.constant 0 : i32
    %get3A_313 = arith.index_cast %get3A_312 : i32 to index
    %get3A_314 = arith.constant 96 : index
    %get3A_315 = tpu.vector_load %arg13[%get3A_313, %get3A_314] {strides = array<i32>} : memref<1x128xi32, #tpu.memory_space<vmem>>, vector<16xi32>,
    %swap3A_316 = arith.constant 0 : i32
    %swap3A_317 = arith.index_cast %swap3A_316 : i32 to index
    %swap3A_318 = arith.constant 96 : index
    %swap3A_319 = tpu.vector_load %arg19[%swap3A_317, %swap3A_318] {strides = array<i32>} : memref<1x128xi32, #tpu.memory_space<vmem>>, vector<16xi32>,
    tpu.vector_store %arg19[%swap3A_317, %swap3A_318], %get3A_315 {strides = array<i32>} : memref<1x128xi32, #tpu.memory_space<vmem>>, vector<16xi32>,
    %get3A_320 = arith.constant 0 : i32
    %get3A_321 = arith.index_cast %get3A_320 : i32 to index
    %get3A_322 = arith.constant 112 : index
    %get3A_323 = tpu.vector_load %arg13[%get3A_321, %get3A_322] {strides = array<i32>} : memref<1x128xi32, #tpu.memory_space<vmem>>, vector<16xi32>,
    %swap3A_324 = arith.constant 0 : i32
    %swap3A_325 = arith.index_cast %swap3A_324 : i32 to index
    %swap3A_326 = arith.constant 112 : index
    %swap3A_327 = tpu.vector_load %arg19[%swap3A_325, %swap3A_326] {strides = array<i32>} : memref<1x128xi32, #tpu.memory_space<vmem>>, vector<16xi32>,
    tpu.vector_store %arg19[%swap3A_325, %swap3A_326], %get3A_323 {strides = array<i32>} : memref<1x128xi32, #tpu.memory_space<vmem>>, vector<16xi32>,
    %dma_start3A_328 = arith.constant 0 : i32
    %dma_start3A_329 = arith.constant 0 : i32
    %dma_start3A_330 = tpu.memref_slice %arg19[%dma_start3A_328, %dma_start3A_329] : memref<1x128xi32, #tpu.memory_space<vmem>> -> memref<1x128xi32, #tpu.memory_space<vmem>>
    %dma_start3A_331 = tpu.memref_squeeze %dma_start3A_330 : memref<1x128xi32, #tpu.memory_space<vmem>> -> memref<128xi32, #tpu.memory_space<vmem>>
    %dma_start3A_332 = arith.constant 0 : i32
    %dma_start3A_333 = arith.constant 0 : i32
    %dma_start3A_334 = tpu.memref_slice %arg23[%dma_start3A_332, %dma_start3A_333] : memref<10000x128xf32, #tpu.memory_space<vmem_shared>> -> memref<10000x128xf32, #tpu.memory_space<vmem_shared>>
    tpu.enqueue_indirect_dma source(%arg7 : memref<128x128xf32, #tpu.memory_space<vmem>>) target(%dma_start3A_334 : memref<10000x128xf32, #tpu.memory_space<vmem_shared>>) offsets(%dma_start3A_331 : memref<128xi32, #tpu.memory_space<vmem>>) semaphore(%arg27 : memref<!tpu.dma_semaphore, #tpu.memory_space<semaphore_mem>>) {add = true}
    %dma_wait3A_335 = arith.constant 0 : i32
    %dma_wait3A_336 = arith.constant 0 : i32
    %dma_wait3A_337 = tpu.memref_slice %arg20[%dma_wait3A_335, %dma_wait3A_336] : memref<1x128xi32, #tpu.memory_space<vmem>> -> memref<1x128xi32, #tpu.memory_space<vmem>>
    %dma_wait3A_338 = tpu.memref_squeeze %dma_wait3A_337 : memref<1x128xi32, #tpu.memory_space<vmem>> -> memref<128xi32, #tpu.memory_space<vmem>>
    %dma_wait3A_339 = arith.constant 0 : i32
    %dma_wait3A_340 = arith.constant 0 : i32
    %dma_wait3A_341 = tpu.memref_slice %arg23[%dma_wait3A_339, %dma_wait3A_340] : memref<10000x128xf32, #tpu.memory_space<vmem_shared>> -> memref<10000x128xf32, #tpu.memory_space<vmem_shared>>
    tpu.wait_indirect_dma semaphore(%arg28 : memref<!tpu.dma_semaphore, #tpu.memory_space<semaphore_mem>>) src(%arg9 : memref<128x128xf32, #tpu.memory_space<vmem>>) dst(%dma_wait3A_341 : memref<10000x128xf32, #tpu.memory_space<vmem_shared>>)
    %dma_wait3A_342 = arith.constant 0 : i32
    %dma_wait3A_343 = arith.constant 0 : i32
    %dma_wait3A_344 = tpu.memref_slice %arg2[%dma_wait3A_342, %dma_wait3A_343] : memref<20480x128xf32, #tpu.memory_space<hbm>> -> memref<20480x128xf32, #tpu.memory_space<hbm>>
    tpu.wait_indirect_dma semaphore(%arg25 : memref<!tpu.dma_semaphore, #tpu.memory_space<semaphore_mem>>) src(%dma_wait3A_344 : memref<20480x128xf32, #tpu.memory_space<hbm>>) dst(%arg8 : memref<128x128xf32, #tpu.memory_space<vmem>>)
    %get3A_345 = arith.constant 0 : i32
    %get3A_346 = arith.index_cast %get3A_345 : i32 to index
    %get3A_347 = arith.constant 0 : index
    %get3A_348 = tpu.vector_load %arg14[%get3A_346, %get3A_347] {strides = array<i32>} : memref<1x128xi32, #tpu.memory_space<vmem>>, vector<16xi32>,
    %swap3A_349 = arith.constant 0 : i32
    %swap3A_350 = arith.index_cast %swap3A_349 : i32 to index
    %swap3A_351 = arith.constant 0 : index
    %swap3A_352 = tpu.vector_load %arg20[%swap3A_350, %swap3A_351] {strides = array<i32>} : memref<1x128xi32, #tpu.memory_space<vmem>>, vector<16xi32>,
    tpu.vector_store %arg20[%swap3A_350, %swap3A_351], %get3A_348 {strides = array<i32>} : memref<1x128xi32, #tpu.memory_space<vmem>>, vector<16xi32>,
    %get3A_353 = arith.constant 0 : i32
    %get3A_354 = arith.index_cast %get3A_353 : i32 to index
    %get3A_355 = arith.constant 16 : index
    %get3A_356 = tpu.vector_load %arg14[%get3A_354, %get3A_355] {strides = array<i32>} : memref<1x128xi32, #tpu.memory_space<vmem>>, vector<16xi32>,
    %swap3A_357 = arith.constant 0 : i32
    %swap3A_358 = arith.index_cast %swap3A_357 : i32 to index
    %swap3A_359 = arith.constant 16 : index
    %swap3A_360 = tpu.vector_load %arg20[%swap3A_358, %swap3A_359] {strides = array<i32>} : memref<1x128xi32, #tpu.memory_space<vmem>>, vector<16xi32>,
    tpu.vector_store %arg20[%swap3A_358, %swap3A_359], %get3A_356 {strides = array<i32>} : memref<1x128xi32, #tpu.memory_space<vmem>>, vector<16xi32>,
    %get3A_361 = arith.constant 0 : i32
    %get3A_362 = arith.index_cast %get3A_361 : i32 to index
    %get3A_363 = arith.constant 32 : index
    %get3A_364 = tpu.vector_load %arg14[%get3A_362, %get3A_363] {strides = array<i32>} : memref<1x128xi32, #tpu.memory_space<vmem>>, vector<16xi32>,
    %swap3A_365 = arith.constant 0 : i32
    %swap3A_366 = arith.index_cast %swap3A_365 : i32 to index
    %swap3A_367 = arith.constant 32 : index
    %swap3A_368 = tpu.vector_load %arg20[%swap3A_366, %swap3A_367] {strides = array<i32>} : memref<1x128xi32, #tpu.memory_space<vmem>>, vector<16xi32>,
    tpu.vector_store %arg20[%swap3A_366, %swap3A_367], %get3A_364 {strides = array<i32>} : memref<1x128xi32, #tpu.memory_space<vmem>>, vector<16xi32>,
    %get3A_369 = arith.constant 0 : i32
    %get3A_370 = arith.index_cast %get3A_369 : i32 to index
    %get3A_371 = arith.constant 48 : index
    %get3A_372 = tpu.vector_load %arg14[%get3A_370, %get3A_371] {strides = array<i32>} : memref<1x128xi32, #tpu.memory_space<vmem>>, vector<16xi32>,
    %swap3A_373 = arith.constant 0 : i32
    %swap3A_374 = arith.index_cast %swap3A_373 : i32 to index
    %swap3A_375 = arith.constant 48 : index
    %swap3A_376 = tpu.vector_load %arg20[%swap3A_374, %swap3A_375] {strides = array<i32>} : memref<1x128xi32, #tpu.memory_space<vmem>>, vector<16xi32>,
    tpu.vector_store %arg20[%swap3A_374, %swap3A_375], %get3A_372 {strides = array<i32>} : memref<1x128xi32, #tpu.memory_space<vmem>>, vector<16xi32>,
    %get3A_377 = arith.constant 0 : i32
    %get3A_378 = arith.index_cast %get3A_377 : i32 to index
    %get3A_379 = arith.constant 64 : index
    %get3A_380 = tpu.vector_load %arg14[%get3A_378, %get3A_379] {strides = array<i32>} : memref<1x128xi32, #tpu.memory_space<vmem>>, vector<16xi32>,
    %swap3A_381 = arith.constant 0 : i32
    %swap3A_382 = arith.index_cast %swap3A_381 : i32 to index
    %swap3A_383 = arith.constant 64 : index
    %swap3A_384 = tpu.vector_load %arg20[%swap3A_382, %swap3A_383] {strides = array<i32>} : memref<1x128xi32, #tpu.memory_space<vmem>>, vector<16xi32>,
    tpu.vector_store %arg20[%swap3A_382, %swap3A_383], %get3A_380 {strides = array<i32>} : memref<1x128xi32, #tpu.memory_space<vmem>>, vector<16xi32>,
    %get3A_385 = arith.constant 0 : i32
    %get3A_386 = arith.index_cast %get3A_385 : i32 to index
    %get3A_387 = arith.constant 80 : index
    %get3A_388 = tpu.vector_load %arg14[%get3A_386, %get3A_387] {strides = array<i32>} : memref<1x128xi32, #tpu.memory_space<vmem>>, vector<16xi32>,
    %swap3A_389 = arith.constant 0 : i32
    %swap3A_390 = arith.index_cast %swap3A_389 : i32 to index
    %swap3A_391 = arith.constant 80 : index
    %swap3A_392 = tpu.vector_load %arg20[%swap3A_390, %swap3A_391] {strides = array<i32>} : memref<1x128xi32, #tpu.memory_space<vmem>>, vector<16xi32>,
    tpu.vector_store %arg20[%swap3A_390, %swap3A_391], %get3A_388 {strides = array<i32>} : memref<1x128xi32, #tpu.memory_space<vmem>>, vector<16xi32>,
    %get3A_393 = arith.constant 0 : i32
    %get3A_394 = arith.index_cast %get3A_393 : i32 to index
    %get3A_395 = arith.constant 96 : index
    %get3A_396 = tpu.vector_load %arg14[%get3A_394, %get3A_395] {strides = array<i32>} : memref<1x128xi32, #tpu.memory_space<vmem>>, vector<16xi32>,
    %swap3A_397 = arith.constant 0 : i32
    %swap3A_398 = arith.index_cast %swap3A_397 : i32 to index
    %swap3A_399 = arith.constant 96 : index
    %swap3A_400 = tpu.vector_load %arg20[%swap3A_398, %swap3A_399] {strides = array<i32>} : memref<1x128xi32, #tpu.memory_space<vmem>>, vector<16xi32>,
    tpu.vector_store %arg20[%swap3A_398, %swap3A_399], %get3A_396 {strides = array<i32>} : memref<1x128xi32, #tpu.memory_space<vmem>>, vector<16xi32>,
    %get3A_401 = arith.constant 0 : i32
    %get3A_402 = arith.index_cast %get3A_401 : i32 to index
    %get3A_403 = arith.constant 112 : index
    %get3A_404 = tpu.vector_load %arg14[%get3A_402, %get3A_403] {strides = array<i32>} : memref<1x128xi32, #tpu.memory_space<vmem>>, vector<16xi32>,
    %swap3A_405 = arith.constant 0 : i32
    %swap3A_406 = arith.index_cast %swap3A_405 : i32 to index
    %swap3A_407 = arith.constant 112 : index
    %swap3A_408 = tpu.vector_load %arg20[%swap3A_406, %swap3A_407] {strides = array<i32>} : memref<1x128xi32, #tpu.memory_space<vmem>>, vector<16xi32>,
    tpu.vector_store %arg20[%swap3A_406, %swap3A_407], %get3A_404 {strides = array<i32>} : memref<1x128xi32, #tpu.memory_space<vmem>>, vector<16xi32>,
    %dma_start3A_409 = arith.constant 0 : i32
    %dma_start3A_410 = arith.constant 0 : i32
    %dma_start3A_411 = tpu.memref_slice %arg20[%dma_start3A_409, %dma_start3A_410] : memref<1x128xi32, #tpu.memory_space<vmem>> -> memref<1x128xi32, #tpu.memory_space<vmem>>
    %dma_start3A_412 = tpu.memref_squeeze %dma_start3A_411 : memref<1x128xi32, #tpu.memory_space<vmem>> -> memref<128xi32, #tpu.memory_space<vmem>>
    %dma_start3A_413 = arith.constant 0 : i32
    %dma_start3A_414 = arith.constant 0 : i32
    %dma_start3A_415 = tpu.memref_slice %arg23[%dma_start3A_413, %dma_start3A_414] : memref<10000x128xf32, #tpu.memory_space<vmem_shared>> -> memref<10000x128xf32, #tpu.memory_space<vmem_shared>>
    tpu.enqueue_indirect_dma source(%arg8 : memref<128x128xf32, #tpu.memory_space<vmem>>) target(%dma_start3A_415 : memref<10000x128xf32, #tpu.memory_space<vmem_shared>>) offsets(%dma_start3A_412 : memref<128xi32, #tpu.memory_space<vmem>>) semaphore(%arg28 : memref<!tpu.dma_semaphore, #tpu.memory_space<semaphore_mem>>) {add = true}
    %dma_wait3A_416 = arith.constant 0 : i32
    %dma_wait3A_417 = arith.constant 0 : i32
    %dma_wait3A_418 = tpu.memref_slice %arg19[%dma_wait3A_416, %dma_wait3A_417] : memref<1x128xi32, #tpu.memory_space<vmem>> -> memref<1x128xi32, #tpu.memory_space<vmem>>
    %dma_wait3A_419 = tpu.memref_squeeze %dma_wait3A_418 : memref<1x128xi32, #tpu.memory_space<vmem>> -> memref<128xi32, #tpu.memory_space<vmem>>
    %dma_wait3A_420 = arith.constant 0 : i32
    %dma_wait3A_421 = arith.constant 0 : i32
    %dma_wait3A_422 = tpu.memref_slice %arg23[%dma_wait3A_420, %dma_wait3A_421] : memref<10000x128xf32, #tpu.memory_space<vmem_shared>> -> memref<10000x128xf32, #tpu.memory_space<vmem_shared>>
    tpu.wait_indirect_dma semaphore(%arg27 : memref<!tpu.dma_semaphore, #tpu.memory_space<semaphore_mem>>) src(%arg7 : memref<128x128xf32, #tpu.memory_space<vmem>>) dst(%dma_wait3A_422 : memref<10000x128xf32, #tpu.memory_space<vmem_shared>>)
    %dma_wait3A_423 = arith.constant 0 : i32
    %dma_wait3A_424 = arith.constant 0 : i32
    %dma_wait3A_425 = tpu.memref_slice %arg20[%dma_wait3A_423, %dma_wait3A_424] : memref<1x128xi32, #tpu.memory_space<vmem>> -> memref<1x128xi32, #tpu.memory_space<vmem>>
    %dma_wait3A_426 = tpu.memref_squeeze %dma_wait3A_425 : memref<1x128xi32, #tpu.memory_space<vmem>> -> memref<128xi32, #tpu.memory_space<vmem>>
    %dma_wait3A_427 = arith.constant 0 : i32
    %dma_wait3A_428 = arith.constant 0 : i32
    %dma_wait3A_429 = tpu.memref_slice %arg23[%dma_wait3A_427, %dma_wait3A_428] : memref<10000x128xf32, #tpu.memory_space<vmem_shared>> -> memref<10000x128xf32, #tpu.memory_space<vmem_shared>>
    tpu.wait_indirect_dma semaphore(%arg28 : memref<!tpu.dma_semaphore, #tpu.memory_space<semaphore_mem>>) src(%arg8 : memref<128x128xf32, #tpu.memory_space<vmem>>) dst(%dma_wait3A_429 : memref<10000x128xf32, #tpu.memory_space<vmem_shared>>)
    %barrier3A_430 = arith.constant 0 : index
    tpu.barrier barrier_id(%barrier3A_430)
    %mul3A_431 = arith.constant 632 : i32
    %mul3A_432 = arith.muli %arg1, %mul3A_431 : i32
    %min3A_433 = arith.constant 9368 : i32
    %min3A_434 = arith.minsi %mul3A_432, %min3A_433 : i32
    "tpu.region"() ({
      %run_scoped3A = tpu.sem_alloc : memref<!tpu.dma_semaphore, #tpu.memory_space<semaphore_mem>>
      %dma_start3A_435 = arith.constant 0 : i32
      %dma_start3A_436 = tpu.memref_slice %arg6[%arg0, %min3A_434, %dma_start3A_435] : memref<2x10240x128xf32, #tpu.memory_space<hbm>> -> memref<1x632x128xf32, #tpu.memory_space<hbm>>
      %dma_start3A_437 = tpu.memref_squeeze %dma_start3A_436 : memref<1x632x128xf32, #tpu.memory_space<hbm>> -> memref<632x128xf32, #tpu.memory_space<hbm>>
      %dma_start3A_438 = arith.constant 0 : i32
      %dma_start3A_439 = tpu.memref_slice %arg23[%min3A_434, %dma_start3A_438] : memref<10000x128xf32, #tpu.memory_space<vmem_shared>> -> memref<632x128xf32, #tpu.memory_space<vmem_shared>>
      tpu.enqueue_dma source(%dma_start3A_439 : memref<632x128xf32, #tpu.memory_space<vmem_shared>>) target(%dma_start3A_437 : memref<632x128xf32, #tpu.memory_space<hbm>>) target_semaphore(%run_scoped3A : memref<!tpu.dma_semaphore, #tpu.memory_space<semaphore_mem>>)
      %dma_wait3A_440 = arith.constant 0 : i32
      %dma_wait3A_441 = tpu.memref_slice %arg6[%arg0, %min3A_434, %dma_wait3A_440] : memref<2x10240x128xf32, #tpu.memory_space<hbm>> -> memref<1x632x128xf32, #tpu.memory_space<hbm>>
      %dma_wait3A_442 = tpu.memref_squeeze %dma_wait3A_441 : memref<1x632x128xf32, #tpu.memory_space<hbm>> -> memref<632x128xf32, #tpu.memory_space<hbm>>
      %dma_wait3A_443 = arith.constant 0 : i32
      %dma_wait3A_444 = tpu.memref_slice %arg23[%min3A_434, %dma_wait3A_443] : memref<10000x128xf32, #tpu.memory_space<vmem_shared>> -> memref<632x128xf32, #tpu.memory_space<vmem_shared>>
      tpu.wait_dma2 semaphore(%run_scoped3A : memref<!tpu.dma_semaphore, #tpu.memory_space<semaphore_mem>>) src(%dma_wait3A_444 : memref<632x128xf32, #tpu.memory_space<vmem_shared>>) dst(%dma_wait3A_442 : memref<632x128xf32, #tpu.memory_space<hbm>>)
      tpu.yield
    }) : () -> ()
    return
  }
}

#map = affine_map<(d0, d1) -> (0, 0, 0)>
#map1 = affine_map<(d0, d1) -> (0, 0)>
module attributes {stable_mosaic.version = 14 : i64} {
  func.func @_deg_kernel(%arg0: i32, %arg1: i32, %arg2: memref<1280x1x128xi32, #tpu.memory_space<hbm>>, %arg3: memref<1280x1x128xf32, #tpu.memory_space<hbm>>, %arg4: memref<2x10240xf32, #tpu.memory_space<hbm>>, %arg5: memref<40x1x128xi32, #tpu.memory_space<vmem>>, %arg6: memref<40x1x128xf32, #tpu.memory_space<vmem>>, %arg7: memref<10240xf32, #tpu.memory_space<vmem>>, %arg8: memref<16x640xf32, #tpu.memory_space<vmem>>, %arg9: memref<640xf32, #tpu.memory_space<vmem>>, %arg10: memref<16x10240xf32, #tpu.memory_space<vmem_shared>>) attributes {dimension_semantics = [#tpu.dimension_semantics<core_parallel>, #tpu.dimension_semantics<subcore_parallel>], iteration_bounds = array<i64: 2, 16>, scalar_prefetch = 0 : i64, scratch_operands = 6 : i64, tpu.core_type = #tpu.core_type<sc_vector_subcore>, window_params = [{transform_indices = #map}, {transform_indices = #map}, {transform_indices = #map1}]} {
    %mul3A = arith.constant 2 : i32
    %mul3A_0 = arith.muli %arg1, %mul3A : i32
    %add3A = arith.addi %mul3A_0, %arg0 : i32
    %mul3A_1 = arith.constant 40 : i32
    %mul3A_2 = arith.muli %add3A, %mul3A_1 : i32
    "tpu.region"() ({
      %run_scoped3A_49 = tpu.sem_alloc : memref<!tpu.dma_semaphore, #tpu.memory_space<semaphore_mem>>
      %dma_start3A = arith.constant 0 : i32
      %dma_start3A_50 = arith.constant 0 : i32
      %dma_start3A_51 = tpu.memref_slice %arg2[%mul3A_2, %dma_start3A, %dma_start3A_50] : memref<1280x1x128xi32, #tpu.memory_space<hbm>> -> memref<40x1x128xi32, #tpu.memory_space<hbm>>
      %dma_start3A_52 = arith.constant 0 : i32
      %dma_start3A_53 = arith.constant 0 : i32
      %dma_start3A_54 = tpu.memref_slice %arg2[%mul3A_2, %dma_start3A_52, %dma_start3A_53] : memref<1280x1x128xi32, #tpu.memory_space<hbm>> -> memref<40x1x128xi32, #tpu.memory_space<hbm>>
      tpu.enqueue_dma source(%dma_start3A_54 : memref<40x1x128xi32, #tpu.memory_space<hbm>>) target(%arg5 : memref<40x1x128xi32, #tpu.memory_space<vmem>>) target_semaphore(%run_scoped3A_49 : memref<!tpu.dma_semaphore, #tpu.memory_space<semaphore_mem>>)
      %dma_wait3A = arith.constant 0 : i32
      %dma_wait3A_55 = arith.constant 0 : i32
      %dma_wait3A_56 = tpu.memref_slice %arg2[%mul3A_2, %dma_wait3A, %dma_wait3A_55] : memref<1280x1x128xi32, #tpu.memory_space<hbm>> -> memref<40x1x128xi32, #tpu.memory_space<hbm>>
      %dma_wait3A_57 = arith.constant 0 : i32
      %dma_wait3A_58 = arith.constant 0 : i32
      %dma_wait3A_59 = tpu.memref_slice %arg2[%mul3A_2, %dma_wait3A_57, %dma_wait3A_58] : memref<1280x1x128xi32, #tpu.memory_space<hbm>> -> memref<40x1x128xi32, #tpu.memory_space<hbm>>
      tpu.wait_dma2 semaphore(%run_scoped3A_49 : memref<!tpu.dma_semaphore, #tpu.memory_space<semaphore_mem>>) src(%dma_wait3A_59 : memref<40x1x128xi32, #tpu.memory_space<hbm>>) dst(%arg5 : memref<40x1x128xi32, #tpu.memory_space<vmem>>)
      tpu.yield
    }) : () -> ()
    %mul3A_3 = arith.constant 40 : i32
    %mul3A_4 = arith.muli %add3A, %mul3A_3 : i32
    "tpu.region"() ({
      %run_scoped3A_49 = tpu.sem_alloc : memref<!tpu.dma_semaphore, #tpu.memory_space<semaphore_mem>>
      %dma_start3A = arith.constant 0 : i32
      %dma_start3A_50 = arith.constant 0 : i32
      %dma_start3A_51 = tpu.memref_slice %arg3[%mul3A_4, %dma_start3A, %dma_start3A_50] : memref<1280x1x128xf32, #tpu.memory_space<hbm>> -> memref<40x1x128xf32, #tpu.memory_space<hbm>>
      %dma_start3A_52 = arith.constant 0 : i32
      %dma_start3A_53 = arith.constant 0 : i32
      %dma_start3A_54 = tpu.memref_slice %arg3[%mul3A_4, %dma_start3A_52, %dma_start3A_53] : memref<1280x1x128xf32, #tpu.memory_space<hbm>> -> memref<40x1x128xf32, #tpu.memory_space<hbm>>
      tpu.enqueue_dma source(%dma_start3A_54 : memref<40x1x128xf32, #tpu.memory_space<hbm>>) target(%arg6 : memref<40x1x128xf32, #tpu.memory_space<vmem>>) target_semaphore(%run_scoped3A_49 : memref<!tpu.dma_semaphore, #tpu.memory_space<semaphore_mem>>)
      %dma_wait3A = arith.constant 0 : i32
      %dma_wait3A_55 = arith.constant 0 : i32
      %dma_wait3A_56 = tpu.memref_slice %arg3[%mul3A_4, %dma_wait3A, %dma_wait3A_55] : memref<1280x1x128xf32, #tpu.memory_space<hbm>> -> memref<40x1x128xf32, #tpu.memory_space<hbm>>
      %dma_wait3A_57 = arith.constant 0 : i32
      %dma_wait3A_58 = arith.constant 0 : i32
      %dma_wait3A_59 = tpu.memref_slice %arg3[%mul3A_4, %dma_wait3A_57, %dma_wait3A_58] : memref<1280x1x128xf32, #tpu.memory_space<hbm>> -> memref<40x1x128xf32, #tpu.memory_space<hbm>>
      tpu.wait_dma2 semaphore(%run_scoped3A_49 : memref<!tpu.dma_semaphore, #tpu.memory_space<semaphore_mem>>) src(%dma_wait3A_59 : memref<40x1x128xf32, #tpu.memory_space<hbm>>) dst(%arg6 : memref<40x1x128xf32, #tpu.memory_space<vmem>>)
      tpu.yield
    }) : () -> ()
    %iota3A = tpu.iota {dimensions = array<i32: 0>} : vector<16xi32>
    %scan3A = arith.constant 0 : i32
    %scan3A_5 = arith.constant 0 : i32
    %scan3A_6 = arith.constant 40 : i32
    %scan3A_7 = arith.addi %scan3A_5, %scan3A_6 : i32
    %scan3A_8 = arith.constant 1 : i32
    scf.for %scan3A_49 = %scan3A_5 to %scan3A_7 step %scan3A_8  : i32 {
      %get3A = arith.constant 0 : i32
      %get3A_50 = arith.index_cast %scan3A_49 : i32 to index
      %get3A_51 = arith.index_cast %get3A : i32 to index
      %get3A_52 = arith.constant 0 : index
      %get3A_53 = tpu.vector_load %arg5[%get3A_50, %get3A_51, %get3A_52] {strides = array<i32>} : memref<40x1x128xi32, #tpu.memory_space<vmem>>, vector<16xi32>,
      %get3A_54 = arith.constant 0 : i32
      %get3A_55 = arith.index_cast %scan3A_49 : i32 to index
      %get3A_56 = arith.index_cast %get3A_54 : i32 to index
      %get3A_57 = arith.constant 0 : index
      %get3A_58 = tpu.vector_load %arg6[%get3A_55, %get3A_56, %get3A_57] {strides = array<i32>} : memref<40x1x128xf32, #tpu.memory_space<vmem>>, vector<16xf32>,
      %eq3A = arith.constant 0 : i32
      %eq3A_59 = vector.broadcast %eq3A : i32 to vector<16xi32>
      %eq3A_60 = arith.cmpi eq, %iota3A, %eq3A_59 : vector<16xi32>
      tpu.vector_store_idx %arg7[%get3A_53], %get3A_58 masked %eq3A_60 {add = true} : memref<10240xf32, #tpu.memory_space<vmem>>[vector<16xi32>], vector<16xf32>, vector<16xi1>
      %eq3A_61 = arith.constant 1 : i32
      %eq3A_62 = vector.broadcast %eq3A_61 : i32 to vector<16xi32>
      %eq3A_63 = arith.cmpi eq, %iota3A, %eq3A_62 : vector<16xi32>
      tpu.vector_store_idx %arg7[%get3A_53], %get3A_58 masked %eq3A_63 {add = true} : memref<10240xf32, #tpu.memory_space<vmem>>[vector<16xi32>], vector<16xf32>, vector<16xi1>
      %eq3A_64 = arith.constant 2 : i32
      %eq3A_65 = vector.broadcast %eq3A_64 : i32 to vector<16xi32>
      %eq3A_66 = arith.cmpi eq, %iota3A, %eq3A_65 : vector<16xi32>
      tpu.vector_store_idx %arg7[%get3A_53], %get3A_58 masked %eq3A_66 {add = true} : memref<10240xf32, #tpu.memory_space<vmem>>[vector<16xi32>], vector<16xf32>, vector<16xi1>
      %eq3A_67 = arith.constant 3 : i32
      %eq3A_68 = vector.broadcast %eq3A_67 : i32 to vector<16xi32>
      %eq3A_69 = arith.cmpi eq, %iota3A, %eq3A_68 : vector<16xi32>
      tpu.vector_store_idx %arg7[%get3A_53], %get3A_58 masked %eq3A_69 {add = true} : memref<10240xf32, #tpu.memory_space<vmem>>[vector<16xi32>], vector<16xf32>, vector<16xi1>
      %eq3A_70 = arith.constant 4 : i32
      %eq3A_71 = vector.broadcast %eq3A_70 : i32 to vector<16xi32>
      %eq3A_72 = arith.cmpi eq, %iota3A, %eq3A_71 : vector<16xi32>
      tpu.vector_store_idx %arg7[%get3A_53], %get3A_58 masked %eq3A_72 {add = true} : memref<10240xf32, #tpu.memory_space<vmem>>[vector<16xi32>], vector<16xf32>, vector<16xi1>
      %eq3A_73 = arith.constant 5 : i32
      %eq3A_74 = vector.broadcast %eq3A_73 : i32 to vector<16xi32>
      %eq3A_75 = arith.cmpi eq, %iota3A, %eq3A_74 : vector<16xi32>
      tpu.vector_store_idx %arg7[%get3A_53], %get3A_58 masked %eq3A_75 {add = true} : memref<10240xf32, #tpu.memory_space<vmem>>[vector<16xi32>], vector<16xf32>, vector<16xi1>
      %eq3A_76 = arith.constant 6 : i32
      %eq3A_77 = vector.broadcast %eq3A_76 : i32 to vector<16xi32>
      %eq3A_78 = arith.cmpi eq, %iota3A, %eq3A_77 : vector<16xi32>
      tpu.vector_store_idx %arg7[%get3A_53], %get3A_58 masked %eq3A_78 {add = true} : memref<10240xf32, #tpu.memory_space<vmem>>[vector<16xi32>], vector<16xf32>, vector<16xi1>
      %eq3A_79 = arith.constant 7 : i32
      %eq3A_80 = vector.broadcast %eq3A_79 : i32 to vector<16xi32>
      %eq3A_81 = arith.cmpi eq, %iota3A, %eq3A_80 : vector<16xi32>
      tpu.vector_store_idx %arg7[%get3A_53], %get3A_58 masked %eq3A_81 {add = true} : memref<10240xf32, #tpu.memory_space<vmem>>[vector<16xi32>], vector<16xf32>, vector<16xi1>
      %eq3A_82 = arith.constant 8 : i32
      %eq3A_83 = vector.broadcast %eq3A_82 : i32 to vector<16xi32>
      %eq3A_84 = arith.cmpi eq, %iota3A, %eq3A_83 : vector<16xi32>
      tpu.vector_store_idx %arg7[%get3A_53], %get3A_58 masked %eq3A_84 {add = true} : memref<10240xf32, #tpu.memory_space<vmem>>[vector<16xi32>], vector<16xf32>, vector<16xi1>
      %eq3A_85 = arith.constant 9 : i32
      %eq3A_86 = vector.broadcast %eq3A_85 : i32 to vector<16xi32>
      %eq3A_87 = arith.cmpi eq, %iota3A, %eq3A_86 : vector<16xi32>
      tpu.vector_store_idx %arg7[%get3A_53], %get3A_58 masked %eq3A_87 {add = true} : memref<10240xf32, #tpu.memory_space<vmem>>[vector<16xi32>], vector<16xf32>, vector<16xi1>
      %eq3A_88 = arith.constant 10 : i32
      %eq3A_89 = vector.broadcast %eq3A_88 : i32 to vector<16xi32>
      %eq3A_90 = arith.cmpi eq, %iota3A, %eq3A_89 : vector<16xi32>
      tpu.vector_store_idx %arg7[%get3A_53], %get3A_58 masked %eq3A_90 {add = true} : memref<10240xf32, #tpu.memory_space<vmem>>[vector<16xi32>], vector<16xf32>, vector<16xi1>
      %eq3A_91 = arith.constant 11 : i32
      %eq3A_92 = vector.broadcast %eq3A_91 : i32 to vector<16xi32>
      %eq3A_93 = arith.cmpi eq, %iota3A, %eq3A_92 : vector<16xi32>
      tpu.vector_store_idx %arg7[%get3A_53], %get3A_58 masked %eq3A_93 {add = true} : memref<10240xf32, #tpu.memory_space<vmem>>[vector<16xi32>], vector<16xf32>, vector<16xi1>
      %eq3A_94 = arith.constant 12 : i32
      %eq3A_95 = vector.broadcast %eq3A_94 : i32 to vector<16xi32>
      %eq3A_96 = arith.cmpi eq, %iota3A, %eq3A_95 : vector<16xi32>
      tpu.vector_store_idx %arg7[%get3A_53], %get3A_58 masked %eq3A_96 {add = true} : memref<10240xf32, #tpu.memory_space<vmem>>[vector<16xi32>], vector<16xf32>, vector<16xi1>
      %eq3A_97 = arith.constant 13 : i32
      %eq3A_98 = vector.broadcast %eq3A_97 : i32 to vector<16xi32>
      %eq3A_99 = arith.cmpi eq, %iota3A, %eq3A_98 : vector<16xi32>
      tpu.vector_store_idx %arg7[%get3A_53], %get3A_58 masked %eq3A_99 {add = true} : memref<10240xf32, #tpu.memory_space<vmem>>[vector<16xi32>], vector<16xf32>, vector<16xi1>
      %eq3A_100 = arith.constant 14 : i32
      %eq3A_101 = vector.broadcast %eq3A_100 : i32 to vector<16xi32>
      %eq3A_102 = arith.cmpi eq, %iota3A, %eq3A_101 : vector<16xi32>
      tpu.vector_store_idx %arg7[%get3A_53], %get3A_58 masked %eq3A_102 {add = true} : memref<10240xf32, #tpu.memory_space<vmem>>[vector<16xi32>], vector<16xf32>, vector<16xi1>
      %eq3A_103 = arith.constant 15 : i32
      %eq3A_104 = vector.broadcast %eq3A_103 : i32 to vector<16xi32>
      %eq3A_105 = arith.cmpi eq, %iota3A, %eq3A_104 : vector<16xi32>
      tpu.vector_store_idx %arg7[%get3A_53], %get3A_58 masked %eq3A_105 {add = true} : memref<10240xf32, #tpu.memory_space<vmem>>[vector<16xi32>], vector<16xf32>, vector<16xi1>
      %get3A_106 = arith.constant 0 : i32
      %get3A_107 = arith.index_cast %scan3A_49 : i32 to index
      %get3A_108 = arith.index_cast %get3A_106 : i32 to index
      %get3A_109 = arith.constant 16 : index
      %get3A_110 = tpu.vector_load %arg5[%get3A_107, %get3A_108, %get3A_109] {strides = array<i32>} : memref<40x1x128xi32, #tpu.memory_space<vmem>>, vector<16xi32>,
      %get3A_111 = arith.constant 0 : i32
      %get3A_112 = arith.index_cast %scan3A_49 : i32 to index
      %get3A_113 = arith.index_cast %get3A_111 : i32 to index
      %get3A_114 = arith.constant 16 : index
      %get3A_115 = tpu.vector_load %arg6[%get3A_112, %get3A_113, %get3A_114] {strides = array<i32>} : memref<40x1x128xf32, #tpu.memory_space<vmem>>, vector<16xf32>,
      %eq3A_116 = arith.constant 0 : i32
      %eq3A_117 = vector.broadcast %eq3A_116 : i32 to vector<16xi32>
      %eq3A_118 = arith.cmpi eq, %iota3A, %eq3A_117 : vector<16xi32>
      tpu.vector_store_idx %arg7[%get3A_110], %get3A_115 masked %eq3A_118 {add = true} : memref<10240xf32, #tpu.memory_space<vmem>>[vector<16xi32>], vector<16xf32>, vector<16xi1>
      %eq3A_119 = arith.constant 1 : i32
      %eq3A_120 = vector.broadcast %eq3A_119 : i32 to vector<16xi32>
      %eq3A_121 = arith.cmpi eq, %iota3A, %eq3A_120 : vector<16xi32>
      tpu.vector_store_idx %arg7[%get3A_110], %get3A_115 masked %eq3A_121 {add = true} : memref<10240xf32, #tpu.memory_space<vmem>>[vector<16xi32>], vector<16xf32>, vector<16xi1>
      %eq3A_122 = arith.constant 2 : i32
      %eq3A_123 = vector.broadcast %eq3A_122 : i32 to vector<16xi32>
      %eq3A_124 = arith.cmpi eq, %iota3A, %eq3A_123 : vector<16xi32>
      tpu.vector_store_idx %arg7[%get3A_110], %get3A_115 masked %eq3A_124 {add = true} : memref<10240xf32, #tpu.memory_space<vmem>>[vector<16xi32>], vector<16xf32>, vector<16xi1>
      %eq3A_125 = arith.constant 3 : i32
      %eq3A_126 = vector.broadcast %eq3A_125 : i32 to vector<16xi32>
      %eq3A_127 = arith.cmpi eq, %iota3A, %eq3A_126 : vector<16xi32>
      tpu.vector_store_idx %arg7[%get3A_110], %get3A_115 masked %eq3A_127 {add = true} : memref<10240xf32, #tpu.memory_space<vmem>>[vector<16xi32>], vector<16xf32>, vector<16xi1>
      %eq3A_128 = arith.constant 4 : i32
      %eq3A_129 = vector.broadcast %eq3A_128 : i32 to vector<16xi32>
      %eq3A_130 = arith.cmpi eq, %iota3A, %eq3A_129 : vector<16xi32>
      tpu.vector_store_idx %arg7[%get3A_110], %get3A_115 masked %eq3A_130 {add = true} : memref<10240xf32, #tpu.memory_space<vmem>>[vector<16xi32>], vector<16xf32>, vector<16xi1>
      %eq3A_131 = arith.constant 5 : i32
      %eq3A_132 = vector.broadcast %eq3A_131 : i32 to vector<16xi32>
      %eq3A_133 = arith.cmpi eq, %iota3A, %eq3A_132 : vector<16xi32>
      tpu.vector_store_idx %arg7[%get3A_110], %get3A_115 masked %eq3A_133 {add = true} : memref<10240xf32, #tpu.memory_space<vmem>>[vector<16xi32>], vector<16xf32>, vector<16xi1>
      %eq3A_134 = arith.constant 6 : i32
      %eq3A_135 = vector.broadcast %eq3A_134 : i32 to vector<16xi32>
      %eq3A_136 = arith.cmpi eq, %iota3A, %eq3A_135 : vector<16xi32>
      tpu.vector_store_idx %arg7[%get3A_110], %get3A_115 masked %eq3A_136 {add = true} : memref<10240xf32, #tpu.memory_space<vmem>>[vector<16xi32>], vector<16xf32>, vector<16xi1>
      %eq3A_137 = arith.constant 7 : i32
      %eq3A_138 = vector.broadcast %eq3A_137 : i32 to vector<16xi32>
      %eq3A_139 = arith.cmpi eq, %iota3A, %eq3A_138 : vector<16xi32>
      tpu.vector_store_idx %arg7[%get3A_110], %get3A_115 masked %eq3A_139 {add = true} : memref<10240xf32, #tpu.memory_space<vmem>>[vector<16xi32>], vector<16xf32>, vector<16xi1>
      %eq3A_140 = arith.constant 8 : i32
      %eq3A_141 = vector.broadcast %eq3A_140 : i32 to vector<16xi32>
      %eq3A_142 = arith.cmpi eq, %iota3A, %eq3A_141 : vector<16xi32>
      tpu.vector_store_idx %arg7[%get3A_110], %get3A_115 masked %eq3A_142 {add = true} : memref<10240xf32, #tpu.memory_space<vmem>>[vector<16xi32>], vector<16xf32>, vector<16xi1>
      %eq3A_143 = arith.constant 9 : i32
      %eq3A_144 = vector.broadcast %eq3A_143 : i32 to vector<16xi32>
      %eq3A_145 = arith.cmpi eq, %iota3A, %eq3A_144 : vector<16xi32>
      tpu.vector_store_idx %arg7[%get3A_110], %get3A_115 masked %eq3A_145 {add = true} : memref<10240xf32, #tpu.memory_space<vmem>>[vector<16xi32>], vector<16xf32>, vector<16xi1>
      %eq3A_146 = arith.constant 10 : i32
      %eq3A_147 = vector.broadcast %eq3A_146 : i32 to vector<16xi32>
      %eq3A_148 = arith.cmpi eq, %iota3A, %eq3A_147 : vector<16xi32>
      tpu.vector_store_idx %arg7[%get3A_110], %get3A_115 masked %eq3A_148 {add = true} : memref<10240xf32, #tpu.memory_space<vmem>>[vector<16xi32>], vector<16xf32>, vector<16xi1>
      %eq3A_149 = arith.constant 11 : i32
      %eq3A_150 = vector.broadcast %eq3A_149 : i32 to vector<16xi32>
      %eq3A_151 = arith.cmpi eq, %iota3A, %eq3A_150 : vector<16xi32>
      tpu.vector_store_idx %arg7[%get3A_110], %get3A_115 masked %eq3A_151 {add = true} : memref<10240xf32, #tpu.memory_space<vmem>>[vector<16xi32>], vector<16xf32>, vector<16xi1>
      %eq3A_152 = arith.constant 12 : i32
      %eq3A_153 = vector.broadcast %eq3A_152 : i32 to vector<16xi32>
      %eq3A_154 = arith.cmpi eq, %iota3A, %eq3A_153 : vector<16xi32>
      tpu.vector_store_idx %arg7[%get3A_110], %get3A_115 masked %eq3A_154 {add = true} : memref<10240xf32, #tpu.memory_space<vmem>>[vector<16xi32>], vector<16xf32>, vector<16xi1>
      %eq3A_155 = arith.constant 13 : i32
      %eq3A_156 = vector.broadcast %eq3A_155 : i32 to vector<16xi32>
      %eq3A_157 = arith.cmpi eq, %iota3A, %eq3A_156 : vector<16xi32>
      tpu.vector_store_idx %arg7[%get3A_110], %get3A_115 masked %eq3A_157 {add = true} : memref<10240xf32, #tpu.memory_space<vmem>>[vector<16xi32>], vector<16xf32>, vector<16xi1>
      %eq3A_158 = arith.constant 14 : i32
      %eq3A_159 = vector.broadcast %eq3A_158 : i32 to vector<16xi32>
      %eq3A_160 = arith.cmpi eq, %iota3A, %eq3A_159 : vector<16xi32>
      tpu.vector_store_idx %arg7[%get3A_110], %get3A_115 masked %eq3A_160 {add = true} : memref<10240xf32, #tpu.memory_space<vmem>>[vector<16xi32>], vector<16xf32>, vector<16xi1>
      %eq3A_161 = arith.constant 15 : i32
      %eq3A_162 = vector.broadcast %eq3A_161 : i32 to vector<16xi32>
      %eq3A_163 = arith.cmpi eq, %iota3A, %eq3A_162 : vector<16xi32>
      tpu.vector_store_idx %arg7[%get3A_110], %get3A_115 masked %eq3A_163 {add = true} : memref<10240xf32, #tpu.memory_space<vmem>>[vector<16xi32>], vector<16xf32>, vector<16xi1>
      %get3A_164 = arith.constant 0 : i32
      %get3A_165 = arith.index_cast %scan3A_49 : i32 to index
      %get3A_166 = arith.index_cast %get3A_164 : i32 to index
      %get3A_167 = arith.constant 32 : index
      %get3A_168 = tpu.vector_load %arg5[%get3A_165, %get3A_166, %get3A_167] {strides = array<i32>} : memref<40x1x128xi32, #tpu.memory_space<vmem>>, vector<16xi32>,
      %get3A_169 = arith.constant 0 : i32
      %get3A_170 = arith.index_cast %scan3A_49 : i32 to index
      %get3A_171 = arith.index_cast %get3A_169 : i32 to index
      %get3A_172 = arith.constant 32 : index
      %get3A_173 = tpu.vector_load %arg6[%get3A_170, %get3A_171, %get3A_172] {strides = array<i32>} : memref<40x1x128xf32, #tpu.memory_space<vmem>>, vector<16xf32>,
      %eq3A_174 = arith.constant 0 : i32
      %eq3A_175 = vector.broadcast %eq3A_174 : i32 to vector<16xi32>
      %eq3A_176 = arith.cmpi eq, %iota3A, %eq3A_175 : vector<16xi32>
      tpu.vector_store_idx %arg7[%get3A_168], %get3A_173 masked %eq3A_176 {add = true} : memref<10240xf32, #tpu.memory_space<vmem>>[vector<16xi32>], vector<16xf32>, vector<16xi1>
      %eq3A_177 = arith.constant 1 : i32
      %eq3A_178 = vector.broadcast %eq3A_177 : i32 to vector<16xi32>
      %eq3A_179 = arith.cmpi eq, %iota3A, %eq3A_178 : vector<16xi32>
      tpu.vector_store_idx %arg7[%get3A_168], %get3A_173 masked %eq3A_179 {add = true} : memref<10240xf32, #tpu.memory_space<vmem>>[vector<16xi32>], vector<16xf32>, vector<16xi1>
      %eq3A_180 = arith.constant 2 : i32
      %eq3A_181 = vector.broadcast %eq3A_180 : i32 to vector<16xi32>
      %eq3A_182 = arith.cmpi eq, %iota3A, %eq3A_181 : vector<16xi32>
      tpu.vector_store_idx %arg7[%get3A_168], %get3A_173 masked %eq3A_182 {add = true} : memref<10240xf32, #tpu.memory_space<vmem>>[vector<16xi32>], vector<16xf32>, vector<16xi1>
      %eq3A_183 = arith.constant 3 : i32
      %eq3A_184 = vector.broadcast %eq3A_183 : i32 to vector<16xi32>
      %eq3A_185 = arith.cmpi eq, %iota3A, %eq3A_184 : vector<16xi32>
      tpu.vector_store_idx %arg7[%get3A_168], %get3A_173 masked %eq3A_185 {add = true} : memref<10240xf32, #tpu.memory_space<vmem>>[vector<16xi32>], vector<16xf32>, vector<16xi1>
      %eq3A_186 = arith.constant 4 : i32
      %eq3A_187 = vector.broadcast %eq3A_186 : i32 to vector<16xi32>
      %eq3A_188 = arith.cmpi eq, %iota3A, %eq3A_187 : vector<16xi32>
      tpu.vector_store_idx %arg7[%get3A_168], %get3A_173 masked %eq3A_188 {add = true} : memref<10240xf32, #tpu.memory_space<vmem>>[vector<16xi32>], vector<16xf32>, vector<16xi1>
      %eq3A_189 = arith.constant 5 : i32
      %eq3A_190 = vector.broadcast %eq3A_189 : i32 to vector<16xi32>
      %eq3A_191 = arith.cmpi eq, %iota3A, %eq3A_190 : vector<16xi32>
      tpu.vector_store_idx %arg7[%get3A_168], %get3A_173 masked %eq3A_191 {add = true} : memref<10240xf32, #tpu.memory_space<vmem>>[vector<16xi32>], vector<16xf32>, vector<16xi1>
      %eq3A_192 = arith.constant 6 : i32
      %eq3A_193 = vector.broadcast %eq3A_192 : i32 to vector<16xi32>
      %eq3A_194 = arith.cmpi eq, %iota3A, %eq3A_193 : vector<16xi32>
      tpu.vector_store_idx %arg7[%get3A_168], %get3A_173 masked %eq3A_194 {add = true} : memref<10240xf32, #tpu.memory_space<vmem>>[vector<16xi32>], vector<16xf32>, vector<16xi1>
      %eq3A_195 = arith.constant 7 : i32
      %eq3A_196 = vector.broadcast %eq3A_195 : i32 to vector<16xi32>
      %eq3A_197 = arith.cmpi eq, %iota3A, %eq3A_196 : vector<16xi32>
      tpu.vector_store_idx %arg7[%get3A_168], %get3A_173 masked %eq3A_197 {add = true} : memref<10240xf32, #tpu.memory_space<vmem>>[vector<16xi32>], vector<16xf32>, vector<16xi1>
      %eq3A_198 = arith.constant 8 : i32
      %eq3A_199 = vector.broadcast %eq3A_198 : i32 to vector<16xi32>
      %eq3A_200 = arith.cmpi eq, %iota3A, %eq3A_199 : vector<16xi32>
      tpu.vector_store_idx %arg7[%get3A_168], %get3A_173 masked %eq3A_200 {add = true} : memref<10240xf32, #tpu.memory_space<vmem>>[vector<16xi32>], vector<16xf32>, vector<16xi1>
      %eq3A_201 = arith.constant 9 : i32
      %eq3A_202 = vector.broadcast %eq3A_201 : i32 to vector<16xi32>
      %eq3A_203 = arith.cmpi eq, %iota3A, %eq3A_202 : vector<16xi32>
      tpu.vector_store_idx %arg7[%get3A_168], %get3A_173 masked %eq3A_203 {add = true} : memref<10240xf32, #tpu.memory_space<vmem>>[vector<16xi32>], vector<16xf32>, vector<16xi1>
      %eq3A_204 = arith.constant 10 : i32
      %eq3A_205 = vector.broadcast %eq3A_204 : i32 to vector<16xi32>
      %eq3A_206 = arith.cmpi eq, %iota3A, %eq3A_205 : vector<16xi32>
      tpu.vector_store_idx %arg7[%get3A_168], %get3A_173 masked %eq3A_206 {add = true} : memref<10240xf32, #tpu.memory_space<vmem>>[vector<16xi32>], vector<16xf32>, vector<16xi1>
      %eq3A_207 = arith.constant 11 : i32
      %eq3A_208 = vector.broadcast %eq3A_207 : i32 to vector<16xi32>
      %eq3A_209 = arith.cmpi eq, %iota3A, %eq3A_208 : vector<16xi32>
      tpu.vector_store_idx %arg7[%get3A_168], %get3A_173 masked %eq3A_209 {add = true} : memref<10240xf32, #tpu.memory_space<vmem>>[vector<16xi32>], vector<16xf32>, vector<16xi1>
      %eq3A_210 = arith.constant 12 : i32
      %eq3A_211 = vector.broadcast %eq3A_210 : i32 to vector<16xi32>
      %eq3A_212 = arith.cmpi eq, %iota3A, %eq3A_211 : vector<16xi32>
      tpu.vector_store_idx %arg7[%get3A_168], %get3A_173 masked %eq3A_212 {add = true} : memref<10240xf32, #tpu.memory_space<vmem>>[vector<16xi32>], vector<16xf32>, vector<16xi1>
      %eq3A_213 = arith.constant 13 : i32
      %eq3A_214 = vector.broadcast %eq3A_213 : i32 to vector<16xi32>
      %eq3A_215 = arith.cmpi eq, %iota3A, %eq3A_214 : vector<16xi32>
      tpu.vector_store_idx %arg7[%get3A_168], %get3A_173 masked %eq3A_215 {add = true} : memref<10240xf32, #tpu.memory_space<vmem>>[vector<16xi32>], vector<16xf32>, vector<16xi1>
      %eq3A_216 = arith.constant 14 : i32
      %eq3A_217 = vector.broadcast %eq3A_216 : i32 to vector<16xi32>
      %eq3A_218 = arith.cmpi eq, %iota3A, %eq3A_217 : vector<16xi32>
      tpu.vector_store_idx %arg7[%get3A_168], %get3A_173 masked %eq3A_218 {add = true} : memref<10240xf32, #tpu.memory_space<vmem>>[vector<16xi32>], vector<16xf32>, vector<16xi1>
      %eq3A_219 = arith.constant 15 : i32
      %eq3A_220 = vector.broadcast %eq3A_219 : i32 to vector<16xi32>
      %eq3A_221 = arith.cmpi eq, %iota3A, %eq3A_220 : vector<16xi32>
      tpu.vector_store_idx %arg7[%get3A_168], %get3A_173 masked %eq3A_221 {add = true} : memref<10240xf32, #tpu.memory_space<vmem>>[vector<16xi32>], vector<16xf32>, vector<16xi1>
      %get3A_222 = arith.constant 0 : i32
      %get3A_223 = arith.index_cast %scan3A_49 : i32 to index
      %get3A_224 = arith.index_cast %get3A_222 : i32 to index
      %get3A_225 = arith.constant 48 : index
      %get3A_226 = tpu.vector_load %arg5[%get3A_223, %get3A_224, %get3A_225] {strides = array<i32>} : memref<40x1x128xi32, #tpu.memory_space<vmem>>, vector<16xi32>,
      %get3A_227 = arith.constant 0 : i32
      %get3A_228 = arith.index_cast %scan3A_49 : i32 to index
      %get3A_229 = arith.index_cast %get3A_227 : i32 to index
      %get3A_230 = arith.constant 48 : index
      %get3A_231 = tpu.vector_load %arg6[%get3A_228, %get3A_229, %get3A_230] {strides = array<i32>} : memref<40x1x128xf32, #tpu.memory_space<vmem>>, vector<16xf32>,
      %eq3A_232 = arith.constant 0 : i32
      %eq3A_233 = vector.broadcast %eq3A_232 : i32 to vector<16xi32>
      %eq3A_234 = arith.cmpi eq, %iota3A, %eq3A_233 : vector<16xi32>
      tpu.vector_store_idx %arg7[%get3A_226], %get3A_231 masked %eq3A_234 {add = true} : memref<10240xf32, #tpu.memory_space<vmem>>[vector<16xi32>], vector<16xf32>, vector<16xi1>
      %eq3A_235 = arith.constant 1 : i32
      %eq3A_236 = vector.broadcast %eq3A_235 : i32 to vector<16xi32>
      %eq3A_237 = arith.cmpi eq, %iota3A, %eq3A_236 : vector<16xi32>
      tpu.vector_store_idx %arg7[%get3A_226], %get3A_231 masked %eq3A_237 {add = true} : memref<10240xf32, #tpu.memory_space<vmem>>[vector<16xi32>], vector<16xf32>, vector<16xi1>
      %eq3A_238 = arith.constant 2 : i32
      %eq3A_239 = vector.broadcast %eq3A_238 : i32 to vector<16xi32>
      %eq3A_240 = arith.cmpi eq, %iota3A, %eq3A_239 : vector<16xi32>
      tpu.vector_store_idx %arg7[%get3A_226], %get3A_231 masked %eq3A_240 {add = true} : memref<10240xf32, #tpu.memory_space<vmem>>[vector<16xi32>], vector<16xf32>, vector<16xi1>
      %eq3A_241 = arith.constant 3 : i32
      %eq3A_242 = vector.broadcast %eq3A_241 : i32 to vector<16xi32>
      %eq3A_243 = arith.cmpi eq, %iota3A, %eq3A_242 : vector<16xi32>
      tpu.vector_store_idx %arg7[%get3A_226], %get3A_231 masked %eq3A_243 {add = true} : memref<10240xf32, #tpu.memory_space<vmem>>[vector<16xi32>], vector<16xf32>, vector<16xi1>
      %eq3A_244 = arith.constant 4 : i32
      %eq3A_245 = vector.broadcast %eq3A_244 : i32 to vector<16xi32>
      %eq3A_246 = arith.cmpi eq, %iota3A, %eq3A_245 : vector<16xi32>
      tpu.vector_store_idx %arg7[%get3A_226], %get3A_231 masked %eq3A_246 {add = true} : memref<10240xf32, #tpu.memory_space<vmem>>[vector<16xi32>], vector<16xf32>, vector<16xi1>
      %eq3A_247 = arith.constant 5 : i32
      %eq3A_248 = vector.broadcast %eq3A_247 : i32 to vector<16xi32>
      %eq3A_249 = arith.cmpi eq, %iota3A, %eq3A_248 : vector<16xi32>
      tpu.vector_store_idx %arg7[%get3A_226], %get3A_231 masked %eq3A_249 {add = true} : memref<10240xf32, #tpu.memory_space<vmem>>[vector<16xi32>], vector<16xf32>, vector<16xi1>
      %eq3A_250 = arith.constant 6 : i32
      %eq3A_251 = vector.broadcast %eq3A_250 : i32 to vector<16xi32>
      %eq3A_252 = arith.cmpi eq, %iota3A, %eq3A_251 : vector<16xi32>
      tpu.vector_store_idx %arg7[%get3A_226], %get3A_231 masked %eq3A_252 {add = true} : memref<10240xf32, #tpu.memory_space<vmem>>[vector<16xi32>], vector<16xf32>, vector<16xi1>
      %eq3A_253 = arith.constant 7 : i32
      %eq3A_254 = vector.broadcast %eq3A_253 : i32 to vector<16xi32>
      %eq3A_255 = arith.cmpi eq, %iota3A, %eq3A_254 : vector<16xi32>
      tpu.vector_store_idx %arg7[%get3A_226], %get3A_231 masked %eq3A_255 {add = true} : memref<10240xf32, #tpu.memory_space<vmem>>[vector<16xi32>], vector<16xf32>, vector<16xi1>
      %eq3A_256 = arith.constant 8 : i32
      %eq3A_257 = vector.broadcast %eq3A_256 : i32 to vector<16xi32>
      %eq3A_258 = arith.cmpi eq, %iota3A, %eq3A_257 : vector<16xi32>
      tpu.vector_store_idx %arg7[%get3A_226], %get3A_231 masked %eq3A_258 {add = true} : memref<10240xf32, #tpu.memory_space<vmem>>[vector<16xi32>], vector<16xf32>, vector<16xi1>
      %eq3A_259 = arith.constant 9 : i32
      %eq3A_260 = vector.broadcast %eq3A_259 : i32 to vector<16xi32>
      %eq3A_261 = arith.cmpi eq, %iota3A, %eq3A_260 : vector<16xi32>
      tpu.vector_store_idx %arg7[%get3A_226], %get3A_231 masked %eq3A_261 {add = true} : memref<10240xf32, #tpu.memory_space<vmem>>[vector<16xi32>], vector<16xf32>, vector<16xi1>
      %eq3A_262 = arith.constant 10 : i32
      %eq3A_263 = vector.broadcast %eq3A_262 : i32 to vector<16xi32>
      %eq3A_264 = arith.cmpi eq, %iota3A, %eq3A_263 : vector<16xi32>
      tpu.vector_store_idx %arg7[%get3A_226], %get3A_231 masked %eq3A_264 {add = true} : memref<10240xf32, #tpu.memory_space<vmem>>[vector<16xi32>], vector<16xf32>, vector<16xi1>
      %eq3A_265 = arith.constant 11 : i32
      %eq3A_266 = vector.broadcast %eq3A_265 : i32 to vector<16xi32>
      %eq3A_267 = arith.cmpi eq, %iota3A, %eq3A_266 : vector<16xi32>
      tpu.vector_store_idx %arg7[%get3A_226], %get3A_231 masked %eq3A_267 {add = true} : memref<10240xf32, #tpu.memory_space<vmem>>[vector<16xi32>], vector<16xf32>, vector<16xi1>
      %eq3A_268 = arith.constant 12 : i32
      %eq3A_269 = vector.broadcast %eq3A_268 : i32 to vector<16xi32>
      %eq3A_270 = arith.cmpi eq, %iota3A, %eq3A_269 : vector<16xi32>
      tpu.vector_store_idx %arg7[%get3A_226], %get3A_231 masked %eq3A_270 {add = true} : memref<10240xf32, #tpu.memory_space<vmem>>[vector<16xi32>], vector<16xf32>, vector<16xi1>
      %eq3A_271 = arith.constant 13 : i32
      %eq3A_272 = vector.broadcast %eq3A_271 : i32 to vector<16xi32>
      %eq3A_273 = arith.cmpi eq, %iota3A, %eq3A_272 : vector<16xi32>
      tpu.vector_store_idx %arg7[%get3A_226], %get3A_231 masked %eq3A_273 {add = true} : memref<10240xf32, #tpu.memory_space<vmem>>[vector<16xi32>], vector<16xf32>, vector<16xi1>
      %eq3A_274 = arith.constant 14 : i32
      %eq3A_275 = vector.broadcast %eq3A_274 : i32 to vector<16xi32>
      %eq3A_276 = arith.cmpi eq, %iota3A, %eq3A_275 : vector<16xi32>
      tpu.vector_store_idx %arg7[%get3A_226], %get3A_231 masked %eq3A_276 {add = true} : memref<10240xf32, #tpu.memory_space<vmem>>[vector<16xi32>], vector<16xf32>, vector<16xi1>
      %eq3A_277 = arith.constant 15 : i32
      %eq3A_278 = vector.broadcast %eq3A_277 : i32 to vector<16xi32>
      %eq3A_279 = arith.cmpi eq, %iota3A, %eq3A_278 : vector<16xi32>
      tpu.vector_store_idx %arg7[%get3A_226], %get3A_231 masked %eq3A_279 {add = true} : memref<10240xf32, #tpu.memory_space<vmem>>[vector<16xi32>], vector<16xf32>, vector<16xi1>
      %get3A_280 = arith.constant 0 : i32
      %get3A_281 = arith.index_cast %scan3A_49 : i32 to index
      %get3A_282 = arith.index_cast %get3A_280 : i32 to index
      %get3A_283 = arith.constant 64 : index
      %get3A_284 = tpu.vector_load %arg5[%get3A_281, %get3A_282, %get3A_283] {strides = array<i32>} : memref<40x1x128xi32, #tpu.memory_space<vmem>>, vector<16xi32>,
      %get3A_285 = arith.constant 0 : i32
      %get3A_286 = arith.index_cast %scan3A_49 : i32 to index
      %get3A_287 = arith.index_cast %get3A_285 : i32 to index
      %get3A_288 = arith.constant 64 : index
      %get3A_289 = tpu.vector_load %arg6[%get3A_286, %get3A_287, %get3A_288] {strides = array<i32>} : memref<40x1x128xf32, #tpu.memory_space<vmem>>, vector<16xf32>,
      %eq3A_290 = arith.constant 0 : i32
      %eq3A_291 = vector.broadcast %eq3A_290 : i32 to vector<16xi32>
      %eq3A_292 = arith.cmpi eq, %iota3A, %eq3A_291 : vector<16xi32>
      tpu.vector_store_idx %arg7[%get3A_284], %get3A_289 masked %eq3A_292 {add = true} : memref<10240xf32, #tpu.memory_space<vmem>>[vector<16xi32>], vector<16xf32>, vector<16xi1>
      %eq3A_293 = arith.constant 1 : i32
      %eq3A_294 = vector.broadcast %eq3A_293 : i32 to vector<16xi32>
      %eq3A_295 = arith.cmpi eq, %iota3A, %eq3A_294 : vector<16xi32>
      tpu.vector_store_idx %arg7[%get3A_284], %get3A_289 masked %eq3A_295 {add = true} : memref<10240xf32, #tpu.memory_space<vmem>>[vector<16xi32>], vector<16xf32>, vector<16xi1>
      %eq3A_296 = arith.constant 2 : i32
      %eq3A_297 = vector.broadcast %eq3A_296 : i32 to vector<16xi32>
      %eq3A_298 = arith.cmpi eq, %iota3A, %eq3A_297 : vector<16xi32>
      tpu.vector_store_idx %arg7[%get3A_284], %get3A_289 masked %eq3A_298 {add = true} : memref<10240xf32, #tpu.memory_space<vmem>>[vector<16xi32>], vector<16xf32>, vector<16xi1>
      %eq3A_299 = arith.constant 3 : i32
      %eq3A_300 = vector.broadcast %eq3A_299 : i32 to vector<16xi32>
      %eq3A_301 = arith.cmpi eq, %iota3A, %eq3A_300 : vector<16xi32>
      tpu.vector_store_idx %arg7[%get3A_284], %get3A_289 masked %eq3A_301 {add = true} : memref<10240xf32, #tpu.memory_space<vmem>>[vector<16xi32>], vector<16xf32>, vector<16xi1>
      %eq3A_302 = arith.constant 4 : i32
      %eq3A_303 = vector.broadcast %eq3A_302 : i32 to vector<16xi32>
      %eq3A_304 = arith.cmpi eq, %iota3A, %eq3A_303 : vector<16xi32>
      tpu.vector_store_idx %arg7[%get3A_284], %get3A_289 masked %eq3A_304 {add = true} : memref<10240xf32, #tpu.memory_space<vmem>>[vector<16xi32>], vector<16xf32>, vector<16xi1>
      %eq3A_305 = arith.constant 5 : i32
      %eq3A_306 = vector.broadcast %eq3A_305 : i32 to vector<16xi32>
      %eq3A_307 = arith.cmpi eq, %iota3A, %eq3A_306 : vector<16xi32>
      tpu.vector_store_idx %arg7[%get3A_284], %get3A_289 masked %eq3A_307 {add = true} : memref<10240xf32, #tpu.memory_space<vmem>>[vector<16xi32>], vector<16xf32>, vector<16xi1>
      %eq3A_308 = arith.constant 6 : i32
      %eq3A_309 = vector.broadcast %eq3A_308 : i32 to vector<16xi32>
      %eq3A_310 = arith.cmpi eq, %iota3A, %eq3A_309 : vector<16xi32>
      tpu.vector_store_idx %arg7[%get3A_284], %get3A_289 masked %eq3A_310 {add = true} : memref<10240xf32, #tpu.memory_space<vmem>>[vector<16xi32>], vector<16xf32>, vector<16xi1>
      %eq3A_311 = arith.constant 7 : i32
      %eq3A_312 = vector.broadcast %eq3A_311 : i32 to vector<16xi32>
      %eq3A_313 = arith.cmpi eq, %iota3A, %eq3A_312 : vector<16xi32>
      tpu.vector_store_idx %arg7[%get3A_284], %get3A_289 masked %eq3A_313 {add = true} : memref<10240xf32, #tpu.memory_space<vmem>>[vector<16xi32>], vector<16xf32>, vector<16xi1>
      %eq3A_314 = arith.constant 8 : i32
      %eq3A_315 = vector.broadcast %eq3A_314 : i32 to vector<16xi32>
      %eq3A_316 = arith.cmpi eq, %iota3A, %eq3A_315 : vector<16xi32>
      tpu.vector_store_idx %arg7[%get3A_284], %get3A_289 masked %eq3A_316 {add = true} : memref<10240xf32, #tpu.memory_space<vmem>>[vector<16xi32>], vector<16xf32>, vector<16xi1>
      %eq3A_317 = arith.constant 9 : i32
      %eq3A_318 = vector.broadcast %eq3A_317 : i32 to vector<16xi32>
      %eq3A_319 = arith.cmpi eq, %iota3A, %eq3A_318 : vector<16xi32>
      tpu.vector_store_idx %arg7[%get3A_284], %get3A_289 masked %eq3A_319 {add = true} : memref<10240xf32, #tpu.memory_space<vmem>>[vector<16xi32>], vector<16xf32>, vector<16xi1>
      %eq3A_320 = arith.constant 10 : i32
      %eq3A_321 = vector.broadcast %eq3A_320 : i32 to vector<16xi32>
      %eq3A_322 = arith.cmpi eq, %iota3A, %eq3A_321 : vector<16xi32>
      tpu.vector_store_idx %arg7[%get3A_284], %get3A_289 masked %eq3A_322 {add = true} : memref<10240xf32, #tpu.memory_space<vmem>>[vector<16xi32>], vector<16xf32>, vector<16xi1>
      %eq3A_323 = arith.constant 11 : i32
      %eq3A_324 = vector.broadcast %eq3A_323 : i32 to vector<16xi32>
      %eq3A_325 = arith.cmpi eq, %iota3A, %eq3A_324 : vector<16xi32>
      tpu.vector_store_idx %arg7[%get3A_284], %get3A_289 masked %eq3A_325 {add = true} : memref<10240xf32, #tpu.memory_space<vmem>>[vector<16xi32>], vector<16xf32>, vector<16xi1>
      %eq3A_326 = arith.constant 12 : i32
      %eq3A_327 = vector.broadcast %eq3A_326 : i32 to vector<16xi32>
      %eq3A_328 = arith.cmpi eq, %iota3A, %eq3A_327 : vector<16xi32>
      tpu.vector_store_idx %arg7[%get3A_284], %get3A_289 masked %eq3A_328 {add = true} : memref<10240xf32, #tpu.memory_space<vmem>>[vector<16xi32>], vector<16xf32>, vector<16xi1>
      %eq3A_329 = arith.constant 13 : i32
      %eq3A_330 = vector.broadcast %eq3A_329 : i32 to vector<16xi32>
      %eq3A_331 = arith.cmpi eq, %iota3A, %eq3A_330 : vector<16xi32>
      tpu.vector_store_idx %arg7[%get3A_284], %get3A_289 masked %eq3A_331 {add = true} : memref<10240xf32, #tpu.memory_space<vmem>>[vector<16xi32>], vector<16xf32>, vector<16xi1>
      %eq3A_332 = arith.constant 14 : i32
      %eq3A_333 = vector.broadcast %eq3A_332 : i32 to vector<16xi32>
      %eq3A_334 = arith.cmpi eq, %iota3A, %eq3A_333 : vector<16xi32>
      tpu.vector_store_idx %arg7[%get3A_284], %get3A_289 masked %eq3A_334 {add = true} : memref<10240xf32, #tpu.memory_space<vmem>>[vector<16xi32>], vector<16xf32>, vector<16xi1>
      %eq3A_335 = arith.constant 15 : i32
      %eq3A_336 = vector.broadcast %eq3A_335 : i32 to vector<16xi32>
      %eq3A_337 = arith.cmpi eq, %iota3A, %eq3A_336 : vector<16xi32>
      tpu.vector_store_idx %arg7[%get3A_284], %get3A_289 masked %eq3A_337 {add = true} : memref<10240xf32, #tpu.memory_space<vmem>>[vector<16xi32>], vector<16xf32>, vector<16xi1>
      %get3A_338 = arith.constant 0 : i32
      %get3A_339 = arith.index_cast %scan3A_49 : i32 to index
      %get3A_340 = arith.index_cast %get3A_338 : i32 to index
      %get3A_341 = arith.constant 80 : index
      %get3A_342 = tpu.vector_load %arg5[%get3A_339, %get3A_340, %get3A_341] {strides = array<i32>} : memref<40x1x128xi32, #tpu.memory_space<vmem>>, vector<16xi32>,
      %get3A_343 = arith.constant 0 : i32
      %get3A_344 = arith.index_cast %scan3A_49 : i32 to index
      %get3A_345 = arith.index_cast %get3A_343 : i32 to index
      %get3A_346 = arith.constant 80 : index
      %get3A_347 = tpu.vector_load %arg6[%get3A_344, %get3A_345, %get3A_346] {strides = array<i32>} : memref<40x1x128xf32, #tpu.memory_space<vmem>>, vector<16xf32>,
      %eq3A_348 = arith.constant 0 : i32
      %eq3A_349 = vector.broadcast %eq3A_348 : i32 to vector<16xi32>
      %eq3A_350 = arith.cmpi eq, %iota3A, %eq3A_349 : vector<16xi32>
      tpu.vector_store_idx %arg7[%get3A_342], %get3A_347 masked %eq3A_350 {add = true} : memref<10240xf32, #tpu.memory_space<vmem>>[vector<16xi32>], vector<16xf32>, vector<16xi1>
      %eq3A_351 = arith.constant 1 : i32
      %eq3A_352 = vector.broadcast %eq3A_351 : i32 to vector<16xi32>
      %eq3A_353 = arith.cmpi eq, %iota3A, %eq3A_352 : vector<16xi32>
      tpu.vector_store_idx %arg7[%get3A_342], %get3A_347 masked %eq3A_353 {add = true} : memref<10240xf32, #tpu.memory_space<vmem>>[vector<16xi32>], vector<16xf32>, vector<16xi1>
      %eq3A_354 = arith.constant 2 : i32
      %eq3A_355 = vector.broadcast %eq3A_354 : i32 to vector<16xi32>
      %eq3A_356 = arith.cmpi eq, %iota3A, %eq3A_355 : vector<16xi32>
      tpu.vector_store_idx %arg7[%get3A_342], %get3A_347 masked %eq3A_356 {add = true} : memref<10240xf32, #tpu.memory_space<vmem>>[vector<16xi32>], vector<16xf32>, vector<16xi1>
      %eq3A_357 = arith.constant 3 : i32
      %eq3A_358 = vector.broadcast %eq3A_357 : i32 to vector<16xi32>
      %eq3A_359 = arith.cmpi eq, %iota3A, %eq3A_358 : vector<16xi32>
      tpu.vector_store_idx %arg7[%get3A_342], %get3A_347 masked %eq3A_359 {add = true} : memref<10240xf32, #tpu.memory_space<vmem>>[vector<16xi32>], vector<16xf32>, vector<16xi1>
      %eq3A_360 = arith.constant 4 : i32
      %eq3A_361 = vector.broadcast %eq3A_360 : i32 to vector<16xi32>
      %eq3A_362 = arith.cmpi eq, %iota3A, %eq3A_361 : vector<16xi32>
      tpu.vector_store_idx %arg7[%get3A_342], %get3A_347 masked %eq3A_362 {add = true} : memref<10240xf32, #tpu.memory_space<vmem>>[vector<16xi32>], vector<16xf32>, vector<16xi1>
      %eq3A_363 = arith.constant 5 : i32
      %eq3A_364 = vector.broadcast %eq3A_363 : i32 to vector<16xi32>
      %eq3A_365 = arith.cmpi eq, %iota3A, %eq3A_364 : vector<16xi32>
      tpu.vector_store_idx %arg7[%get3A_342], %get3A_347 masked %eq3A_365 {add = true} : memref<10240xf32, #tpu.memory_space<vmem>>[vector<16xi32>], vector<16xf32>, vector<16xi1>
      %eq3A_366 = arith.constant 6 : i32
      %eq3A_367 = vector.broadcast %eq3A_366 : i32 to vector<16xi32>
      %eq3A_368 = arith.cmpi eq, %iota3A, %eq3A_367 : vector<16xi32>
      tpu.vector_store_idx %arg7[%get3A_342], %get3A_347 masked %eq3A_368 {add = true} : memref<10240xf32, #tpu.memory_space<vmem>>[vector<16xi32>], vector<16xf32>, vector<16xi1>
      %eq3A_369 = arith.constant 7 : i32
      %eq3A_370 = vector.broadcast %eq3A_369 : i32 to vector<16xi32>
      %eq3A_371 = arith.cmpi eq, %iota3A, %eq3A_370 : vector<16xi32>
      tpu.vector_store_idx %arg7[%get3A_342], %get3A_347 masked %eq3A_371 {add = true} : memref<10240xf32, #tpu.memory_space<vmem>>[vector<16xi32>], vector<16xf32>, vector<16xi1>
      %eq3A_372 = arith.constant 8 : i32
      %eq3A_373 = vector.broadcast %eq3A_372 : i32 to vector<16xi32>
      %eq3A_374 = arith.cmpi eq, %iota3A, %eq3A_373 : vector<16xi32>
      tpu.vector_store_idx %arg7[%get3A_342], %get3A_347 masked %eq3A_374 {add = true} : memref<10240xf32, #tpu.memory_space<vmem>>[vector<16xi32>], vector<16xf32>, vector<16xi1>
      %eq3A_375 = arith.constant 9 : i32
      %eq3A_376 = vector.broadcast %eq3A_375 : i32 to vector<16xi32>
      %eq3A_377 = arith.cmpi eq, %iota3A, %eq3A_376 : vector<16xi32>
      tpu.vector_store_idx %arg7[%get3A_342], %get3A_347 masked %eq3A_377 {add = true} : memref<10240xf32, #tpu.memory_space<vmem>>[vector<16xi32>], vector<16xf32>, vector<16xi1>
      %eq3A_378 = arith.constant 10 : i32
      %eq3A_379 = vector.broadcast %eq3A_378 : i32 to vector<16xi32>
      %eq3A_380 = arith.cmpi eq, %iota3A, %eq3A_379 : vector<16xi32>
      tpu.vector_store_idx %arg7[%get3A_342], %get3A_347 masked %eq3A_380 {add = true} : memref<10240xf32, #tpu.memory_space<vmem>>[vector<16xi32>], vector<16xf32>, vector<16xi1>
      %eq3A_381 = arith.constant 11 : i32
      %eq3A_382 = vector.broadcast %eq3A_381 : i32 to vector<16xi32>
      %eq3A_383 = arith.cmpi eq, %iota3A, %eq3A_382 : vector<16xi32>
      tpu.vector_store_idx %arg7[%get3A_342], %get3A_347 masked %eq3A_383 {add = true} : memref<10240xf32, #tpu.memory_space<vmem>>[vector<16xi32>], vector<16xf32>, vector<16xi1>
      %eq3A_384 = arith.constant 12 : i32
      %eq3A_385 = vector.broadcast %eq3A_384 : i32 to vector<16xi32>
      %eq3A_386 = arith.cmpi eq, %iota3A, %eq3A_385 : vector<16xi32>
      tpu.vector_store_idx %arg7[%get3A_342], %get3A_347 masked %eq3A_386 {add = true} : memref<10240xf32, #tpu.memory_space<vmem>>[vector<16xi32>], vector<16xf32>, vector<16xi1>
      %eq3A_387 = arith.constant 13 : i32
      %eq3A_388 = vector.broadcast %eq3A_387 : i32 to vector<16xi32>
      %eq3A_389 = arith.cmpi eq, %iota3A, %eq3A_388 : vector<16xi32>
      tpu.vector_store_idx %arg7[%get3A_342], %get3A_347 masked %eq3A_389 {add = true} : memref<10240xf32, #tpu.memory_space<vmem>>[vector<16xi32>], vector<16xf32>, vector<16xi1>
      %eq3A_390 = arith.constant 14 : i32
      %eq3A_391 = vector.broadcast %eq3A_390 : i32 to vector<16xi32>
      %eq3A_392 = arith.cmpi eq, %iota3A, %eq3A_391 : vector<16xi32>
      tpu.vector_store_idx %arg7[%get3A_342], %get3A_347 masked %eq3A_392 {add = true} : memref<10240xf32, #tpu.memory_space<vmem>>[vector<16xi32>], vector<16xf32>, vector<16xi1>
      %eq3A_393 = arith.constant 15 : i32
      %eq3A_394 = vector.broadcast %eq3A_393 : i32 to vector<16xi32>
      %eq3A_395 = arith.cmpi eq, %iota3A, %eq3A_394 : vector<16xi32>
      tpu.vector_store_idx %arg7[%get3A_342], %get3A_347 masked %eq3A_395 {add = true} : memref<10240xf32, #tpu.memory_space<vmem>>[vector<16xi32>], vector<16xf32>, vector<16xi1>
      %get3A_396 = arith.constant 0 : i32
      %get3A_397 = arith.index_cast %scan3A_49 : i32 to index
      %get3A_398 = arith.index_cast %get3A_396 : i32 to index
      %get3A_399 = arith.constant 96 : index
      %get3A_400 = tpu.vector_load %arg5[%get3A_397, %get3A_398, %get3A_399] {strides = array<i32>} : memref<40x1x128xi32, #tpu.memory_space<vmem>>, vector<16xi32>,
      %get3A_401 = arith.constant 0 : i32
      %get3A_402 = arith.index_cast %scan3A_49 : i32 to index
      %get3A_403 = arith.index_cast %get3A_401 : i32 to index
      %get3A_404 = arith.constant 96 : index
      %get3A_405 = tpu.vector_load %arg6[%get3A_402, %get3A_403, %get3A_404] {strides = array<i32>} : memref<40x1x128xf32, #tpu.memory_space<vmem>>, vector<16xf32>,
      %eq3A_406 = arith.constant 0 : i32
      %eq3A_407 = vector.broadcast %eq3A_406 : i32 to vector<16xi32>
      %eq3A_408 = arith.cmpi eq, %iota3A, %eq3A_407 : vector<16xi32>
      tpu.vector_store_idx %arg7[%get3A_400], %get3A_405 masked %eq3A_408 {add = true} : memref<10240xf32, #tpu.memory_space<vmem>>[vector<16xi32>], vector<16xf32>, vector<16xi1>
      %eq3A_409 = arith.constant 1 : i32
      %eq3A_410 = vector.broadcast %eq3A_409 : i32 to vector<16xi32>
      %eq3A_411 = arith.cmpi eq, %iota3A, %eq3A_410 : vector<16xi32>
      tpu.vector_store_idx %arg7[%get3A_400], %get3A_405 masked %eq3A_411 {add = true} : memref<10240xf32, #tpu.memory_space<vmem>>[vector<16xi32>], vector<16xf32>, vector<16xi1>
      %eq3A_412 = arith.constant 2 : i32
      %eq3A_413 = vector.broadcast %eq3A_412 : i32 to vector<16xi32>
      %eq3A_414 = arith.cmpi eq, %iota3A, %eq3A_413 : vector<16xi32>
      tpu.vector_store_idx %arg7[%get3A_400], %get3A_405 masked %eq3A_414 {add = true} : memref<10240xf32, #tpu.memory_space<vmem>>[vector<16xi32>], vector<16xf32>, vector<16xi1>
      %eq3A_415 = arith.constant 3 : i32
      %eq3A_416 = vector.broadcast %eq3A_415 : i32 to vector<16xi32>
      %eq3A_417 = arith.cmpi eq, %iota3A, %eq3A_416 : vector<16xi32>
      tpu.vector_store_idx %arg7[%get3A_400], %get3A_405 masked %eq3A_417 {add = true} : memref<10240xf32, #tpu.memory_space<vmem>>[vector<16xi32>], vector<16xf32>, vector<16xi1>
      %eq3A_418 = arith.constant 4 : i32
      %eq3A_419 = vector.broadcast %eq3A_418 : i32 to vector<16xi32>
      %eq3A_420 = arith.cmpi eq, %iota3A, %eq3A_419 : vector<16xi32>
      tpu.vector_store_idx %arg7[%get3A_400], %get3A_405 masked %eq3A_420 {add = true} : memref<10240xf32, #tpu.memory_space<vmem>>[vector<16xi32>], vector<16xf32>, vector<16xi1>
      %eq3A_421 = arith.constant 5 : i32
      %eq3A_422 = vector.broadcast %eq3A_421 : i32 to vector<16xi32>
      %eq3A_423 = arith.cmpi eq, %iota3A, %eq3A_422 : vector<16xi32>
      tpu.vector_store_idx %arg7[%get3A_400], %get3A_405 masked %eq3A_423 {add = true} : memref<10240xf32, #tpu.memory_space<vmem>>[vector<16xi32>], vector<16xf32>, vector<16xi1>
      %eq3A_424 = arith.constant 6 : i32
      %eq3A_425 = vector.broadcast %eq3A_424 : i32 to vector<16xi32>
      %eq3A_426 = arith.cmpi eq, %iota3A, %eq3A_425 : vector<16xi32>
      tpu.vector_store_idx %arg7[%get3A_400], %get3A_405 masked %eq3A_426 {add = true} : memref<10240xf32, #tpu.memory_space<vmem>>[vector<16xi32>], vector<16xf32>, vector<16xi1>
      %eq3A_427 = arith.constant 7 : i32
      %eq3A_428 = vector.broadcast %eq3A_427 : i32 to vector<16xi32>
      %eq3A_429 = arith.cmpi eq, %iota3A, %eq3A_428 : vector<16xi32>
      tpu.vector_store_idx %arg7[%get3A_400], %get3A_405 masked %eq3A_429 {add = true} : memref<10240xf32, #tpu.memory_space<vmem>>[vector<16xi32>], vector<16xf32>, vector<16xi1>
      %eq3A_430 = arith.constant 8 : i32
      %eq3A_431 = vector.broadcast %eq3A_430 : i32 to vector<16xi32>
      %eq3A_432 = arith.cmpi eq, %iota3A, %eq3A_431 : vector<16xi32>
      tpu.vector_store_idx %arg7[%get3A_400], %get3A_405 masked %eq3A_432 {add = true} : memref<10240xf32, #tpu.memory_space<vmem>>[vector<16xi32>], vector<16xf32>, vector<16xi1>
      %eq3A_433 = arith.constant 9 : i32
      %eq3A_434 = vector.broadcast %eq3A_433 : i32 to vector<16xi32>
      %eq3A_435 = arith.cmpi eq, %iota3A, %eq3A_434 : vector<16xi32>
      tpu.vector_store_idx %arg7[%get3A_400], %get3A_405 masked %eq3A_435 {add = true} : memref<10240xf32, #tpu.memory_space<vmem>>[vector<16xi32>], vector<16xf32>, vector<16xi1>
      %eq3A_436 = arith.constant 10 : i32
      %eq3A_437 = vector.broadcast %eq3A_436 : i32 to vector<16xi32>
      %eq3A_438 = arith.cmpi eq, %iota3A, %eq3A_437 : vector<16xi32>
      tpu.vector_store_idx %arg7[%get3A_400], %get3A_405 masked %eq3A_438 {add = true} : memref<10240xf32, #tpu.memory_space<vmem>>[vector<16xi32>], vector<16xf32>, vector<16xi1>
      %eq3A_439 = arith.constant 11 : i32
      %eq3A_440 = vector.broadcast %eq3A_439 : i32 to vector<16xi32>
      %eq3A_441 = arith.cmpi eq, %iota3A, %eq3A_440 : vector<16xi32>
      tpu.vector_store_idx %arg7[%get3A_400], %get3A_405 masked %eq3A_441 {add = true} : memref<10240xf32, #tpu.memory_space<vmem>>[vector<16xi32>], vector<16xf32>, vector<16xi1>
      %eq3A_442 = arith.constant 12 : i32
      %eq3A_443 = vector.broadcast %eq3A_442 : i32 to vector<16xi32>
      %eq3A_444 = arith.cmpi eq, %iota3A, %eq3A_443 : vector<16xi32>
      tpu.vector_store_idx %arg7[%get3A_400], %get3A_405 masked %eq3A_444 {add = true} : memref<10240xf32, #tpu.memory_space<vmem>>[vector<16xi32>], vector<16xf32>, vector<16xi1>
      %eq3A_445 = arith.constant 13 : i32
      %eq3A_446 = vector.broadcast %eq3A_445 : i32 to vector<16xi32>
      %eq3A_447 = arith.cmpi eq, %iota3A, %eq3A_446 : vector<16xi32>
      tpu.vector_store_idx %arg7[%get3A_400], %get3A_405 masked %eq3A_447 {add = true} : memref<10240xf32, #tpu.memory_space<vmem>>[vector<16xi32>], vector<16xf32>, vector<16xi1>
      %eq3A_448 = arith.constant 14 : i32
      %eq3A_449 = vector.broadcast %eq3A_448 : i32 to vector<16xi32>
      %eq3A_450 = arith.cmpi eq, %iota3A, %eq3A_449 : vector<16xi32>
      tpu.vector_store_idx %arg7[%get3A_400], %get3A_405 masked %eq3A_450 {add = true} : memref<10240xf32, #tpu.memory_space<vmem>>[vector<16xi32>], vector<16xf32>, vector<16xi1>
      %eq3A_451 = arith.constant 15 : i32
      %eq3A_452 = vector.broadcast %eq3A_451 : i32 to vector<16xi32>
      %eq3A_453 = arith.cmpi eq, %iota3A, %eq3A_452 : vector<16xi32>
      tpu.vector_store_idx %arg7[%get3A_400], %get3A_405 masked %eq3A_453 {add = true} : memref<10240xf32, #tpu.memory_space<vmem>>[vector<16xi32>], vector<16xf32>, vector<16xi1>
      %get3A_454 = arith.constant 0 : i32
      %get3A_455 = arith.index_cast %scan3A_49 : i32 to index
      %get3A_456 = arith.index_cast %get3A_454 : i32 to index
      %get3A_457 = arith.constant 112 : index
      %get3A_458 = tpu.vector_load %arg5[%get3A_455, %get3A_456, %get3A_457] {strides = array<i32>} : memref<40x1x128xi32, #tpu.memory_space<vmem>>, vector<16xi32>,
      %get3A_459 = arith.constant 0 : i32
      %get3A_460 = arith.index_cast %scan3A_49 : i32 to index
      %get3A_461 = arith.index_cast %get3A_459 : i32 to index
      %get3A_462 = arith.constant 112 : index
      %get3A_463 = tpu.vector_load %arg6[%get3A_460, %get3A_461, %get3A_462] {strides = array<i32>} : memref<40x1x128xf32, #tpu.memory_space<vmem>>, vector<16xf32>,
      %eq3A_464 = arith.constant 0 : i32
      %eq3A_465 = vector.broadcast %eq3A_464 : i32 to vector<16xi32>
      %eq3A_466 = arith.cmpi eq, %iota3A, %eq3A_465 : vector<16xi32>
      tpu.vector_store_idx %arg7[%get3A_458], %get3A_463 masked %eq3A_466 {add = true} : memref<10240xf32, #tpu.memory_space<vmem>>[vector<16xi32>], vector<16xf32>, vector<16xi1>
      %eq3A_467 = arith.constant 1 : i32
      %eq3A_468 = vector.broadcast %eq3A_467 : i32 to vector<16xi32>
      %eq3A_469 = arith.cmpi eq, %iota3A, %eq3A_468 : vector<16xi32>
      tpu.vector_store_idx %arg7[%get3A_458], %get3A_463 masked %eq3A_469 {add = true} : memref<10240xf32, #tpu.memory_space<vmem>>[vector<16xi32>], vector<16xf32>, vector<16xi1>
      %eq3A_470 = arith.constant 2 : i32
      %eq3A_471 = vector.broadcast %eq3A_470 : i32 to vector<16xi32>
      %eq3A_472 = arith.cmpi eq, %iota3A, %eq3A_471 : vector<16xi32>
      tpu.vector_store_idx %arg7[%get3A_458], %get3A_463 masked %eq3A_472 {add = true} : memref<10240xf32, #tpu.memory_space<vmem>>[vector<16xi32>], vector<16xf32>, vector<16xi1>
      %eq3A_473 = arith.constant 3 : i32
      %eq3A_474 = vector.broadcast %eq3A_473 : i32 to vector<16xi32>
      %eq3A_475 = arith.cmpi eq, %iota3A, %eq3A_474 : vector<16xi32>
      tpu.vector_store_idx %arg7[%get3A_458], %get3A_463 masked %eq3A_475 {add = true} : memref<10240xf32, #tpu.memory_space<vmem>>[vector<16xi32>], vector<16xf32>, vector<16xi1>
      %eq3A_476 = arith.constant 4 : i32
      %eq3A_477 = vector.broadcast %eq3A_476 : i32 to vector<16xi32>
      %eq3A_478 = arith.cmpi eq, %iota3A, %eq3A_477 : vector<16xi32>
      tpu.vector_store_idx %arg7[%get3A_458], %get3A_463 masked %eq3A_478 {add = true} : memref<10240xf32, #tpu.memory_space<vmem>>[vector<16xi32>], vector<16xf32>, vector<16xi1>
      %eq3A_479 = arith.constant 5 : i32
      %eq3A_480 = vector.broadcast %eq3A_479 : i32 to vector<16xi32>
      %eq3A_481 = arith.cmpi eq, %iota3A, %eq3A_480 : vector<16xi32>
      tpu.vector_store_idx %arg7[%get3A_458], %get3A_463 masked %eq3A_481 {add = true} : memref<10240xf32, #tpu.memory_space<vmem>>[vector<16xi32>], vector<16xf32>, vector<16xi1>
      %eq3A_482 = arith.constant 6 : i32
      %eq3A_483 = vector.broadcast %eq3A_482 : i32 to vector<16xi32>
      %eq3A_484 = arith.cmpi eq, %iota3A, %eq3A_483 : vector<16xi32>
      tpu.vector_store_idx %arg7[%get3A_458], %get3A_463 masked %eq3A_484 {add = true} : memref<10240xf32, #tpu.memory_space<vmem>>[vector<16xi32>], vector<16xf32>, vector<16xi1>
      %eq3A_485 = arith.constant 7 : i32
      %eq3A_486 = vector.broadcast %eq3A_485 : i32 to vector<16xi32>
      %eq3A_487 = arith.cmpi eq, %iota3A, %eq3A_486 : vector<16xi32>
      tpu.vector_store_idx %arg7[%get3A_458], %get3A_463 masked %eq3A_487 {add = true} : memref<10240xf32, #tpu.memory_space<vmem>>[vector<16xi32>], vector<16xf32>, vector<16xi1>
      %eq3A_488 = arith.constant 8 : i32
      %eq3A_489 = vector.broadcast %eq3A_488 : i32 to vector<16xi32>
      %eq3A_490 = arith.cmpi eq, %iota3A, %eq3A_489 : vector<16xi32>
      tpu.vector_store_idx %arg7[%get3A_458], %get3A_463 masked %eq3A_490 {add = true} : memref<10240xf32, #tpu.memory_space<vmem>>[vector<16xi32>], vector<16xf32>, vector<16xi1>
      %eq3A_491 = arith.constant 9 : i32
      %eq3A_492 = vector.broadcast %eq3A_491 : i32 to vector<16xi32>
      %eq3A_493 = arith.cmpi eq, %iota3A, %eq3A_492 : vector<16xi32>
      tpu.vector_store_idx %arg7[%get3A_458], %get3A_463 masked %eq3A_493 {add = true} : memref<10240xf32, #tpu.memory_space<vmem>>[vector<16xi32>], vector<16xf32>, vector<16xi1>
      %eq3A_494 = arith.constant 10 : i32
      %eq3A_495 = vector.broadcast %eq3A_494 : i32 to vector<16xi32>
      %eq3A_496 = arith.cmpi eq, %iota3A, %eq3A_495 : vector<16xi32>
      tpu.vector_store_idx %arg7[%get3A_458], %get3A_463 masked %eq3A_496 {add = true} : memref<10240xf32, #tpu.memory_space<vmem>>[vector<16xi32>], vector<16xf32>, vector<16xi1>
      %eq3A_497 = arith.constant 11 : i32
      %eq3A_498 = vector.broadcast %eq3A_497 : i32 to vector<16xi32>
      %eq3A_499 = arith.cmpi eq, %iota3A, %eq3A_498 : vector<16xi32>
      tpu.vector_store_idx %arg7[%get3A_458], %get3A_463 masked %eq3A_499 {add = true} : memref<10240xf32, #tpu.memory_space<vmem>>[vector<16xi32>], vector<16xf32>, vector<16xi1>
      %eq3A_500 = arith.constant 12 : i32
      %eq3A_501 = vector.broadcast %eq3A_500 : i32 to vector<16xi32>
      %eq3A_502 = arith.cmpi eq, %iota3A, %eq3A_501 : vector<16xi32>
      tpu.vector_store_idx %arg7[%get3A_458], %get3A_463 masked %eq3A_502 {add = true} : memref<10240xf32, #tpu.memory_space<vmem>>[vector<16xi32>], vector<16xf32>, vector<16xi1>
      %eq3A_503 = arith.constant 13 : i32
      %eq3A_504 = vector.broadcast %eq3A_503 : i32 to vector<16xi32>
      %eq3A_505 = arith.cmpi eq, %iota3A, %eq3A_504 : vector<16xi32>
      tpu.vector_store_idx %arg7[%get3A_458], %get3A_463 masked %eq3A_505 {add = true} : memref<10240xf32, #tpu.memory_space<vmem>>[vector<16xi32>], vector<16xf32>, vector<16xi1>
      %eq3A_506 = arith.constant 14 : i32
      %eq3A_507 = vector.broadcast %eq3A_506 : i32 to vector<16xi32>
      %eq3A_508 = arith.cmpi eq, %iota3A, %eq3A_507 : vector<16xi32>
      tpu.vector_store_idx %arg7[%get3A_458], %get3A_463 masked %eq3A_508 {add = true} : memref<10240xf32, #tpu.memory_space<vmem>>[vector<16xi32>], vector<16xf32>, vector<16xi1>
      %eq3A_509 = arith.constant 15 : i32
      %eq3A_510 = vector.broadcast %eq3A_509 : i32 to vector<16xi32>
      %eq3A_511 = arith.cmpi eq, %iota3A, %eq3A_510 : vector<16xi32>
      tpu.vector_store_idx %arg7[%get3A_458], %get3A_463 masked %eq3A_511 {add = true} : memref<10240xf32, #tpu.memory_space<vmem>>[vector<16xi32>], vector<16xf32>, vector<16xi1>
    }
    %scan3A_9 = arith.constant 40 : i32
    "tpu.region"() ({
      %run_scoped3A_49 = tpu.sem_alloc : memref<!tpu.dma_semaphore, #tpu.memory_space<semaphore_mem>>
      %dma_start3A = arith.constant 0 : i32
      %dma_start3A_50 = tpu.memref_slice %arg10[%arg1, %dma_start3A] : memref<16x10240xf32, #tpu.memory_space<vmem_shared>> -> memref<1x10240xf32, #tpu.memory_space<vmem_shared>>
      %dma_start3A_51 = tpu.memref_squeeze %dma_start3A_50 : memref<1x10240xf32, #tpu.memory_space<vmem_shared>> -> memref<10240xf32, #tpu.memory_space<vmem_shared>>
      %dma_start3A_52 = arith.constant 0 : i32
      %dma_start3A_53 = tpu.memref_slice %arg10[%arg1, %dma_start3A_52] : memref<16x10240xf32, #tpu.memory_space<vmem_shared>> -> memref<1x10240xf32, #tpu.memory_space<vmem_shared>>
      %dma_start3A_54 = tpu.memref_squeeze %dma_start3A_53 : memref<1x10240xf32, #tpu.memory_space<vmem_shared>> -> memref<10240xf32, #tpu.memory_space<vmem_shared>>
      tpu.enqueue_dma source(%arg7 : memref<10240xf32, #tpu.memory_space<vmem>>) target(%dma_start3A_54 : memref<10240xf32, #tpu.memory_space<vmem_shared>>) target_semaphore(%run_scoped3A_49 : memref<!tpu.dma_semaphore, #tpu.memory_space<semaphore_mem>>)
      %dma_wait3A = arith.constant 0 : i32
      %dma_wait3A_55 = tpu.memref_slice %arg10[%arg1, %dma_wait3A] : memref<16x10240xf32, #tpu.memory_space<vmem_shared>> -> memref<1x10240xf32, #tpu.memory_space<vmem_shared>>
      %dma_wait3A_56 = tpu.memref_squeeze %dma_wait3A_55 : memref<1x10240xf32, #tpu.memory_space<vmem_shared>> -> memref<10240xf32, #tpu.memory_space<vmem_shared>>
      %dma_wait3A_57 = arith.constant 0 : i32
      %dma_wait3A_58 = tpu.memref_slice %arg10[%arg1, %dma_wait3A_57] : memref<16x10240xf32, #tpu.memory_space<vmem_shared>> -> memref<1x10240xf32, #tpu.memory_space<vmem_shared>>
      %dma_wait3A_59 = tpu.memref_squeeze %dma_wait3A_58 : memref<1x10240xf32, #tpu.memory_space<vmem_shared>> -> memref<10240xf32, #tpu.memory_space<vmem_shared>>
      tpu.wait_dma2 semaphore(%run_scoped3A_49 : memref<!tpu.dma_semaphore, #tpu.memory_space<semaphore_mem>>) src(%arg7 : memref<10240xf32, #tpu.memory_space<vmem>>) dst(%dma_wait3A_59 : memref<10240xf32, #tpu.memory_space<vmem_shared>>)
      tpu.yield
    }) : () -> ()
    %barrier3A = arith.constant 0 : index
    tpu.barrier barrier_id(%barrier3A)
    %mul3A_10 = arith.constant 640 : i32
    %mul3A_11 = arith.muli %arg1, %mul3A_10 : i32
    %run_scoped3A = arith.constant 0 : i32
    %run_scoped3A_12 = arith.constant 0 : i32
    "tpu.region"() ({
      %run_scoped3A_49 = tpu.sem_alloc : memref<!tpu.dma_semaphore, #tpu.memory_space<semaphore_mem>>
      %dma_start3A = arith.constant 0 : i32
      %dma_start3A_50 = tpu.memref_slice %arg8[%run_scoped3A_12, %dma_start3A] : memref<16x640xf32, #tpu.memory_space<vmem>> -> memref<1x640xf32, #tpu.memory_space<vmem>>
      %dma_start3A_51 = tpu.memref_squeeze %dma_start3A_50 : memref<1x640xf32, #tpu.memory_space<vmem>> -> memref<640xf32, #tpu.memory_space<vmem>>
      %dma_start3A_52 = tpu.memref_slice %arg10[%run_scoped3A, %mul3A_11] : memref<16x10240xf32, #tpu.memory_space<vmem_shared>> -> memref<1x640xf32, #tpu.memory_space<vmem_shared>>
      %dma_start3A_53 = tpu.memref_squeeze %dma_start3A_52 : memref<1x640xf32, #tpu.memory_space<vmem_shared>> -> memref<640xf32, #tpu.memory_space<vmem_shared>>
      %dma_start3A_54 = arith.constant 0 : i32
      %dma_start3A_55 = tpu.memref_slice %arg8[%run_scoped3A_12, %dma_start3A_54] : memref<16x640xf32, #tpu.memory_space<vmem>> -> memref<1x640xf32, #tpu.memory_space<vmem>>
      %dma_start3A_56 = tpu.memref_squeeze %dma_start3A_55 : memref<1x640xf32, #tpu.memory_space<vmem>> -> memref<640xf32, #tpu.memory_space<vmem>>
      %dma_start3A_57 = tpu.memref_slice %arg10[%run_scoped3A, %mul3A_11] : memref<16x10240xf32, #tpu.memory_space<vmem_shared>> -> memref<1x640xf32, #tpu.memory_space<vmem_shared>>
      %dma_start3A_58 = tpu.memref_squeeze %dma_start3A_57 : memref<1x640xf32, #tpu.memory_space<vmem_shared>> -> memref<640xf32, #tpu.memory_space<vmem_shared>>
      tpu.enqueue_dma source(%dma_start3A_58 : memref<640xf32, #tpu.memory_space<vmem_shared>>) target(%dma_start3A_56 : memref<640xf32, #tpu.memory_space<vmem>>) target_semaphore(%run_scoped3A_49 : memref<!tpu.dma_semaphore, #tpu.memory_space<semaphore_mem>>)
      %dma_wait3A = arith.constant 0 : i32
      %dma_wait3A_59 = tpu.memref_slice %arg8[%run_scoped3A_12, %dma_wait3A] : memref<16x640xf32, #tpu.memory_space<vmem>> -> memref<1x640xf32, #tpu.memory_space<vmem>>
      %dma_wait3A_60 = tpu.memref_squeeze %dma_wait3A_59 : memref<1x640xf32, #tpu.memory_space<vmem>> -> memref<640xf32, #tpu.memory_space<vmem>>
      %dma_wait3A_61 = tpu.memref_slice %arg10[%run_scoped3A, %mul3A_11] : memref<16x10240xf32, #tpu.memory_space<vmem_shared>> -> memref<1x640xf32, #tpu.memory_space<vmem_shared>>
      %dma_wait3A_62 = tpu.memref_squeeze %dma_wait3A_61 : memref<1x640xf32, #tpu.memory_space<vmem_shared>> -> memref<640xf32, #tpu.memory_space<vmem_shared>>
      %dma_wait3A_63 = arith.constant 0 : i32
      %dma_wait3A_64 = tpu.memref_slice %arg8[%run_scoped3A_12, %dma_wait3A_63] : memref<16x640xf32, #tpu.memory_space<vmem>> -> memref<1x640xf32, #tpu.memory_space<vmem>>
      %dma_wait3A_65 = tpu.memref_squeeze %dma_wait3A_64 : memref<1x640xf32, #tpu.memory_space<vmem>> -> memref<640xf32, #tpu.memory_space<vmem>>
      %dma_wait3A_66 = tpu.memref_slice %arg10[%run_scoped3A, %mul3A_11] : memref<16x10240xf32, #tpu.memory_space<vmem_shared>> -> memref<1x640xf32, #tpu.memory_space<vmem_shared>>
      %dma_wait3A_67 = tpu.memref_squeeze %dma_wait3A_66 : memref<1x640xf32, #tpu.memory_space<vmem_shared>> -> memref<640xf32, #tpu.memory_space<vmem_shared>>
      tpu.wait_dma2 semaphore(%run_scoped3A_49 : memref<!tpu.dma_semaphore, #tpu.memory_space<semaphore_mem>>) src(%dma_wait3A_67 : memref<640xf32, #tpu.memory_space<vmem_shared>>) dst(%dma_wait3A_65 : memref<640xf32, #tpu.memory_space<vmem>>)
      tpu.yield
    }) : () -> ()
    %run_scoped3A_13 = arith.constant 1 : i32
    %run_scoped3A_14 = arith.constant 1 : i32
    "tpu.region"() ({
      %run_scoped3A_49 = tpu.sem_alloc : memref<!tpu.dma_semaphore, #tpu.memory_space<semaphore_mem>>
      %dma_start3A = arith.constant 0 : i32
      %dma_start3A_50 = tpu.memref_slice %arg8[%run_scoped3A_14, %dma_start3A] : memref<16x640xf32, #tpu.memory_space<vmem>> -> memref<1x640xf32, #tpu.memory_space<vmem>>
      %dma_start3A_51 = tpu.memref_squeeze %dma_start3A_50 : memref<1x640xf32, #tpu.memory_space<vmem>> -> memref<640xf32, #tpu.memory_space<vmem>>
      %dma_start3A_52 = tpu.memref_slice %arg10[%run_scoped3A_13, %mul3A_11] : memref<16x10240xf32, #tpu.memory_space<vmem_shared>> -> memref<1x640xf32, #tpu.memory_space<vmem_shared>>
      %dma_start3A_53 = tpu.memref_squeeze %dma_start3A_52 : memref<1x640xf32, #tpu.memory_space<vmem_shared>> -> memref<640xf32, #tpu.memory_space<vmem_shared>>
      %dma_start3A_54 = arith.constant 0 : i32
      %dma_start3A_55 = tpu.memref_slice %arg8[%run_scoped3A_14, %dma_start3A_54] : memref<16x640xf32, #tpu.memory_space<vmem>> -> memref<1x640xf32, #tpu.memory_space<vmem>>
      %dma_start3A_56 = tpu.memref_squeeze %dma_start3A_55 : memref<1x640xf32, #tpu.memory_space<vmem>> -> memref<640xf32, #tpu.memory_space<vmem>>
      %dma_start3A_57 = tpu.memref_slice %arg10[%run_scoped3A_13, %mul3A_11] : memref<16x10240xf32, #tpu.memory_space<vmem_shared>> -> memref<1x640xf32, #tpu.memory_space<vmem_shared>>
      %dma_start3A_58 = tpu.memref_squeeze %dma_start3A_57 : memref<1x640xf32, #tpu.memory_space<vmem_shared>> -> memref<640xf32, #tpu.memory_space<vmem_shared>>
      tpu.enqueue_dma source(%dma_start3A_58 : memref<640xf32, #tpu.memory_space<vmem_shared>>) target(%dma_start3A_56 : memref<640xf32, #tpu.memory_space<vmem>>) target_semaphore(%run_scoped3A_49 : memref<!tpu.dma_semaphore, #tpu.memory_space<semaphore_mem>>)
      %dma_wait3A = arith.constant 0 : i32
      %dma_wait3A_59 = tpu.memref_slice %arg8[%run_scoped3A_14, %dma_wait3A] : memref<16x640xf32, #tpu.memory_space<vmem>> -> memref<1x640xf32, #tpu.memory_space<vmem>>
      %dma_wait3A_60 = tpu.memref_squeeze %dma_wait3A_59 : memref<1x640xf32, #tpu.memory_space<vmem>> -> memref<640xf32, #tpu.memory_space<vmem>>
      %dma_wait3A_61 = tpu.memref_slice %arg10[%run_scoped3A_13, %mul3A_11] : memref<16x10240xf32, #tpu.memory_space<vmem_shared>> -> memref<1x640xf32, #tpu.memory_space<vmem_shared>>
      %dma_wait3A_62 = tpu.memref_squeeze %dma_wait3A_61 : memref<1x640xf32, #tpu.memory_space<vmem_shared>> -> memref<640xf32, #tpu.memory_space<vmem_shared>>
      %dma_wait3A_63 = arith.constant 0 : i32
      %dma_wait3A_64 = tpu.memref_slice %arg8[%run_scoped3A_14, %dma_wait3A_63] : memref<16x640xf32, #tpu.memory_space<vmem>> -> memref<1x640xf32, #tpu.memory_space<vmem>>
      %dma_wait3A_65 = tpu.memref_squeeze %dma_wait3A_64 : memref<1x640xf32, #tpu.memory_space<vmem>> -> memref<640xf32, #tpu.memory_space<vmem>>
      %dma_wait3A_66 = tpu.memref_slice %arg10[%run_scoped3A_13, %mul3A_11] : memref<16x10240xf32, #tpu.memory_space<vmem_shared>> -> memref<1x640xf32, #tpu.memory_space<vmem_shared>>
      %dma_wait3A_67 = tpu.memref_squeeze %dma_wait3A_66 : memref<1x640xf32, #tpu.memory_space<vmem_shared>> -> memref<640xf32, #tpu.memory_space<vmem_shared>>
      tpu.wait_dma2 semaphore(%run_scoped3A_49 : memref<!tpu.dma_semaphore, #tpu.memory_space<semaphore_mem>>) src(%dma_wait3A_67 : memref<640xf32, #tpu.memory_space<vmem_shared>>) dst(%dma_wait3A_65 : memref<640xf32, #tpu.memory_space<vmem>>)
      tpu.yield
    }) : () -> ()
    %run_scoped3A_15 = arith.constant 2 : i32
    %run_scoped3A_16 = arith.constant 2 : i32
    "tpu.region"() ({
      %run_scoped3A_49 = tpu.sem_alloc : memref<!tpu.dma_semaphore, #tpu.memory_space<semaphore_mem>>
      %dma_start3A = arith.constant 0 : i32
      %dma_start3A_50 = tpu.memref_slice %arg8[%run_scoped3A_16, %dma_start3A] : memref<16x640xf32, #tpu.memory_space<vmem>> -> memref<1x640xf32, #tpu.memory_space<vmem>>
      %dma_start3A_51 = tpu.memref_squeeze %dma_start3A_50 : memref<1x640xf32, #tpu.memory_space<vmem>> -> memref<640xf32, #tpu.memory_space<vmem>>
      %dma_start3A_52 = tpu.memref_slice %arg10[%run_scoped3A_15, %mul3A_11] : memref<16x10240xf32, #tpu.memory_space<vmem_shared>> -> memref<1x640xf32, #tpu.memory_space<vmem_shared>>
      %dma_start3A_53 = tpu.memref_squeeze %dma_start3A_52 : memref<1x640xf32, #tpu.memory_space<vmem_shared>> -> memref<640xf32, #tpu.memory_space<vmem_shared>>
      %dma_start3A_54 = arith.constant 0 : i32
      %dma_start3A_55 = tpu.memref_slice %arg8[%run_scoped3A_16, %dma_start3A_54] : memref<16x640xf32, #tpu.memory_space<vmem>> -> memref<1x640xf32, #tpu.memory_space<vmem>>
      %dma_start3A_56 = tpu.memref_squeeze %dma_start3A_55 : memref<1x640xf32, #tpu.memory_space<vmem>> -> memref<640xf32, #tpu.memory_space<vmem>>
      %dma_start3A_57 = tpu.memref_slice %arg10[%run_scoped3A_15, %mul3A_11] : memref<16x10240xf32, #tpu.memory_space<vmem_shared>> -> memref<1x640xf32, #tpu.memory_space<vmem_shared>>
      %dma_start3A_58 = tpu.memref_squeeze %dma_start3A_57 : memref<1x640xf32, #tpu.memory_space<vmem_shared>> -> memref<640xf32, #tpu.memory_space<vmem_shared>>
      tpu.enqueue_dma source(%dma_start3A_58 : memref<640xf32, #tpu.memory_space<vmem_shared>>) target(%dma_start3A_56 : memref<640xf32, #tpu.memory_space<vmem>>) target_semaphore(%run_scoped3A_49 : memref<!tpu.dma_semaphore, #tpu.memory_space<semaphore_mem>>)
      %dma_wait3A = arith.constant 0 : i32
      %dma_wait3A_59 = tpu.memref_slice %arg8[%run_scoped3A_16, %dma_wait3A] : memref<16x640xf32, #tpu.memory_space<vmem>> -> memref<1x640xf32, #tpu.memory_space<vmem>>
      %dma_wait3A_60 = tpu.memref_squeeze %dma_wait3A_59 : memref<1x640xf32, #tpu.memory_space<vmem>> -> memref<640xf32, #tpu.memory_space<vmem>>
      %dma_wait3A_61 = tpu.memref_slice %arg10[%run_scoped3A_15, %mul3A_11] : memref<16x10240xf32, #tpu.memory_space<vmem_shared>> -> memref<1x640xf32, #tpu.memory_space<vmem_shared>>
      %dma_wait3A_62 = tpu.memref_squeeze %dma_wait3A_61 : memref<1x640xf32, #tpu.memory_space<vmem_shared>> -> memref<640xf32, #tpu.memory_space<vmem_shared>>
      %dma_wait3A_63 = arith.constant 0 : i32
      %dma_wait3A_64 = tpu.memref_slice %arg8[%run_scoped3A_16, %dma_wait3A_63] : memref<16x640xf32, #tpu.memory_space<vmem>> -> memref<1x640xf32, #tpu.memory_space<vmem>>
      %dma_wait3A_65 = tpu.memref_squeeze %dma_wait3A_64 : memref<1x640xf32, #tpu.memory_space<vmem>> -> memref<640xf32, #tpu.memory_space<vmem>>
      %dma_wait3A_66 = tpu.memref_slice %arg10[%run_scoped3A_15, %mul3A_11] : memref<16x10240xf32, #tpu.memory_space<vmem_shared>> -> memref<1x640xf32, #tpu.memory_space<vmem_shared>>
      %dma_wait3A_67 = tpu.memref_squeeze %dma_wait3A_66 : memref<1x640xf32, #tpu.memory_space<vmem_shared>> -> memref<640xf32, #tpu.memory_space<vmem_shared>>
      tpu.wait_dma2 semaphore(%run_scoped3A_49 : memref<!tpu.dma_semaphore, #tpu.memory_space<semaphore_mem>>) src(%dma_wait3A_67 : memref<640xf32, #tpu.memory_space<vmem_shared>>) dst(%dma_wait3A_65 : memref<640xf32, #tpu.memory_space<vmem>>)
      tpu.yield
    }) : () -> ()
    %run_scoped3A_17 = arith.constant 3 : i32
    %run_scoped3A_18 = arith.constant 3 : i32
    "tpu.region"() ({
      %run_scoped3A_49 = tpu.sem_alloc : memref<!tpu.dma_semaphore, #tpu.memory_space<semaphore_mem>>
      %dma_start3A = arith.constant 0 : i32
      %dma_start3A_50 = tpu.memref_slice %arg8[%run_scoped3A_18, %dma_start3A] : memref<16x640xf32, #tpu.memory_space<vmem>> -> memref<1x640xf32, #tpu.memory_space<vmem>>
      %dma_start3A_51 = tpu.memref_squeeze %dma_start3A_50 : memref<1x640xf32, #tpu.memory_space<vmem>> -> memref<640xf32, #tpu.memory_space<vmem>>
      %dma_start3A_52 = tpu.memref_slice %arg10[%run_scoped3A_17, %mul3A_11] : memref<16x10240xf32, #tpu.memory_space<vmem_shared>> -> memref<1x640xf32, #tpu.memory_space<vmem_shared>>
      %dma_start3A_53 = tpu.memref_squeeze %dma_start3A_52 : memref<1x640xf32, #tpu.memory_space<vmem_shared>> -> memref<640xf32, #tpu.memory_space<vmem_shared>>
      %dma_start3A_54 = arith.constant 0 : i32
      %dma_start3A_55 = tpu.memref_slice %arg8[%run_scoped3A_18, %dma_start3A_54] : memref<16x640xf32, #tpu.memory_space<vmem>> -> memref<1x640xf32, #tpu.memory_space<vmem>>
      %dma_start3A_56 = tpu.memref_squeeze %dma_start3A_55 : memref<1x640xf32, #tpu.memory_space<vmem>> -> memref<640xf32, #tpu.memory_space<vmem>>
      %dma_start3A_57 = tpu.memref_slice %arg10[%run_scoped3A_17, %mul3A_11] : memref<16x10240xf32, #tpu.memory_space<vmem_shared>> -> memref<1x640xf32, #tpu.memory_space<vmem_shared>>
      %dma_start3A_58 = tpu.memref_squeeze %dma_start3A_57 : memref<1x640xf32, #tpu.memory_space<vmem_shared>> -> memref<640xf32, #tpu.memory_space<vmem_shared>>
      tpu.enqueue_dma source(%dma_start3A_58 : memref<640xf32, #tpu.memory_space<vmem_shared>>) target(%dma_start3A_56 : memref<640xf32, #tpu.memory_space<vmem>>) target_semaphore(%run_scoped3A_49 : memref<!tpu.dma_semaphore, #tpu.memory_space<semaphore_mem>>)
      %dma_wait3A = arith.constant 0 : i32
      %dma_wait3A_59 = tpu.memref_slice %arg8[%run_scoped3A_18, %dma_wait3A] : memref<16x640xf32, #tpu.memory_space<vmem>> -> memref<1x640xf32, #tpu.memory_space<vmem>>
      %dma_wait3A_60 = tpu.memref_squeeze %dma_wait3A_59 : memref<1x640xf32, #tpu.memory_space<vmem>> -> memref<640xf32, #tpu.memory_space<vmem>>
      %dma_wait3A_61 = tpu.memref_slice %arg10[%run_scoped3A_17, %mul3A_11] : memref<16x10240xf32, #tpu.memory_space<vmem_shared>> -> memref<1x640xf32, #tpu.memory_space<vmem_shared>>
      %dma_wait3A_62 = tpu.memref_squeeze %dma_wait3A_61 : memref<1x640xf32, #tpu.memory_space<vmem_shared>> -> memref<640xf32, #tpu.memory_space<vmem_shared>>
      %dma_wait3A_63 = arith.constant 0 : i32
      %dma_wait3A_64 = tpu.memref_slice %arg8[%run_scoped3A_18, %dma_wait3A_63] : memref<16x640xf32, #tpu.memory_space<vmem>> -> memref<1x640xf32, #tpu.memory_space<vmem>>
      %dma_wait3A_65 = tpu.memref_squeeze %dma_wait3A_64 : memref<1x640xf32, #tpu.memory_space<vmem>> -> memref<640xf32, #tpu.memory_space<vmem>>
      %dma_wait3A_66 = tpu.memref_slice %arg10[%run_scoped3A_17, %mul3A_11] : memref<16x10240xf32, #tpu.memory_space<vmem_shared>> -> memref<1x640xf32, #tpu.memory_space<vmem_shared>>
      %dma_wait3A_67 = tpu.memref_squeeze %dma_wait3A_66 : memref<1x640xf32, #tpu.memory_space<vmem_shared>> -> memref<640xf32, #tpu.memory_space<vmem_shared>>
      tpu.wait_dma2 semaphore(%run_scoped3A_49 : memref<!tpu.dma_semaphore, #tpu.memory_space<semaphore_mem>>) src(%dma_wait3A_67 : memref<640xf32, #tpu.memory_space<vmem_shared>>) dst(%dma_wait3A_65 : memref<640xf32, #tpu.memory_space<vmem>>)
      tpu.yield
    }) : () -> ()
    %run_scoped3A_19 = arith.constant 4 : i32
    %run_scoped3A_20 = arith.constant 4 : i32
    "tpu.region"() ({
      %run_scoped3A_49 = tpu.sem_alloc : memref<!tpu.dma_semaphore, #tpu.memory_space<semaphore_mem>>
      %dma_start3A = arith.constant 0 : i32
      %dma_start3A_50 = tpu.memref_slice %arg8[%run_scoped3A_20, %dma_start3A] : memref<16x640xf32, #tpu.memory_space<vmem>> -> memref<1x640xf32, #tpu.memory_space<vmem>>
      %dma_start3A_51 = tpu.memref_squeeze %dma_start3A_50 : memref<1x640xf32, #tpu.memory_space<vmem>> -> memref<640xf32, #tpu.memory_space<vmem>>
      %dma_start3A_52 = tpu.memref_slice %arg10[%run_scoped3A_19, %mul3A_11] : memref<16x10240xf32, #tpu.memory_space<vmem_shared>> -> memref<1x640xf32, #tpu.memory_space<vmem_shared>>
      %dma_start3A_53 = tpu.memref_squeeze %dma_start3A_52 : memref<1x640xf32, #tpu.memory_space<vmem_shared>> -> memref<640xf32, #tpu.memory_space<vmem_shared>>
      %dma_start3A_54 = arith.constant 0 : i32
      %dma_start3A_55 = tpu.memref_slice %arg8[%run_scoped3A_20, %dma_start3A_54] : memref<16x640xf32, #tpu.memory_space<vmem>> -> memref<1x640xf32, #tpu.memory_space<vmem>>
      %dma_start3A_56 = tpu.memref_squeeze %dma_start3A_55 : memref<1x640xf32, #tpu.memory_space<vmem>> -> memref<640xf32, #tpu.memory_space<vmem>>
      %dma_start3A_57 = tpu.memref_slice %arg10[%run_scoped3A_19, %mul3A_11] : memref<16x10240xf32, #tpu.memory_space<vmem_shared>> -> memref<1x640xf32, #tpu.memory_space<vmem_shared>>
      %dma_start3A_58 = tpu.memref_squeeze %dma_start3A_57 : memref<1x640xf32, #tpu.memory_space<vmem_shared>> -> memref<640xf32, #tpu.memory_space<vmem_shared>>
      tpu.enqueue_dma source(%dma_start3A_58 : memref<640xf32, #tpu.memory_space<vmem_shared>>) target(%dma_start3A_56 : memref<640xf32, #tpu.memory_space<vmem>>) target_semaphore(%run_scoped3A_49 : memref<!tpu.dma_semaphore, #tpu.memory_space<semaphore_mem>>)
      %dma_wait3A = arith.constant 0 : i32
      %dma_wait3A_59 = tpu.memref_slice %arg8[%run_scoped3A_20, %dma_wait3A] : memref<16x640xf32, #tpu.memory_space<vmem>> -> memref<1x640xf32, #tpu.memory_space<vmem>>
      %dma_wait3A_60 = tpu.memref_squeeze %dma_wait3A_59 : memref<1x640xf32, #tpu.memory_space<vmem>> -> memref<640xf32, #tpu.memory_space<vmem>>
      %dma_wait3A_61 = tpu.memref_slice %arg10[%run_scoped3A_19, %mul3A_11] : memref<16x10240xf32, #tpu.memory_space<vmem_shared>> -> memref<1x640xf32, #tpu.memory_space<vmem_shared>>
      %dma_wait3A_62 = tpu.memref_squeeze %dma_wait3A_61 : memref<1x640xf32, #tpu.memory_space<vmem_shared>> -> memref<640xf32, #tpu.memory_space<vmem_shared>>
      %dma_wait3A_63 = arith.constant 0 : i32
      %dma_wait3A_64 = tpu.memref_slice %arg8[%run_scoped3A_20, %dma_wait3A_63] : memref<16x640xf32, #tpu.memory_space<vmem>> -> memref<1x640xf32, #tpu.memory_space<vmem>>
      %dma_wait3A_65 = tpu.memref_squeeze %dma_wait3A_64 : memref<1x640xf32, #tpu.memory_space<vmem>> -> memref<640xf32, #tpu.memory_space<vmem>>
      %dma_wait3A_66 = tpu.memref_slice %arg10[%run_scoped3A_19, %mul3A_11] : memref<16x10240xf32, #tpu.memory_space<vmem_shared>> -> memref<1x640xf32, #tpu.memory_space<vmem_shared>>
      %dma_wait3A_67 = tpu.memref_squeeze %dma_wait3A_66 : memref<1x640xf32, #tpu.memory_space<vmem_shared>> -> memref<640xf32, #tpu.memory_space<vmem_shared>>
      tpu.wait_dma2 semaphore(%run_scoped3A_49 : memref<!tpu.dma_semaphore, #tpu.memory_space<semaphore_mem>>) src(%dma_wait3A_67 : memref<640xf32, #tpu.memory_space<vmem_shared>>) dst(%dma_wait3A_65 : memref<640xf32, #tpu.memory_space<vmem>>)
      tpu.yield
    }) : () -> ()
    %run_scoped3A_21 = arith.constant 5 : i32
    %run_scoped3A_22 = arith.constant 5 : i32
    "tpu.region"() ({
      %run_scoped3A_49 = tpu.sem_alloc : memref<!tpu.dma_semaphore, #tpu.memory_space<semaphore_mem>>
      %dma_start3A = arith.constant 0 : i32
      %dma_start3A_50 = tpu.memref_slice %arg8[%run_scoped3A_22, %dma_start3A] : memref<16x640xf32, #tpu.memory_space<vmem>> -> memref<1x640xf32, #tpu.memory_space<vmem>>
      %dma_start3A_51 = tpu.memref_squeeze %dma_start3A_50 : memref<1x640xf32, #tpu.memory_space<vmem>> -> memref<640xf32, #tpu.memory_space<vmem>>
      %dma_start3A_52 = tpu.memref_slice %arg10[%run_scoped3A_21, %mul3A_11] : memref<16x10240xf32, #tpu.memory_space<vmem_shared>> -> memref<1x640xf32, #tpu.memory_space<vmem_shared>>
      %dma_start3A_53 = tpu.memref_squeeze %dma_start3A_52 : memref<1x640xf32, #tpu.memory_space<vmem_shared>> -> memref<640xf32, #tpu.memory_space<vmem_shared>>
      %dma_start3A_54 = arith.constant 0 : i32
      %dma_start3A_55 = tpu.memref_slice %arg8[%run_scoped3A_22, %dma_start3A_54] : memref<16x640xf32, #tpu.memory_space<vmem>> -> memref<1x640xf32, #tpu.memory_space<vmem>>
      %dma_start3A_56 = tpu.memref_squeeze %dma_start3A_55 : memref<1x640xf32, #tpu.memory_space<vmem>> -> memref<640xf32, #tpu.memory_space<vmem>>
      %dma_start3A_57 = tpu.memref_slice %arg10[%run_scoped3A_21, %mul3A_11] : memref<16x10240xf32, #tpu.memory_space<vmem_shared>> -> memref<1x640xf32, #tpu.memory_space<vmem_shared>>
      %dma_start3A_58 = tpu.memref_squeeze %dma_start3A_57 : memref<1x640xf32, #tpu.memory_space<vmem_shared>> -> memref<640xf32, #tpu.memory_space<vmem_shared>>
      tpu.enqueue_dma source(%dma_start3A_58 : memref<640xf32, #tpu.memory_space<vmem_shared>>) target(%dma_start3A_56 : memref<640xf32, #tpu.memory_space<vmem>>) target_semaphore(%run_scoped3A_49 : memref<!tpu.dma_semaphore, #tpu.memory_space<semaphore_mem>>)
      %dma_wait3A = arith.constant 0 : i32
      %dma_wait3A_59 = tpu.memref_slice %arg8[%run_scoped3A_22, %dma_wait3A] : memref<16x640xf32, #tpu.memory_space<vmem>> -> memref<1x640xf32, #tpu.memory_space<vmem>>
      %dma_wait3A_60 = tpu.memref_squeeze %dma_wait3A_59 : memref<1x640xf32, #tpu.memory_space<vmem>> -> memref<640xf32, #tpu.memory_space<vmem>>
      %dma_wait3A_61 = tpu.memref_slice %arg10[%run_scoped3A_21, %mul3A_11] : memref<16x10240xf32, #tpu.memory_space<vmem_shared>> -> memref<1x640xf32, #tpu.memory_space<vmem_shared>>
      %dma_wait3A_62 = tpu.memref_squeeze %dma_wait3A_61 : memref<1x640xf32, #tpu.memory_space<vmem_shared>> -> memref<640xf32, #tpu.memory_space<vmem_shared>>
      %dma_wait3A_63 = arith.constant 0 : i32
      %dma_wait3A_64 = tpu.memref_slice %arg8[%run_scoped3A_22, %dma_wait3A_63] : memref<16x640xf32, #tpu.memory_space<vmem>> -> memref<1x640xf32, #tpu.memory_space<vmem>>
      %dma_wait3A_65 = tpu.memref_squeeze %dma_wait3A_64 : memref<1x640xf32, #tpu.memory_space<vmem>> -> memref<640xf32, #tpu.memory_space<vmem>>
      %dma_wait3A_66 = tpu.memref_slice %arg10[%run_scoped3A_21, %mul3A_11] : memref<16x10240xf32, #tpu.memory_space<vmem_shared>> -> memref<1x640xf32, #tpu.memory_space<vmem_shared>>
      %dma_wait3A_67 = tpu.memref_squeeze %dma_wait3A_66 : memref<1x640xf32, #tpu.memory_space<vmem_shared>> -> memref<640xf32, #tpu.memory_space<vmem_shared>>
      tpu.wait_dma2 semaphore(%run_scoped3A_49 : memref<!tpu.dma_semaphore, #tpu.memory_space<semaphore_mem>>) src(%dma_wait3A_67 : memref<640xf32, #tpu.memory_space<vmem_shared>>) dst(%dma_wait3A_65 : memref<640xf32, #tpu.memory_space<vmem>>)
      tpu.yield
    }) : () -> ()
    %run_scoped3A_23 = arith.constant 6 : i32
    %run_scoped3A_24 = arith.constant 6 : i32
    "tpu.region"() ({
      %run_scoped3A_49 = tpu.sem_alloc : memref<!tpu.dma_semaphore, #tpu.memory_space<semaphore_mem>>
      %dma_start3A = arith.constant 0 : i32
      %dma_start3A_50 = tpu.memref_slice %arg8[%run_scoped3A_24, %dma_start3A] : memref<16x640xf32, #tpu.memory_space<vmem>> -> memref<1x640xf32, #tpu.memory_space<vmem>>
      %dma_start3A_51 = tpu.memref_squeeze %dma_start3A_50 : memref<1x640xf32, #tpu.memory_space<vmem>> -> memref<640xf32, #tpu.memory_space<vmem>>
      %dma_start3A_52 = tpu.memref_slice %arg10[%run_scoped3A_23, %mul3A_11] : memref<16x10240xf32, #tpu.memory_space<vmem_shared>> -> memref<1x640xf32, #tpu.memory_space<vmem_shared>>
      %dma_start3A_53 = tpu.memref_squeeze %dma_start3A_52 : memref<1x640xf32, #tpu.memory_space<vmem_shared>> -> memref<640xf32, #tpu.memory_space<vmem_shared>>
      %dma_start3A_54 = arith.constant 0 : i32
      %dma_start3A_55 = tpu.memref_slice %arg8[%run_scoped3A_24, %dma_start3A_54] : memref<16x640xf32, #tpu.memory_space<vmem>> -> memref<1x640xf32, #tpu.memory_space<vmem>>
      %dma_start3A_56 = tpu.memref_squeeze %dma_start3A_55 : memref<1x640xf32, #tpu.memory_space<vmem>> -> memref<640xf32, #tpu.memory_space<vmem>>
      %dma_start3A_57 = tpu.memref_slice %arg10[%run_scoped3A_23, %mul3A_11] : memref<16x10240xf32, #tpu.memory_space<vmem_shared>> -> memref<1x640xf32, #tpu.memory_space<vmem_shared>>
      %dma_start3A_58 = tpu.memref_squeeze %dma_start3A_57 : memref<1x640xf32, #tpu.memory_space<vmem_shared>> -> memref<640xf32, #tpu.memory_space<vmem_shared>>
      tpu.enqueue_dma source(%dma_start3A_58 : memref<640xf32, #tpu.memory_space<vmem_shared>>) target(%dma_start3A_56 : memref<640xf32, #tpu.memory_space<vmem>>) target_semaphore(%run_scoped3A_49 : memref<!tpu.dma_semaphore, #tpu.memory_space<semaphore_mem>>)
      %dma_wait3A = arith.constant 0 : i32
      %dma_wait3A_59 = tpu.memref_slice %arg8[%run_scoped3A_24, %dma_wait3A] : memref<16x640xf32, #tpu.memory_space<vmem>> -> memref<1x640xf32, #tpu.memory_space<vmem>>
      %dma_wait3A_60 = tpu.memref_squeeze %dma_wait3A_59 : memref<1x640xf32, #tpu.memory_space<vmem>> -> memref<640xf32, #tpu.memory_space<vmem>>
      %dma_wait3A_61 = tpu.memref_slice %arg10[%run_scoped3A_23, %mul3A_11] : memref<16x10240xf32, #tpu.memory_space<vmem_shared>> -> memref<1x640xf32, #tpu.memory_space<vmem_shared>>
      %dma_wait3A_62 = tpu.memref_squeeze %dma_wait3A_61 : memref<1x640xf32, #tpu.memory_space<vmem_shared>> -> memref<640xf32, #tpu.memory_space<vmem_shared>>
      %dma_wait3A_63 = arith.constant 0 : i32
      %dma_wait3A_64 = tpu.memref_slice %arg8[%run_scoped3A_24, %dma_wait3A_63] : memref<16x640xf32, #tpu.memory_space<vmem>> -> memref<1x640xf32, #tpu.memory_space<vmem>>
      %dma_wait3A_65 = tpu.memref_squeeze %dma_wait3A_64 : memref<1x640xf32, #tpu.memory_space<vmem>> -> memref<640xf32, #tpu.memory_space<vmem>>
      %dma_wait3A_66 = tpu.memref_slice %arg10[%run_scoped3A_23, %mul3A_11] : memref<16x10240xf32, #tpu.memory_space<vmem_shared>> -> memref<1x640xf32, #tpu.memory_space<vmem_shared>>
      %dma_wait3A_67 = tpu.memref_squeeze %dma_wait3A_66 : memref<1x640xf32, #tpu.memory_space<vmem_shared>> -> memref<640xf32, #tpu.memory_space<vmem_shared>>
      tpu.wait_dma2 semaphore(%run_scoped3A_49 : memref<!tpu.dma_semaphore, #tpu.memory_space<semaphore_mem>>) src(%dma_wait3A_67 : memref<640xf32, #tpu.memory_space<vmem_shared>>) dst(%dma_wait3A_65 : memref<640xf32, #tpu.memory_space<vmem>>)
      tpu.yield
    }) : () -> ()
    %run_scoped3A_25 = arith.constant 7 : i32
    %run_scoped3A_26 = arith.constant 7 : i32
    "tpu.region"() ({
      %run_scoped3A_49 = tpu.sem_alloc : memref<!tpu.dma_semaphore, #tpu.memory_space<semaphore_mem>>
      %dma_start3A = arith.constant 0 : i32
      %dma_start3A_50 = tpu.memref_slice %arg8[%run_scoped3A_26, %dma_start3A] : memref<16x640xf32, #tpu.memory_space<vmem>> -> memref<1x640xf32, #tpu.memory_space<vmem>>
      %dma_start3A_51 = tpu.memref_squeeze %dma_start3A_50 : memref<1x640xf32, #tpu.memory_space<vmem>> -> memref<640xf32, #tpu.memory_space<vmem>>
      %dma_start3A_52 = tpu.memref_slice %arg10[%run_scoped3A_25, %mul3A_11] : memref<16x10240xf32, #tpu.memory_space<vmem_shared>> -> memref<1x640xf32, #tpu.memory_space<vmem_shared>>
      %dma_start3A_53 = tpu.memref_squeeze %dma_start3A_52 : memref<1x640xf32, #tpu.memory_space<vmem_shared>> -> memref<640xf32, #tpu.memory_space<vmem_shared>>
      %dma_start3A_54 = arith.constant 0 : i32
      %dma_start3A_55 = tpu.memref_slice %arg8[%run_scoped3A_26, %dma_start3A_54] : memref<16x640xf32, #tpu.memory_space<vmem>> -> memref<1x640xf32, #tpu.memory_space<vmem>>
      %dma_start3A_56 = tpu.memref_squeeze %dma_start3A_55 : memref<1x640xf32, #tpu.memory_space<vmem>> -> memref<640xf32, #tpu.memory_space<vmem>>
      %dma_start3A_57 = tpu.memref_slice %arg10[%run_scoped3A_25, %mul3A_11] : memref<16x10240xf32, #tpu.memory_space<vmem_shared>> -> memref<1x640xf32, #tpu.memory_space<vmem_shared>>
      %dma_start3A_58 = tpu.memref_squeeze %dma_start3A_57 : memref<1x640xf32, #tpu.memory_space<vmem_shared>> -> memref<640xf32, #tpu.memory_space<vmem_shared>>
      tpu.enqueue_dma source(%dma_start3A_58 : memref<640xf32, #tpu.memory_space<vmem_shared>>) target(%dma_start3A_56 : memref<640xf32, #tpu.memory_space<vmem>>) target_semaphore(%run_scoped3A_49 : memref<!tpu.dma_semaphore, #tpu.memory_space<semaphore_mem>>)
      %dma_wait3A = arith.constant 0 : i32
      %dma_wait3A_59 = tpu.memref_slice %arg8[%run_scoped3A_26, %dma_wait3A] : memref<16x640xf32, #tpu.memory_space<vmem>> -> memref<1x640xf32, #tpu.memory_space<vmem>>
      %dma_wait3A_60 = tpu.memref_squeeze %dma_wait3A_59 : memref<1x640xf32, #tpu.memory_space<vmem>> -> memref<640xf32, #tpu.memory_space<vmem>>
      %dma_wait3A_61 = tpu.memref_slice %arg10[%run_scoped3A_25, %mul3A_11] : memref<16x10240xf32, #tpu.memory_space<vmem_shared>> -> memref<1x640xf32, #tpu.memory_space<vmem_shared>>
      %dma_wait3A_62 = tpu.memref_squeeze %dma_wait3A_61 : memref<1x640xf32, #tpu.memory_space<vmem_shared>> -> memref<640xf32, #tpu.memory_space<vmem_shared>>
      %dma_wait3A_63 = arith.constant 0 : i32
      %dma_wait3A_64 = tpu.memref_slice %arg8[%run_scoped3A_26, %dma_wait3A_63] : memref<16x640xf32, #tpu.memory_space<vmem>> -> memref<1x640xf32, #tpu.memory_space<vmem>>
      %dma_wait3A_65 = tpu.memref_squeeze %dma_wait3A_64 : memref<1x640xf32, #tpu.memory_space<vmem>> -> memref<640xf32, #tpu.memory_space<vmem>>
      %dma_wait3A_66 = tpu.memref_slice %arg10[%run_scoped3A_25, %mul3A_11] : memref<16x10240xf32, #tpu.memory_space<vmem_shared>> -> memref<1x640xf32, #tpu.memory_space<vmem_shared>>
      %dma_wait3A_67 = tpu.memref_squeeze %dma_wait3A_66 : memref<1x640xf32, #tpu.memory_space<vmem_shared>> -> memref<640xf32, #tpu.memory_space<vmem_shared>>
      tpu.wait_dma2 semaphore(%run_scoped3A_49 : memref<!tpu.dma_semaphore, #tpu.memory_space<semaphore_mem>>) src(%dma_wait3A_67 : memref<640xf32, #tpu.memory_space<vmem_shared>>) dst(%dma_wait3A_65 : memref<640xf32, #tpu.memory_space<vmem>>)
      tpu.yield
    }) : () -> ()
    %run_scoped3A_27 = arith.constant 8 : i32
    %run_scoped3A_28 = arith.constant 8 : i32
    "tpu.region"() ({
      %run_scoped3A_49 = tpu.sem_alloc : memref<!tpu.dma_semaphore, #tpu.memory_space<semaphore_mem>>
      %dma_start3A = arith.constant 0 : i32
      %dma_start3A_50 = tpu.memref_slice %arg8[%run_scoped3A_28, %dma_start3A] : memref<16x640xf32, #tpu.memory_space<vmem>> -> memref<1x640xf32, #tpu.memory_space<vmem>>
      %dma_start3A_51 = tpu.memref_squeeze %dma_start3A_50 : memref<1x640xf32, #tpu.memory_space<vmem>> -> memref<640xf32, #tpu.memory_space<vmem>>
      %dma_start3A_52 = tpu.memref_slice %arg10[%run_scoped3A_27, %mul3A_11] : memref<16x10240xf32, #tpu.memory_space<vmem_shared>> -> memref<1x640xf32, #tpu.memory_space<vmem_shared>>
      %dma_start3A_53 = tpu.memref_squeeze %dma_start3A_52 : memref<1x640xf32, #tpu.memory_space<vmem_shared>> -> memref<640xf32, #tpu.memory_space<vmem_shared>>
      %dma_start3A_54 = arith.constant 0 : i32
      %dma_start3A_55 = tpu.memref_slice %arg8[%run_scoped3A_28, %dma_start3A_54] : memref<16x640xf32, #tpu.memory_space<vmem>> -> memref<1x640xf32, #tpu.memory_space<vmem>>
      %dma_start3A_56 = tpu.memref_squeeze %dma_start3A_55 : memref<1x640xf32, #tpu.memory_space<vmem>> -> memref<640xf32, #tpu.memory_space<vmem>>
      %dma_start3A_57 = tpu.memref_slice %arg10[%run_scoped3A_27, %mul3A_11] : memref<16x10240xf32, #tpu.memory_space<vmem_shared>> -> memref<1x640xf32, #tpu.memory_space<vmem_shared>>
      %dma_start3A_58 = tpu.memref_squeeze %dma_start3A_57 : memref<1x640xf32, #tpu.memory_space<vmem_shared>> -> memref<640xf32, #tpu.memory_space<vmem_shared>>
      tpu.enqueue_dma source(%dma_start3A_58 : memref<640xf32, #tpu.memory_space<vmem_shared>>) target(%dma_start3A_56 : memref<640xf32, #tpu.memory_space<vmem>>) target_semaphore(%run_scoped3A_49 : memref<!tpu.dma_semaphore, #tpu.memory_space<semaphore_mem>>)
      %dma_wait3A = arith.constant 0 : i32
      %dma_wait3A_59 = tpu.memref_slice %arg8[%run_scoped3A_28, %dma_wait3A] : memref<16x640xf32, #tpu.memory_space<vmem>> -> memref<1x640xf32, #tpu.memory_space<vmem>>
      %dma_wait3A_60 = tpu.memref_squeeze %dma_wait3A_59 : memref<1x640xf32, #tpu.memory_space<vmem>> -> memref<640xf32, #tpu.memory_space<vmem>>
      %dma_wait3A_61 = tpu.memref_slice %arg10[%run_scoped3A_27, %mul3A_11] : memref<16x10240xf32, #tpu.memory_space<vmem_shared>> -> memref<1x640xf32, #tpu.memory_space<vmem_shared>>
      %dma_wait3A_62 = tpu.memref_squeeze %dma_wait3A_61 : memref<1x640xf32, #tpu.memory_space<vmem_shared>> -> memref<640xf32, #tpu.memory_space<vmem_shared>>
      %dma_wait3A_63 = arith.constant 0 : i32
      %dma_wait3A_64 = tpu.memref_slice %arg8[%run_scoped3A_28, %dma_wait3A_63] : memref<16x640xf32, #tpu.memory_space<vmem>> -> memref<1x640xf32, #tpu.memory_space<vmem>>
      %dma_wait3A_65 = tpu.memref_squeeze %dma_wait3A_64 : memref<1x640xf32, #tpu.memory_space<vmem>> -> memref<640xf32, #tpu.memory_space<vmem>>
      %dma_wait3A_66 = tpu.memref_slice %arg10[%run_scoped3A_27, %mul3A_11] : memref<16x10240xf32, #tpu.memory_space<vmem_shared>> -> memref<1x640xf32, #tpu.memory_space<vmem_shared>>
      %dma_wait3A_67 = tpu.memref_squeeze %dma_wait3A_66 : memref<1x640xf32, #tpu.memory_space<vmem_shared>> -> memref<640xf32, #tpu.memory_space<vmem_shared>>
      tpu.wait_dma2 semaphore(%run_scoped3A_49 : memref<!tpu.dma_semaphore, #tpu.memory_space<semaphore_mem>>) src(%dma_wait3A_67 : memref<640xf32, #tpu.memory_space<vmem_shared>>) dst(%dma_wait3A_65 : memref<640xf32, #tpu.memory_space<vmem>>)
      tpu.yield
    }) : () -> ()
    %run_scoped3A_29 = arith.constant 9 : i32
    %run_scoped3A_30 = arith.constant 9 : i32
    "tpu.region"() ({
      %run_scoped3A_49 = tpu.sem_alloc : memref<!tpu.dma_semaphore, #tpu.memory_space<semaphore_mem>>
      %dma_start3A = arith.constant 0 : i32
      %dma_start3A_50 = tpu.memref_slice %arg8[%run_scoped3A_30, %dma_start3A] : memref<16x640xf32, #tpu.memory_space<vmem>> -> memref<1x640xf32, #tpu.memory_space<vmem>>
      %dma_start3A_51 = tpu.memref_squeeze %dma_start3A_50 : memref<1x640xf32, #tpu.memory_space<vmem>> -> memref<640xf32, #tpu.memory_space<vmem>>
      %dma_start3A_52 = tpu.memref_slice %arg10[%run_scoped3A_29, %mul3A_11] : memref<16x10240xf32, #tpu.memory_space<vmem_shared>> -> memref<1x640xf32, #tpu.memory_space<vmem_shared>>
      %dma_start3A_53 = tpu.memref_squeeze %dma_start3A_52 : memref<1x640xf32, #tpu.memory_space<vmem_shared>> -> memref<640xf32, #tpu.memory_space<vmem_shared>>
      %dma_start3A_54 = arith.constant 0 : i32
      %dma_start3A_55 = tpu.memref_slice %arg8[%run_scoped3A_30, %dma_start3A_54] : memref<16x640xf32, #tpu.memory_space<vmem>> -> memref<1x640xf32, #tpu.memory_space<vmem>>
      %dma_start3A_56 = tpu.memref_squeeze %dma_start3A_55 : memref<1x640xf32, #tpu.memory_space<vmem>> -> memref<640xf32, #tpu.memory_space<vmem>>
      %dma_start3A_57 = tpu.memref_slice %arg10[%run_scoped3A_29, %mul3A_11] : memref<16x10240xf32, #tpu.memory_space<vmem_shared>> -> memref<1x640xf32, #tpu.memory_space<vmem_shared>>
      %dma_start3A_58 = tpu.memref_squeeze %dma_start3A_57 : memref<1x640xf32, #tpu.memory_space<vmem_shared>> -> memref<640xf32, #tpu.memory_space<vmem_shared>>
      tpu.enqueue_dma source(%dma_start3A_58 : memref<640xf32, #tpu.memory_space<vmem_shared>>) target(%dma_start3A_56 : memref<640xf32, #tpu.memory_space<vmem>>) target_semaphore(%run_scoped3A_49 : memref<!tpu.dma_semaphore, #tpu.memory_space<semaphore_mem>>)
      %dma_wait3A = arith.constant 0 : i32
      %dma_wait3A_59 = tpu.memref_slice %arg8[%run_scoped3A_30, %dma_wait3A] : memref<16x640xf32, #tpu.memory_space<vmem>> -> memref<1x640xf32, #tpu.memory_space<vmem>>
      %dma_wait3A_60 = tpu.memref_squeeze %dma_wait3A_59 : memref<1x640xf32, #tpu.memory_space<vmem>> -> memref<640xf32, #tpu.memory_space<vmem>>
      %dma_wait3A_61 = tpu.memref_slice %arg10[%run_scoped3A_29, %mul3A_11] : memref<16x10240xf32, #tpu.memory_space<vmem_shared>> -> memref<1x640xf32, #tpu.memory_space<vmem_shared>>
      %dma_wait3A_62 = tpu.memref_squeeze %dma_wait3A_61 : memref<1x640xf32, #tpu.memory_space<vmem_shared>> -> memref<640xf32, #tpu.memory_space<vmem_shared>>
      %dma_wait3A_63 = arith.constant 0 : i32
      %dma_wait3A_64 = tpu.memref_slice %arg8[%run_scoped3A_30, %dma_wait3A_63] : memref<16x640xf32, #tpu.memory_space<vmem>> -> memref<1x640xf32, #tpu.memory_space<vmem>>
      %dma_wait3A_65 = tpu.memref_squeeze %dma_wait3A_64 : memref<1x640xf32, #tpu.memory_space<vmem>> -> memref<640xf32, #tpu.memory_space<vmem>>
      %dma_wait3A_66 = tpu.memref_slice %arg10[%run_scoped3A_29, %mul3A_11] : memref<16x10240xf32, #tpu.memory_space<vmem_shared>> -> memref<1x640xf32, #tpu.memory_space<vmem_shared>>
      %dma_wait3A_67 = tpu.memref_squeeze %dma_wait3A_66 : memref<1x640xf32, #tpu.memory_space<vmem_shared>> -> memref<640xf32, #tpu.memory_space<vmem_shared>>
      tpu.wait_dma2 semaphore(%run_scoped3A_49 : memref<!tpu.dma_semaphore, #tpu.memory_space<semaphore_mem>>) src(%dma_wait3A_67 : memref<640xf32, #tpu.memory_space<vmem_shared>>) dst(%dma_wait3A_65 : memref<640xf32, #tpu.memory_space<vmem>>)
      tpu.yield
    }) : () -> ()
    %run_scoped3A_31 = arith.constant 10 : i32
    %run_scoped3A_32 = arith.constant 10 : i32
    "tpu.region"() ({
      %run_scoped3A_49 = tpu.sem_alloc : memref<!tpu.dma_semaphore, #tpu.memory_space<semaphore_mem>>
      %dma_start3A = arith.constant 0 : i32
      %dma_start3A_50 = tpu.memref_slice %arg8[%run_scoped3A_32, %dma_start3A] : memref<16x640xf32, #tpu.memory_space<vmem>> -> memref<1x640xf32, #tpu.memory_space<vmem>>
      %dma_start3A_51 = tpu.memref_squeeze %dma_start3A_50 : memref<1x640xf32, #tpu.memory_space<vmem>> -> memref<640xf32, #tpu.memory_space<vmem>>
      %dma_start3A_52 = tpu.memref_slice %arg10[%run_scoped3A_31, %mul3A_11] : memref<16x10240xf32, #tpu.memory_space<vmem_shared>> -> memref<1x640xf32, #tpu.memory_space<vmem_shared>>
      %dma_start3A_53 = tpu.memref_squeeze %dma_start3A_52 : memref<1x640xf32, #tpu.memory_space<vmem_shared>> -> memref<640xf32, #tpu.memory_space<vmem_shared>>
      %dma_start3A_54 = arith.constant 0 : i32
      %dma_start3A_55 = tpu.memref_slice %arg8[%run_scoped3A_32, %dma_start3A_54] : memref<16x640xf32, #tpu.memory_space<vmem>> -> memref<1x640xf32, #tpu.memory_space<vmem>>
      %dma_start3A_56 = tpu.memref_squeeze %dma_start3A_55 : memref<1x640xf32, #tpu.memory_space<vmem>> -> memref<640xf32, #tpu.memory_space<vmem>>
      %dma_start3A_57 = tpu.memref_slice %arg10[%run_scoped3A_31, %mul3A_11] : memref<16x10240xf32, #tpu.memory_space<vmem_shared>> -> memref<1x640xf32, #tpu.memory_space<vmem_shared>>
      %dma_start3A_58 = tpu.memref_squeeze %dma_start3A_57 : memref<1x640xf32, #tpu.memory_space<vmem_shared>> -> memref<640xf32, #tpu.memory_space<vmem_shared>>
      tpu.enqueue_dma source(%dma_start3A_58 : memref<640xf32, #tpu.memory_space<vmem_shared>>) target(%dma_start3A_56 : memref<640xf32, #tpu.memory_space<vmem>>) target_semaphore(%run_scoped3A_49 : memref<!tpu.dma_semaphore, #tpu.memory_space<semaphore_mem>>)
      %dma_wait3A = arith.constant 0 : i32
      %dma_wait3A_59 = tpu.memref_slice %arg8[%run_scoped3A_32, %dma_wait3A] : memref<16x640xf32, #tpu.memory_space<vmem>> -> memref<1x640xf32, #tpu.memory_space<vmem>>
      %dma_wait3A_60 = tpu.memref_squeeze %dma_wait3A_59 : memref<1x640xf32, #tpu.memory_space<vmem>> -> memref<640xf32, #tpu.memory_space<vmem>>
      %dma_wait3A_61 = tpu.memref_slice %arg10[%run_scoped3A_31, %mul3A_11] : memref<16x10240xf32, #tpu.memory_space<vmem_shared>> -> memref<1x640xf32, #tpu.memory_space<vmem_shared>>
      %dma_wait3A_62 = tpu.memref_squeeze %dma_wait3A_61 : memref<1x640xf32, #tpu.memory_space<vmem_shared>> -> memref<640xf32, #tpu.memory_space<vmem_shared>>
      %dma_wait3A_63 = arith.constant 0 : i32
      %dma_wait3A_64 = tpu.memref_slice %arg8[%run_scoped3A_32, %dma_wait3A_63] : memref<16x640xf32, #tpu.memory_space<vmem>> -> memref<1x640xf32, #tpu.memory_space<vmem>>
      %dma_wait3A_65 = tpu.memref_squeeze %dma_wait3A_64 : memref<1x640xf32, #tpu.memory_space<vmem>> -> memref<640xf32, #tpu.memory_space<vmem>>
      %dma_wait3A_66 = tpu.memref_slice %arg10[%run_scoped3A_31, %mul3A_11] : memref<16x10240xf32, #tpu.memory_space<vmem_shared>> -> memref<1x640xf32, #tpu.memory_space<vmem_shared>>
      %dma_wait3A_67 = tpu.memref_squeeze %dma_wait3A_66 : memref<1x640xf32, #tpu.memory_space<vmem_shared>> -> memref<640xf32, #tpu.memory_space<vmem_shared>>
      tpu.wait_dma2 semaphore(%run_scoped3A_49 : memref<!tpu.dma_semaphore, #tpu.memory_space<semaphore_mem>>) src(%dma_wait3A_67 : memref<640xf32, #tpu.memory_space<vmem_shared>>) dst(%dma_wait3A_65 : memref<640xf32, #tpu.memory_space<vmem>>)
      tpu.yield
    }) : () -> ()
    %run_scoped3A_33 = arith.constant 11 : i32
    %run_scoped3A_34 = arith.constant 11 : i32
    "tpu.region"() ({
      %run_scoped3A_49 = tpu.sem_alloc : memref<!tpu.dma_semaphore, #tpu.memory_space<semaphore_mem>>
      %dma_start3A = arith.constant 0 : i32
      %dma_start3A_50 = tpu.memref_slice %arg8[%run_scoped3A_34, %dma_start3A] : memref<16x640xf32, #tpu.memory_space<vmem>> -> memref<1x640xf32, #tpu.memory_space<vmem>>
      %dma_start3A_51 = tpu.memref_squeeze %dma_start3A_50 : memref<1x640xf32, #tpu.memory_space<vmem>> -> memref<640xf32, #tpu.memory_space<vmem>>
      %dma_start3A_52 = tpu.memref_slice %arg10[%run_scoped3A_33, %mul3A_11] : memref<16x10240xf32, #tpu.memory_space<vmem_shared>> -> memref<1x640xf32, #tpu.memory_space<vmem_shared>>
      %dma_start3A_53 = tpu.memref_squeeze %dma_start3A_52 : memref<1x640xf32, #tpu.memory_space<vmem_shared>> -> memref<640xf32, #tpu.memory_space<vmem_shared>>
      %dma_start3A_54 = arith.constant 0 : i32
      %dma_start3A_55 = tpu.memref_slice %arg8[%run_scoped3A_34, %dma_start3A_54] : memref<16x640xf32, #tpu.memory_space<vmem>> -> memref<1x640xf32, #tpu.memory_space<vmem>>
      %dma_start3A_56 = tpu.memref_squeeze %dma_start3A_55 : memref<1x640xf32, #tpu.memory_space<vmem>> -> memref<640xf32, #tpu.memory_space<vmem>>
      %dma_start3A_57 = tpu.memref_slice %arg10[%run_scoped3A_33, %mul3A_11] : memref<16x10240xf32, #tpu.memory_space<vmem_shared>> -> memref<1x640xf32, #tpu.memory_space<vmem_shared>>
      %dma_start3A_58 = tpu.memref_squeeze %dma_start3A_57 : memref<1x640xf32, #tpu.memory_space<vmem_shared>> -> memref<640xf32, #tpu.memory_space<vmem_shared>>
      tpu.enqueue_dma source(%dma_start3A_58 : memref<640xf32, #tpu.memory_space<vmem_shared>>) target(%dma_start3A_56 : memref<640xf32, #tpu.memory_space<vmem>>) target_semaphore(%run_scoped3A_49 : memref<!tpu.dma_semaphore, #tpu.memory_space<semaphore_mem>>)
      %dma_wait3A = arith.constant 0 : i32
      %dma_wait3A_59 = tpu.memref_slice %arg8[%run_scoped3A_34, %dma_wait3A] : memref<16x640xf32, #tpu.memory_space<vmem>> -> memref<1x640xf32, #tpu.memory_space<vmem>>
      %dma_wait3A_60 = tpu.memref_squeeze %dma_wait3A_59 : memref<1x640xf32, #tpu.memory_space<vmem>> -> memref<640xf32, #tpu.memory_space<vmem>>
      %dma_wait3A_61 = tpu.memref_slice %arg10[%run_scoped3A_33, %mul3A_11] : memref<16x10240xf32, #tpu.memory_space<vmem_shared>> -> memref<1x640xf32, #tpu.memory_space<vmem_shared>>
      %dma_wait3A_62 = tpu.memref_squeeze %dma_wait3A_61 : memref<1x640xf32, #tpu.memory_space<vmem_shared>> -> memref<640xf32, #tpu.memory_space<vmem_shared>>
      %dma_wait3A_63 = arith.constant 0 : i32
      %dma_wait3A_64 = tpu.memref_slice %arg8[%run_scoped3A_34, %dma_wait3A_63] : memref<16x640xf32, #tpu.memory_space<vmem>> -> memref<1x640xf32, #tpu.memory_space<vmem>>
      %dma_wait3A_65 = tpu.memref_squeeze %dma_wait3A_64 : memref<1x640xf32, #tpu.memory_space<vmem>> -> memref<640xf32, #tpu.memory_space<vmem>>
      %dma_wait3A_66 = tpu.memref_slice %arg10[%run_scoped3A_33, %mul3A_11] : memref<16x10240xf32, #tpu.memory_space<vmem_shared>> -> memref<1x640xf32, #tpu.memory_space<vmem_shared>>
      %dma_wait3A_67 = tpu.memref_squeeze %dma_wait3A_66 : memref<1x640xf32, #tpu.memory_space<vmem_shared>> -> memref<640xf32, #tpu.memory_space<vmem_shared>>
      tpu.wait_dma2 semaphore(%run_scoped3A_49 : memref<!tpu.dma_semaphore, #tpu.memory_space<semaphore_mem>>) src(%dma_wait3A_67 : memref<640xf32, #tpu.memory_space<vmem_shared>>) dst(%dma_wait3A_65 : memref<640xf32, #tpu.memory_space<vmem>>)
      tpu.yield
    }) : () -> ()
    %run_scoped3A_35 = arith.constant 12 : i32
    %run_scoped3A_36 = arith.constant 12 : i32
    "tpu.region"() ({
      %run_scoped3A_49 = tpu.sem_alloc : memref<!tpu.dma_semaphore, #tpu.memory_space<semaphore_mem>>
      %dma_start3A = arith.constant 0 : i32
      %dma_start3A_50 = tpu.memref_slice %arg8[%run_scoped3A_36, %dma_start3A] : memref<16x640xf32, #tpu.memory_space<vmem>> -> memref<1x640xf32, #tpu.memory_space<vmem>>
      %dma_start3A_51 = tpu.memref_squeeze %dma_start3A_50 : memref<1x640xf32, #tpu.memory_space<vmem>> -> memref<640xf32, #tpu.memory_space<vmem>>
      %dma_start3A_52 = tpu.memref_slice %arg10[%run_scoped3A_35, %mul3A_11] : memref<16x10240xf32, #tpu.memory_space<vmem_shared>> -> memref<1x640xf32, #tpu.memory_space<vmem_shared>>
      %dma_start3A_53 = tpu.memref_squeeze %dma_start3A_52 : memref<1x640xf32, #tpu.memory_space<vmem_shared>> -> memref<640xf32, #tpu.memory_space<vmem_shared>>
      %dma_start3A_54 = arith.constant 0 : i32
      %dma_start3A_55 = tpu.memref_slice %arg8[%run_scoped3A_36, %dma_start3A_54] : memref<16x640xf32, #tpu.memory_space<vmem>> -> memref<1x640xf32, #tpu.memory_space<vmem>>
      %dma_start3A_56 = tpu.memref_squeeze %dma_start3A_55 : memref<1x640xf32, #tpu.memory_space<vmem>> -> memref<640xf32, #tpu.memory_space<vmem>>
      %dma_start3A_57 = tpu.memref_slice %arg10[%run_scoped3A_35, %mul3A_11] : memref<16x10240xf32, #tpu.memory_space<vmem_shared>> -> memref<1x640xf32, #tpu.memory_space<vmem_shared>>
      %dma_start3A_58 = tpu.memref_squeeze %dma_start3A_57 : memref<1x640xf32, #tpu.memory_space<vmem_shared>> -> memref<640xf32, #tpu.memory_space<vmem_shared>>
      tpu.enqueue_dma source(%dma_start3A_58 : memref<640xf32, #tpu.memory_space<vmem_shared>>) target(%dma_start3A_56 : memref<640xf32, #tpu.memory_space<vmem>>) target_semaphore(%run_scoped3A_49 : memref<!tpu.dma_semaphore, #tpu.memory_space<semaphore_mem>>)
      %dma_wait3A = arith.constant 0 : i32
      %dma_wait3A_59 = tpu.memref_slice %arg8[%run_scoped3A_36, %dma_wait3A] : memref<16x640xf32, #tpu.memory_space<vmem>> -> memref<1x640xf32, #tpu.memory_space<vmem>>
      %dma_wait3A_60 = tpu.memref_squeeze %dma_wait3A_59 : memref<1x640xf32, #tpu.memory_space<vmem>> -> memref<640xf32, #tpu.memory_space<vmem>>
      %dma_wait3A_61 = tpu.memref_slice %arg10[%run_scoped3A_35, %mul3A_11] : memref<16x10240xf32, #tpu.memory_space<vmem_shared>> -> memref<1x640xf32, #tpu.memory_space<vmem_shared>>
      %dma_wait3A_62 = tpu.memref_squeeze %dma_wait3A_61 : memref<1x640xf32, #tpu.memory_space<vmem_shared>> -> memref<640xf32, #tpu.memory_space<vmem_shared>>
      %dma_wait3A_63 = arith.constant 0 : i32
      %dma_wait3A_64 = tpu.memref_slice %arg8[%run_scoped3A_36, %dma_wait3A_63] : memref<16x640xf32, #tpu.memory_space<vmem>> -> memref<1x640xf32, #tpu.memory_space<vmem>>
      %dma_wait3A_65 = tpu.memref_squeeze %dma_wait3A_64 : memref<1x640xf32, #tpu.memory_space<vmem>> -> memref<640xf32, #tpu.memory_space<vmem>>
      %dma_wait3A_66 = tpu.memref_slice %arg10[%run_scoped3A_35, %mul3A_11] : memref<16x10240xf32, #tpu.memory_space<vmem_shared>> -> memref<1x640xf32, #tpu.memory_space<vmem_shared>>
      %dma_wait3A_67 = tpu.memref_squeeze %dma_wait3A_66 : memref<1x640xf32, #tpu.memory_space<vmem_shared>> -> memref<640xf32, #tpu.memory_space<vmem_shared>>
      tpu.wait_dma2 semaphore(%run_scoped3A_49 : memref<!tpu.dma_semaphore, #tpu.memory_space<semaphore_mem>>) src(%dma_wait3A_67 : memref<640xf32, #tpu.memory_space<vmem_shared>>) dst(%dma_wait3A_65 : memref<640xf32, #tpu.memory_space<vmem>>)
      tpu.yield
    }) : () -> ()
    %run_scoped3A_37 = arith.constant 13 : i32
    %run_scoped3A_38 = arith.constant 13 : i32
    "tpu.region"() ({
      %run_scoped3A_49 = tpu.sem_alloc : memref<!tpu.dma_semaphore, #tpu.memory_space<semaphore_mem>>
      %dma_start3A = arith.constant 0 : i32
      %dma_start3A_50 = tpu.memref_slice %arg8[%run_scoped3A_38, %dma_start3A] : memref<16x640xf32, #tpu.memory_space<vmem>> -> memref<1x640xf32, #tpu.memory_space<vmem>>
      %dma_start3A_51 = tpu.memref_squeeze %dma_start3A_50 : memref<1x640xf32, #tpu.memory_space<vmem>> -> memref<640xf32, #tpu.memory_space<vmem>>
      %dma_start3A_52 = tpu.memref_slice %arg10[%run_scoped3A_37, %mul3A_11] : memref<16x10240xf32, #tpu.memory_space<vmem_shared>> -> memref<1x640xf32, #tpu.memory_space<vmem_shared>>
      %dma_start3A_53 = tpu.memref_squeeze %dma_start3A_52 : memref<1x640xf32, #tpu.memory_space<vmem_shared>> -> memref<640xf32, #tpu.memory_space<vmem_shared>>
      %dma_start3A_54 = arith.constant 0 : i32
      %dma_start3A_55 = tpu.memref_slice %arg8[%run_scoped3A_38, %dma_start3A_54] : memref<16x640xf32, #tpu.memory_space<vmem>> -> memref<1x640xf32, #tpu.memory_space<vmem>>
      %dma_start3A_56 = tpu.memref_squeeze %dma_start3A_55 : memref<1x640xf32, #tpu.memory_space<vmem>> -> memref<640xf32, #tpu.memory_space<vmem>>
      %dma_start3A_57 = tpu.memref_slice %arg10[%run_scoped3A_37, %mul3A_11] : memref<16x10240xf32, #tpu.memory_space<vmem_shared>> -> memref<1x640xf32, #tpu.memory_space<vmem_shared>>
      %dma_start3A_58 = tpu.memref_squeeze %dma_start3A_57 : memref<1x640xf32, #tpu.memory_space<vmem_shared>> -> memref<640xf32, #tpu.memory_space<vmem_shared>>
      tpu.enqueue_dma source(%dma_start3A_58 : memref<640xf32, #tpu.memory_space<vmem_shared>>) target(%dma_start3A_56 : memref<640xf32, #tpu.memory_space<vmem>>) target_semaphore(%run_scoped3A_49 : memref<!tpu.dma_semaphore, #tpu.memory_space<semaphore_mem>>)
      %dma_wait3A = arith.constant 0 : i32
      %dma_wait3A_59 = tpu.memref_slice %arg8[%run_scoped3A_38, %dma_wait3A] : memref<16x640xf32, #tpu.memory_space<vmem>> -> memref<1x640xf32, #tpu.memory_space<vmem>>
      %dma_wait3A_60 = tpu.memref_squeeze %dma_wait3A_59 : memref<1x640xf32, #tpu.memory_space<vmem>> -> memref<640xf32, #tpu.memory_space<vmem>>
      %dma_wait3A_61 = tpu.memref_slice %arg10[%run_scoped3A_37, %mul3A_11] : memref<16x10240xf32, #tpu.memory_space<vmem_shared>> -> memref<1x640xf32, #tpu.memory_space<vmem_shared>>
      %dma_wait3A_62 = tpu.memref_squeeze %dma_wait3A_61 : memref<1x640xf32, #tpu.memory_space<vmem_shared>> -> memref<640xf32, #tpu.memory_space<vmem_shared>>
      %dma_wait3A_63 = arith.constant 0 : i32
      %dma_wait3A_64 = tpu.memref_slice %arg8[%run_scoped3A_38, %dma_wait3A_63] : memref<16x640xf32, #tpu.memory_space<vmem>> -> memref<1x640xf32, #tpu.memory_space<vmem>>
      %dma_wait3A_65 = tpu.memref_squeeze %dma_wait3A_64 : memref<1x640xf32, #tpu.memory_space<vmem>> -> memref<640xf32, #tpu.memory_space<vmem>>
      %dma_wait3A_66 = tpu.memref_slice %arg10[%run_scoped3A_37, %mul3A_11] : memref<16x10240xf32, #tpu.memory_space<vmem_shared>> -> memref<1x640xf32, #tpu.memory_space<vmem_shared>>
      %dma_wait3A_67 = tpu.memref_squeeze %dma_wait3A_66 : memref<1x640xf32, #tpu.memory_space<vmem_shared>> -> memref<640xf32, #tpu.memory_space<vmem_shared>>
      tpu.wait_dma2 semaphore(%run_scoped3A_49 : memref<!tpu.dma_semaphore, #tpu.memory_space<semaphore_mem>>) src(%dma_wait3A_67 : memref<640xf32, #tpu.memory_space<vmem_shared>>) dst(%dma_wait3A_65 : memref<640xf32, #tpu.memory_space<vmem>>)
      tpu.yield
    }) : () -> ()
    %run_scoped3A_39 = arith.constant 14 : i32
    %run_scoped3A_40 = arith.constant 14 : i32
    "tpu.region"() ({
      %run_scoped3A_49 = tpu.sem_alloc : memref<!tpu.dma_semaphore, #tpu.memory_space<semaphore_mem>>
      %dma_start3A = arith.constant 0 : i32
      %dma_start3A_50 = tpu.memref_slice %arg8[%run_scoped3A_40, %dma_start3A] : memref<16x640xf32, #tpu.memory_space<vmem>> -> memref<1x640xf32, #tpu.memory_space<vmem>>
      %dma_start3A_51 = tpu.memref_squeeze %dma_start3A_50 : memref<1x640xf32, #tpu.memory_space<vmem>> -> memref<640xf32, #tpu.memory_space<vmem>>
      %dma_start3A_52 = tpu.memref_slice %arg10[%run_scoped3A_39, %mul3A_11] : memref<16x10240xf32, #tpu.memory_space<vmem_shared>> -> memref<1x640xf32, #tpu.memory_space<vmem_shared>>
      %dma_start3A_53 = tpu.memref_squeeze %dma_start3A_52 : memref<1x640xf32, #tpu.memory_space<vmem_shared>> -> memref<640xf32, #tpu.memory_space<vmem_shared>>
      %dma_start3A_54 = arith.constant 0 : i32
      %dma_start3A_55 = tpu.memref_slice %arg8[%run_scoped3A_40, %dma_start3A_54] : memref<16x640xf32, #tpu.memory_space<vmem>> -> memref<1x640xf32, #tpu.memory_space<vmem>>
      %dma_start3A_56 = tpu.memref_squeeze %dma_start3A_55 : memref<1x640xf32, #tpu.memory_space<vmem>> -> memref<640xf32, #tpu.memory_space<vmem>>
      %dma_start3A_57 = tpu.memref_slice %arg10[%run_scoped3A_39, %mul3A_11] : memref<16x10240xf32, #tpu.memory_space<vmem_shared>> -> memref<1x640xf32, #tpu.memory_space<vmem_shared>>
      %dma_start3A_58 = tpu.memref_squeeze %dma_start3A_57 : memref<1x640xf32, #tpu.memory_space<vmem_shared>> -> memref<640xf32, #tpu.memory_space<vmem_shared>>
      tpu.enqueue_dma source(%dma_start3A_58 : memref<640xf32, #tpu.memory_space<vmem_shared>>) target(%dma_start3A_56 : memref<640xf32, #tpu.memory_space<vmem>>) target_semaphore(%run_scoped3A_49 : memref<!tpu.dma_semaphore, #tpu.memory_space<semaphore_mem>>)
      %dma_wait3A = arith.constant 0 : i32
      %dma_wait3A_59 = tpu.memref_slice %arg8[%run_scoped3A_40, %dma_wait3A] : memref<16x640xf32, #tpu.memory_space<vmem>> -> memref<1x640xf32, #tpu.memory_space<vmem>>
      %dma_wait3A_60 = tpu.memref_squeeze %dma_wait3A_59 : memref<1x640xf32, #tpu.memory_space<vmem>> -> memref<640xf32, #tpu.memory_space<vmem>>
      %dma_wait3A_61 = tpu.memref_slice %arg10[%run_scoped3A_39, %mul3A_11] : memref<16x10240xf32, #tpu.memory_space<vmem_shared>> -> memref<1x640xf32, #tpu.memory_space<vmem_shared>>
      %dma_wait3A_62 = tpu.memref_squeeze %dma_wait3A_61 : memref<1x640xf32, #tpu.memory_space<vmem_shared>> -> memref<640xf32, #tpu.memory_space<vmem_shared>>
      %dma_wait3A_63 = arith.constant 0 : i32
      %dma_wait3A_64 = tpu.memref_slice %arg8[%run_scoped3A_40, %dma_wait3A_63] : memref<16x640xf32, #tpu.memory_space<vmem>> -> memref<1x640xf32, #tpu.memory_space<vmem>>
      %dma_wait3A_65 = tpu.memref_squeeze %dma_wait3A_64 : memref<1x640xf32, #tpu.memory_space<vmem>> -> memref<640xf32, #tpu.memory_space<vmem>>
      %dma_wait3A_66 = tpu.memref_slice %arg10[%run_scoped3A_39, %mul3A_11] : memref<16x10240xf32, #tpu.memory_space<vmem_shared>> -> memref<1x640xf32, #tpu.memory_space<vmem_shared>>
      %dma_wait3A_67 = tpu.memref_squeeze %dma_wait3A_66 : memref<1x640xf32, #tpu.memory_space<vmem_shared>> -> memref<640xf32, #tpu.memory_space<vmem_shared>>
      tpu.wait_dma2 semaphore(%run_scoped3A_49 : memref<!tpu.dma_semaphore, #tpu.memory_space<semaphore_mem>>) src(%dma_wait3A_67 : memref<640xf32, #tpu.memory_space<vmem_shared>>) dst(%dma_wait3A_65 : memref<640xf32, #tpu.memory_space<vmem>>)
      tpu.yield
    }) : () -> ()
    %run_scoped3A_41 = arith.constant 15 : i32
    %run_scoped3A_42 = arith.constant 15 : i32
    "tpu.region"() ({
      %run_scoped3A_49 = tpu.sem_alloc : memref<!tpu.dma_semaphore, #tpu.memory_space<semaphore_mem>>
      %dma_start3A = arith.constant 0 : i32
      %dma_start3A_50 = tpu.memref_slice %arg8[%run_scoped3A_42, %dma_start3A] : memref<16x640xf32, #tpu.memory_space<vmem>> -> memref<1x640xf32, #tpu.memory_space<vmem>>
      %dma_start3A_51 = tpu.memref_squeeze %dma_start3A_50 : memref<1x640xf32, #tpu.memory_space<vmem>> -> memref<640xf32, #tpu.memory_space<vmem>>
      %dma_start3A_52 = tpu.memref_slice %arg10[%run_scoped3A_41, %mul3A_11] : memref<16x10240xf32, #tpu.memory_space<vmem_shared>> -> memref<1x640xf32, #tpu.memory_space<vmem_shared>>
      %dma_start3A_53 = tpu.memref_squeeze %dma_start3A_52 : memref<1x640xf32, #tpu.memory_space<vmem_shared>> -> memref<640xf32, #tpu.memory_space<vmem_shared>>
      %dma_start3A_54 = arith.constant 0 : i32
      %dma_start3A_55 = tpu.memref_slice %arg8[%run_scoped3A_42, %dma_start3A_54] : memref<16x640xf32, #tpu.memory_space<vmem>> -> memref<1x640xf32, #tpu.memory_space<vmem>>
      %dma_start3A_56 = tpu.memref_squeeze %dma_start3A_55 : memref<1x640xf32, #tpu.memory_space<vmem>> -> memref<640xf32, #tpu.memory_space<vmem>>
      %dma_start3A_57 = tpu.memref_slice %arg10[%run_scoped3A_41, %mul3A_11] : memref<16x10240xf32, #tpu.memory_space<vmem_shared>> -> memref<1x640xf32, #tpu.memory_space<vmem_shared>>
      %dma_start3A_58 = tpu.memref_squeeze %dma_start3A_57 : memref<1x640xf32, #tpu.memory_space<vmem_shared>> -> memref<640xf32, #tpu.memory_space<vmem_shared>>
      tpu.enqueue_dma source(%dma_start3A_58 : memref<640xf32, #tpu.memory_space<vmem_shared>>) target(%dma_start3A_56 : memref<640xf32, #tpu.memory_space<vmem>>) target_semaphore(%run_scoped3A_49 : memref<!tpu.dma_semaphore, #tpu.memory_space<semaphore_mem>>)
      %dma_wait3A = arith.constant 0 : i32
      %dma_wait3A_59 = tpu.memref_slice %arg8[%run_scoped3A_42, %dma_wait3A] : memref<16x640xf32, #tpu.memory_space<vmem>> -> memref<1x640xf32, #tpu.memory_space<vmem>>
      %dma_wait3A_60 = tpu.memref_squeeze %dma_wait3A_59 : memref<1x640xf32, #tpu.memory_space<vmem>> -> memref<640xf32, #tpu.memory_space<vmem>>
      %dma_wait3A_61 = tpu.memref_slice %arg10[%run_scoped3A_41, %mul3A_11] : memref<16x10240xf32, #tpu.memory_space<vmem_shared>> -> memref<1x640xf32, #tpu.memory_space<vmem_shared>>
      %dma_wait3A_62 = tpu.memref_squeeze %dma_wait3A_61 : memref<1x640xf32, #tpu.memory_space<vmem_shared>> -> memref<640xf32, #tpu.memory_space<vmem_shared>>
      %dma_wait3A_63 = arith.constant 0 : i32
      %dma_wait3A_64 = tpu.memref_slice %arg8[%run_scoped3A_42, %dma_wait3A_63] : memref<16x640xf32, #tpu.memory_space<vmem>> -> memref<1x640xf32, #tpu.memory_space<vmem>>
      %dma_wait3A_65 = tpu.memref_squeeze %dma_wait3A_64 : memref<1x640xf32, #tpu.memory_space<vmem>> -> memref<640xf32, #tpu.memory_space<vmem>>
      %dma_wait3A_66 = tpu.memref_slice %arg10[%run_scoped3A_41, %mul3A_11] : memref<16x10240xf32, #tpu.memory_space<vmem_shared>> -> memref<1x640xf32, #tpu.memory_space<vmem_shared>>
      %dma_wait3A_67 = tpu.memref_squeeze %dma_wait3A_66 : memref<1x640xf32, #tpu.memory_space<vmem_shared>> -> memref<640xf32, #tpu.memory_space<vmem_shared>>
      tpu.wait_dma2 semaphore(%run_scoped3A_49 : memref<!tpu.dma_semaphore, #tpu.memory_space<semaphore_mem>>) src(%dma_wait3A_67 : memref<640xf32, #tpu.memory_space<vmem_shared>>) dst(%dma_wait3A_65 : memref<640xf32, #tpu.memory_space<vmem>>)
      tpu.yield
    }) : () -> ()
    %scan3A_43 = arith.constant 0 : i32
    %scan3A_44 = arith.constant 0 : i32
    %scan3A_45 = arith.constant 40 : i32
    %scan3A_46 = arith.addi %scan3A_44, %scan3A_45 : i32
    %scan3A_47 = arith.constant 1 : i32
    scf.for %scan3A_49 = %scan3A_44 to %scan3A_46 step %scan3A_47  : i32 {
      %mul3A_50 = arith.constant 16 : i32
      %mul3A_51 = arith.muli %scan3A_49, %mul3A_50 : i32
      %get3A = arith.constant 0 : i32
      %get3A_52 = arith.index_cast %get3A : i32 to index
      %get3A_53 = arith.index_cast %mul3A_51 : i32 to index
      %get3A_54 = tpu.vector_load %arg8[%get3A_52, %get3A_53] {strides = array<i32>} : memref<16x640xf32, #tpu.memory_space<vmem>>, vector<16xf32>,
      %mul3A_55 = arith.constant 16 : i32
      %mul3A_56 = arith.muli %scan3A_49, %mul3A_55 : i32
      %get3A_57 = arith.constant 1 : i32
      %get3A_58 = arith.index_cast %get3A_57 : i32 to index
      %get3A_59 = arith.index_cast %mul3A_56 : i32 to index
      %get3A_60 = tpu.vector_load %arg8[%get3A_58, %get3A_59] {strides = array<i32>} : memref<16x640xf32, #tpu.memory_space<vmem>>, vector<16xf32>,
      %add3A_61 = arith.addf %get3A_54, %get3A_60 : vector<16xf32>
      %mul3A_62 = arith.constant 16 : i32
      %mul3A_63 = arith.muli %scan3A_49, %mul3A_62 : i32
      %get3A_64 = arith.constant 2 : i32
      %get3A_65 = arith.index_cast %get3A_64 : i32 to index
      %get3A_66 = arith.index_cast %mul3A_63 : i32 to index
      %get3A_67 = tpu.vector_load %arg8[%get3A_65, %get3A_66] {strides = array<i32>} : memref<16x640xf32, #tpu.memory_space<vmem>>, vector<16xf32>,
      %add3A_68 = arith.addf %add3A_61, %get3A_67 : vector<16xf32>
      %mul3A_69 = arith.constant 16 : i32
      %mul3A_70 = arith.muli %scan3A_49, %mul3A_69 : i32
      %get3A_71 = arith.constant 3 : i32
      %get3A_72 = arith.index_cast %get3A_71 : i32 to index
      %get3A_73 = arith.index_cast %mul3A_70 : i32 to index
      %get3A_74 = tpu.vector_load %arg8[%get3A_72, %get3A_73] {strides = array<i32>} : memref<16x640xf32, #tpu.memory_space<vmem>>, vector<16xf32>,
      %add3A_75 = arith.addf %add3A_68, %get3A_74 : vector<16xf32>
      %mul3A_76 = arith.constant 16 : i32
      %mul3A_77 = arith.muli %scan3A_49, %mul3A_76 : i32
      %get3A_78 = arith.constant 4 : i32
      %get3A_79 = arith.index_cast %get3A_78 : i32 to index
      %get3A_80 = arith.index_cast %mul3A_77 : i32 to index
      %get3A_81 = tpu.vector_load %arg8[%get3A_79, %get3A_80] {strides = array<i32>} : memref<16x640xf32, #tpu.memory_space<vmem>>, vector<16xf32>,
      %add3A_82 = arith.addf %add3A_75, %get3A_81 : vector<16xf32>
      %mul3A_83 = arith.constant 16 : i32
      %mul3A_84 = arith.muli %scan3A_49, %mul3A_83 : i32
      %get3A_85 = arith.constant 5 : i32
      %get3A_86 = arith.index_cast %get3A_85 : i32 to index
      %get3A_87 = arith.index_cast %mul3A_84 : i32 to index
      %get3A_88 = tpu.vector_load %arg8[%get3A_86, %get3A_87] {strides = array<i32>} : memref<16x640xf32, #tpu.memory_space<vmem>>, vector<16xf32>,
      %add3A_89 = arith.addf %add3A_82, %get3A_88 : vector<16xf32>
      %mul3A_90 = arith.constant 16 : i32
      %mul3A_91 = arith.muli %scan3A_49, %mul3A_90 : i32
      %get3A_92 = arith.constant 6 : i32
      %get3A_93 = arith.index_cast %get3A_92 : i32 to index
      %get3A_94 = arith.index_cast %mul3A_91 : i32 to index
      %get3A_95 = tpu.vector_load %arg8[%get3A_93, %get3A_94] {strides = array<i32>} : memref<16x640xf32, #tpu.memory_space<vmem>>, vector<16xf32>,
      %add3A_96 = arith.addf %add3A_89, %get3A_95 : vector<16xf32>
      %mul3A_97 = arith.constant 16 : i32
      %mul3A_98 = arith.muli %scan3A_49, %mul3A_97 : i32
      %get3A_99 = arith.constant 7 : i32
      %get3A_100 = arith.index_cast %get3A_99 : i32 to index
      %get3A_101 = arith.index_cast %mul3A_98 : i32 to index
      %get3A_102 = tpu.vector_load %arg8[%get3A_100, %get3A_101] {strides = array<i32>} : memref<16x640xf32, #tpu.memory_space<vmem>>, vector<16xf32>,
      %add3A_103 = arith.addf %add3A_96, %get3A_102 : vector<16xf32>
      %mul3A_104 = arith.constant 16 : i32
      %mul3A_105 = arith.muli %scan3A_49, %mul3A_104 : i32
      %get3A_106 = arith.constant 8 : i32
      %get3A_107 = arith.index_cast %get3A_106 : i32 to index
      %get3A_108 = arith.index_cast %mul3A_105 : i32 to index
      %get3A_109 = tpu.vector_load %arg8[%get3A_107, %get3A_108] {strides = array<i32>} : memref<16x640xf32, #tpu.memory_space<vmem>>, vector<16xf32>,
      %add3A_110 = arith.addf %add3A_103, %get3A_109 : vector<16xf32>
      %mul3A_111 = arith.constant 16 : i32
      %mul3A_112 = arith.muli %scan3A_49, %mul3A_111 : i32
      %get3A_113 = arith.constant 9 : i32
      %get3A_114 = arith.index_cast %get3A_113 : i32 to index
      %get3A_115 = arith.index_cast %mul3A_112 : i32 to index
      %get3A_116 = tpu.vector_load %arg8[%get3A_114, %get3A_115] {strides = array<i32>} : memref<16x640xf32, #tpu.memory_space<vmem>>, vector<16xf32>,
      %add3A_117 = arith.addf %add3A_110, %get3A_116 : vector<16xf32>
      %mul3A_118 = arith.constant 16 : i32
      %mul3A_119 = arith.muli %scan3A_49, %mul3A_118 : i32
      %get3A_120 = arith.constant 10 : i32
      %get3A_121 = arith.index_cast %get3A_120 : i32 to index
      %get3A_122 = arith.index_cast %mul3A_119 : i32 to index
      %get3A_123 = tpu.vector_load %arg8[%get3A_121, %get3A_122] {strides = array<i32>} : memref<16x640xf32, #tpu.memory_space<vmem>>, vector<16xf32>,
      %add3A_124 = arith.addf %add3A_117, %get3A_123 : vector<16xf32>
      %mul3A_125 = arith.constant 16 : i32
      %mul3A_126 = arith.muli %scan3A_49, %mul3A_125 : i32
      %get3A_127 = arith.constant 11 : i32
      %get3A_128 = arith.index_cast %get3A_127 : i32 to index
      %get3A_129 = arith.index_cast %mul3A_126 : i32 to index
      %get3A_130 = tpu.vector_load %arg8[%get3A_128, %get3A_129] {strides = array<i32>} : memref<16x640xf32, #tpu.memory_space<vmem>>, vector<16xf32>,
      %add3A_131 = arith.addf %add3A_124, %get3A_130 : vector<16xf32>
      %mul3A_132 = arith.constant 16 : i32
      %mul3A_133 = arith.muli %scan3A_49, %mul3A_132 : i32
      %get3A_134 = arith.constant 12 : i32
      %get3A_135 = arith.index_cast %get3A_134 : i32 to index
      %get3A_136 = arith.index_cast %mul3A_133 : i32 to index
      %get3A_137 = tpu.vector_load %arg8[%get3A_135, %get3A_136] {strides = array<i32>} : memref<16x640xf32, #tpu.memory_space<vmem>>, vector<16xf32>,
      %add3A_138 = arith.addf %add3A_131, %get3A_137 : vector<16xf32>
      %mul3A_139 = arith.constant 16 : i32
      %mul3A_140 = arith.muli %scan3A_49, %mul3A_139 : i32
      %get3A_141 = arith.constant 13 : i32
      %get3A_142 = arith.index_cast %get3A_141 : i32 to index
      %get3A_143 = arith.index_cast %mul3A_140 : i32 to index
      %get3A_144 = tpu.vector_load %arg8[%get3A_142, %get3A_143] {strides = array<i32>} : memref<16x640xf32, #tpu.memory_space<vmem>>, vector<16xf32>,
      %add3A_145 = arith.addf %add3A_138, %get3A_144 : vector<16xf32>
      %mul3A_146 = arith.constant 16 : i32
      %mul3A_147 = arith.muli %scan3A_49, %mul3A_146 : i32
      %get3A_148 = arith.constant 14 : i32
      %get3A_149 = arith.index_cast %get3A_148 : i32 to index
      %get3A_150 = arith.index_cast %mul3A_147 : i32 to index
      %get3A_151 = tpu.vector_load %arg8[%get3A_149, %get3A_150] {strides = array<i32>} : memref<16x640xf32, #tpu.memory_space<vmem>>, vector<16xf32>,
      %add3A_152 = arith.addf %add3A_145, %get3A_151 : vector<16xf32>
      %mul3A_153 = arith.constant 16 : i32
      %mul3A_154 = arith.muli %scan3A_49, %mul3A_153 : i32
      %get3A_155 = arith.constant 15 : i32
      %get3A_156 = arith.index_cast %get3A_155 : i32 to index
      %get3A_157 = arith.index_cast %mul3A_154 : i32 to index
      %get3A_158 = tpu.vector_load %arg8[%get3A_156, %get3A_157] {strides = array<i32>} : memref<16x640xf32, #tpu.memory_space<vmem>>, vector<16xf32>,
      %add3A_159 = arith.addf %add3A_152, %get3A_158 : vector<16xf32>
      %mul3A_160 = arith.constant 16 : i32
      %mul3A_161 = arith.muli %scan3A_49, %mul3A_160 : i32
      %swap3A = arith.index_cast %mul3A_161 : i32 to index
      %swap3A_162 = tpu.vector_load %arg9[%swap3A] {strides = array<i32>} : memref<640xf32, #tpu.memory_space<vmem>>, vector<16xf32>,
      tpu.vector_store %arg9[%swap3A], %add3A_159 {strides = array<i32>} : memref<640xf32, #tpu.memory_space<vmem>>, vector<16xf32>,
    }
    %scan3A_48 = arith.constant 40 : i32
    "tpu.region"() ({
      %run_scoped3A_49 = tpu.sem_alloc : memref<!tpu.dma_semaphore, #tpu.memory_space<semaphore_mem>>
      %dma_start3A = tpu.memref_slice %arg4[%arg0, %mul3A_11] : memref<2x10240xf32, #tpu.memory_space<hbm>> -> memref<1x640xf32, #tpu.memory_space<hbm>>
      %dma_start3A_50 = tpu.memref_squeeze %dma_start3A : memref<1x640xf32, #tpu.memory_space<hbm>> -> memref<640xf32, #tpu.memory_space<hbm>>
      %dma_start3A_51 = tpu.memref_slice %arg4[%arg0, %mul3A_11] : memref<2x10240xf32, #tpu.memory_space<hbm>> -> memref<1x640xf32, #tpu.memory_space<hbm>>
      %dma_start3A_52 = tpu.memref_squeeze %dma_start3A_51 : memref<1x640xf32, #tpu.memory_space<hbm>> -> memref<640xf32, #tpu.memory_space<hbm>>
      tpu.enqueue_dma source(%arg9 : memref<640xf32, #tpu.memory_space<vmem>>) target(%dma_start3A_52 : memref<640xf32, #tpu.memory_space<hbm>>) target_semaphore(%run_scoped3A_49 : memref<!tpu.dma_semaphore, #tpu.memory_space<semaphore_mem>>)
      %dma_wait3A = tpu.memref_slice %arg4[%arg0, %mul3A_11] : memref<2x10240xf32, #tpu.memory_space<hbm>> -> memref<1x640xf32, #tpu.memory_space<hbm>>
      %dma_wait3A_53 = tpu.memref_squeeze %dma_wait3A : memref<1x640xf32, #tpu.memory_space<hbm>> -> memref<640xf32, #tpu.memory_space<hbm>>
      %dma_wait3A_54 = tpu.memref_slice %arg4[%arg0, %mul3A_11] : memref<2x10240xf32, #tpu.memory_space<hbm>> -> memref<1x640xf32, #tpu.memory_space<hbm>>
      %dma_wait3A_55 = tpu.memref_squeeze %dma_wait3A_54 : memref<1x640xf32, #tpu.memory_space<hbm>> -> memref<640xf32, #tpu.memory_space<hbm>>
      tpu.wait_dma2 semaphore(%run_scoped3A_49 : memref<!tpu.dma_semaphore, #tpu.memory_space<semaphore_mem>>) src(%arg9 : memref<640xf32, #tpu.memory_space<vmem>>) dst(%dma_wait3A_55 : memref<640xf32, #tpu.memory_space<hbm>>)
      tpu.yield
    }) : () -> ()
    return
  }
}

module attributes {stable_mosaic.version = 14 : i64} {
  func.func @_mm_body(%arg0: i32, %arg1: memref<512x256xf32, #tpu.memory_space<vmem>>, %arg2: memref<256x256xf32, #tpu.memory_space<vmem>>, %arg3: memref<2x512xf32, #tpu.memory_space<vmem>>, %arg4: memref<2x512x128xf32, #tpu.memory_space<vmem>>, %arg5: memref<512x1xf32, #tpu.memory_space<vmem>>) attributes {dimension_semantics = [#tpu.dimension_semantics<arbitrary>], iteration_bounds = array<i64: 20>, scalar_prefetch = 0 : i64, scratch_operands = 0 : i64, tpu.core_type = #tpu.core_type<tc>, window_params = [{transform_indices = @transform_0, window_bounds = array<i64: 512, 256>}, {pipeline_mode = #tpu.pipeline_mode<synchronous>, transform_indices = @transform_1, window_bounds = array<i64: 256, 256>}, {transform_indices = @transform_2, window_bounds = array<i64: 2, 512>}, {transform_indices = @transform_3, window_bounds = array<i64: 2, 512, 128>}, {transform_indices = @transform_4, window_bounds = array<i64: 512, 1>}]} {
    %get3A = arith.constant 0 : index
    %get3A_0 = arith.constant 0 : index
    %get3A_1 = vector.load %arg1[%get3A, %get3A_0] : memref<512x256xf32, #tpu.memory_space<vmem>>, vector<512x256xf32>
    %get3A_2 = arith.constant 0 : index
    %get3A_3 = arith.constant 0 : index
    %get3A_4 = vector.load %arg2[%get3A_2, %get3A_3] : memref<256x256xf32, #tpu.memory_space<vmem>>, vector<256x256xf32>
    %dot_general3A = arith.constant dense<0.000000e+00> : vector<512x256xf32>
    %dot_general3A_5 = tpu.matmul %get3A_1, %get3A_4, %dot_general3A {dimension_numbers = #tpu.dot_dimension_numbers<[1], [1], [0], [0], [0, 0, 1, 0], [], []>, transpose_lhs_hint = false} : vector<512x256xf32>, vector<256x256xf32>, vector<512x256xf32> -> vector<512x256xf32>
    %get3A_6 = arith.constant 0 : index
    %get3A_7 = arith.constant 0 : index
    %get3A_8 = vector.load %arg3[%get3A_6, %get3A_7] : memref<2x512xf32, #tpu.memory_space<vmem>>, vector<1x512xf32>
    %get3A_9 = vector.shape_cast %get3A_8 : vector<1x512xf32> to vector<512xf32>
    %get3A_10 = arith.constant 1 : index
    %get3A_11 = arith.constant 0 : index
    %get3A_12 = vector.load %arg3[%get3A_10, %get3A_11] : memref<2x512xf32, #tpu.memory_space<vmem>>, vector<1x512xf32>
    %get3A_13 = vector.shape_cast %get3A_12 : vector<1x512xf32> to vector<512xf32>
    %add3A = arith.addf %get3A_9, %get3A_13 : vector<512xf32>
    %add3A_14 = arith.constant 1.000000e+00 : f32
    %add3A_15 = vector.broadcast %add3A_14 : f32 to vector<512xf32>
    %add3A_16 = arith.addf %add3A, %add3A_15 : vector<512xf32>
    %rsqrt3A = math.rsqrt %add3A_16 : vector<512xf32>
    %broadcast_in_dim3A = vector.shape_cast %rsqrt3A : vector<512xf32> to vector<512x1xf32>
    %mul3A = vector.broadcast %broadcast_in_dim3A : vector<512x1xf32> to vector<512x256xf32>
    %mul3A_17 = arith.mulf %dot_general3A_5, %mul3A : vector<512x256xf32>
    %slice3A = vector.extract_strided_slice %mul3A_17 {offsets = [0, 0], sizes = [512, 128], strides = [1, 1]} : vector<512x256xf32> to vector<512x128xf32>
    %swap3A = arith.constant 0 : index
    %swap3A_18 = arith.constant 0 : index
    %swap3A_19 = arith.constant 0 : index
    %swap3A_20 = vector.load %arg4[%swap3A, %swap3A_18, %swap3A_19] : memref<2x512x128xf32, #tpu.memory_space<vmem>>, vector<1x512x128xf32>
    %swap3A_21 = vector.shape_cast %swap3A_20 : vector<1x512x128xf32> to vector<512x128xf32>
    %swap3A_22 = vector.shape_cast %slice3A : vector<512x128xf32> to vector<1x512x128xf32>
    tpu.vector_store %arg4[%swap3A, %swap3A_18, %swap3A_19], %swap3A_22 {strides = array<i32>} : memref<2x512x128xf32, #tpu.memory_space<vmem>>, vector<1x512x128xf32>,
    %slice3A_23 = vector.extract_strided_slice %mul3A_17 {offsets = [0, 128], sizes = [512, 128], strides = [1, 1]} : vector<512x256xf32> to vector<512x128xf32>
    %swap3A_24 = arith.constant 1 : index
    %swap3A_25 = arith.constant 0 : index
    %swap3A_26 = arith.constant 0 : index
    %swap3A_27 = vector.load %arg4[%swap3A_24, %swap3A_25, %swap3A_26] : memref<2x512x128xf32, #tpu.memory_space<vmem>>, vector<1x512x128xf32>
    %swap3A_28 = vector.shape_cast %swap3A_27 : vector<1x512x128xf32> to vector<512x128xf32>
    %swap3A_29 = vector.shape_cast %slice3A_23 : vector<512x128xf32> to vector<1x512x128xf32>
    tpu.vector_store %arg4[%swap3A_24, %swap3A_25, %swap3A_26], %swap3A_29 {strides = array<i32>} : memref<2x512x128xf32, #tpu.memory_space<vmem>>, vector<1x512x128xf32>,
    %broadcast_in_dim3A_30 = vector.shape_cast %rsqrt3A : vector<512xf32> to vector<512x1xf32>
    %swap3A_31 = arith.constant 0 : index
    %swap3A_32 = arith.constant 0 : index
    %swap3A_33 = vector.load %arg5[%swap3A_31, %swap3A_32] : memref<512x1xf32, #tpu.memory_space<vmem>>, vector<512x1xf32>
    tpu.vector_store %arg5[%swap3A_31, %swap3A_32], %broadcast_in_dim3A_30 {strides = array<i32>} : memref<512x1xf32, #tpu.memory_space<vmem>>, vector<512x1xf32>,
    return
  }
  func.func @transform_0(%arg0: i32) -> (i32, i32) {
    %c0_i32 = arith.constant 0 : i32
    %c0_i32_0 = arith.constant 0 : i32
    return %arg0, %c0_i32 : i32, i32
  }
  func.func @transform_1(%arg0: i32) -> (i32, i32) {
    %c0_i32 = arith.constant 0 : i32
    %c0_i32_0 = arith.constant 0 : i32
    %c0_i32_1 = arith.constant 0 : i32
    return %c0_i32, %c0_i32_0 : i32, i32
  }
  func.func @transform_2(%arg0: i32) -> (i32, i32) {
    %c0_i32 = arith.constant 0 : i32
    %c0_i32_0 = arith.constant 0 : i32
    return %c0_i32, %arg0 : i32, i32
  }
  func.func @transform_3(%arg0: i32) -> (i32, i32, i32) {
    %c0_i32 = arith.constant 0 : i32
    %c0_i32_0 = arith.constant 0 : i32
    %c0_i32_1 = arith.constant 0 : i32
    return %c0_i32, %arg0, %c0_i32_0 : i32, i32, i32
  }
  func.func @transform_4(%arg0: i32) -> (i32, i32) {
    %c0_i32 = arith.constant 0 : i32
    %c0_i32_0 = arith.constant 0 : i32
    return %arg0, %c0_i32 : i32, i32
  }
}

module attributes {stable_mosaic.version = 14 : i64} {
  func.func @_fin_body(%arg0: i32, %arg1: memref<2x512x128xf32, #tpu.memory_space<vmem>>, %arg2: memref<2x512x128xf32, #tpu.memory_space<vmem>>, %arg3: memref<512x1xf32, #tpu.memory_space<vmem>>, %arg4: memref<1x256xf32, #tpu.memory_space<vmem>>, %arg5: memref<1x256xf32, #tpu.memory_space<vmem>>, %arg6: memref<1x256xf32, #tpu.memory_space<vmem>>, %arg7: memref<512x256xf32, #tpu.memory_space<vmem>>) attributes {dimension_semantics = [#tpu.dimension_semantics<arbitrary>], iteration_bounds = array<i64: 20>, scalar_prefetch = 0 : i64, scratch_operands = 0 : i64, tpu.core_type = #tpu.core_type<tc>, window_params = [{transform_indices = @transform_0, window_bounds = array<i64: 2, 512, 128>}, {transform_indices = @transform_1, window_bounds = array<i64: 2, 512, 128>}, {transform_indices = @transform_2, window_bounds = array<i64: 512, 1>}, {pipeline_mode = #tpu.pipeline_mode<synchronous>, transform_indices = @transform_3, window_bounds = array<i64: 1, 256>}, {pipeline_mode = #tpu.pipeline_mode<synchronous>, transform_indices = @transform_4, window_bounds = array<i64: 1, 256>}, {pipeline_mode = #tpu.pipeline_mode<synchronous>, transform_indices = @transform_5, window_bounds = array<i64: 1, 256>}, {transform_indices = @transform_6, window_bounds = array<i64: 512, 256>}]} {
    %get3A = arith.constant 0 : index
    %get3A_0 = arith.constant 0 : index
    %get3A_1 = arith.constant 0 : index
    %get3A_2 = vector.load %arg1[%get3A, %get3A_0, %get3A_1] : memref<2x512x128xf32, #tpu.memory_space<vmem>>, vector<1x512x128xf32>
    %get3A_3 = vector.shape_cast %get3A_2 : vector<1x512x128xf32> to vector<512x128xf32>
    %get3A_4 = arith.constant 0 : index
    %get3A_5 = arith.constant 0 : index
    %get3A_6 = arith.constant 0 : index
    %get3A_7 = vector.load %arg2[%get3A_4, %get3A_5, %get3A_6] : memref<2x512x128xf32, #tpu.memory_space<vmem>>, vector<1x512x128xf32>
    %get3A_8 = vector.shape_cast %get3A_7 : vector<1x512x128xf32> to vector<512x128xf32>
    %add3A = arith.addf %get3A_3, %get3A_8 : vector<512x128xf32>
    %get3A_9 = arith.constant 1 : index
    %get3A_10 = arith.constant 0 : index
    %get3A_11 = arith.constant 0 : index
    %get3A_12 = vector.load %arg1[%get3A_9, %get3A_10, %get3A_11] : memref<2x512x128xf32, #tpu.memory_space<vmem>>, vector<1x512x128xf32>
    %get3A_13 = vector.shape_cast %get3A_12 : vector<1x512x128xf32> to vector<512x128xf32>
    %get3A_14 = arith.constant 1 : index
    %get3A_15 = arith.constant 0 : index
    %get3A_16 = arith.constant 0 : index
    %get3A_17 = vector.load %arg2[%get3A_14, %get3A_15, %get3A_16] : memref<2x512x128xf32, #tpu.memory_space<vmem>>, vector<1x512x128xf32>
    %get3A_18 = vector.shape_cast %get3A_17 : vector<1x512x128xf32> to vector<512x128xf32>
    %add3A_19 = arith.addf %get3A_13, %get3A_18 : vector<512x128xf32>
    %concatenate3A = tpu.concatenate %add3A, %add3A_19 in 1 : vector<512x128xf32>, vector<512x128xf32> -> vector<512x256xf32>
    %get3A_20 = arith.constant 0 : index
    %get3A_21 = arith.constant 0 : index
    %get3A_22 = vector.load %arg3[%get3A_20, %get3A_21] : memref<512x1xf32, #tpu.memory_space<vmem>>, vector<512x1xf32>
    %mul3A = vector.broadcast %get3A_22 : vector<512x1xf32> to vector<512x256xf32>
    %mul3A_23 = arith.mulf %concatenate3A, %mul3A : vector<512x256xf32>
    %get3A_24 = arith.constant 0 : index
    %get3A_25 = arith.constant 0 : index
    %get3A_26 = vector.load %arg4[%get3A_24, %get3A_25] : memref<1x256xf32, #tpu.memory_space<vmem>>, vector<1x256xf32>
    %add3A_27 = vector.broadcast %get3A_26 : vector<1x256xf32> to vector<512x256xf32>
    %add3A_28 = arith.addf %mul3A_23, %add3A_27 : vector<512x256xf32>
    %reduce_sum3A = arith.constant dense<0.000000e+00> : vector<512xf32>
    %reduce_sum3A_29 = vector.multi_reduction <add>, %add3A_28, %reduce_sum3A [1] : vector<512x256xf32> to vector<512xf32>
    %broadcast_in_dim3A = vector.shape_cast %reduce_sum3A_29 : vector<512xf32> to vector<512x1xf32>
    %div3A = arith.constant 2.560000e+02 : f32
    %div3A_30 = vector.broadcast %div3A : f32 to vector<512x1xf32>
    %div3A_31 = arith.divf %broadcast_in_dim3A, %div3A_30 : vector<512x1xf32>
    %sub3A = vector.broadcast %div3A_31 : vector<512x1xf32> to vector<512x256xf32>
    %sub3A_32 = arith.subf %add3A_28, %sub3A : vector<512x256xf32>
    %mul3A_33 = arith.mulf %sub3A_32, %sub3A_32 : vector<512x256xf32>
    %reduce_sum3A_34 = arith.constant dense<0.000000e+00> : vector<512xf32>
    %reduce_sum3A_35 = vector.multi_reduction <add>, %mul3A_33, %reduce_sum3A_34 [1] : vector<512x256xf32> to vector<512xf32>
    %broadcast_in_dim3A_36 = vector.shape_cast %reduce_sum3A_35 : vector<512xf32> to vector<512x1xf32>
    %div3A_37 = arith.constant 2.560000e+02 : f32
    %div3A_38 = vector.broadcast %div3A_37 : f32 to vector<512x1xf32>
    %div3A_39 = arith.divf %broadcast_in_dim3A_36, %div3A_38 : vector<512x1xf32>
    %add3A_40 = arith.constant 9.99999974E-6 : f32
    %add3A_41 = vector.broadcast %add3A_40 : f32 to vector<512x1xf32>
    %add3A_42 = arith.addf %div3A_39, %add3A_41 : vector<512x1xf32>
    %rsqrt3A = math.rsqrt %add3A_42 : vector<512x1xf32>
    %mul3A_43 = vector.broadcast %rsqrt3A : vector<512x1xf32> to vector<512x256xf32>
    %mul3A_44 = arith.mulf %sub3A_32, %mul3A_43 : vector<512x256xf32>
    %get3A_45 = arith.constant 0 : index
    %get3A_46 = arith.constant 0 : index
    %get3A_47 = vector.load %arg5[%get3A_45, %get3A_46] : memref<1x256xf32, #tpu.memory_space<vmem>>, vector<1x256xf32>
    %mul3A_48 = vector.broadcast %get3A_47 : vector<1x256xf32> to vector<512x256xf32>
    %mul3A_49 = arith.mulf %mul3A_44, %mul3A_48 : vector<512x256xf32>
    %get3A_50 = arith.constant 0 : index
    %get3A_51 = arith.constant 0 : index
    %get3A_52 = vector.load %arg6[%get3A_50, %get3A_51] : memref<1x256xf32, #tpu.memory_space<vmem>>, vector<1x256xf32>
    %add3A_53 = vector.broadcast %get3A_52 : vector<1x256xf32> to vector<512x256xf32>
    %add3A_54 = arith.addf %mul3A_49, %add3A_53 : vector<512x256xf32>
    %max3A = arith.constant 0.000000e+00 : f32
    %max3A_55 = vector.broadcast %max3A : f32 to vector<512x256xf32>
    %max3A_56 = arith.maximumf %add3A_54, %max3A_55 : vector<512x256xf32>
    %swap3A = arith.constant 0 : index
    %swap3A_57 = arith.constant 0 : index
    %swap3A_58 = vector.load %arg7[%swap3A, %swap3A_57] : memref<512x256xf32, #tpu.memory_space<vmem>>, vector<512x256xf32>
    tpu.vector_store %arg7[%swap3A, %swap3A_57], %max3A_56 {strides = array<i32>} : memref<512x256xf32, #tpu.memory_space<vmem>>, vector<512x256xf32>,
    return
  }
  func.func @transform_0(%arg0: i32) -> (i32, i32, i32) {
    %c0_i32 = arith.constant 0 : i32
    %c0_i32_0 = arith.constant 0 : i32
    %c0_i32_1 = arith.constant 0 : i32
    return %c0_i32, %arg0, %c0_i32_0 : i32, i32, i32
  }
  func.func @transform_1(%arg0: i32) -> (i32, i32, i32) {
    %c0_i32 = arith.constant 0 : i32
    %c0_i32_0 = arith.constant 0 : i32
    %c0_i32_1 = arith.constant 0 : i32
    return %c0_i32, %arg0, %c0_i32_0 : i32, i32, i32
  }
  func.func @transform_2(%arg0: i32) -> (i32, i32) {
    %c0_i32 = arith.constant 0 : i32
    %c0_i32_0 = arith.constant 0 : i32
    return %arg0, %c0_i32 : i32, i32
  }
  func.func @transform_3(%arg0: i32) -> (i32, i32) {
    %c0_i32 = arith.constant 0 : i32
    %c0_i32_0 = arith.constant 0 : i32
    %c0_i32_1 = arith.constant 0 : i32
    return %c0_i32, %c0_i32_0 : i32, i32
  }
  func.func @transform_4(%arg0: i32) -> (i32, i32) {
    %c0_i32 = arith.constant 0 : i32
    %c0_i32_0 = arith.constant 0 : i32
    %c0_i32_1 = arith.constant 0 : i32
    return %c0_i32, %c0_i32_0 : i32, i32
  }
  func.func @transform_5(%arg0: i32) -> (i32, i32) {
    %c0_i32 = arith.constant 0 : i32
    %c0_i32_0 = arith.constant 0 : i32
    %c0_i32_1 = arith.constant 0 : i32
    return %c0_i32, %c0_i32_0 : i32, i32
  }
  func.func @transform_6(%arg0: i32) -> (i32, i32) {
    %c0_i32 = arith.constant 0 : i32
    %c0_i32_0 = arith.constant 0 : i32
    return %arg0, %c0_i32 : i32, i32
  }
}

</mosaic_0001>

<sc_bundles>
// kernel: kernel.6.cloned.1.call-start
scs
__scs_entry_jumppad:
0x0: {  	(pc) =	sbr.rel $0x88, $3  }
0x1: {  	(tag) =	ssettag $0x0;
	lr =	simm.s32 $0x1  }
0x2: {  	[smem:$0x3F9A] =	sst lr;
	_ =	strace $0xD0000000  }
0x3: {  	_ = 	snop  }
0x4: {  	_ = 	snop  }
0x5: {  	_ = 	snop  }
0x6: {  	_ = 	snop  }
0x7: {  	_ = 	snop  }
__scs_overlays_trampoline_lowered:
0x8: {  	[smem:$0x3FA9] =	sst s0  }
0x9: {  	[smem:$0x3FAA] =	sst s1  }
0xa: {  	[smem:$0x3FAB] =	sst s2  }
0xb: {  	[smem:$0x3FAC] =	sst s3  }
0xc: {  	[smem:$0x3FAD] =	sst s4  }
0xd: {  	[smem:$0x3FAE] =	sst s5  }
0xe: {  	[smem:$0x3FAF] =	sst s6  }
0xf: {  	[smem:$0x3FB0] =	sst s7  }
0x10: {  	[smem:$0x3FB1] =	sst s8  }
0x11: {  	[smem:$0x3FB2] =	sst s9;
	s0 =	simm.s32 @!p0 $0x0  }
0x12: {  	s1 =	sld [smem:$0x3F98];
	s0 =	simm.s32 @p0 $0x1  }
0x13: {  	[smem:$0x3FB3] =	sst s0;
	s0 =	simm.s32 @!p1 $0x0  }
0x14: {  	s2 =	sld [smem:$0x3F97];
	s0 =	simm.s32 @p1 $0x1  }
0x15: {  	[smem:$0x3FB4] =	sst s0;
	s0 =	simm.s32 @!p2 $0x0  }
0x16: {  	s3 =	sld [smem:$0x3FDB];
	s0 =	simm.s32 @p2 $0x1  }
0x17: {  	s4 =	simm.s32 $0x1BF5;
	[smem:$0x3FB6] =	sst s0  }
0x18: {  	s0 =	sld [smem:$0x3F99];
	_ =	swait.ge [sflag:s4], $0x0  }
0x19: {  	s7 =	sld [smem:$0x3F9A]  }
0x1a: {  	s8 =	sadd.s32 $0xFFFFE003, lr  }
0x1b: {  	s9 =	sadd.s32 $0xFFFFFEF7, lr;
	s5 =	simm.s32 $0xFFFFFFFF;
	p2 =	slt.u32 s8, $0xFFFFF086  }
0x1c: {  	p1 =	slt.u32 s9, $0xF7A;
	s5 =	simm.s32 @!p2 $0x0  }
0x1d: {  	s5 =	simm.s32 @p1 $0x1;
	p0 =	seq.s32 s7, s2  }
0x1e: {  	s7 =	smul.u32 @!p0 $0xF7A, s2;
	p2 =	seq.s32 @!p0 s5, $0x0  }
0x1f: {  	s9 =	smul.u32 $0xF7A, s1;
	s8 =	simm.s32 @!p0 $0x1BF5;
	p2 =	por !p2, p0  }
0x20: {  	[sflag:s8] =	ssyncset.s32 @!p0 $0xFFFFF086;
	s6 =	sadd.s32 @!p0 s3, s7;
	s7 =	simm.s32 @!p0 $0x108  }
0x21: {  	s3 =	sadd.s32 s3, s9;
	s6 =	sadd.s32 @!p0 $0x88, s6;
	s7 =	simm.s32 @p2 $0x1082  }
0x22: {  	[simem:s7], [sflag:s8] =	dma.local @!p0 [hbm:s6], $0xF7A  }
0x23: {  	s9 =	sor.u32 $0xD0000000, s2;
	s6 =	simm.s32 $0x108;
	_ =	swait.ge @!p0 [sflag:s8], $0x0  }
0x24: {  	s3 =	sadd.s32 $0x88, s3;
	s6 =	simm.s32 @!p1 $0x1082;
	[sflag:s4] =	ssyncset.s32 $0xFFFFF086  }
0x25: {  	[simem:s6], [sflag:s4] =	dma.local [hbm:s3], $0xF7A  }
0x26: {  	[smem:$0x3F9A] =	sst s1;
	(tag) =	ssettag s2;
	_ =	strace s9  }
0x27: {  	s1 =	sld [smem:$0x3FAA]  }
0x28: {  	s2 =	sld [smem:$0x3FAB]  }
0x29: {  	s4 =	sld [smem:$0x3FAD]  }
0x2a: {  	p0 =	seq.s32 s5, $0x0;
	s5 =	sld [smem:$0x3FAE]  }
0x2b: {  	s6 =	sld [smem:$0x3FAF]  }
0x2c: {  	s7 =	sld [smem:$0x3FB0]  }
0x2d: {  	s3 =	simm.s32 $0x108;
	s8 =	sld [smem:$0x3FB1]  }
0x2e: {  	s3 =	simm.s32 @!p0 $0x1082;
	s9 =	sld [smem:$0x3FB2]  }
0x2f: {  	lr =	sadd.s32 s0, s3;
	s0 =	sld [smem:$0x3FA9]  }
0x30: {  	s3 =	sld [smem:$0x3FAC]  }
0x31: {  	[smem:$0x3FB5] =	sst s10  }
0x32: {  	s10 =	sld [smem:$0x3FB3];
	_ =	sdelay $0x3  }
0x33: {  	p0 =	seq.s32 s10, $0x1;
	s10 =	sld [smem:$0x3FB5];
	_ =	sdelay $0x3  }
0x34: {  	[smem:$0x3FB5] =	sst s10  }
0x35: {  	s10 =	sld [smem:$0x3FB4];
	_ =	sdelay $0x3  }
0x36: {  	p1 =	seq.s32 s10, $0x1;
	s10 =	sld [smem:$0x3FB5];
	_ =	sdelay $0x3  }
0x37: {  	[smem:$0x3FB5] =	sst s10  }
0x38: {  	s10 =	sld [smem:$0x3FB6]  }
0x39: {  	_ = 	snop;
	(pc) =	sbr.ind lr, $3  }
0x3a: {  	_ = 	snop  }
0x3b: {  	_ = 	snop  }
0x3c: {  	p2 =	seq.s32 s10, $0x1;
	s10 =	sld [smem:$0x3FB5]  }
0x3d: {  	_ =	shalt  }
0x3e: {  	_ =	shalt  }
0x3f: {  	_ =	shalt  }
0x40: {  	_ =	shalt  }
0x41: {  	_ =	shalt  }
0x42: {  	_ =	shalt  }
0x43: {  	_ =	shalt  }
0x44: {  	_ =	shalt  }
0x45: {  	_ =	shalt  }
0x46: {  	_ =	shalt  }
0x47: {  	_ =	shalt  }
0x48: {  	_ =	shalt  }
0x49: {  	_ =	shalt  }
0x4a: {  	_ =	shalt  }
0x4b: {  	_ =	shalt  }
0x4c: {  	_ =	shalt  }
0x4d: {  	_ =	shalt  }
0x4e: {  	_ =	shalt  }
0x4f: {  	_ =	shalt  }
0x50: {  	_ =	shalt  }
0x51: {  	_ =	shalt  }
0x52: {  	_ =	shalt  }
0x53: {  	_ =	shalt  }
0x54: {  	_ =	shalt  }
0x55: {  	_ =	shalt  }
0x56: {  	_ =	shalt  }
0x57: {  	_ =	shalt  }
0x58: {  	_ =	shalt  }
0x59: {  	_ =	shalt  }
0x5a: {  	_ =	shalt  }
0x5b: {  	_ =	shalt  }
0x5c: {  	_ =	shalt  }
0x5d: {  	_ =	shalt  }
0x5e: {  	_ =	shalt  }
0x5f: {  	_ =	shalt  }
0x60: {  	_ =	shalt  }
0x61: {  	_ =	shalt  }
0x62: {  	_ =	shalt  }
0x63: {  	_ =	shalt  }
0x64: {  	_ =	shalt  }
0x65: {  	_ =	shalt  }
0x66: {  	_ =	shalt  }
0x67: {  	_ =	shalt  }
0x68: {  	_ =	shalt  }
0x69: {  	_ =	shalt  }
0x6a: {  	_ =	shalt  }
0x6b: {  	_ =	shalt  }
0x6c: {  	_ =	shalt  }
0x6d: {  	_ =	shalt  }
0x6e: {  	_ =	shalt  }
0x6f: {  	_ =	shalt  }
0x70: {  	_ =	shalt  }
0x71: {  	_ =	shalt  }
0x72: {  	_ =	shalt  }
0x73: {  	_ =	shalt  }
0x74: {  	_ =	shalt  }
0x75: {  	_ =	shalt  }
0x76: {  	_ =	shalt  }
0x77: {  	_ =	shalt  }
0x78: {  	_ =	shalt  }
0x79: {  	_ =	shalt  }
0x7a: {  	_ =	shalt  }
0x7b: {  	_ =	shalt  }
0x7c: {  	_ =	shalt  }
0x7d: {  	_ =	shalt  }
0x7e: {  	_ =	shalt  }
0x7f: {  	_ =	shalt  }
0x80: {  	_ =	shalt  }
0x81: {  	_ =	shalt  }
0x82: {  	_ =	shalt  }
0x83: {  	_ =	shalt  }
0x84: {  	_ =	shalt  }
0x85: {  	_ =	shalt  }
0x86: {  	_ =	shalt  }
0x87: {  	_ =	shalt  }
.Lfunc_end0:
.L_simem_size_0:
called_computation_lowered:
.L_overlay_start_0:
0x88: {  	s2 =	sld [smem:$0x3FD9]  }
0x89: {  	s3 =	sld [smem:$0x3FFE];
	_ =	sdelay $0x1  }
0x8a: {  	s1 =	srdreg.scid  }
0x8b: {  	s0 =	sand.u32 $0x1, s1  }
0x8c: {  	s16 =	sshll.u32 s0, $0xA;
	s2 =	sadd.s32 s3, s2  }
0x8d: {  	s2 =	sadd.s32 s2, s16  }
0x8e: {  	[smem:$0x3FC1] =	sst s2  }
0x8f: {  	_ = 	snop  }
0x90: {  	(tm) =	ssettm $0x1  }
0x91: {  	s17 =	sld [smem:$0x3FFB];
	_ =	sdelay $0x3  }
0x92: {  	_ =	strace s17  }
0x93: {  	s2 =	sld [smem:$0x3FFC];
	_ =	sdelay $0x3  }
0x94: {  	_ =	strace s2  }
0x95: {  	s2 =	sld [smem:$0x3FFD];
	_ =	sdelay $0x3  }
0x96: {  	_ =	strace s2  }
0x97: {  	_ =	strace $0x8FFFFFFF  }
0x98: {  	s18 =	sld [smem:$0x3FDB];
	_ =	sdelay $0x1  }
0x99: {  	s19 =	simm.s32 $_scs_section_size  }
0x9a: {  	s4 =	simm.s32 $_size__tile_overlayer_lowered;
	s5 =	simm.s32 $_tile_overlayer_lowered  }
0x9b: {  	s22 =	simm.s32 $0x1BFF;
	s21 =	sshll.u32 s5, $0x1;
	s2 =	sadd.s32 s19, s18  }
0x9c: {  	s6 =	simm.s32 $0x0;
	s20 =	sshll.u32 s4, $0x1;
	s4 =	sadd.s32 s21, s2  }
0x9d: {  	[timem:s6], [sflag:s22] =	dma.local [hbm:s4], s20  }
0x9e: {  	_ =	swait.ge [sflag:s22], s20  }
0x9f: {  	s3 =	ssub.s32 $0x0, s20;
	[sflag:s22] =	ssyncset.done $0x0  }
0xa0: {  	[sflag:s22] =	ssyncadd.s32 s3;
	_ =	sdelay $0x1  }
0xa1: {  	s23 =	simm.s32 $0x1B8B  }
0xa2: {  	_ =	swait.ge [sflag:s23], $0x1  }
0xa3: {  	[sflag:s23] =	ssyncset.done $0x0  }
0xa4: {  	s25 =	simm.s32 $0x1B8E;
	s24 =	sld [smem:$0x3FFE];
	[sflag:s23] =	ssyncadd.s32 $0xFFFFFFFF  }
0xa5: {  	s26 =	simm.s32 $execute0_lowered;
	[smem:$0x3FD2] =	sst s25  }
0xa6: {  	s4 =	sshll.u32 s26, $0x1;
	_ =	strace $0x80000046;
	[dreg:$0x1] =	wrdreg $0xFFFFFFFF  }
0xa7: {  	s28 =	simm.s32 $_size_execute0_lowered;
	s2 =	sadd.s32 s2, s4;
	[dreg:$0x0] =	wrdreg $0x0  }
0xa8: {  	s4 =	sshll.u32 s28, $0x1;
	[dreg:$0x2] =	wrdreg s2  }
0xa9: {  	[dreg:$0x3] =	wrdreg s4  }
0xaa: {  	[dreg:$0x4] =	wrdreg $0xC0  }
0xab: {  	_ =	task [dreg:s6], $0x5FFFF  }
0xac: {  	[dreg:$0x1] =	wrdreg $0xFFFFFFFF  }
0xad: {  	[dreg:$0x0] =	wrdreg $0x60  }
0xae: {  	[dreg:$0x2] =	wrdreg s24  }
0xaf: {  	[dreg:$0x3] =	wrdreg $0x7A800  }
0xb0: {  	[dreg:$0x4] =	wrdreg $0x9  }
0xb1: {  	_ =	task.clear_ibuf [dreg:s6], $0x5FFFF;
	_ =	strace $0x90000046  }
0xb2: {  	s29 =	simm.s32 $0x9;
	_ =	strace $0x80000048  }
0xb3: {  	_ =	swait.ge [sflag:s29], $0x1  }
0xb4: {  	[sflag:s29] =	ssyncadd.s32 $0xFFFFFFFF  }
0xb5: {  	_ =	strace $0x90000048  }
0xb6: {  	_ =	sfence  }
0xb7: {  	s30 =	sld [smem:$0x0];
	_ =	sdelay $0x2  }
0xb8: {  	s31 =	sshll.u32 s1, $0xD;
	s1 =	sshrl.u32 s1, $0x2  }
0xb9: {  	s3 =	sand.u32 $0x4000, s31;
	s1 =	sadd.s32 s1, s30  }
0xba: {  	s0 =	sor.u32 s3, s0;
	s1 =	sshll.u32 s1, $0x11  }
0xbb: {  	s0 =	sor.u32 s1, s0  }
0xbc: {  	s0 =	sadd.s32 $0x8F2B, s0  }
0xbd: {  	[sflag:s0] =	ssyncadd.remote.s32 $0x1  }
0xbe: {  	_ =	sfence.sel $0xFFFF  }
0xbf: {  	[dreg:$0x0] =	wrdreg $0xFFFFFFFF;
	(pc) =	sbr.abs _section_cstart, $3  }
0xc0: {  	[dreg:$0x1] =	wrdreg $0xFFFFFFFF  }
0xc1: {  	_ =	task.clear_ibuf [dreg:s6], $0x2FFFF;
	_ =	strace $0x9FFFFFFF  }
0xc2: {  	(tm) =	ssettm $0x7FFFFFFF  }
0xc3: {  	_ =	shalt  }
tec
execute0_lowered:
.L_overlay_start_1:
0x0: {  	(tag) =	ssettag $0x1  }
0x1: {  	s0 =	rddreg [dreg:$0x0]  }
0x2: {  	s1 =	srdreg.scid;
	s8 =	stileid.u32  }
0x3: {  	s2 =	rddreg [dreg:$0x1];
	s4 =	simm.s32 $0x0;
	s1 =	sand.u32 $0x1, s1  }
0x4: {  	s3 =	sshll.u32 s8, $0x1;
	[smem:$0x7FF] =	sst s4;
	s25 =	smul.u32 $0x500, s8  }
0x5: {  	s6 =	sshrl.u32 s8, $0x3;
	s7 =	smul.u32 $0x5000, s8;
	s11 =	sshll.u32 s8, $0x7  }
0x6: {  	s3 =	sor.u32 s1, s3;
	_ =	strace $0x80000047;
	s5 =	sshll.u32 s1, $0x7  }
0x7: {  	s1 =	ssub.s32 $0x2, s1;
	s26 =	smul.u32 $0x50000, s6;
	s13 =	sand.u32 $0x380, s11  }
0x8: {  	s3 =	smul.u32 $0x280, s3;
	s4 =	sor.u32 s5, s25;
	s9 =	sshrl.u32 s1, $0x1  }
0x9: {  	s12 =	sshrl.u32 s7, $0x2;
	s4 =	sshrl.u32 s4, $0x3;
	s1 =	ssub.s32 s1, s9  }
0xa: {  	s5 =	sshrl.u32 s26, $0x2;
	s3 =	sadd.s32 s3, s0;
	s8 =	smax.u32 s1, $0x1  }
0xb: {  	s0 =	sadd.s32 s4, s0;
	s10 =	sadd.s32 $0x6200, s3;
	[dreg:$0x16] =	wrdreg s8  }
0xc: {  	s5 =	sadd.s32 s5, s2;
	s14 =	sadd.s32 $0x1200, s3;
	[dreg:$0x3] =	wrdreg s10  }
0xd: {  	s4 =	sadd.s32 s12, s2;
	s15 =	sadd.s32 s13, s5;
	[dreg:$0x4] =	wrdreg s14  }
0xe: {  	s16 =	sadd.s32 $0x80, s4;
	[dreg:$0x5] =	wrdreg s15  }
0xf: {  	s17 =	sadd.s32 $0x100, s4;
	[dreg:$0x6] =	wrdreg s16  }
0x10: {  	s18 =	sadd.s32 $0x180, s4;
	[dreg:$0x7] =	wrdreg s17  }
0x11: {  	s19 =	sadd.s32 $0x200, s4;
	[dreg:$0x8] =	wrdreg s18  }
0x12: {  	s20 =	sadd.s32 $0x280, s4;
	[dreg:$0x9] =	wrdreg s19  }
0x13: {  	s21 =	sadd.s32 $0x300, s4;
	[dreg:$0xa] =	wrdreg s20  }
0x14: {  	s22 =	sadd.s32 $0x380, s4;
	[dreg:$0xb] =	wrdreg s21  }
0x15: {  	s23 =	sadd.s32 $0x14000, s4;
	[dreg:$0xc] =	wrdreg s22  }
0x16: {  	s24 =	sadd.s32 $0x14080, s4;
	[dreg:$0xd] =	wrdreg s23  }
0x17: {  	s25 =	sadd.s32 $0x14100, s4;
	[dreg:$0xe] =	wrdreg s24  }
0x18: {  	s26 =	sadd.s32 $0x14180, s4;
	[dreg:$0xf] =	wrdreg s25  }
0x19: {  	s3 =	sadd.s32 $0x14200, s4;
	[dreg:$0x10] =	wrdreg s26  }
0x1a: {  	s5 =	sadd.s32 $0x14280, s4;
	[dreg:$0x11] =	wrdreg s3  }
0x1b: {  	s6 =	sadd.s32 $0x14300, s4;
	[dreg:$0x12] =	wrdreg s5  }
0x1c: {  	s7 =	sadd.s32 $0x14380, s4;
	[dreg:$0x13] =	wrdreg s6  }
0x1d: {  	s0 =	sadd.s32 $0xB200, s0;
	[dreg:$0x14] =	wrdreg s7  }
0x1e: {  	s9 =	sadd.s32 $0x400, s4;
	[dreg:$0x15] =	wrdreg s0  }
0x1f: {  	s11 =	sadd.s32 $0xC00, s4;
	[dreg:$0x17] =	wrdreg s9  }
0x20: {  	s12 =	sadd.s32 $0x1000, s4;
	[dreg:$0x19] =	wrdreg s11  }
0x21: {  	s13 =	sadd.s32 $0x480, s4;
	[dreg:$0x1a] =	wrdreg s12  }
0x22: {  	s1 =	sadd.s32 $0xE00, s4;
	[dreg:$0x1b] =	wrdreg s13  }
0x23: {  	s2 =	sadd.s32 $0x1200, s4;
	[smem:$0x7E5] =	sst s1  }
0x24: {  	s8 =	sadd.s32 $0x700, s4;
	[smem:$0x7E6] =	sst s2  }
0x25: {  	s10 =	sadd.s32 $0x800, s4;
	[smem:$0x7EB] =	sst s8  }
0x26: {  	s14 =	sadd.s32 $0x880, s4;
	[dreg:$0x18] =	wrdreg s10  }
0x27: {  	s15 =	sadd.s32 $0xC80, s4;
	[dreg:$0x1c] =	wrdreg s14  }
0x28: {  	s16 =	sadd.s32 $0x1080, s4;
	[dreg:$0x1d] =	wrdreg s15  }
0x29: {  	s17 =	sadd.s32 $0x500, s4;
	[dreg:$0x1e] =	wrdreg s16  }
0x2a: {  	s18 =	sadd.s32 $0x900, s4;
	[dreg:$0x1f] =	wrdreg s17  }
0x2b: {  	s19 =	sadd.s32 $0xD00, s4;
	[smem:$0x7DC] =	sst s18  }
0x2c: {  	s20 =	sadd.s32 $0x1100, s4;
	[smem:$0x7DD] =	sst s19  }
0x2d: {  	s21 =	sadd.s32 $0x580, s4;
	[smem:$0x7DE] =	sst s20  }
0x2e: {  	s22 =	sadd.s32 $0x980, s4;
	[smem:$0x7DF] =	sst s21  }
0x2f: {  	s23 =	sadd.s32 $0xD80, s4;
	[smem:$0x7E0] =	sst s22  }
0x30: {  	s24 =	sadd.s32 $0x1180, s4;
	[smem:$0x7E1] =	sst s23  }
0x31: {  	s25 =	sadd.s32 $0x600, s4;
	[smem:$0x7E2] =	sst s24  }
0x32: {  	s26 =	sadd.s32 $0xA00, s4;
	[smem:$0x7E3] =	sst s25  }
0x33: {  	s3 =	sadd.s32 $0x680, s4;
	[smem:$0x7E4] =	sst s26  }
0x34: {  	s5 =	sadd.s32 $0xA80, s4;
	[smem:$0x7E7] =	sst s3  }
0x35: {  	s6 =	sadd.s32 $0xE80, s4;
	[smem:$0x7E8] =	sst s5  }
0x36: {  	s7 =	sadd.s32 $0x1280, s4;
	[smem:$0x7E9] =	sst s6  }
0x37: {  	s9 =	sadd.s32 $0xB00, s4;
	[smem:$0x7EA] =	sst s7  }
0x38: {  	s11 =	sadd.s32 $0x1300, s4;
	[smem:$0x7EC] =	sst s9  }
0x39: {  	s12 =	sadd.s32 $0x780, s4;
	[smem:$0x7EE] =	sst s11  }
0x3a: {  	s13 =	sadd.s32 $0xB80, s4;
	[smem:$0x7EF] =	sst s12  }
0x3b: {  	s10 =	sadd.s32 $0xF00, s4;
	[smem:$0x7F0] =	sst s13  }
0x3c: {  	s14 =	sadd.s32 $0xF80, s4;
	[smem:$0x7ED] =	sst s10  }
0x3d: {  	s15 =	sadd.s32 $0x1380, s4;
	[smem:$0x7F1] =	sst s14  }
0x3e: {  	s29 =	simm.s32 $0x1;
	s16 =	sadd.s32 $0x14400, s4;
	[smem:$0x7F2] =	sst s15  }
0x3f: {  	s30 =	simm.s32 $0x2800;
	s17 =	sadd.s32 $0x14800, s4;
	[smem:$0x7F3] =	sst s16  }
0x40: {  	s31 =	simm.s32 $0x80;
	s18 =	sadd.s32 $0x14C00, s4;
	[smem:$0x7F4] =	sst s17  }
0x41: {  	s28 =	sadd.s32 $0x15380, s4;
	s19 =	sadd.s32 $0x15000, s4;
	[smem:$0x7F5] =	sst s18  }
0x42: {  	s8 =	sadd.s32 $0x14580, s4;
	s20 =	sadd.s32 $0x14480, s4;
	[smem:$0x7F6] =	sst s19  }
0x43: {  	s1 =	simm.s32 $0x0;
	s21 =	sadd.s32 $0x14880, s4;
	[smem:$0x7F7] =	sst s20  }
0x44: {  	s22 =	sadd.s32 $0x14C80, s4;
	s23 =	sadd.s32 $0x15080, s4;
	[smem:$0x7F8] =	sst s21  }
0x45: {  	s24 =	sadd.s32 $0x14500, s4;
	s25 =	sadd.s32 $0x14900, s4;
	[smem:$0x7F9] =	sst s22  }
0x46: {  	s26 =	sadd.s32 $0x14D00, s4;
	s7 =	sadd.s32 $0x15100, s4;
	[smem:$0x7FA] =	sst s23  }
0x47: {  	s9 =	sadd.s32 $0x14980, s4;
	s11 =	sadd.s32 $0x15180, s4;
	[smem:$0x7FB] =	sst s24  }
0x48: {  	s12 =	sadd.s32 $0x14600, s4;
	s13 =	sadd.s32 $0x14A00, s4;
	[smem:$0x7FC] =	sst s25  }
0x49: {  	vm0 =	vcmask $0x704;
	vm1 =	vcmask $0xB08;
	vm2 =	vcmask $0xF0C;
	[smem:$0x7FD] =	sst s26;
	s10 =	sadd.s32 $0x14D80, s4;
	s14 =	sadd.s32 $0x14E00, s4  }
0x4a: {  	vm3 =	vcmask $0x1310;
	vm4 =	vcmask $0x1714;
	vm5 =	vcmask $0x1B18;
	s15 =	sadd.s32 $0x15200, s4;
	s16 =	sadd.s32 $0x14680, s4;
	s17 =	sadd.s32 $0x14A80, s4  }
0x4b: {  	vm6 =	vcmask $0x1F1C;
	vm7 =	vcmask $0x2320;
	vm8 =	vcmask $0x2724;
	s18 =	sadd.s32 $0x14E80, s4;
	s19 =	sadd.s32 $0x15280, s4;
	s20 =	sadd.s32 $0x14700, s4  }
0x4c: {  	vm9 =	vcmask $0x2B28;
	vm10 =	vcmask $0x2F2C;
	vm11 =	vcmask $0x3330;
	s21 =	sadd.s32 $0x14B00, s4;
	s22 =	sadd.s32 $0x14F00, s4;
	s23 =	sadd.s32 $0x15300, s4  }
0x4d: {  	vm12 =	vcmask $0x3734;
	vm13 =	vcmask $0x3B38;
	vm14 =	vcmask $0x3F3C;
	s24 =	sadd.s32 $0x14780, s4;
	s25 =	sadd.s32 $0x14B80, s4;
	s26 =	sadd.s32 $0x14F80, s4  }
.LBB2_1:
0x4e: {  	s0 =	simm.s32 $0x0;
	s2 =	rddreg [dreg:$0x3]  }
0x4f: {  	[tilespmem:s0], [sflag:$0x1] =	stream.linear.gather [hbm4b:s2+s0], $0x1400, $0x38;
	[tilespmem:$0xA280] =	vst v63  }
0x50: {  	_ =	swait.ge [sflag:s29], $0x1400  }
0x51: {  	[sflag:s29] =	ssyncset.done $0x0  }
0x52: {  	s3 =	simm.s32 $0x1400;
	s6 =	rddreg [dreg:$0x4];
	[sflag:s29] =	ssyncadd.s32 $0xFFFFEC00  }
0x53: {  	[tilespmem:s3], [sflag:$0x1] =	stream.linear.gather [hbm4b:s6+s0], $0x1400, $0x38;
	[tilespmem:$0xA280] =	vst v63  }
0x54: {  	_ =	swait.ge [sflag:s29], $0x1400  }
0x55: {  	[sflag:s29] =	ssyncset.done $0x0  }
0x56: {  	s0 =	simm.s32 $0x0;
	[sflag:s29] =	ssyncadd.s32 $0xFFFFEC00  }
.LBB2_2:
0x57: {  	s2 =	sshra.s32 s0, $0x2  }
0x58: {  	v0 =	vld [tilespmem:s2+$0x0];
	_ =	sdelay $0x2  }
0x59: {  	v1 =	vld [tilespmem:s2+$0x1400];
	_ =	sdelay $0x4  }
0x5a: {  	[tilespmem:v0+s30+$0x0] =	vst.idx.add.f32.msk $0x1, v1  }
0x5b: {  	[tilespmem:v0+s30+$0x0] =	vst.idx.add.f32.msk vm0, v1  }
0x5c: {  	[tilespmem:v0+s30+$0x0] =	vst.idx.add.f32.msk vm1, v1  }
0x5d: {  	[tilespmem:v0+s30+$0x0] =	vst.idx.add.f32.msk vm2, v1  }
0x5e: {  	[tilespmem:v0+s30+$0x0] =	vst.idx.add.f32.msk vm3, v1  }
0x5f: {  	[tilespmem:v0+s30+$0x0] =	vst.idx.add.f32.msk vm4, v1  }
0x60: {  	[tilespmem:v0+s30+$0x0] =	vst.idx.add.f32.msk vm5, v1  }
0x61: {  	[tilespmem:v0+s30+$0x0] =	vst.idx.add.f32.msk vm6, v1  }
0x62: {  	[tilespmem:v0+s30+$0x0] =	vst.idx.add.f32.msk vm7, v1  }
0x63: {  	[tilespmem:v0+s30+$0x0] =	vst.idx.add.f32.msk vm8, v1  }
0x64: {  	[tilespmem:v0+s30+$0x0] =	vst.idx.add.f32.msk vm9, v1  }
0x65: {  	[tilespmem:v0+s30+$0x0] =	vst.idx.add.f32.msk vm10, v1  }
0x66: {  	[tilespmem:v0+s30+$0x0] =	vst.idx.add.f32.msk vm11, v1  }
0x67: {  	[tilespmem:v0+s30+$0x0] =	vst.idx.add.f32.msk vm12, v1  }
0x68: {  	[tilespmem:v0+s30+$0x0] =	vst.idx.add.f32.msk vm13, v1  }
0x69: {  	[tilespmem:v0+s30+$0x0] =	vst.idx.add.f32.msk vm14, v1  }
0x6a: {  	v0 =	vld [tilespmem:s2+$0x10];
	_ =	sdelay $0x2  }
0x6b: {  	v1 =	vld [tilespmem:s2+$0x1410];
	_ =	sdelay $0x4  }
0x6c: {  	[tilespmem:v0+s30+$0x0] =	vst.idx.add.f32.msk $0x1, v1  }
0x6d: {  	[tilespmem:v0+s30+$0x0] =	vst.idx.add.f32.msk vm0, v1  }
0x6e: {  	[tilespmem:v0+s30+$0x0] =	vst.idx.add.f32.msk vm1, v1  }
0x6f: {  	[tilespmem:v0+s30+$0x0] =	vst.idx.add.f32.msk vm2, v1  }
0x70: {  	[tilespmem:v0+s30+$0x0] =	vst.idx.add.f32.msk vm3, v1  }
0x71: {  	[tilespmem:v0+s30+$0x0] =	vst.idx.add.f32.msk vm4, v1  }
0x72: {  	[tilespmem:v0+s30+$0x0] =	vst.idx.add.f32.msk vm5, v1  }
0x73: {  	[tilespmem:v0+s30+$0x0] =	vst.idx.add.f32.msk vm6, v1  }
0x74: {  	[tilespmem:v0+s30+$0x0] =	vst.idx.add.f32.msk vm7, v1  }
0x75: {  	[tilespmem:v0+s30+$0x0] =	vst.idx.add.f32.msk vm8, v1  }
0x76: {  	[tilespmem:v0+s30+$0x0] =	vst.idx.add.f32.msk vm9, v1  }
0x77: {  	[tilespmem:v0+s30+$0x0] =	vst.idx.add.f32.msk vm10, v1  }
0x78: {  	[tilespmem:v0+s30+$0x0] =	vst.idx.add.f32.msk vm11, v1  }
0x79: {  	[tilespmem:v0+s30+$0x0] =	vst.idx.add.f32.msk vm12, v1  }
0x7a: {  	[tilespmem:v0+s30+$0x0] =	vst.idx.add.f32.msk vm13, v1  }
0x7b: {  	[tilespmem:v0+s30+$0x0] =	vst.idx.add.f32.msk vm14, v1  }
0x7c: {  	v0 =	vld [tilespmem:s2+$0x20];
	_ =	sdelay $0x2  }
0x7d: {  	v1 =	vld [tilespmem:s2+$0x1420];
	_ =	sdelay $0x4  }
0x7e: {  	[tilespmem:v0+s30+$0x0] =	vst.idx.add.f32.msk $0x1, v1  }
0x7f: {  	[tilespmem:v0+s30+$0x0] =	vst.idx.add.f32.msk vm0, v1  }
0x80: {  	[tilespmem:v0+s30+$0x0] =	vst.idx.add.f32.msk vm1, v1  }
0x81: {  	[tilespmem:v0+s30+$0x0] =	vst.idx.add.f32.msk vm2, v1  }
0x82: {  	[tilespmem:v0+s30+$0x0] =	vst.idx.add.f32.msk vm3, v1  }
0x83: {  	[tilespmem:v0+s30+$0x0] =	vst.idx.add.f32.msk vm4, v1  }
0x84: {  	[tilespmem:v0+s30+$0x0] =	vst.idx.add.f32.msk vm5, v1  }
0x85: {  	[tilespmem:v0+s30+$0x0] =	vst.idx.add.f32.msk vm6, v1  }
0x86: {  	[tilespmem:v0+s30+$0x0] =	vst.idx.add.f32.msk vm7, v1  }
0x87: {  	[tilespmem:v0+s30+$0x0] =	vst.idx.add.f32.msk vm8, v1  }
0x88: {  	[tilespmem:v0+s30+$0x0] =	vst.idx.add.f32.msk vm9, v1  }
0x89: {  	[tilespmem:v0+s30+$0x0] =	vst.idx.add.f32.msk vm10, v1  }
0x8a: {  	[tilespmem:v0+s30+$0x0] =	vst.idx.add.f32.msk vm11, v1  }
0x8b: {  	[tilespmem:v0+s30+$0x0] =	vst.idx.add.f32.msk vm12, v1  }
0x8c: {  	[tilespmem:v0+s30+$0x0] =	vst.idx.add.f32.msk vm13, v1  }
0x8d: {  	[tilespmem:v0+s30+$0x0] =	vst.idx.add.f32.msk vm14, v1  }
0x8e: {  	v0 =	vld [tilespmem:s2+$0x30];
	_ =	sdelay $0x2  }
0x8f: {  	v1 =	vld [tilespmem:s2+$0x1430];
	_ =	sdelay $0x4  }
0x90: {  	[tilespmem:v0+s30+$0x0] =	vst.idx.add.f32.msk $0x1, v1  }
0x91: {  	[tilespmem:v0+s30+$0x0] =	vst.idx.add.f32.msk vm0, v1  }
0x92: {  	[tilespmem:v0+s30+$0x0] =	vst.idx.add.f32.msk vm1, v1  }
0x93: {  	[tilespmem:v0+s30+$0x0] =	vst.idx.add.f32.msk vm2, v1  }
0x94: {  	[tilespmem:v0+s30+$0x0] =	vst.idx.add.f32.msk vm3, v1  }
0x95: {  	[tilespmem:v0+s30+$0x0] =	vst.idx.add.f32.msk vm4, v1  }
0x96: {  	[tilespmem:v0+s30+$0x0] =	vst.idx.add.f32.msk vm5, v1  }
0x97: {  	[tilespmem:v0+s30+$0x0] =	vst.idx.add.f32.msk vm6, v1  }
0x98: {  	[tilespmem:v0+s30+$0x0] =	vst.idx.add.f32.msk vm7, v1  }
0x99: {  	[tilespmem:v0+s30+$0x0] =	vst.idx.add.f32.msk vm8, v1  }
0x9a: {  	[tilespmem:v0+s30+$0x0] =	vst.idx.add.f32.msk vm9, v1  }
0x9b: {  	[tilespmem:v0+s30+$0x0] =	vst.idx.add.f32.msk vm10, v1  }
0x9c: {  	[tilespmem:v0+s30+$0x0] =	vst.idx.add.f32.msk vm11, v1  }
0x9d: {  	[tilespmem:v0+s30+$0x0] =	vst.idx.add.f32.msk vm12, v1  }
0x9e: {  	[tilespmem:v0+s30+$0x0] =	vst.idx.add.f32.msk vm13, v1  }
0x9f: {  	[tilespmem:v0+s30+$0x0] =	vst.idx.add.f32.msk vm14, v1  }
0xa0: {  	v0 =	vld [tilespmem:s2+$0x40];
	_ =	sdelay $0x2  }
0xa1: {  	v1 =	vld [tilespmem:s2+$0x1440];
	_ =	sdelay $0x4  }
0xa2: {  	[tilespmem:v0+s30+$0x0] =	vst.idx.add.f32.msk $0x1, v1  }
0xa3: {  	[tilespmem:v0+s30+$0x0] =	vst.idx.add.f32.msk vm0, v1  }
0xa4: {  	[tilespmem:v0+s30+$0x0] =	vst.idx.add.f32.msk vm1, v1  }
0xa5: {  	[tilespmem:v0+s30+$0x0] =	vst.idx.add.f32.msk vm2, v1  }
0xa6: {  	[tilespmem:v0+s30+$0x0] =	vst.idx.add.f32.msk vm3, v1  }
0xa7: {  	[tilespmem:v0+s30+$0x0] =	vst.idx.add.f32.msk vm4, v1  }
0xa8: {  	[tilespmem:v0+s30+$0x0] =	vst.idx.add.f32.msk vm5, v1  }
0xa9: {  	[tilespmem:v0+s30+$0x0] =	vst.idx.add.f32.msk vm6, v1  }
0xaa: {  	[tilespmem:v0+s30+$0x0] =	vst.idx.add.f32.msk vm7, v1  }
0xab: {  	[tilespmem:v0+s30+$0x0] =	vst.idx.add.f32.msk vm8, v1  }
0xac: {  	[tilespmem:v0+s30+$0x0] =	vst.idx.add.f32.msk vm9, v1  }
0xad: {  	[tilespmem:v0+s30+$0x0] =	vst.idx.add.f32.msk vm10, v1  }
0xae: {  	[tilespmem:v0+s30+$0x0] =	vst.idx.add.f32.msk vm11, v1  }
0xaf: {  	[tilespmem:v0+s30+$0x0] =	vst.idx.add.f32.msk vm12, v1  }
0xb0: {  	[tilespmem:v0+s30+$0x0] =	vst.idx.add.f32.msk vm13, v1  }
0xb1: {  	[tilespmem:v0+s30+$0x0] =	vst.idx.add.f32.msk vm14, v1  }
0xb2: {  	v0 =	vld [tilespmem:s2+$0x50];
	_ =	sdelay $0x2  }
0xb3: {  	v1 =	vld [tilespmem:s2+$0x1450];
	_ =	sdelay $0x4  }
0xb4: {  	[tilespmem:v0+s30+$0x0] =	vst.idx.add.f32.msk $0x1, v1  }
0xb5: {  	[tilespmem:v0+s30+$0x0] =	vst.idx.add.f32.msk vm0, v1  }
0xb6: {  	[tilespmem:v0+s30+$0x0] =	vst.idx.add.f32.msk vm1, v1  }
0xb7: {  	[tilespmem:v0+s30+$0x0] =	vst.idx.add.f32.msk vm2, v1  }
0xb8: {  	[tilespmem:v0+s30+$0x0] =	vst.idx.add.f32.msk vm3, v1  }
0xb9: {  	[tilespmem:v0+s30+$0x0] =	vst.idx.add.f32.msk vm4, v1  }
0xba: {  	[tilespmem:v0+s30+$0x0] =	vst.idx.add.f32.msk vm5, v1  }
0xbb: {  	[tilespmem:v0+s30+$0x0] =	vst.idx.add.f32.msk vm6, v1  }
0xbc: {  	[tilespmem:v0+s30+$0x0] =	vst.idx.add.f32.msk vm7, v1  }
0xbd: {  	[tilespmem:v0+s30+$0x0] =	vst.idx.add.f32.msk vm8, v1  }
0xbe: {  	[tilespmem:v0+s30+$0x0] =	vst.idx.add.f32.msk vm9, v1  }
0xbf: {  	[tilespmem:v0+s30+$0x0] =	vst.idx.add.f32.msk vm10, v1  }
0xc0: {  	[tilespmem:v0+s30+$0x0] =	vst.idx.add.f32.msk vm11, v1  }
0xc1: {  	[tilespmem:v0+s30+$0x0] =	vst.idx.add.f32.msk vm12, v1  }
0xc2: {  	[tilespmem:v0+s30+$0x0] =	vst.idx.add.f32.msk vm13, v1  }
0xc3: {  	[tilespmem:v0+s30+$0x0] =	vst.idx.add.f32.msk vm14, v1  }
0xc4: {  	v0 =	vld [tilespmem:s2+$0x60];
	_ =	sdelay $0x2  }
0xc5: {  	v1 =	vld [tilespmem:s2+$0x1460];
	_ =	sdelay $0x4  }
0xc6: {  	[tilespmem:v0+s30+$0x0] =	vst.idx.add.f32.msk $0x1, v1  }
0xc7: {  	[tilespmem:v0+s30+$0x0] =	vst.idx.add.f32.msk vm0, v1  }
0xc8: {  	[tilespmem:v0+s30+$0x0] =	vst.idx.add.f32.msk vm1, v1  }
0xc9: {  	[tilespmem:v0+s30+$0x0] =	vst.idx.add.f32.msk vm2, v1  }
0xca: {  	[tilespmem:v0+s30+$0x0] =	vst.idx.add.f32.msk vm3, v1  }
0xcb: {  	[tilespmem:v0+s30+$0x0] =	vst.idx.add.f32.msk vm4, v1  }
0xcc: {  	[tilespmem:v0+s30+$0x0] =	vst.idx.add.f32.msk vm5, v1  }
0xcd: {  	[tilespmem:v0+s30+$0x0] =	vst.idx.add.f32.msk vm6, v1  }
0xce: {  	[tilespmem:v0+s30+$0x0] =	vst.idx.add.f32.msk vm7, v1  }
0xcf: {  	[tilespmem:v0+s30+$0x0] =	vst.idx.add.f32.msk vm8, v1  }
0xd0: {  	[tilespmem:v0+s30+$0x0] =	vst.idx.add.f32.msk vm9, v1  }
0xd1: {  	[tilespmem:v0+s30+$0x0] =	vst.idx.add.f32.msk vm10, v1  }
0xd2: {  	[tilespmem:v0+s30+$0x0] =	vst.idx.add.f32.msk vm11, v1  }
0xd3: {  	[tilespmem:v0+s30+$0x0] =	vst.idx.add.f32.msk vm12, v1  }
0xd4: {  	[tilespmem:v0+s30+$0x0] =	vst.idx.add.f32.msk vm13, v1  }
0xd5: {  	[tilespmem:v0+s30+$0x0] =	vst.idx.add.f32.msk vm14, v1  }
0xd6: {  	v0 =	vld [tilespmem:s2+$0x70];
	_ =	sdelay $0x2  }
0xd7: {  	v1 =	vld [tilespmem:s2+$0x1470];
	_ =	sdelay $0x4  }
0xd8: {  	[tilespmem:v0+s30+$0x0] =	vst.idx.add.f32.msk $0x1, v1  }
0xd9: {  	[tilespmem:v0+s30+$0x0] =	vst.idx.add.f32.msk vm0, v1  }
0xda: {  	[tilespmem:v0+s30+$0x0] =	vst.idx.add.f32.msk vm1, v1  }
0xdb: {  	[tilespmem:v0+s30+$0x0] =	vst.idx.add.f32.msk vm2, v1  }
0xdc: {  	[tilespmem:v0+s30+$0x0] =	vst.idx.add.f32.msk vm3, v1  }
0xdd: {  	[tilespmem:v0+s30+$0x0] =	vst.idx.add.f32.msk vm4, v1  }
0xde: {  	[tilespmem:v0+s30+$0x0] =	vst.idx.add.f32.msk vm5, v1  }
0xdf: {  	[tilespmem:v0+s30+$0x0] =	vst.idx.add.f32.msk vm6, v1  }
0xe0: {  	[tilespmem:v0+s30+$0x0] =	vst.idx.add.f32.msk vm7, v1  }
0xe1: {  	[tilespmem:v0+s30+$0x0] =	vst.idx.add.f32.msk vm8, v1  }
0xe2: {  	p0 =	sne.s32 s0, $0x4E00;
	[tilespmem:v0+s30+$0x0] =	vst.idx.add.f32.msk vm9, v1  }
.Ltmp0:
0xe3: {  	[tilespmem:v0+s30+$0x0] =	vst.idx.add.f32.msk vm10, v1;
	(pc) =	sbr.rel @p0 .LBB2_2-.Ltmp0, $4  }
0xe4: {  	[tilespmem:v0+s30+$0x0] =	vst.idx.add.f32.msk vm11, v1  }
0xe5: {  	[tilespmem:v0+s30+$0x0] =	vst.idx.add.f32.msk vm12, v1  }
0xe6: {  	[tilespmem:v0+s30+$0x0] =	vst.idx.add.f32.msk vm13, v1  }
0xe7: {  	s0 =	sadd.s32 $0x200, s0;
	[tilespmem:v0+s30+$0x0] =	vst.idx.add.f32.msk vm14, v1  }
0xe8: {  	s0 =	rddreg [dreg:$0x5];
	s2 =	simm.s32 $0x400  }
0xe9: {  	[spmem:s0] =	stream.strided.scatter [tilespmem:s30], [sflag:$0x1], $0x2800, s2, s31, $0x38;
	[tilespmem:$0xA280] =	vst v63  }
0xea: {  	_ =	swait.ge [sflag:s29], $0x2800  }
0xeb: {  	[sflag:s29] =	ssyncset.done $0x0  }
0xec: {  	[sflag:s29] =	ssyncadd.s32 $0xFFFFD800  }
0xed: {  	s3 =	simm.s32 $0x5000;
	[bflag:$0x0] =	sbarrier.arrive $0xFFFF  }
0xee: {  	[tilespmem:s3], [sflag:$0x1] =	stream.linear.gather [spmem:s4], $0x80, $0x38;
	[tilespmem:$0xA280] =	vst v63  }
0xef: {  	s6 =	simm.s32 $0x5400;
	s5 =	rddreg [dreg:$0x17]  }
0xf0: {  	[tilespmem:s6], [sflag:$0x1] =	stream.linear.gather [spmem:s5], $0x80, $0x38;
	[tilespmem:$0xA280] =	vst v63  }
0xf1: {  	s2 =	rddreg [dreg:$0x18];
	s3 =	simm.s32 $0x5800  }
0xf2: {  	[tilespmem:s3], [sflag:$0x1] =	stream.linear.gather [spmem:s2], $0x80, $0x38;
	[tilespmem:$0xA280] =	vst v63  }
0xf3: {  	s5 =	rddreg [dreg:$0x19];
	s6 =	simm.s32 $0x5C00  }
0xf4: {  	[tilespmem:s6], [sflag:$0x1] =	stream.linear.gather [spmem:s5], $0x80, $0x38;
	[tilespmem:$0xA280] =	vst v63  }
0xf5: {  	s2 =	rddreg [dreg:$0x1a];
	s3 =	simm.s32 $0x6000  }
0xf6: {  	[tilespmem:s3], [sflag:$0x1] =	stream.linear.gather [spmem:s2], $0x80, $0x38;
	[tilespmem:$0xA280] =	vst v63  }
0xf7: {  	_ =	swait.ge [sflag:s29], $0x280  }
0xf8: {  	[sflag:s29] =	ssyncset.done $0x0  }
0xf9: {  	s6 =	simm.s32 $0x5080;
	s5 =	rddreg [dreg:$0x6];
	[sflag:s29] =	ssyncadd.s32 $0xFFFFFD80  }
0xfa: {  	[tilespmem:s6], [sflag:$0x1] =	stream.linear.gather [spmem:s5], $0x80, $0x38;
	[tilespmem:$0xA280] =	vst v63  }
0xfb: {  	s3 =	simm.s32 $0x5480;
	s2 =	rddreg [dreg:$0x1b]  }
0xfc: {  	[tilespmem:s3], [sflag:$0x1] =	stream.linear.gather [spmem:s2], $0x80, $0x38;
	[tilespmem:$0xA280] =	vst v63  }
0xfd: {  	s5 =	rddreg [dreg:$0x1c];
	s6 =	simm.s32 $0x5880  }
0xfe: {  	[tilespmem:s6], [sflag:$0x1] =	stream.linear.gather [spmem:s5], $0x80, $0x38;
	[tilespmem:$0xA280] =	vst v63  }
0xff: {  	s2 =	rddreg [dreg:$0x1d];
	s3 =	simm.s32 $0x5C80  }
0x100: {  	[tilespmem:s3], [sflag:$0x1] =	stream.linear.gather [spmem:s2], $0x80, $0x38;
	[tilespmem:$0xA280] =	vst v63  }
0x101: {  	s5 =	rddreg [dreg:$0x1e];
	s6 =	simm.s32 $0x6080  }
0x102: {  	[tilespmem:s6], [sflag:$0x1] =	stream.linear.gather [spmem:s5], $0x80, $0x38;
	[tilespmem:$0xA280] =	vst v63  }
0x103: {  	_ =	swait.ge [sflag:s29], $0x280  }
0x104: {  	[sflag:s29] =	ssyncset.done $0x0;
	s2 =	rddreg [dreg:$0x7]  }
0x105: {  	s3 =	simm.s32 $0x5100;
	s5 =	rddreg [dreg:$0x1f];
	[sflag:s29] =	ssyncadd.s32 $0xFFFFFD80  }
0x106: {  	[tilespmem:s3], [sflag:$0x1] =	stream.linear.gather [spmem:s2], $0x80, $0x38;
	[tilespmem:$0xA280] =	vst v63  }
0x107: {  	s6 =	simm.s32 $0x5500;
	s2 =	sld [smem:$0x7DC]  }
0x108: {  	[tilespmem:s6], [sflag:$0x1] =	stream.linear.gather [spmem:s5], $0x80, $0x38;
	[tilespmem:$0xA280] =	vst v63  }
0x109: {  	s3 =	simm.s32 $0x5900;
	s5 =	sld [smem:$0x7DD]  }
0x10a: {  	[tilespmem:s3], [sflag:$0x1] =	stream.linear.gather [spmem:s2], $0x80, $0x38;
	[tilespmem:$0xA280] =	vst v63  }
0x10b: {  	s6 =	simm.s32 $0x5D00;
	s2 =	sld [smem:$0x7DE]  }
0x10c: {  	[tilespmem:s6], [sflag:$0x1] =	stream.linear.gather [spmem:s5], $0x80, $0x38;
	[tilespmem:$0xA280] =	vst v63  }
0x10d: {  	s3 =	simm.s32 $0x6100  }
0x10e: {  	[tilespmem:s3], [sflag:$0x1] =	stream.linear.gather [spmem:s2], $0x80, $0x38;
	[tilespmem:$0xA280] =	vst v63  }
0x10f: {  	_ =	swait.ge [sflag:s29], $0x280  }
0x110: {  	[sflag:s29] =	ssyncset.done $0x0;
	s5 =	rddreg [dreg:$0x8]  }
0x111: {  	s6 =	simm.s32 $0x5180;
	s2 =	sld [smem:$0x7DF];
	[sflag:s29] =	ssyncadd.s32 $0xFFFFFD80  }
0x112: {  	[tilespmem:s6], [sflag:$0x1] =	stream.linear.gather [spmem:s5], $0x80, $0x38;
	[tilespmem:$0xA280] =	vst v63  }
0x113: {  	s3 =	simm.s32 $0x5580;
	s5 =	sld [smem:$0x7E0]  }
0x114: {  	[tilespmem:s3], [sflag:$0x1] =	stream.linear.gather [spmem:s2], $0x80, $0x38;
	[tilespmem:$0xA280] =	vst v63  }
0x115: {  	s6 =	simm.s32 $0x5980;
	s2 =	sld [smem:$0x7E1]  }
0x116: {  	[tilespmem:s6], [sflag:$0x1] =	stream.linear.gather [spmem:s5], $0x80, $0x38;
	[tilespmem:$0xA280] =	vst v63  }
0x117: {  	s3 =	simm.s32 $0x5D80;
	s5 =	sld [smem:$0x7E2]  }
0x118: {  	[tilespmem:s3], [sflag:$0x1] =	stream.linear.gather [spmem:s2], $0x80, $0x38;
	[tilespmem:$0xA280] =	vst v63  }
0x119: {  	s6 =	simm.s32 $0x6180  }
0x11a: {  	[tilespmem:s6], [sflag:$0x1] =	stream.linear.gather [spmem:s5], $0x80, $0x38;
	[tilespmem:$0xA280] =	vst v63  }
0x11b: {  	_ =	swait.ge [sflag:s29], $0x280  }
0x11c: {  	[sflag:s29] =	ssyncset.done $0x0;
	s2 =	rddreg [dreg:$0x9]  }
0x11d: {  	s3 =	simm.s32 $0x5200;
	s5 =	sld [smem:$0x7E3];
	[sflag:s29] =	ssyncadd.s32 $0xFFFFFD80  }
0x11e: {  	[tilespmem:s3], [sflag:$0x1] =	stream.linear.gather [spmem:s2], $0x80, $0x38;
	[tilespmem:$0xA280] =	vst v63  }
0x11f: {  	s6 =	simm.s32 $0x5600;
	s2 =	sld [smem:$0x7E4]  }
0x120: {  	[tilespmem:s6], [sflag:$0x1] =	stream.linear.gather [spmem:s5], $0x80, $0x38;
	[tilespmem:$0xA280] =	vst v63  }
0x121: {  	s3 =	simm.s32 $0x5A00;
	s5 =	sld [smem:$0x7E5]  }
0x122: {  	[tilespmem:s3], [sflag:$0x1] =	stream.linear.gather [spmem:s2], $0x80, $0x38;
	[tilespmem:$0xA280] =	vst v63  }
0x123: {  	s6 =	simm.s32 $0x5E00;
	s2 =	sld [smem:$0x7E6]  }
0x124: {  	[tilespmem:s6], [sflag:$0x1] =	stream.linear.gather [spmem:s5], $0x80, $0x38;
	[tilespmem:$0xA280] =	vst v63  }
0x125: {  	s3 =	simm.s32 $0x6200  }
0x126: {  	[tilespmem:s3], [sflag:$0x1] =	stream.linear.gather [spmem:s2], $0x80, $0x38;
	[tilespmem:$0xA280] =	vst v63  }
0x127: {  	_ =	swait.ge [sflag:s29], $0x280  }
0x128: {  	[sflag:s29] =	ssyncset.done $0x0;
	s5 =	rddreg [dreg:$0xa]  }
0x129: {  	s6 =	simm.s32 $0x5280;
	s2 =	sld [smem:$0x7E7];
	[sflag:s29] =	ssyncadd.s32 $0xFFFFFD80  }
0x12a: {  	[tilespmem:s6], [sflag:$0x1] =	stream.linear.gather [spmem:s5], $0x80, $0x38;
	[tilespmem:$0xA280] =	vst v63  }
0x12b: {  	s3 =	simm.s32 $0x5680;
	s5 =	sld [smem:$0x7E8]  }
0x12c: {  	[tilespmem:s3], [sflag:$0x1] =	stream.linear.gather [spmem:s2], $0x80, $0x38;
	[tilespmem:$0xA280] =	vst v63  }
0x12d: {  	s6 =	simm.s32 $0x5A80;
	s2 =	sld [smem:$0x7E9]  }
0x12e: {  	[tilespmem:s6], [sflag:$0x1] =	stream.linear.gather [spmem:s5], $0x80, $0x38;
	[tilespmem:$0xA280] =	vst v63  }
0x12f: {  	s3 =	simm.s32 $0x5E80;
	s5 =	sld [smem:$0x7EA]  }
0x130: {  	[tilespmem:s3], [sflag:$0x1] =	stream.linear.gather [spmem:s2], $0x80, $0x38;
	[tilespmem:$0xA280] =	vst v63  }
0x131: {  	s6 =	simm.s32 $0x6280  }
0x132: {  	[tilespmem:s6], [sflag:$0x1] =	stream.linear.gather [spmem:s5], $0x80, $0x38;
	[tilespmem:$0xA280] =	vst v63  }
0x133: {  	_ =	swait.ge [sflag:s29], $0x280  }
0x134: {  	[sflag:s29] =	ssyncset.done $0x0;
	s2 =	rddreg [dreg:$0xb]  }
0x135: {  	s3 =	simm.s32 $0x5300;
	s5 =	sld [smem:$0x7EB];
	[sflag:s29] =	ssyncadd.s32 $0xFFFFFD80  }
0x136: {  	[tilespmem:s3], [sflag:$0x1] =	stream.linear.gather [spmem:s2], $0x80, $0x38;
	[tilespmem:$0xA280] =	vst v63  }
0x137: {  	s6 =	simm.s32 $0x5700;
	s2 =	sld [smem:$0x7EC]  }
0x138: {  	[tilespmem:s6], [sflag:$0x1] =	stream.linear.gather [spmem:s5], $0x80, $0x38;
	[tilespmem:$0xA280] =	vst v63  }
0x139: {  	s3 =	simm.s32 $0x5B00;
	s5 =	sld [smem:$0x7ED]  }
0x13a: {  	[tilespmem:s3], [sflag:$0x1] =	stream.linear.gather [spmem:s2], $0x80, $0x38;
	[tilespmem:$0xA280] =	vst v63  }
0x13b: {  	s6 =	simm.s32 $0x5F00;
	s2 =	sld [smem:$0x7EE]  }
0x13c: {  	[tilespmem:s6], [sflag:$0x1] =	stream.linear.gather [spmem:s5], $0x80, $0x38;
	[tilespmem:$0xA280] =	vst v63  }
0x13d: {  	s3 =	simm.s32 $0x6300  }
0x13e: {  	[tilespmem:s3], [sflag:$0x1] =	stream.linear.gather [spmem:s2], $0x80, $0x38;
	[tilespmem:$0xA280] =	vst v63  }
0x13f: {  	_ =	swait.ge [sflag:s29], $0x280  }
0x140: {  	[sflag:s29] =	ssyncset.done $0x0;
	s5 =	rddreg [dreg:$0xc]  }
0x141: {  	s6 =	simm.s32 $0x5380;
	s2 =	sld [smem:$0x7EF];
	[sflag:s29] =	ssyncadd.s32 $0xFFFFFD80  }
0x142: {  	[tilespmem:s6], [sflag:$0x1] =	stream.linear.gather [spmem:s5], $0x80, $0x38;
	[tilespmem:$0xA280] =	vst v63  }
0x143: {  	s3 =	simm.s32 $0x5780;
	s5 =	sld [smem:$0x7F0]  }
0x144: {  	[tilespmem:s3], [sflag:$0x1] =	stream.linear.gather [spmem:s2], $0x80, $0x38;
	[tilespmem:$0xA280] =	vst v63  }
0x145: {  	s6 =	simm.s32 $0x5B80;
	s2 =	sld [smem:$0x7F1]  }
0x146: {  	[tilespmem:s6], [sflag:$0x1] =	stream.linear.gather [spmem:s5], $0x80, $0x38;
	[tilespmem:$0xA280] =	vst v63  }
0x147: {  	s3 =	simm.s32 $0x5F80;
	s5 =	sld [smem:$0x7F2]  }
0x148: {  	[tilespmem:s3], [sflag:$0x1] =	stream.linear.gather [spmem:s2], $0x80, $0x38;
	[tilespmem:$0xA280] =	vst v63  }
0x149: {  	s6 =	simm.s32 $0x6380  }
0x14a: {  	[tilespmem:s6], [sflag:$0x1] =	stream.linear.gather [spmem:s5], $0x80, $0x38;
	[tilespmem:$0xA280] =	vst v63  }
0x14b: {  	_ =	swait.ge [sflag:s29], $0x280  }
0x14c: {  	[sflag:s29] =	ssyncset.done $0x0;
	s2 =	rddreg [dreg:$0xd]  }
0x14d: {  	s3 =	simm.s32 $0x6400;
	s5 =	sld [smem:$0x7F3];
	[sflag:s29] =	ssyncadd.s32 $0xFFFFFD80  }
0x14e: {  	[tilespmem:s3], [sflag:$0x1] =	stream.linear.gather [spmem:s2], $0x80, $0x38;
	[tilespmem:$0xA280] =	vst v63  }
0x14f: {  	s6 =	simm.s32 $0x6800;
	s2 =	sld [smem:$0x7F4]  }
0x150: {  	[tilespmem:s6], [sflag:$0x1] =	stream.linear.gather [spmem:s5], $0x80, $0x38;
	[tilespmem:$0xA280] =	vst v63  }
0x151: {  	s3 =	simm.s32 $0x6C00;
	s5 =	sld [smem:$0x7F5]  }
0x152: {  	[tilespmem:s3], [sflag:$0x1] =	stream.linear.gather [spmem:s2], $0x80, $0x38;
	[tilespmem:$0xA280] =	vst v63  }
0x153: {  	s6 =	simm.s32 $0x7000;
	s2 =	sld [smem:$0x7F6]  }
0x154: {  	[tilespmem:s6], [sflag:$0x1] =	stream.linear.gather [spmem:s5], $0x80, $0x38;
	[tilespmem:$0xA280] =	vst v63  }
0x155: {  	s3 =	simm.s32 $0x7400  }
0x156: {  	[tilespmem:s3], [sflag:$0x1] =	stream.linear.gather [spmem:s2], $0x80, $0x38;
	[tilespmem:$0xA280] =	vst v63  }
0x157: {  	_ =	swait.ge [sflag:s29], $0x280  }
0x158: {  	[sflag:s29] =	ssyncset.done $0x0;
	s5 =	rddreg [dreg:$0xe]  }
0x159: {  	s6 =	simm.s32 $0x6480;
	s2 =	sld [smem:$0x7F7];
	[sflag:s29] =	ssyncadd.s32 $0xFFFFFD80  }
0x15a: {  	[tilespmem:s6], [sflag:$0x1] =	stream.linear.gather [spmem:s5], $0x80, $0x38;
	[tilespmem:$0xA280] =	vst v63  }
0x15b: {  	s3 =	simm.s32 $0x6880;
	s5 =	sld [smem:$0x7F8]  }
0x15c: {  	[tilespmem:s3], [sflag:$0x1] =	stream.linear.gather [spmem:s2], $0x80, $0x38;
	[tilespmem:$0xA280] =	vst v63  }
0x15d: {  	s6 =	simm.s32 $0x6C80;
	s2 =	sld [smem:$0x7F9]  }
0x15e: {  	[tilespmem:s6], [sflag:$0x1] =	stream.linear.gather [spmem:s5], $0x80, $0x38;
	[tilespmem:$0xA280] =	vst v63  }
0x15f: {  	s3 =	simm.s32 $0x7080;
	s5 =	sld [smem:$0x7FA]  }
0x160: {  	[tilespmem:s3], [sflag:$0x1] =	stream.linear.gather [spmem:s2], $0x80, $0x38;
	[tilespmem:$0xA280] =	vst v63  }
0x161: {  	s6 =	simm.s32 $0x7480  }
0x162: {  	[tilespmem:s6], [sflag:$0x1] =	stream.linear.gather [spmem:s5], $0x80, $0x38;
	[tilespmem:$0xA280] =	vst v63  }
0x163: {  	_ =	swait.ge [sflag:s29], $0x280  }
0x164: {  	[sflag:s29] =	ssyncset.done $0x0;
	s2 =	rddreg [dreg:$0xf]  }
0x165: {  	s3 =	simm.s32 $0x6500;
	s5 =	sld [smem:$0x7FB];
	[sflag:s29] =	ssyncadd.s32 $0xFFFFFD80  }
0x166: {  	[tilespmem:s3], [sflag:$0x1] =	stream.linear.gather [spmem:s2], $0x80, $0x38;
	[tilespmem:$0xA280] =	vst v63  }
0x167: {  	s6 =	simm.s32 $0x6900;
	s2 =	sld [smem:$0x7FC]  }
0x168: {  	[tilespmem:s6], [sflag:$0x1] =	stream.linear.gather [spmem:s5], $0x80, $0x38;
	[tilespmem:$0xA280] =	vst v63  }
0x169: {  	s3 =	simm.s32 $0x6D00;
	s5 =	sld [smem:$0x7FD]  }
0x16a: {  	[tilespmem:s3], [sflag:$0x1] =	stream.linear.gather [spmem:s2], $0x80, $0x38;
	[tilespmem:$0xA280] =	vst v63  }
0x16b: {  	s6 =	simm.s32 $0x7100  }
0x16c: {  	[tilespmem:s6], [sflag:$0x1] =	stream.linear.gather [spmem:s5], $0x80, $0x38;
	[tilespmem:$0xA280] =	vst v63  }
0x16d: {  	s3 =	simm.s32 $0x7500  }
0x16e: {  	[tilespmem:s3], [sflag:$0x1] =	stream.linear.gather [spmem:s7], $0x80, $0x38;
	[tilespmem:$0xA280] =	vst v63  }
0x16f: {  	_ =	swait.ge [sflag:s29], $0x280  }
0x170: {  	[sflag:s29] =	ssyncset.done $0x0  }
0x171: {  	s6 =	simm.s32 $0x6580;
	s5 =	rddreg [dreg:$0x10];
	[sflag:s29] =	ssyncadd.s32 $0xFFFFFD80  }
0x172: {  	[tilespmem:s6], [sflag:$0x1] =	stream.linear.gather [spmem:s5], $0x80, $0x38;
	[tilespmem:$0xA280] =	vst v63  }
0x173: {  	s2 =	simm.s32 $0x6980  }
0x174: {  	[tilespmem:s2], [sflag:$0x1] =	stream.linear.gather [spmem:s8], $0x80, $0x38;
	[tilespmem:$0xA280] =	vst v63  }
0x175: {  	s3 =	simm.s32 $0x6D80  }
0x176: {  	[tilespmem:s3], [sflag:$0x1] =	stream.linear.gather [spmem:s9], $0x80, $0x38;
	[tilespmem:$0xA280] =	vst v63  }
0x177: {  	s5 =	simm.s32 $0x7180  }
0x178: {  	[tilespmem:s5], [sflag:$0x1] =	stream.linear.gather [spmem:s10], $0x80, $0x38;
	[tilespmem:$0xA280] =	vst v63  }
0x179: {  	s6 =	simm.s32 $0x7580  }
0x17a: {  	[tilespmem:s6], [sflag:$0x1] =	stream.linear.gather [spmem:s11], $0x80, $0x38;
	[tilespmem:$0xA280] =	vst v63  }
0x17b: {  	_ =	swait.ge [sflag:s29], $0x280  }
0x17c: {  	[sflag:s29] =	ssyncset.done $0x0  }
0x17d: {  	s3 =	simm.s32 $0x6600;
	s2 =	rddreg [dreg:$0x11];
	[sflag:s29] =	ssyncadd.s32 $0xFFFFFD80  }
0x17e: {  	[tilespmem:s3], [sflag:$0x1] =	stream.linear.gather [spmem:s2], $0x80, $0x38;
	[tilespmem:$0xA280] =	vst v63  }
0x17f: {  	s5 =	simm.s32 $0x6A00  }
0x180: {  	[tilespmem:s5], [sflag:$0x1] =	stream.linear.gather [spmem:s12], $0x80, $0x38;
	[tilespmem:$0xA280] =	vst v63  }
0x181: {  	s6 =	simm.s32 $0x6E00  }
0x182: {  	[tilespmem:s6], [sflag:$0x1] =	stream.linear.gather [spmem:s13], $0x80, $0x38;
	[tilespmem:$0xA280] =	vst v63  }
0x183: {  	s2 =	simm.s32 $0x7200  }
0x184: {  	[tilespmem:s2], [sflag:$0x1] =	stream.linear.gather [spmem:s14], $0x80, $0x38;
	[tilespmem:$0xA280] =	vst v63  }
0x185: {  	s3 =	simm.s32 $0x7600  }
0x186: {  	[tilespmem:s3], [sflag:$0x1] =	stream.linear.gather [spmem:s15], $0x80, $0x38;
	[tilespmem:$0xA280] =	vst v63  }
0x187: {  	_ =	swait.ge [sflag:s29], $0x280  }
0x188: {  	[sflag:s29] =	ssyncset.done $0x0  }
0x189: {  	s6 =	simm.s32 $0x6680;
	s5 =	rddreg [dreg:$0x12];
	[sflag:s29] =	ssyncadd.s32 $0xFFFFFD80  }
0x18a: {  	[tilespmem:s6], [sflag:$0x1] =	stream.linear.gather [spmem:s5], $0x80, $0x38;
	[tilespmem:$0xA280] =	vst v63  }
0x18b: {  	s2 =	simm.s32 $0x6A80  }
0x18c: {  	[tilespmem:s2], [sflag:$0x1] =	stream.linear.gather [spmem:s16], $0x80, $0x38;
	[tilespmem:$0xA280] =	vst v63  }
0x18d: {  	s3 =	simm.s32 $0x6E80  }
0x18e: {  	[tilespmem:s3], [sflag:$0x1] =	stream.linear.gather [spmem:s17], $0x80, $0x38;
	[tilespmem:$0xA280] =	vst v63  }
0x18f: {  	s5 =	simm.s32 $0x7280  }
0x190: {  	[tilespmem:s5], [sflag:$0x1] =	stream.linear.gather [spmem:s18], $0x80, $0x38;
	[tilespmem:$0xA280] =	vst v63  }
0x191: {  	s6 =	simm.s32 $0x7680  }
0x192: {  	[tilespmem:s6], [sflag:$0x1] =	stream.linear.gather [spmem:s19], $0x80, $0x38;
	[tilespmem:$0xA280] =	vst v63  }
0x193: {  	_ =	swait.ge [sflag:s29], $0x280  }
0x194: {  	[sflag:s29] =	ssyncset.done $0x0  }
0x195: {  	s3 =	simm.s32 $0x6700;
	s2 =	rddreg [dreg:$0x13];
	[sflag:s29] =	ssyncadd.s32 $0xFFFFFD80  }
0x196: {  	[tilespmem:s3], [sflag:$0x1] =	stream.linear.gather [spmem:s2], $0x80, $0x38;
	[tilespmem:$0xA280] =	vst v63  }
0x197: {  	s5 =	simm.s32 $0x6B00  }
0x198: {  	[tilespmem:s5], [sflag:$0x1] =	stream.linear.gather [spmem:s20], $0x80, $0x38;
	[tilespmem:$0xA280] =	vst v63  }
0x199: {  	s6 =	simm.s32 $0x6F00  }
0x19a: {  	[tilespmem:s6], [sflag:$0x1] =	stream.linear.gather [spmem:s21], $0x80, $0x38;
	[tilespmem:$0xA280] =	vst v63  }
0x19b: {  	s2 =	simm.s32 $0x7300  }
0x19c: {  	[tilespmem:s2], [sflag:$0x1] =	stream.linear.gather [spmem:s22], $0x80, $0x38;
	[tilespmem:$0xA280] =	vst v63  }
0x19d: {  	s3 =	simm.s32 $0x7700  }
0x19e: {  	[tilespmem:s3], [sflag:$0x1] =	stream.linear.gather [spmem:s23], $0x80, $0x38;
	[tilespmem:$0xA280] =	vst v63  }
0x19f: {  	_ =	swait.ge [sflag:s29], $0x280  }
0x1a0: {  	[sflag:s29] =	ssyncset.done $0x0  }
0x1a1: {  	s6 =	simm.s32 $0x6780;
	s5 =	rddreg [dreg:$0x14];
	[sflag:s29] =	ssyncadd.s32 $0xFFFFFD80  }
0x1a2: {  	[tilespmem:s6], [sflag:$0x1] =	stream.linear.gather [spmem:s5], $0x80, $0x38;
	[tilespmem:$0xA280] =	vst v63  }
0x1a3: {  	s3 =	simm.s32 $0x6B80  }
0x1a4: {  	[tilespmem:s3], [sflag:$0x1] =	stream.linear.gather [spmem:s24], $0x80, $0x38;
	[tilespmem:$0xA280] =	vst v63  }
0x1a5: {  	s5 =	simm.s32 $0x6F80  }
0x1a6: {  	[tilespmem:s5], [sflag:$0x1] =	stream.linear.gather [spmem:s25], $0x80, $0x38;
	[tilespmem:$0xA280] =	vst v63  }
0x1a7: {  	s6 =	simm.s32 $0x7380  }
0x1a8: {  	[tilespmem:s6], [sflag:$0x1] =	stream.linear.gather [spmem:s26], $0x80, $0x38;
	[tilespmem:$0xA280] =	vst v63  }
0x1a9: {  	s2 =	simm.s32 $0x7780  }
0x1aa: {  	[tilespmem:s2], [sflag:$0x1] =	stream.linear.gather [spmem:s28], $0x80, $0x38;
	[tilespmem:$0xA280] =	vst v63  }
0x1ab: {  	s3 =	simm.s32 $0x0;
	_ =	swait.ge [sflag:s29], $0x280  }
0x1ac: {  	s0 =	sand.u32 $0x1C00, s3;
	s5 =	sand.u32 $0x70, s3;
	[sflag:s29] =	ssyncset.done $0x0  }
0x1ad: {  	s0 =	sor.u32 s5, s0;
	[sflag:s29] =	ssyncadd.s32 $0xFFFFFD80  }
0x1ae: {  	v0 =	vld [tilespmem:s0+$0x5080]  }
0x1af: {  	v1 =	vld [tilespmem:s0+$0x5000];
	_ =	sdelay $0x1  }
0x1b0: {  	v2 =	vld [tilespmem:s0+$0x5100];
	_ =	sdelay $0x1  }
0x1b1: {  	v3 =	vld [tilespmem:s0+$0x5180]  }
0x1b2: {  	v0 =	vadd.f32 v0, v1  }
0x1b3: {  	v52 =	vld [tilespmem:s0+$0x5200]  }
0x1b4: {  	v0 =	vadd.f32 v2, v0  }
0x1b5: {  	v53 =	vld [tilespmem:s0+$0x5280]  }
0x1b6: {  	v0 =	vadd.f32 v3, v0  }
0x1b7: {  	v54 =	vld [tilespmem:s0+$0x5300]  }
0x1b8: {  	v0 =	vadd.f32 v52, v0  }
0x1b9: {  	v55 =	vld [tilespmem:s0+$0x5380]  }
0x1ba: {  	v0 =	vadd.f32 v53, v0  }
0x1bb: {  	v56 =	vld [tilespmem:s0+$0x6400]  }
0x1bc: {  	v0 =	vadd.f32 v54, v0  }
0x1bd: {  	v57 =	vld [tilespmem:s0+$0x6480]  }
0x1be: {  	v0 =	vadd.f32 v55, v0  }
0x1bf: {  	v58 =	vld [tilespmem:s0+$0x6500]  }
0x1c0: {  	v0 =	vadd.f32 v56, v0  }
0x1c1: {  	v59 =	vld [tilespmem:s0+$0x6580]  }
0x1c2: {  	v0 =	vadd.f32 v57, v0  }
0x1c3: {  	v60 =	vld [tilespmem:s0+$0x6600]  }
0x1c4: {  	v0 =	vadd.f32 v58, v0  }
0x1c5: {  	v61 =	vld [tilespmem:s0+$0x6680]  }
0x1c6: {  	v0 =	vadd.f32 v59, v0  }
0x1c7: {  	v62 =	vld [tilespmem:s0+$0x6700]  }
0x1c8: {  	v0 =	vadd.f32 v60, v0  }
0x1c9: {  	v63 =	vld [tilespmem:s0+$0x6780]  }
0x1ca: {  	v0 =	vadd.f32 v61, v0;
	_ =	sdelay $0x1  }
0x1cb: {  	v0 =	vadd.f32 v62, v0;
	_ =	sdelay $0x1  }
0x1cc: {  	s3 =	simm.s32 $0x80;
	s6 =	simm.s32 $0x10;
	v0 =	vadd.f32 v63, v0  }
0x1cd: {  	s5 =	sand.u32 $0x1C00, s3;
	s2 =	sand.u32 $0x70, s6;
	s0 =	simm.s32 $0x7800  }
0x1ce: {  	s2 =	sor.u32 s2, s5;
	s5 =	simm.s32 $0x20;
	[tilespmem:s0+$0x0] =	vst v0  }
.LBB2_4:
0x1cf: {  	p0 =	sne.s32 s5, $0x270;
	v0 =	vld [tilespmem:s2+$0x5080]  }
0x1d0: {  	v1 =	vld [tilespmem:s2+$0x5000];
	_ =	sdelay $0x1  }
0x1d1: {  	v2 =	vld [tilespmem:s2+$0x5100];
	_ =	sdelay $0x1  }
0x1d2: {  	v3 =	vld [tilespmem:s2+$0x5180]  }
0x1d3: {  	v0 =	vadd.f32 v0, v1  }
0x1d4: {  	v1 =	vld [tilespmem:s2+$0x5200]  }
0x1d5: {  	v0 =	vadd.f32 v2, v0  }
0x1d6: {  	v2 =	vld [tilespmem:s2+$0x5280]  }
0x1d7: {  	v0 =	vadd.f32 v3, v0  }
0x1d8: {  	v3 =	vld [tilespmem:s2+$0x5300]  }
0x1d9: {  	v0 =	vadd.f32 v1, v0  }
0x1da: {  	v1 =	vld [tilespmem:s2+$0x5380]  }
0x1db: {  	v0 =	vadd.f32 v2, v0  }
0x1dc: {  	v2 =	vld [tilespmem:s2+$0x6400]  }
0x1dd: {  	v0 =	vadd.f32 v3, v0  }
0x1de: {  	v3 =	vld [tilespmem:s2+$0x6480]  }
0x1df: {  	v0 =	vadd.f32 v1, v0  }
0x1e0: {  	v1 =	vld [tilespmem:s2+$0x6500]  }
0x1e1: {  	v0 =	vadd.f32 v2, v0  }
0x1e2: {  	v2 =	vld [tilespmem:s2+$0x6580]  }
0x1e3: {  	v0 =	vadd.f32 v3, v0  }
0x1e4: {  	v3 =	vld [tilespmem:s2+$0x6600]  }
0x1e5: {  	v0 =	vadd.f32 v1, v0  }
0x1e6: {  	v1 =	vld [tilespmem:s2+$0x6680]  }
0x1e7: {  	v0 =	vadd.f32 v2, v0  }
0x1e8: {  	v2 =	vld [tilespmem:s2+$0x6700]  }
0x1e9: {  	v0 =	vadd.f32 v3, v0  }
0x1ea: {  	v3 =	vld [tilespmem:s2+$0x6780]  }
0x1eb: {  	v0 =	vadd.f32 v1, v0;
	_ =	sdelay $0x1  }
.Ltmp1:
0x1ec: {  	v0 =	vadd.f32 v2, v0;
	(pc) =	sbr.rel @p0 .LBB2_4-.Ltmp1, $4  }
0x1ed: {  	_ = 	snop  }
0x1ee: {  	s3 =	sadd.s32 $0x80, s3;
	v0 =	vadd.f32 v3, v0  }
0x1ef: {  	s0 =	sadd.s32 $0x10, s0;
	s6 =	sand.u32 $0x1C00, s3;
	s2 =	sand.u32 $0x70, s5  }
0x1f0: {  	s5 =	sadd.s32 $0x10, s5;
	s2 =	sor.u32 s2, s6;
	[tilespmem:s0+$0x0] =	vst v0  }
0x1f1: {  	v0 =	vld [tilespmem:s2+$0x5080]  }
0x1f2: {  	v1 =	vld [tilespmem:s2+$0x5000];
	_ =	sdelay $0x1  }
0x1f3: {  	v2 =	vld [tilespmem:s2+$0x5100];
	_ =	sdelay $0x1  }
0x1f4: {  	v3 =	vld [tilespmem:s2+$0x5180]  }
0x1f5: {  	v0 =	vadd.f32 v0, v1  }
0x1f6: {  	v52 =	vld [tilespmem:s2+$0x5200]  }
0x1f7: {  	v0 =	vadd.f32 v2, v0  }
0x1f8: {  	v53 =	vld [tilespmem:s2+$0x5280]  }
0x1f9: {  	v0 =	vadd.f32 v3, v0  }
0x1fa: {  	v54 =	vld [tilespmem:s2+$0x5300]  }
0x1fb: {  	v0 =	vadd.f32 v52, v0  }
0x1fc: {  	v55 =	vld [tilespmem:s2+$0x5380]  }
0x1fd: {  	v0 =	vadd.f32 v53, v0  }
0x1fe: {  	v56 =	vld [tilespmem:s2+$0x6400]  }
0x1ff: {  	v0 =	vadd.f32 v54, v0  }
0x200: {  	v57 =	vld [tilespmem:s2+$0x6480]  }
0x201: {  	v0 =	vadd.f32 v55, v0  }
0x202: {  	v58 =	vld [tilespmem:s2+$0x6500]  }
0x203: {  	v0 =	vadd.f32 v56, v0  }
0x204: {  	v59 =	vld [tilespmem:s2+$0x6580]  }
0x205: {  	v0 =	vadd.f32 v57, v0  }
0x206: {  	v60 =	vld [tilespmem:s2+$0x6600]  }
0x207: {  	v0 =	vadd.f32 v58, v0  }
0x208: {  	v61 =	vld [tilespmem:s2+$0x6680]  }
0x209: {  	v0 =	vadd.f32 v59, v0  }
0x20a: {  	v62 =	vld [tilespmem:s2+$0x6700]  }
0x20b: {  	v0 =	vadd.f32 v60, v0  }
0x20c: {  	v63 =	vld [tilespmem:s2+$0x6780]  }
0x20d: {  	v0 =	vadd.f32 v61, v0;
	_ =	sdelay $0x1  }
0x20e: {  	v0 =	vadd.f32 v62, v0;
	_ =	sdelay $0x1  }
0x20f: {  	v0 =	vadd.f32 v63, v0  }
0x210: {  	s0 =	sadd.s32 $0x10, s0  }
0x211: {  	s2 =	rddreg [dreg:$0x15];
	s5 =	simm.s32 $0x100;
	s3 =	simm.s32 $0x7800;
	[tilespmem:s0+$0x0] =	vst v0  }
0x212: {  	[hbm4b:s2+s31] =	stream.strided.scatter [tilespmem:s3], [sflag:$0x1], $0x280, s5, s31, $0x38;
	[tilespmem:$0xA280] =	vst v63  }
0x213: {  	_ =	swait.ge [sflag:s29], $0x280  }
0x214: {  	s1 =	sadd.s32 $0x1, s1;
	s6 =	rddreg [dreg:$0x16]  }
0x215: {  	p0 =	sne.s32 s1, s6  }
.Ltmp2:
0x216: {  	_ = 	snop;
	(pc) =	sbr.rel @p0 .LBB2_1-.Ltmp2, $3  }
0x217: {  	_ =	sdelay $0x1  }
0x218: {  	[sflag:s29] =	ssyncset.done $0x0  }
0x219: {  	[sflag:s29] =	ssyncadd.s32 $0xFFFFFD80  }
0x21a: {  	_ =	sfence.sel $0x180000  }
0x21b: {  	[bflag:$0x0] =	sbarrier.arrive $0xFFFF  }
0x21c: {  	_ =	strace $0x90000047  }
0x21d: {  	s0 =	stileid.u32;
	[bflag:$0x2] =	sbarrier.arrive $0xFFFF  }
0x21e: {  	p0 =	sne.s32 s0, $0x0;
	s0 =	rddreg [dreg:$0x2]  }
0x21f: {  	s0 =	sadd.s32 @!p0 $0x100000, s0  }
0x220: {  	[sflag:s0] =	ssyncadd.tile.s32 @!p0 $0x1;
	_ =	shalt  }
.Lfunc_end2:
_tile_overlayer_lowered:
.L_overlay_start_2:
0x221: {  	(tag) =	ssettag $0x2  }
0x222: {  	s0 =	rddreg [dreg:$0x0];
	s2 =	stileid.u32  }
0x223: {  	s1 =	rddreg [dreg:$0x1];
	p0 =	sne.s32 s2, $0x0  }
0x224: {  	s3 =	rddreg [dreg:$0x2];
	[bflag:$0x3] =	sbarrier.arrive $0xFFFF;
	s2 =	simm.s32 @!p0 $0x1C01  }
0x225: {  	[timem:s3], [sflag:s2] =	dma.local @!p0 [hbm:s0], s1  }
0x226: {  	s0 =	simm.s32 @!p0 $0x1  }
0x227: {  	_ =	swait.ge @!p0 [sflag:s0], s1  }
0x228: {  	s1 =	ssub.s32 @!p0 $0x0, s1;
	[sflag:s0] =	ssyncset.done @!p0 $0x0  }
0x229: {  	[sflag:s0] =	ssyncadd.s32 @!p0 s1  }
0x22a: {  	[bflag:$0x3] =	sbarrier.arrive $0xFFFF  }
0x22b: {  	_ =	shalt  }

// kernel: kernel.9.cloned.1.call-start
scs
__scs_entry_jumppad:
0x0: {  	(pc) =	sbr.rel $0x88, $3  }
0x1: {  	(tag) =	ssettag $0x0;
	lr =	simm.s32 $0x1  }
0x2: {  	[smem:$0x3F9A] =	sst lr;
	_ =	strace $0xD0000000  }
0x3: {  	_ = 	snop  }
0x4: {  	_ = 	snop  }
0x5: {  	_ = 	snop  }
0x6: {  	_ = 	snop  }
0x7: {  	_ = 	snop  }
__scs_overlays_trampoline_lowered:
0x8: {  	[smem:$0x3FA9] =	sst s0  }
0x9: {  	[smem:$0x3FAA] =	sst s1  }
0xa: {  	[smem:$0x3FAB] =	sst s2  }
0xb: {  	[smem:$0x3FAC] =	sst s3  }
0xc: {  	[smem:$0x3FAD] =	sst s4  }
0xd: {  	[smem:$0x3FAE] =	sst s5  }
0xe: {  	[smem:$0x3FAF] =	sst s6  }
0xf: {  	[smem:$0x3FB0] =	sst s7  }
0x10: {  	[smem:$0x3FB1] =	sst s8  }
0x11: {  	[smem:$0x3FB2] =	sst s9;
	s0 =	simm.s32 @!p0 $0x0  }
0x12: {  	s1 =	sld [smem:$0x3F98];
	s0 =	simm.s32 @p0 $0x1  }
0x13: {  	[smem:$0x3FB3] =	sst s0;
	s0 =	simm.s32 @!p1 $0x0  }
0x14: {  	s2 =	sld [smem:$0x3F97];
	s0 =	simm.s32 @p1 $0x1  }
0x15: {  	[smem:$0x3FB4] =	sst s0;
	s0 =	simm.s32 @!p2 $0x0  }
0x16: {  	s3 =	sld [smem:$0x3FDB];
	s0 =	simm.s32 @p2 $0x1  }
0x17: {  	s4 =	simm.s32 $0x1BF5;
	[smem:$0x3FB6] =	sst s0  }
0x18: {  	s0 =	sld [smem:$0x3F99];
	_ =	swait.ge [sflag:s4], $0x0  }
0x19: {  	s7 =	sld [smem:$0x3F9A]  }
0x1a: {  	s8 =	sadd.s32 $0xFFFFE003, lr  }
0x1b: {  	s9 =	sadd.s32 $0xFFFFFEF7, lr;
	s5 =	simm.s32 $0xFFFFFFFF;
	p2 =	slt.u32 s8, $0xFFFFF086  }
0x1c: {  	p1 =	slt.u32 s9, $0xF7A;
	s5 =	simm.s32 @!p2 $0x0  }
0x1d: {  	s5 =	simm.s32 @p1 $0x1;
	p0 =	seq.s32 s7, s2  }
0x1e: {  	s7 =	smul.u32 @!p0 $0xF7A, s2;
	p2 =	seq.s32 @!p0 s5, $0x0  }
0x1f: {  	s9 =	smul.u32 $0xF7A, s1;
	s8 =	simm.s32 @!p0 $0x1BF5;
	p2 =	por !p2, p0  }
0x20: {  	[sflag:s8] =	ssyncset.s32 @!p0 $0xFFFFF086;
	s6 =	sadd.s32 @!p0 s3, s7;
	s7 =	simm.s32 @!p0 $0x108  }
0x21: {  	s3 =	sadd.s32 s3, s9;
	s6 =	sadd.s32 @!p0 $0x88, s6;
	s7 =	simm.s32 @p2 $0x1082  }
0x22: {  	[simem:s7], [sflag:s8] =	dma.local @!p0 [hbm:s6], $0xF7A  }
0x23: {  	s9 =	sor.u32 $0xD0000000, s2;
	s6 =	simm.s32 $0x108;
	_ =	swait.ge @!p0 [sflag:s8], $0x0  }
0x24: {  	s3 =	sadd.s32 $0x88, s3;
	s6 =	simm.s32 @!p1 $0x1082;
	[sflag:s4] =	ssyncset.s32 $0xFFFFF086  }
0x25: {  	[simem:s6], [sflag:s4] =	dma.local [hbm:s3], $0xF7A  }
0x26: {  	[smem:$0x3F9A] =	sst s1;
	(tag) =	ssettag s2;
	_ =	strace s9  }
0x27: {  	s1 =	sld [smem:$0x3FAA]  }
0x28: {  	s2 =	sld [smem:$0x3FAB]  }
0x29: {  	s4 =	sld [smem:$0x3FAD]  }
0x2a: {  	p0 =	seq.s32 s5, $0x0;
	s5 =	sld [smem:$0x3FAE]  }
0x2b: {  	s6 =	sld [smem:$0x3FAF]  }
0x2c: {  	s7 =	sld [smem:$0x3FB0]  }
0x2d: {  	s3 =	simm.s32 $0x108;
	s8 =	sld [smem:$0x3FB1]  }
0x2e: {  	s3 =	simm.s32 @!p0 $0x1082;
	s9 =	sld [smem:$0x3FB2]  }
0x2f: {  	lr =	sadd.s32 s0, s3;
	s0 =	sld [smem:$0x3FA9]  }
0x30: {  	s3 =	sld [smem:$0x3FAC]  }
0x31: {  	[smem:$0x3FB5] =	sst s10  }
0x32: {  	s10 =	sld [smem:$0x3FB3];
	_ =	sdelay $0x3  }
0x33: {  	p0 =	seq.s32 s10, $0x1;
	s10 =	sld [smem:$0x3FB5];
	_ =	sdelay $0x3  }
0x34: {  	[smem:$0x3FB5] =	sst s10  }
0x35: {  	s10 =	sld [smem:$0x3FB4];
	_ =	sdelay $0x3  }
0x36: {  	p1 =	seq.s32 s10, $0x1;
	s10 =	sld [smem:$0x3FB5];
	_ =	sdelay $0x3  }
0x37: {  	[smem:$0x3FB5] =	sst s10  }
0x38: {  	s10 =	sld [smem:$0x3FB6]  }
0x39: {  	_ = 	snop;
	(pc) =	sbr.ind lr, $3  }
0x3a: {  	_ = 	snop  }
0x3b: {  	_ = 	snop  }
0x3c: {  	p2 =	seq.s32 s10, $0x1;
	s10 =	sld [smem:$0x3FB5]  }
0x3d: {  	_ =	shalt  }
0x3e: {  	_ =	shalt  }
0x3f: {  	_ =	shalt  }
0x40: {  	_ =	shalt  }
0x41: {  	_ =	shalt  }
0x42: {  	_ =	shalt  }
0x43: {  	_ =	shalt  }
0x44: {  	_ =	shalt  }
0x45: {  	_ =	shalt  }
0x46: {  	_ =	shalt  }
0x47: {  	_ =	shalt  }
0x48: {  	_ =	shalt  }
0x49: {  	_ =	shalt  }
0x4a: {  	_ =	shalt  }
0x4b: {  	_ =	shalt  }
0x4c: {  	_ =	shalt  }
0x4d: {  	_ =	shalt  }
0x4e: {  	_ =	shalt  }
0x4f: {  	_ =	shalt  }
0x50: {  	_ =	shalt  }
0x51: {  	_ =	shalt  }
0x52: {  	_ =	shalt  }
0x53: {  	_ =	shalt  }
0x54: {  	_ =	shalt  }
0x55: {  	_ =	shalt  }
0x56: {  	_ =	shalt  }
0x57: {  	_ =	shalt  }
0x58: {  	_ =	shalt  }
0x59: {  	_ =	shalt  }
0x5a: {  	_ =	shalt  }
0x5b: {  	_ =	shalt  }
0x5c: {  	_ =	shalt  }
0x5d: {  	_ =	shalt  }
0x5e: {  	_ =	shalt  }
0x5f: {  	_ =	shalt  }
0x60: {  	_ =	shalt  }
0x61: {  	_ =	shalt  }
0x62: {  	_ =	shalt  }
0x63: {  	_ =	shalt  }
0x64: {  	_ =	shalt  }
0x65: {  	_ =	shalt  }
0x66: {  	_ =	shalt  }
0x67: {  	_ =	shalt  }
0x68: {  	_ =	shalt  }
0x69: {  	_ =	shalt  }
0x6a: {  	_ =	shalt  }
0x6b: {  	_ =	shalt  }
0x6c: {  	_ =	shalt  }
0x6d: {  	_ =	shalt  }
0x6e: {  	_ =	shalt  }
0x6f: {  	_ =	shalt  }
0x70: {  	_ =	shalt  }
0x71: {  	_ =	shalt  }
0x72: {  	_ =	shalt  }
0x73: {  	_ =	shalt  }
0x74: {  	_ =	shalt  }
0x75: {  	_ =	shalt  }
0x76: {  	_ =	shalt  }
0x77: {  	_ =	shalt  }
0x78: {  	_ =	shalt  }
0x79: {  	_ =	shalt  }
0x7a: {  	_ =	shalt  }
0x7b: {  	_ =	shalt  }
0x7c: {  	_ =	shalt  }
0x7d: {  	_ =	shalt  }
0x7e: {  	_ =	shalt  }
0x7f: {  	_ =	shalt  }
0x80: {  	_ =	shalt  }
0x81: {  	_ =	shalt  }
0x82: {  	_ =	shalt  }
0x83: {  	_ =	shalt  }
0x84: {  	_ =	shalt  }
0x85: {  	_ =	shalt  }
0x86: {  	_ =	shalt  }
0x87: {  	_ =	shalt  }
.Lfunc_end0:
.L_simem_size_0:
called_computation.1_lowered:
.L_overlay_start_0:
0x88: {  	s2 =	sld [smem:$0x3FD9]  }
0x89: {  	s3 =	sld [smem:$0x3FFE];
	_ =	sdelay $0x1  }
0x8a: {  	s1 =	srdreg.scid  }
0x8b: {  	s0 =	sand.u32 $0x1, s1  }
0x8c: {  	s17 =	sshll.u32 s0, $0xA;
	s2 =	sadd.s32 s3, s2  }
0x8d: {  	s2 =	sadd.s32 s2, s17  }
0x8e: {  	[smem:$0x3FC1] =	sst s2  }
0x8f: {  	_ = 	snop  }
0x90: {  	s2 =	sld [smem:$0x3FD0];
	(tm) =	ssettm $0x1  }
0x91: {  	s18 =	sld [smem:$0x3FFB];
	_ =	sdelay $0x3  }
0x92: {  	_ =	strace s18  }
0x93: {  	s3 =	sld [smem:$0x3FFC];
	_ =	sdelay $0x3  }
0x94: {  	_ =	strace s3  }
0x95: {  	s3 =	sld [smem:$0x3FFD];
	_ =	sdelay $0x3  }
0x96: {  	_ =	strace s3  }
0x97: {  	_ =	strace $0x8FFFFFFF  }
0x98: {  	s19 =	sld [smem:$0x3FDB];
	_ =	sdelay $0x1  }
0x99: {  	s4 =	simm.s32 $_scs_section_size  }
0x9a: {  	s5 =	simm.s32 $_size__tile_overlayer_lowered;
	s6 =	simm.s32 $_tile_overlayer_lowered  }
0x9b: {  	s22 =	simm.s32 $0x1BFF;
	s21 =	sshll.u32 s6, $0x1;
	s3 =	sadd.s32 s4, s19  }
0x9c: {  	s7 =	simm.s32 $0x0;
	s20 =	sshll.u32 s5, $0x1;
	s5 =	sadd.s32 s21, s3  }
0x9d: {  	[timem:s7], [sflag:s22] =	dma.local [hbm:s5], s20  }
0x9e: {  	_ =	swait.ge [sflag:s22], s20  }
0x9f: {  	s4 =	ssub.s32 $0x0, s20;
	[sflag:s22] =	ssyncset.done $0x0  }
0xa0: {  	[sflag:s22] =	ssyncadd.s32 s4;
	_ =	sdelay $0x1  }
0xa1: {  	s23 =	simm.s32 $0x1B8B  }
0xa2: {  	_ =	swait.ge [sflag:s23], $0x1  }
0xa3: {  	[sflag:s23] =	ssyncset.done $0x0  }
0xa4: {  	s25 =	simm.s32 $0x1B8E;
	s24 =	sld [smem:$0x3FFE];
	[sflag:s23] =	ssyncadd.s32 $0xFFFFFFFF  }
0xa5: {  	s26 =	simm.s32 $execute0_lowered;
	[smem:$0x3FD2] =	sst s25  }
0xa6: {  	s5 =	sshll.u32 s26, $0x1;
	_ =	strace $0x80000049;
	[dreg:$0x1] =	wrdreg $0xFFFFFFFF  }
0xa7: {  	s28 =	simm.s32 $_size_execute0_lowered;
	s3 =	sadd.s32 s3, s5;
	[dreg:$0x0] =	wrdreg $0x0  }
0xa8: {  	s5 =	sshll.u32 s28, $0x1;
	[dreg:$0x2] =	wrdreg s3  }
0xa9: {  	[dreg:$0x3] =	wrdreg s5  }
0xaa: {  	[dreg:$0x4] =	wrdreg $0xC0  }
0xab: {  	_ =	task [dreg:s7], $0x5FFFF  }
0xac: {  	[dreg:$0x1] =	wrdreg $0xFFFFFFFF  }
0xad: {  	[dreg:$0x0] =	wrdreg $0x60  }
0xae: {  	[dreg:$0x2] =	wrdreg s24  }
0xaf: {  	[dreg:$0x3] =	wrdreg s2  }
0xb0: {  	[dreg:$0x4] =	wrdreg $0xC6800  }
0xb1: {  	[dreg:$0x5] =	wrdreg $0x9  }
0xb2: {  	_ =	task.clear_ibuf [dreg:s7], $0x6FFFF;
	_ =	strace $0x90000049  }
0xb3: {  	s29 =	simm.s32 $0x9;
	_ =	strace $0x8000004B  }
0xb4: {  	_ =	swait.ge [sflag:s29], $0x1  }
0xb5: {  	[sflag:s29] =	ssyncadd.s32 $0xFFFFFFFF  }
0xb6: {  	_ =	strace $0x9000004B  }
0xb7: {  	_ =	sfence  }
0xb8: {  	s30 =	sld [smem:$0x0];
	_ =	sdelay $0x2  }
0xb9: {  	s31 =	sshll.u32 s1, $0xD;
	s1 =	sshrl.u32 s1, $0x2  }
0xba: {  	s3 =	sand.u32 $0x4000, s31;
	s1 =	sadd.s32 s1, s30  }
0xbb: {  	s0 =	sor.u32 s3, s0;
	s1 =	sshll.u32 s1, $0x11  }
0xbc: {  	s0 =	sor.u32 s1, s0  }
0xbd: {  	s0 =	sadd.s32 $0x8F2B, s0  }
0xbe: {  	[sflag:s0] =	ssyncadd.remote.s32 $0x1  }
0xbf: {  	_ =	sfence.sel $0xFFFF  }
0xc0: {  	[dreg:$0x0] =	wrdreg $0xFFFFFFFF;
	(pc) =	sbr.abs _section_cstart, $3  }
0xc1: {  	[dreg:$0x1] =	wrdreg $0xFFFFFFFF  }
0xc2: {  	_ =	task.clear_ibuf [dreg:s7], $0x2FFFF;
	_ =	strace $0x9FFFFFFF  }
0xc3: {  	(tm) =	ssettm $0x7FFFFFFF  }
tec
execute0_lowered:
.L_overlay_start_1:
0x0: {  	(tag) =	ssettag $0x1  }
0x1: {  	s0 =	rddreg [dreg:$0x0]  }
0x2: {  	s1 =	rddreg [dreg:$0x1]  }
0x3: {  	s15 =	rddreg [dreg:$0x2]  }
0x4: {  	s11 =	stileid.u32;
	s4 =	srdreg.scid  }
0x5: {  	s3 =	simm.s32 $0x0;
	s29 =	simm.s32 $0x7;
	s28 =	simm.s32 $0xC600  }
0x6: {  	s30 =	simm.s32 $0xC480;
	s31 =	simm.s32 $0x2;
	s5 =	smul.u32 $0x278, s11  }
0x7: {  	s6 =	sand.u32 $0x1, s4;
	[smem:$0x7FF] =	sst s3;
	s4 =	sadd.s32 $0xB200, s0  }
0x8: {  	s8 =	sadd.s32 $0x6200, s0;
	s9 =	sadd.s32 $0x1200, s0;
	s17 =	smul.u32 $0x500, s11  }
0x9: {  	s14 =	smul.u32 $0x140000, s6;
	_ =	strace $0x8000004A;
	s10 =	ssub.s32 $0x2, s6  }
0xa: {  	s22 =	smul.u32 $0x2800, s6;
	s6 =	simm.s32 $0xC080;
	s13 =	smin.u32 s5, $0x2498  }
0xb: {  	s16 =	sshrl.u32 s10, $0x1;
	s23 =	sor.u32 $0x10, s17;
	s12 =	sadd.s32 s8, s17  }
0xc: {  	s11 =	sadd.s32 s9, s17;
	s7 =	sshll.u32 s13, $0x7;
	s24 =	sadd.s32 s8, s23  }
0xd: {  	s25 =	sadd.s32 s9, s23;
	s8 =	simm.s32 $0x4000;
	s9 =	simm.s32 $0x8  }
0xe: {  	s13 =	simm.s32 $0x8000;
	v0 =	vmov s22;
	s22 =	simm.s32 $0x0;
	[dreg:$0xf] =	wrdreg s11  }
0xf: {  	s5 =	sadd.s32 s14, s7;
	s18 =	sadd.s32 s7, s15;
	[dreg:$0xa] =	wrdreg s24  }
0x10: {  	[dreg:$0xb] =	wrdreg s25;
	s24 =	simm.s32 $0xC380;
	s25 =	simm.s32 $0x6  }
0x11: {  	s14 =	simm.s32 $0xC400;
	s7 =	sadd.s32 $0x4000, s18;
	[dreg:$0x4] =	wrdreg s18  }
0x12: {  	s5 =	sshrl.u32 s5, $0x3;
	s19 =	sadd.s32 $0x8000, s18;
	[dreg:$0x5] =	wrdreg s7  }
0x13: {  	s20 =	sadd.s32 $0xC000, s18;
	s21 =	sadd.s32 $0x10000, s18;
	[dreg:$0x6] =	wrdreg s19  }
0x14: {  	s0 =	sadd.s32 s5, s0;
	s5 =	ssub.s32 s10, s16;
	[dreg:$0x7] =	wrdreg s20  }
0x15: {  	[dreg:$0x8] =	wrdreg s21;
	s21 =	sadd.s32 s1, s17;
	s1 =	sadd.s32 s1, s23  }
0x16: {  	s19 =	simm.s32 $0x9;
	s20 =	simm.s32 $0xC300;
	s23 =	simm.s32 $0xC200  }
0x17: {  	s17 =	simm.s32 $0x1;
	s16 =	simm.s32 $0x4;
	s7 =	simm.s32 $0x3  }
0x18: {  	[dreg:$0x9] =	wrdreg s1;
	s0 =	sadd.s32 $0x5B200, s0;
	s26 =	smax.u32 s5, $0x1  }
0x19: {  	s1 =	simm.s32 $0xC000;
	s5 =	simm.s32 $0x5;
	[dreg:$0xc] =	wrdreg s0  }
0x1a: {  	[dreg:$0xd] =	wrdreg s26;
	s0 =	simm.s32 $0xC180;
	s26 =	simm.s32 $0x80  }
.LBB2_1:
0x1b: {  	[dreg:$0xe] =	wrdreg s22  }
0x1c: {  	[spmem:s18] =	stream.linear.scatter [tilespmem:s3], [sflag:$0x9], $0x4000, $0x38;
	[tilespmem:$0x1FF00] =	vst v63  }
0x1d: {  	_ =	swait.ge [sflag:s19], $0x4000  }
0x1e: {  	[sflag:s19] =	ssyncset.done $0x0  }
0x1f: {  	s10 =	rddreg [dreg:$0x5];
	[sflag:s19] =	ssyncadd.s32 $0xFFFFC000  }
0x20: {  	[spmem:s10] =	stream.linear.scatter [tilespmem:s3], [sflag:$0x9], $0x4000, $0x38;
	[tilespmem:$0x1FF00] =	vst v63  }
0x21: {  	_ =	swait.ge [sflag:s19], $0x4000  }
0x22: {  	[sflag:s19] =	ssyncset.done $0x0  }
0x23: {  	s22 =	rddreg [dreg:$0x6];
	[sflag:s19] =	ssyncadd.s32 $0xFFFFC000  }
0x24: {  	[spmem:s22] =	stream.linear.scatter [tilespmem:s3], [sflag:$0x9], $0x4000, $0x38;
	[tilespmem:$0x1FF00] =	vst v63  }
0x25: {  	_ =	swait.ge [sflag:s19], $0x4000  }
0x26: {  	[sflag:s19] =	ssyncset.done $0x0  }
0x27: {  	s2 =	rddreg [dreg:$0x7];
	[sflag:s19] =	ssyncadd.s32 $0xFFFFC000  }
0x28: {  	[spmem:s2] =	stream.linear.scatter [tilespmem:s3], [sflag:$0x9], $0x4000, $0x38;
	[tilespmem:$0x1FF00] =	vst v63  }
0x29: {  	_ =	swait.ge [sflag:s19], $0x4000  }
0x2a: {  	[sflag:s19] =	ssyncset.done $0x0  }
0x2b: {  	s18 =	rddreg [dreg:$0x8];
	[sflag:s19] =	ssyncadd.s32 $0xFFFFC000  }
0x2c: {  	[spmem:s18] =	stream.linear.scatter [tilespmem:s3], [sflag:$0x9], $0x3C00, $0x38;
	[tilespmem:$0x1FF00] =	vst v63  }
0x2d: {  	_ =	swait.ge [sflag:s19], $0x3C00  }
0x2e: {  	[sflag:s19] =	ssyncset.done $0x0  }
0x2f: {  	[sflag:s19] =	ssyncadd.s32 $0xFFFFC400  }
0x30: {  	[bflag:$0x0] =	sbarrier.arrive $0xFFFF  }
0x31: {  	[tilespmem:s1], [sflag:$0x6] =	stream.linear.gather [hbm4b:s21+s3], $0x80, $0x38;
	[tilespmem:$0x1FF00] =	vst v63  }
0x32: {  	_ = 	snop  }
0x33: {  	[tilespmem:s0], [sflag:$0x6] =	stream.linear.gather [hbm4b:s12+s3], $0x80, $0x38;
	[tilespmem:$0x1FF00] =	vst v63  }
0x34: {  	_ = 	snop  }
0x35: {  	[tilespmem:s20], [sflag:$0x6] =	stream.linear.gather [hbm4b:s11+s3], $0x80, $0x38;
	[tilespmem:$0x1FF00] =	vst v63  }
0x36: {  	s20 =	rddreg [dreg:$0x9]  }
0x37: {  	[tilespmem:s6], [sflag:$0x7] =	stream.linear.gather [hbm4b:s20+s3], $0x80, $0x38;
	[tilespmem:$0x1FF00] =	vst v63  }
0x38: {  	s22 =	rddreg [dreg:$0xa]  }
0x39: {  	[tilespmem:s23], [sflag:$0x7] =	stream.linear.gather [hbm4b:s22+s3], $0x80, $0x38;
	[tilespmem:$0x1FF00] =	vst v63  }
0x3a: {  	s23 =	rddreg [dreg:$0xb]  }
0x3b: {  	[tilespmem:s24], [sflag:$0x7] =	stream.linear.gather [hbm4b:s23+s3], $0x80, $0x38;
	[tilespmem:$0x1FF00] =	vst v63  }
0x3c: {  	_ =	swait.ge [sflag:s25], $0x80  }
0x3d: {  	[sflag:s25] =	ssyncset.done $0x0  }
0x3e: {  	[sflag:s25] =	ssyncadd.s32 $0xFFFFFF80  }
0x3f: {  	_ =	swait.ge [sflag:s25], $0x80  }
0x40: {  	[sflag:s25] =	ssyncset.done $0x0  }
0x41: {  	[sflag:s25] =	ssyncadd.s32 $0xFFFFFF80  }
0x42: {  	_ =	swait.ge [sflag:s25], $0x80  }
0x43: {  	[sflag:s25] =	ssyncset.done $0x0  }
0x44: {  	[sflag:s25] =	ssyncadd.s32 $0xFFFFFF80  }
0x45: {  	v1 =	vld [tilespmem:$0xC000]  }
0x46: {  	v2 =	vld [tilespmem:$0xC010]  }
0x47: {  	v3 =	vld [tilespmem:$0xC020]  }
0x48: {  	v4 =	vld [tilespmem:$0xC030]  }
0x49: {  	v5 =	vld [tilespmem:$0xC040]  }
0x4a: {  	v6 =	vld [tilespmem:$0xC050];
	v1 =	vadd.s32 v0, v1  }
0x4b: {  	[tilespmem:$0xC580] =	vst v1;
	v1 =	vadd.s32 v0, v2;
	v2 =	vld [tilespmem:$0xC060]  }
0x4c: {  	[tilespmem:$0xC590] =	vst v1;
	v1 =	vadd.s32 v0, v3;
	v3 =	vld [tilespmem:$0xC070]  }
0x4d: {  	[tilespmem:$0xC5A0] =	vst v1;
	v1 =	vadd.s32 v0, v4  }
0x4e: {  	[tilespmem:$0xC5B0] =	vst v1;
	v1 =	vadd.s32 v0, v5  }
0x4f: {  	[tilespmem:$0xC5C0] =	vst v1;
	v1 =	vadd.s32 v0, v6  }
0x50: {  	[tilespmem:$0xC5D0] =	vst v1;
	v1 =	vadd.s32 v0, v2  }
0x51: {  	[tilespmem:$0xC5E0] =	vst v1;
	v1 =	vadd.s32 v0, v3  }
0x52: {  	s18 =	simm.s32 $0x0;
	s1 =	simm.s32 $0xC580;
	s22 =	simm.s32 $0xC500;
	[tilespmem:$0xC5F0] =	vst v1  }
0x53: {  	[tilespmem:s3], [sflag:$0x1] =	stream.indirect.gather [hbm4b:s4+s26], $0x80, s1, s26, $0xb8;
	[tilespmem:$0x1FF00] =	vst v63  }
.LBB2_2:
0x54: {  	p0 =	seq.s32 s18, $0x0  }
0x55: {  	s10 =	simm.s32 @!p0 $0x4  }
0x56: {  	_ =	swait.ge @!p0 [sflag:s10], $0x4000  }
0x57: {  	[sflag:s10] =	ssyncset.done @!p0 $0x0  }
0x58: {  	[sflag:s10] =	ssyncadd.s32 @!p0 $0xFFFFC000  }
0x59: {  	_ =	swait.ge [sflag:s29], $0x80  }
0x5a: {  	[sflag:s29] =	ssyncset.done $0x0  }
0x5b: {  	[sflag:s29] =	ssyncadd.s32 $0xFFFFFF80  }
0x5c: {  	_ =	swait.ge [sflag:s29], $0x80  }
0x5d: {  	[sflag:s29] =	ssyncset.done $0x0  }
0x5e: {  	[sflag:s29] =	ssyncadd.s32 $0xFFFFFF80  }
0x5f: {  	_ =	swait.ge [sflag:s29], $0x80  }
0x60: {  	[sflag:s29] =	ssyncset.done $0x0  }
0x61: {  	[sflag:s29] =	ssyncadd.s32 $0xFFFFFF80  }
0x62: {  	v1 =	vld [tilespmem:$0xC080]  }
0x63: {  	v2 =	vld [tilespmem:$0xC090]  }
0x64: {  	v3 =	vld [tilespmem:$0xC0A0]  }
0x65: {  	v4 =	vld [tilespmem:$0xC0B0]  }
0x66: {  	v5 =	vld [tilespmem:$0xC0C0]  }
0x67: {  	v6 =	vld [tilespmem:$0xC0D0];
	v1 =	vadd.s32 v0, v1  }
0x68: {  	[tilespmem:$0xC600] =	vst v1;
	v1 =	vadd.s32 v0, v2;
	v2 =	vld [tilespmem:$0xC0E0]  }
0x69: {  	[tilespmem:$0xC610] =	vst v1;
	v1 =	vadd.s32 v0, v3;
	v3 =	vld [tilespmem:$0xC0F0]  }
0x6a: {  	[tilespmem:$0xC620] =	vst v1;
	v1 =	vadd.s32 v0, v4  }
0x6b: {  	[tilespmem:$0xC630] =	vst v1;
	v1 =	vadd.s32 v0, v5  }
0x6c: {  	[tilespmem:$0xC640] =	vst v1;
	v1 =	vadd.s32 v0, v6  }
0x6d: {  	[tilespmem:$0xC650] =	vst v1;
	v1 =	vadd.s32 v0, v2  }
0x6e: {  	[tilespmem:$0xC660] =	vst v1;
	v1 =	vadd.s32 v0, v3  }
0x6f: {  	s10 =	sadd.s32 s18, s21;
	[tilespmem:$0xC670] =	vst v1  }
0x70: {  	[tilespmem:s8], [sflag:$0x2] =	stream.indirect.gather [hbm4b:s4+s26], $0x80, s28, s26, $0xb8;
	[tilespmem:$0x1FF00] =	vst v63  }
0x71: {  	s19 =	sadd.s32 $0x20, s10;
	s28 =	simm.s32 $0xC100  }
0x72: {  	[tilespmem:s28], [sflag:$0x8] =	stream.linear.gather [hbm4b:s19+s3], $0x80, $0x38;
	[tilespmem:$0x1FF00] =	vst v63  }
0x73: {  	s19 =	sadd.s32 s18, s12  }
0x74: {  	s11 =	rddreg [dreg:$0xf];
	s8 =	simm.s32 $0xC280;
	s20 =	sadd.s32 $0x20, s19  }
0x75: {  	[tilespmem:s8], [sflag:$0x8] =	stream.linear.gather [hbm4b:s20+s3], $0x80, $0x38;
	[tilespmem:$0x1FF00] =	vst v63  }
0x76: {  	s20 =	sadd.s32 s18, s11  }
0x77: {  	s11 =	sadd.s32 $0x20, s20  }
0x78: {  	[tilespmem:s14], [sflag:$0x8] =	stream.linear.gather [hbm4b:s11+s3], $0x80, $0x38;
	[tilespmem:$0x1FF00] =	vst v63  }
0x79: {  	_ =	swait.ge [sflag:s17], $0x4000  }
0x7a: {  	[sflag:s17] =	ssyncset.done $0x0  }
0x7b: {  	[sflag:s17] =	ssyncadd.s32 $0xFFFFC000  }
0x7c: {  	v1 =	vld [tilespmem:$0xC180]  }
0x7d: {  	v2 =	vld [tilespmem:$0xC190]  }
0x7e: {  	v3 =	vld [tilespmem:$0xC1A0]  }
0x7f: {  	v37 =	vld [tilespmem:$0xC1B0]  }
0x80: {  	v38 =	vld [tilespmem:$0xC1C0]  }
0x81: {  	[tilespmem:$0xC480] =	vst v1;
	v1 =	vld [tilespmem:$0xC1D0]  }
0x82: {  	[tilespmem:$0xC490] =	vst v2;
	v2 =	vld [tilespmem:$0xC1E0]  }
0x83: {  	[tilespmem:$0xC4A0] =	vst v3;
	v3 =	vld [tilespmem:$0xC1F0]  }
0x84: {  	[tilespmem:$0xC4B0] =	vst v37  }
0x85: {  	[tilespmem:$0xC4C0] =	vst v38  }
0x86: {  	[tilespmem:$0xC4D0] =	vst v1  }
0x87: {  	[tilespmem:$0xC4E0] =	vst v2  }
0x88: {  	s11 =	simm.s32 @!p0 $0x5;
	[tilespmem:$0xC4F0] =	vst v3  }
0x89: {  	[spmem:s15] =	stream.indirect.scatter.add.f32 [tilespmem:s3], [sflag:$0x4], $0x80, s30, s26, $0xb8;
	[tilespmem:$0x1FF00] =	vst v63  }
0x8a: {  	_ =	swait.ge @!p0 [sflag:s11], $0x4000  }
0x8b: {  	[sflag:s11] =	ssyncset.done @!p0 $0x0  }
0x8c: {  	[sflag:s11] =	ssyncadd.s32 @!p0 $0xFFFFC000  }
0x8d: {  	_ =	swait.ge [sflag:s9], $0x80  }
0x8e: {  	[sflag:s9] =	ssyncset.done $0x0  }
0x8f: {  	[sflag:s9] =	ssyncadd.s32 $0xFFFFFF80  }
0x90: {  	_ =	swait.ge [sflag:s9], $0x80  }
0x91: {  	[sflag:s9] =	ssyncset.done $0x0  }
0x92: {  	[sflag:s9] =	ssyncadd.s32 $0xFFFFFF80  }
0x93: {  	_ =	swait.ge [sflag:s9], $0x80  }
0x94: {  	[sflag:s9] =	ssyncset.done $0x0  }
0x95: {  	[sflag:s9] =	ssyncadd.s32 $0xFFFFFF80  }
0x96: {  	v1 =	vld [tilespmem:$0xC100]  }
0x97: {  	v2 =	vld [tilespmem:$0xC110]  }
0x98: {  	v3 =	vld [tilespmem:$0xC120]  }
0x99: {  	v39 =	vld [tilespmem:$0xC130]  }
0x9a: {  	v40 =	vld [tilespmem:$0xC140]  }
0x9b: {  	v41 =	vld [tilespmem:$0xC150];
	v1 =	vadd.s32 v0, v1  }
0x9c: {  	[tilespmem:$0xC580] =	vst v1;
	v1 =	vadd.s32 v0, v2;
	v2 =	vld [tilespmem:$0xC160]  }
0x9d: {  	[tilespmem:$0xC590] =	vst v1;
	v1 =	vadd.s32 v0, v3;
	v3 =	vld [tilespmem:$0xC170]  }
0x9e: {  	[tilespmem:$0xC5A0] =	vst v1;
	v1 =	vadd.s32 v0, v39  }
0x9f: {  	[tilespmem:$0xC5B0] =	vst v1;
	v1 =	vadd.s32 v0, v40  }
0xa0: {  	[tilespmem:$0xC5C0] =	vst v1;
	v1 =	vadd.s32 v0, v41  }
0xa1: {  	[tilespmem:$0xC5D0] =	vst v1;
	v1 =	vadd.s32 v0, v2  }
0xa2: {  	[tilespmem:$0xC5E0] =	vst v1;
	v1 =	vadd.s32 v0, v3  }
0xa3: {  	[tilespmem:$0xC5F0] =	vst v1  }
0xa4: {  	[tilespmem:s13], [sflag:$0x3] =	stream.indirect.gather [hbm4b:s4+s26], $0x80, s1, s26, $0xb8;
	[tilespmem:$0x1FF00] =	vst v63  }
0xa5: {  	s6 =	sadd.s32 $0x30, s10;
	s1 =	simm.s32 $0xC000  }
0xa6: {  	[tilespmem:s1], [sflag:$0x6] =	stream.linear.gather [hbm4b:s6+s3], $0x80, $0x38;
	[tilespmem:$0x1FF00] =	vst v63  }
0xa7: {  	s23 =	simm.s32 $0xC180;
	s13 =	sadd.s32 $0x30, s19  }
0xa8: {  	[tilespmem:s23], [sflag:$0x6] =	stream.linear.gather [hbm4b:s13+s3], $0x80, $0x38;
	[tilespmem:$0x1FF00] =	vst v63  }
0xa9: {  	s24 =	sadd.s32 $0x30, s20;
	s6 =	simm.s32 $0xC300  }
0xaa: {  	[tilespmem:s6], [sflag:$0x6] =	stream.linear.gather [hbm4b:s24+s3], $0x80, $0x38;
	[tilespmem:$0x1FF00] =	vst v63  }
0xab: {  	_ =	swait.ge [sflag:s31], $0x4000  }
0xac: {  	[sflag:s31] =	ssyncset.done $0x0  }
0xad: {  	[sflag:s31] =	ssyncadd.s32 $0xFFFFC000  }
0xae: {  	v1 =	vld [tilespmem:$0xC200]  }
0xaf: {  	v2 =	vld [tilespmem:$0xC210]  }
0xb0: {  	v3 =	vld [tilespmem:$0xC220]  }
0xb1: {  	v42 =	vld [tilespmem:$0xC230]  }
0xb2: {  	v43 =	vld [tilespmem:$0xC240]  }
0xb3: {  	[tilespmem:$0xC500] =	vst v1;
	v1 =	vld [tilespmem:$0xC250]  }
0xb4: {  	[tilespmem:$0xC510] =	vst v2;
	v2 =	vld [tilespmem:$0xC260]  }
0xb5: {  	[tilespmem:$0xC520] =	vst v3;
	v3 =	vld [tilespmem:$0xC270]  }
0xb6: {  	[tilespmem:$0xC530] =	vst v42  }
0xb7: {  	[tilespmem:$0xC540] =	vst v43  }
0xb8: {  	[tilespmem:$0xC550] =	vst v1  }
0xb9: {  	[tilespmem:$0xC560] =	vst v2  }
0xba: {  	s2 =	simm.s32 $0x4000;
	[tilespmem:$0xC570] =	vst v3  }
0xbb: {  	[spmem:s15] =	stream.indirect.scatter.add.f32 [tilespmem:s2], [sflag:$0x5], $0x80, s22, s26, $0xb8;
	[tilespmem:$0x1FF00] =	vst v63  }
0xbc: {  	_ =	swait.ge [sflag:s16], $0x4000  }
0xbd: {  	[sflag:s16] =	ssyncset.done $0x0  }
0xbe: {  	[sflag:s16] =	ssyncadd.s32 $0xFFFFC000  }
0xbf: {  	_ =	swait.ge [sflag:s25], $0x80  }
0xc0: {  	[sflag:s25] =	ssyncset.done $0x0  }
0xc1: {  	[sflag:s25] =	ssyncadd.s32 $0xFFFFFF80  }
0xc2: {  	_ =	swait.ge [sflag:s25], $0x80  }
0xc3: {  	[sflag:s25] =	ssyncset.done $0x0  }
0xc4: {  	[sflag:s25] =	ssyncadd.s32 $0xFFFFFF80  }
0xc5: {  	_ =	swait.ge [sflag:s25], $0x80  }
0xc6: {  	[sflag:s25] =	ssyncset.done $0x0  }
0xc7: {  	[sflag:s25] =	ssyncadd.s32 $0xFFFFFF80  }
0xc8: {  	v1 =	vld [tilespmem:$0xC000]  }
0xc9: {  	v2 =	vld [tilespmem:$0xC010]  }
0xca: {  	v3 =	vld [tilespmem:$0xC020]  }
0xcb: {  	v44 =	vld [tilespmem:$0xC030]  }
0xcc: {  	v45 =	vld [tilespmem:$0xC040]  }
0xcd: {  	v46 =	vld [tilespmem:$0xC050];
	v1 =	vadd.s32 v0, v1  }
0xce: {  	[tilespmem:$0xC600] =	vst v1;
	v1 =	vadd.s32 v0, v2;
	v2 =	vld [tilespmem:$0xC060]  }
0xcf: {  	[tilespmem:$0xC610] =	vst v1;
	v1 =	vadd.s32 v0, v3;
	v3 =	vld [tilespmem:$0xC070]  }
0xd0: {  	[tilespmem:$0xC620] =	vst v1;
	v1 =	vadd.s32 v0, v44  }
0xd1: {  	[tilespmem:$0xC630] =	vst v1;
	v1 =	vadd.s32 v0, v45  }
0xd2: {  	[tilespmem:$0xC640] =	vst v1;
	v1 =	vadd.s32 v0, v46  }
0xd3: {  	[tilespmem:$0xC650] =	vst v1;
	v1 =	vadd.s32 v0, v2  }
0xd4: {  	[tilespmem:$0xC660] =	vst v1;
	v1 =	vadd.s32 v0, v3  }
0xd5: {  	s0 =	simm.s32 $0xC600;
	[tilespmem:$0xC670] =	vst v1  }
0xd6: {  	[tilespmem:s3], [sflag:$0x1] =	stream.indirect.gather [hbm4b:s4+s26], $0x80, s0, s26, $0xb8;
	[tilespmem:$0x1FF00] =	vst v63  }
0xd7: {  	s13 =	sadd.s32 $0x40, s10;
	s24 =	simm.s32 $0xC080  }
0xd8: {  	[tilespmem:s24], [sflag:$0x7] =	stream.linear.gather [hbm4b:s13+s3], $0x80, $0x38;
	[tilespmem:$0x1FF00] =	vst v63  }
0xd9: {  	s22 =	sadd.s32 $0x40, s19;
	s0 =	simm.s32 $0xC200  }
0xda: {  	[tilespmem:s0], [sflag:$0x7] =	stream.linear.gather [hbm4b:s22+s3], $0x80, $0x38;
	[tilespmem:$0x1FF00] =	vst v63  }
0xdb: {  	s11 =	sadd.s32 $0x40, s20;
	s22 =	simm.s32 $0xC380  }
0xdc: {  	[tilespmem:s22], [sflag:$0x7] =	stream.linear.gather [hbm4b:s11+s3], $0x80, $0x38;
	[tilespmem:$0x1FF00] =	vst v63  }
0xdd: {  	_ =	swait.ge [sflag:s7], $0x4000  }
0xde: {  	[sflag:s7] =	ssyncset.done $0x0  }
0xdf: {  	[sflag:s7] =	ssyncadd.s32 $0xFFFFC000  }
0xe0: {  	v1 =	vld [tilespmem:$0xC280]  }
0xe1: {  	v2 =	vld [tilespmem:$0xC290]  }
0xe2: {  	v3 =	vld [tilespmem:$0xC2A0]  }
0xe3: {  	v47 =	vld [tilespmem:$0xC2B0]  }
0xe4: {  	v48 =	vld [tilespmem:$0xC2C0]  }
0xe5: {  	[tilespmem:$0xC480] =	vst v1;
	v1 =	vld [tilespmem:$0xC2D0]  }
0xe6: {  	[tilespmem:$0xC490] =	vst v2;
	v2 =	vld [tilespmem:$0xC2E0]  }
0xe7: {  	[tilespmem:$0xC4A0] =	vst v3;
	v3 =	vld [tilespmem:$0xC2F0]  }
0xe8: {  	[tilespmem:$0xC4B0] =	vst v47  }
0xe9: {  	[tilespmem:$0xC4C0] =	vst v48  }
0xea: {  	[tilespmem:$0xC4D0] =	vst v1  }
0xeb: {  	[tilespmem:$0xC4E0] =	vst v2  }
0xec: {  	s17 =	simm.s32 $0xC480;
	s31 =	simm.s32 $0x8000;
	[tilespmem:$0xC4F0] =	vst v3  }
0xed: {  	[spmem:s15] =	stream.indirect.scatter.add.f32 [tilespmem:s31], [sflag:$0x4], $0x80, s17, s26, $0xb8;
	[tilespmem:$0x1FF00] =	vst v63  }
0xee: {  	_ =	swait.ge [sflag:s5], $0x4000  }
0xef: {  	[sflag:s5] =	ssyncset.done $0x0  }
0xf0: {  	[sflag:s5] =	ssyncadd.s32 $0xFFFFC000  }
0xf1: {  	_ =	swait.ge [sflag:s29], $0x80  }
0xf2: {  	[sflag:s29] =	ssyncset.done $0x0  }
0xf3: {  	[sflag:s29] =	ssyncadd.s32 $0xFFFFFF80  }
0xf4: {  	_ =	swait.ge [sflag:s29], $0x80  }
0xf5: {  	[sflag:s29] =	ssyncset.done $0x0  }
0xf6: {  	[sflag:s29] =	ssyncadd.s32 $0xFFFFFF80  }
0xf7: {  	_ =	swait.ge [sflag:s29], $0x80  }
0xf8: {  	[sflag:s29] =	ssyncset.done $0x0  }
0xf9: {  	[sflag:s29] =	ssyncadd.s32 $0xFFFFFF80  }
0xfa: {  	v1 =	vld [tilespmem:$0xC080]  }
0xfb: {  	v2 =	vld [tilespmem:$0xC090]  }
0xfc: {  	v3 =	vld [tilespmem:$0xC0A0]  }
0xfd: {  	v49 =	vld [tilespmem:$0xC0B0]  }
0xfe: {  	v50 =	vld [tilespmem:$0xC0C0]  }
0xff: {  	v51 =	vld [tilespmem:$0xC0D0];
	v1 =	vadd.s32 v0, v1  }
0x100: {  	[tilespmem:$0xC580] =	vst v1;
	v1 =	vadd.s32 v0, v2;
	v2 =	vld [tilespmem:$0xC0E0]  }
0x101: {  	[tilespmem:$0xC590] =	vst v1;
	v1 =	vadd.s32 v0, v3;
	v3 =	vld [tilespmem:$0xC0F0]  }
0x102: {  	[tilespmem:$0xC5A0] =	vst v1;
	v1 =	vadd.s32 v0, v49  }
0x103: {  	[tilespmem:$0xC5B0] =	vst v1;
	v1 =	vadd.s32 v0, v50  }
0x104: {  	[tilespmem:$0xC5C0] =	vst v1;
	v1 =	vadd.s32 v0, v51  }
0x105: {  	[tilespmem:$0xC5D0] =	vst v1;
	v1 =	vadd.s32 v0, v2  }
0x106: {  	[tilespmem:$0xC5E0] =	vst v1;
	v1 =	vadd.s32 v0, v3  }
0x107: {  	s30 =	simm.s32 $0xC580;
	[tilespmem:$0xC5F0] =	vst v1  }
0x108: {  	[tilespmem:s2], [sflag:$0x2] =	stream.indirect.gather [hbm4b:s4+s26], $0x80, s30, s26, $0xb8;
	[tilespmem:$0x1FF00] =	vst v63  }
0x109: {  	s11 =	sadd.s32 $0x50, s10  }
0x10a: {  	[tilespmem:s28], [sflag:$0x8] =	stream.linear.gather [hbm4b:s11+s3], $0x80, $0x38;
	[tilespmem:$0x1FF00] =	vst v63  }
0x10b: {  	s11 =	sadd.s32 $0x50, s19  }
0x10c: {  	[tilespmem:s8], [sflag:$0x8] =	stream.linear.gather [hbm4b:s11+s3], $0x80, $0x38;
	[tilespmem:$0x1FF00] =	vst v63  }
0x10d: {  	s17 =	simm.s32 $0x1;
	s11 =	sadd.s32 $0x50, s20  }
0x10e: {  	[tilespmem:s14], [sflag:$0x8] =	stream.linear.gather [hbm4b:s11+s3], $0x80, $0x38;
	[tilespmem:$0x1FF00] =	vst v63  }
0x10f: {  	_ =	swait.ge [sflag:s17], $0x4000  }
0x110: {  	[sflag:s17] =	ssyncset.done $0x0  }
0x111: {  	[sflag:s17] =	ssyncadd.s32 $0xFFFFC000  }
0x112: {  	v1 =	vld [tilespmem:$0xC180]  }
0x113: {  	v2 =	vld [tilespmem:$0xC190]  }
0x114: {  	v3 =	vld [tilespmem:$0xC1A0]  }
0x115: {  	v52 =	vld [tilespmem:$0xC1B0]  }
0x116: {  	v53 =	vld [tilespmem:$0xC1C0]  }
0x117: {  	[tilespmem:$0xC500] =	vst v1;
	v1 =	vld [tilespmem:$0xC1D0]  }
0x118: {  	[tilespmem:$0xC510] =	vst v2;
	v2 =	vld [tilespmem:$0xC1E0]  }
0x119: {  	[tilespmem:$0xC520] =	vst v3;
	v3 =	vld [tilespmem:$0xC1F0]  }
0x11a: {  	[tilespmem:$0xC530] =	vst v52  }
0x11b: {  	[tilespmem:$0xC540] =	vst v53  }
0x11c: {  	[tilespmem:$0xC550] =	vst v1  }
0x11d: {  	[tilespmem:$0xC560] =	vst v2  }
0x11e: {  	s13 =	simm.s32 $0xC500;
	[tilespmem:$0xC570] =	vst v3  }
0x11f: {  	[spmem:s15] =	stream.indirect.scatter.add.f32 [tilespmem:s3], [sflag:$0x5], $0x80, s13, s26, $0xb8;
	[tilespmem:$0x1FF00] =	vst v63  }
0x120: {  	_ =	swait.ge [sflag:s16], $0x4000  }
0x121: {  	[sflag:s16] =	ssyncset.done $0x0  }
0x122: {  	[sflag:s16] =	ssyncadd.s32 $0xFFFFC000  }
0x123: {  	_ =	swait.ge [sflag:s9], $0x80  }
0x124: {  	[sflag:s9] =	ssyncset.done $0x0  }
0x125: {  	[sflag:s9] =	ssyncadd.s32 $0xFFFFFF80  }
0x126: {  	_ =	swait.ge [sflag:s9], $0x80  }
0x127: {  	[sflag:s9] =	ssyncset.done $0x0  }
0x128: {  	[sflag:s9] =	ssyncadd.s32 $0xFFFFFF80  }
0x129: {  	_ =	swait.ge [sflag:s9], $0x80  }
0x12a: {  	[sflag:s9] =	ssyncset.done $0x0  }
0x12b: {  	[sflag:s9] =	ssyncadd.s32 $0xFFFFFF80  }
0x12c: {  	v1 =	vld [tilespmem:$0xC100]  }
0x12d: {  	v2 =	vld [tilespmem:$0xC110]  }
0x12e: {  	v3 =	vld [tilespmem:$0xC120]  }
0x12f: {  	v54 =	vld [tilespmem:$0xC130]  }
0x130: {  	v55 =	vld [tilespmem:$0xC140]  }
0x131: {  	v56 =	vld [tilespmem:$0xC150];
	v1 =	vadd.s32 v0, v1  }
0x132: {  	[tilespmem:$0xC600] =	vst v1;
	v1 =	vadd.s32 v0, v2;
	v2 =	vld [tilespmem:$0xC160]  }
0x133: {  	[tilespmem:$0xC610] =	vst v1;
	v1 =	vadd.s32 v0, v3;
	v3 =	vld [tilespmem:$0xC170]  }
0x134: {  	[tilespmem:$0xC620] =	vst v1;
	v1 =	vadd.s32 v0, v54  }
0x135: {  	[tilespmem:$0xC630] =	vst v1;
	v1 =	vadd.s32 v0, v55  }
0x136: {  	[tilespmem:$0xC640] =	vst v1;
	v1 =	vadd.s32 v0, v56  }
0x137: {  	[tilespmem:$0xC650] =	vst v1;
	v1 =	vadd.s32 v0, v2  }
0x138: {  	[tilespmem:$0xC660] =	vst v1;
	v1 =	vadd.s32 v0, v3  }
0x139: {  	s28 =	simm.s32 $0xC600;
	s13 =	simm.s32 $0x8000;
	[tilespmem:$0xC670] =	vst v1  }
0x13a: {  	[tilespmem:s13], [sflag:$0x3] =	stream.indirect.gather [hbm4b:s4+s26], $0x80, s28, s26, $0xb8;
	[tilespmem:$0x1FF00] =	vst v63  }
0x13b: {  	s11 =	sadd.s32 $0x60, s10  }
0x13c: {  	[tilespmem:s1], [sflag:$0x6] =	stream.linear.gather [hbm4b:s11+s3], $0x80, $0x38;
	[tilespmem:$0x1FF00] =	vst v63  }
0x13d: {  	s11 =	sadd.s32 $0x60, s19  }
0x13e: {  	[tilespmem:s23], [sflag:$0x6] =	stream.linear.gather [hbm4b:s11+s3], $0x80, $0x38;
	[tilespmem:$0x1FF00] =	vst v63  }
0x13f: {  	s31 =	simm.s32 $0x2;
	s23 =	sadd.s32 $0x60, s20  }
0x140: {  	[tilespmem:s6], [sflag:$0x6] =	stream.linear.gather [hbm4b:s23+s3], $0x80, $0x38;
	[tilespmem:$0x1FF00] =	vst v63  }
0x141: {  	_ =	swait.ge [sflag:s31], $0x4000  }
0x142: {  	[sflag:s31] =	ssyncset.done $0x0  }
0x143: {  	[sflag:s31] =	ssyncadd.s32 $0xFFFFC000  }
0x144: {  	v1 =	vld [tilespmem:$0xC200]  }
0x145: {  	v2 =	vld [tilespmem:$0xC210]  }
0x146: {  	v3 =	vld [tilespmem:$0xC220]  }
0x147: {  	v57 =	vld [tilespmem:$0xC230]  }
0x148: {  	v58 =	vld [tilespmem:$0xC240]  }
0x149: {  	[tilespmem:$0xC480] =	vst v1;
	v1 =	vld [tilespmem:$0xC250]  }
0x14a: {  	[tilespmem:$0xC490] =	vst v2;
	v2 =	vld [tilespmem:$0xC260]  }
0x14b: {  	[tilespmem:$0xC4A0] =	vst v3;
	v3 =	vld [tilespmem:$0xC270]  }
0x14c: {  	[tilespmem:$0xC4B0] =	vst v57  }
0x14d: {  	[tilespmem:$0xC4C0] =	vst v58  }
0x14e: {  	[tilespmem:$0xC4D0] =	vst v1  }
0x14f: {  	[tilespmem:$0xC4E0] =	vst v2  }
0x150: {  	s30 =	simm.s32 $0xC480;
	s8 =	simm.s32 $0x4000;
	[tilespmem:$0xC4F0] =	vst v3  }
0x151: {  	[spmem:s15] =	stream.indirect.scatter.add.f32 [tilespmem:s8], [sflag:$0x4], $0x80, s30, s26, $0xb8;
	[tilespmem:$0x1FF00] =	vst v63  }
0x152: {  	_ =	swait.ge [sflag:s5], $0x4000  }
0x153: {  	[sflag:s5] =	ssyncset.done $0x0  }
0x154: {  	[sflag:s5] =	ssyncadd.s32 $0xFFFFC000  }
0x155: {  	_ =	swait.ge [sflag:s25], $0x80  }
0x156: {  	[sflag:s25] =	ssyncset.done $0x0  }
0x157: {  	[sflag:s25] =	ssyncadd.s32 $0xFFFFFF80  }
0x158: {  	_ =	swait.ge [sflag:s25], $0x80  }
0x159: {  	[sflag:s25] =	ssyncset.done $0x0  }
0x15a: {  	[sflag:s25] =	ssyncadd.s32 $0xFFFFFF80  }
0x15b: {  	_ =	swait.ge [sflag:s25], $0x80  }
0x15c: {  	[sflag:s25] =	ssyncset.done $0x0  }
0x15d: {  	[sflag:s25] =	ssyncadd.s32 $0xFFFFFF80  }
0x15e: {  	v1 =	vld [tilespmem:$0xC000]  }
0x15f: {  	v2 =	vld [tilespmem:$0xC010]  }
0x160: {  	v3 =	vld [tilespmem:$0xC020]  }
0x161: {  	v59 =	vld [tilespmem:$0xC030]  }
0x162: {  	v60 =	vld [tilespmem:$0xC040]  }
0x163: {  	v61 =	vld [tilespmem:$0xC050];
	v1 =	vadd.s32 v0, v1  }
0x164: {  	[tilespmem:$0xC580] =	vst v1;
	v1 =	vadd.s32 v0, v2;
	v2 =	vld [tilespmem:$0xC060]  }
0x165: {  	[tilespmem:$0xC590] =	vst v1;
	v1 =	vadd.s32 v0, v3;
	v3 =	vld [tilespmem:$0xC070]  }
0x166: {  	[tilespmem:$0xC5A0] =	vst v1;
	v1 =	vadd.s32 v0, v59  }
0x167: {  	[tilespmem:$0xC5B0] =	vst v1;
	v1 =	vadd.s32 v0, v60  }
0x168: {  	[tilespmem:$0xC5C0] =	vst v1;
	v1 =	vadd.s32 v0, v61  }
0x169: {  	[tilespmem:$0xC5D0] =	vst v1;
	v1 =	vadd.s32 v0, v2  }
0x16a: {  	[tilespmem:$0xC5E0] =	vst v1;
	v1 =	vadd.s32 v0, v3  }
0x16b: {  	s1 =	simm.s32 $0xC580;
	[tilespmem:$0xC5F0] =	vst v1  }
0x16c: {  	[tilespmem:s3], [sflag:$0x1] =	stream.indirect.gather [hbm4b:s4+s26], $0x80, s1, s26, $0xb8;
	[tilespmem:$0x1FF00] =	vst v63  }
0x16d: {  	s10 =	sadd.s32 $0x70, s10  }
0x16e: {  	[tilespmem:s24], [sflag:$0x7] =	stream.linear.gather [hbm4b:s10+s3], $0x80, $0x38;
	[tilespmem:$0x1FF00] =	vst v63  }
0x16f: {  	s23 =	sadd.s32 $0x70, s19  }
0x170: {  	[tilespmem:s0], [sflag:$0x7] =	stream.linear.gather [hbm4b:s23+s3], $0x80, $0x38;
	[tilespmem:$0x1FF00] =	vst v63  }
0x171: {  	s2 =	simm.s32 $0x3;
	s24 =	sadd.s32 $0x70, s20  }
0x172: {  	[tilespmem:s22], [sflag:$0x7] =	stream.linear.gather [hbm4b:s24+s3], $0x80, $0x38;
	[tilespmem:$0x1FF00] =	vst v63  }
0x173: {  	_ =	swait.ge [sflag:s2], $0x4000  }
0x174: {  	[sflag:s2] =	ssyncset.done $0x0  }
0x175: {  	[sflag:s2] =	ssyncadd.s32 $0xFFFFC000  }
0x176: {  	v1 =	vld [tilespmem:$0xC280]  }
0x177: {  	v2 =	vld [tilespmem:$0xC290]  }
0x178: {  	v3 =	vld [tilespmem:$0xC2A0]  }
0x179: {  	v62 =	vld [tilespmem:$0xC2B0]  }
0x17a: {  	v63 =	vld [tilespmem:$0xC2C0]  }
0x17b: {  	[tilespmem:$0xC500] =	vst v1;
	v1 =	vld [tilespmem:$0xC2D0]  }
0x17c: {  	[tilespmem:$0xC510] =	vst v2;
	v2 =	vld [tilespmem:$0xC2E0]  }
0x17d: {  	s18 =	sadd.s32 $0x60, s18;
	[tilespmem:$0xC520] =	vst v3;
	v3 =	vld [tilespmem:$0xC2F0]  }
0x17e: {  	p0 =	sne.s32 s18, $0x4E0;
	[tilespmem:$0xC530] =	vst v62  }
.Ltmp0:
0x17f: {  	[tilespmem:$0xC540] =	vst v63;
	(pc) =	sbr.rel @p0 .LBB2_2-.Ltmp0, $4  }
0x180: {  	[tilespmem:$0xC550] =	vst v1  }
0x181: {  	[tilespmem:$0xC560] =	vst v2  }
0x182: {  	s22 =	simm.s32 $0xC500;
	[tilespmem:$0xC570] =	vst v3  }
0x183: {  	[spmem:s15] =	stream.indirect.scatter.add.f32 [tilespmem:s13], [sflag:$0x5], $0x80, s22, s26, $0xb8;
	[tilespmem:$0x1FF00] =	vst v63  }
0x184: {  	_ =	swait.ge [sflag:s16], $0x4000  }
0x185: {  	[sflag:s16] =	ssyncset.done $0x0  }
0x186: {  	[sflag:s16] =	ssyncadd.s32 $0xFFFFC000  }
0x187: {  	_ =	swait.ge [sflag:s29], $0x80  }
0x188: {  	[sflag:s29] =	ssyncset.done $0x0  }
0x189: {  	[sflag:s29] =	ssyncadd.s32 $0xFFFFFF80  }
0x18a: {  	_ =	swait.ge [sflag:s29], $0x80  }
0x18b: {  	[sflag:s29] =	ssyncset.done $0x0  }
0x18c: {  	[sflag:s29] =	ssyncadd.s32 $0xFFFFFF80  }
0x18d: {  	_ =	swait.ge [sflag:s29], $0x80  }
0x18e: {  	[sflag:s29] =	ssyncset.done $0x0  }
0x18f: {  	[sflag:s29] =	ssyncadd.s32 $0xFFFFFF80  }
0x190: {  	v1 =	vld [tilespmem:$0xC080]  }
0x191: {  	v2 =	vld [tilespmem:$0xC090]  }
0x192: {  	v3 =	vld [tilespmem:$0xC0A0]  }
0x193: {  	v4 =	vld [tilespmem:$0xC0B0]  }
0x194: {  	v5 =	vld [tilespmem:$0xC0C0]  }
0x195: {  	v6 =	vld [tilespmem:$0xC0D0];
	v1 =	vadd.s32 v0, v1  }
0x196: {  	[tilespmem:$0xC600] =	vst v1;
	v1 =	vadd.s32 v0, v2;
	v2 =	vld [tilespmem:$0xC0E0]  }
0x197: {  	[tilespmem:$0xC610] =	vst v1;
	v1 =	vadd.s32 v0, v3;
	v3 =	vld [tilespmem:$0xC0F0]  }
0x198: {  	[tilespmem:$0xC620] =	vst v1;
	v1 =	vadd.s32 v0, v4  }
0x199: {  	[tilespmem:$0xC630] =	vst v1;
	v1 =	vadd.s32 v0, v5  }
0x19a: {  	[tilespmem:$0xC640] =	vst v1;
	v1 =	vadd.s32 v0, v6  }
0x19b: {  	[tilespmem:$0xC650] =	vst v1;
	v1 =	vadd.s32 v0, v2  }
0x19c: {  	[tilespmem:$0xC660] =	vst v1;
	v1 =	vadd.s32 v0, v3  }
0x19d: {  	[tilespmem:$0xC670] =	vst v1  }
0x19e: {  	[tilespmem:s8], [sflag:$0x2] =	stream.indirect.gather [hbm4b:s4+s26], $0x80, s28, s26, $0xb8;
	[tilespmem:$0x1FF00] =	vst v63  }
0x19f: {  	_ =	swait.ge [sflag:s17], $0x4000  }
0x1a0: {  	[sflag:s17] =	ssyncset.done $0x0  }
0x1a1: {  	[sflag:s17] =	ssyncadd.s32 $0xFFFFC000  }
0x1a2: {  	v1 =	vld [tilespmem:$0xC180]  }
0x1a3: {  	v2 =	vld [tilespmem:$0xC190]  }
0x1a4: {  	v3 =	vld [tilespmem:$0xC1A0]  }
0x1a5: {  	v60 =	vld [tilespmem:$0xC1B0]  }
0x1a6: {  	v61 =	vld [tilespmem:$0xC1C0]  }
0x1a7: {  	[tilespmem:$0xC480] =	vst v1;
	v1 =	vld [tilespmem:$0xC1D0]  }
0x1a8: {  	[tilespmem:$0xC490] =	vst v2;
	v2 =	vld [tilespmem:$0xC1E0]  }
0x1a9: {  	[tilespmem:$0xC4A0] =	vst v3;
	v3 =	vld [tilespmem:$0xC1F0]  }
0x1aa: {  	[tilespmem:$0xC4B0] =	vst v60  }
0x1ab: {  	[tilespmem:$0xC4C0] =	vst v61  }
0x1ac: {  	[tilespmem:$0xC4D0] =	vst v1  }
0x1ad: {  	[tilespmem:$0xC4E0] =	vst v2  }
0x1ae: {  	[tilespmem:$0xC4F0] =	vst v3  }
0x1af: {  	[spmem:s15] =	stream.indirect.scatter.add.f32 [tilespmem:s3], [sflag:$0x4], $0x80, s30, s26, $0xb8;
	[tilespmem:$0x1FF00] =	vst v63  }
0x1b0: {  	_ =	swait.ge [sflag:s5], $0x4000  }
0x1b1: {  	[sflag:s5] =	ssyncset.done $0x0  }
0x1b2: {  	[sflag:s5] =	ssyncadd.s32 $0xFFFFC000  }
0x1b3: {  	_ =	swait.ge [sflag:s31], $0x4000  }
0x1b4: {  	[sflag:s31] =	ssyncset.done $0x0  }
0x1b5: {  	[sflag:s31] =	ssyncadd.s32 $0xFFFFC000  }
0x1b6: {  	v1 =	vld [tilespmem:$0xC200]  }
0x1b7: {  	v2 =	vld [tilespmem:$0xC210]  }
0x1b8: {  	v3 =	vld [tilespmem:$0xC220]  }
0x1b9: {  	v62 =	vld [tilespmem:$0xC230]  }
0x1ba: {  	v63 =	vld [tilespmem:$0xC240]  }
0x1bb: {  	[tilespmem:$0xC500] =	vst v1;
	v1 =	vld [tilespmem:$0xC250]  }
0x1bc: {  	[tilespmem:$0xC510] =	vst v2;
	v2 =	vld [tilespmem:$0xC260]  }
0x1bd: {  	[tilespmem:$0xC520] =	vst v3;
	v3 =	vld [tilespmem:$0xC270]  }
0x1be: {  	[tilespmem:$0xC530] =	vst v62  }
0x1bf: {  	[tilespmem:$0xC540] =	vst v63  }
0x1c0: {  	[tilespmem:$0xC550] =	vst v1  }
0x1c1: {  	[tilespmem:$0xC560] =	vst v2  }
0x1c2: {  	[tilespmem:$0xC570] =	vst v3  }
0x1c3: {  	[spmem:s15] =	stream.indirect.scatter.add.f32 [tilespmem:s8], [sflag:$0x5], $0x80, s22, s26, $0xb8;
	[tilespmem:$0x1FF00] =	vst v63  }
0x1c4: {  	_ =	swait.ge [sflag:s16], $0x4000  }
0x1c5: {  	[sflag:s16] =	ssyncset.done $0x0  }
0x1c6: {  	[sflag:s16] =	ssyncadd.s32 $0xFFFFC000  }
0x1c7: {  	_ =	swait.ge [sflag:s5], $0x4000  }
0x1c8: {  	[sflag:s5] =	ssyncset.done $0x0  }
0x1c9: {  	[sflag:s5] =	ssyncadd.s32 $0xFFFFC000  }
0x1ca: {  	s10 =	stileid.u32;
	[bflag:$0x0] =	sbarrier.arrive $0xFFFF  }
0x1cb: {  	s10 =	sshll.u32 s10, $0x6;
	s18 =	rddreg [dreg:$0x4]  }
0x1cc: {  	s10 =	sor.u32 $0x1C09, s10;
	s19 =	rddreg [dreg:$0xc];
	s11 =	sshrl.u32 s18, $0x3  }
0x1cd: {  	[hbm:s19], [sflag:s10] =	dma.local [spmem:s11], $0x2780  }
0x1ce: {  	s19 =	simm.s32 $0x9  }
0x1cf: {  	_ =	swait.ge [sflag:s19], $0x2780  }
0x1d0: {  	s23 =	rddreg [dreg:$0xe]  }
0x1d1: {  	s24 =	rddreg [dreg:$0xd];
	s22 =	sadd.s32 $0x1, s23  }
0x1d2: {  	p0 =	sne.s32 s22, s24  }
.Ltmp1:
0x1d3: {  	_ = 	snop;
	(pc) =	sbr.rel @p0 .LBB2_1-.Ltmp1, $4  }
0x1d4: {  	_ = 	snop  }
0x1d5: {  	s1 =	simm.s32 $0xC000;
	s0 =	simm.s32 $0xC180;
	s20 =	simm.s32 $0xC300  }
0x1d6: {  	s6 =	simm.s32 $0xC080;
	[sflag:s19] =	ssyncset.done $0x0;
	s11 =	rddreg [dreg:$0xf]  }
0x1d7: {  	[sflag:s19] =	ssyncadd.s32 $0xFFFFD880;
	s23 =	simm.s32 $0xC200;
	s24 =	simm.s32 $0xC380  }
0x1d8: {  	_ =	sfence.sel $0x180000  }
0x1d9: {  	[bflag:$0x0] =	sbarrier.arrive $0xFFFF  }
0x1da: {  	_ =	strace $0x9000004A  }
0x1db: {  	s0 =	stileid.u32;
	[bflag:$0x2] =	sbarrier.arrive $0xFFFF  }
0x1dc: {  	p0 =	sne.s32 s0, $0x0;
	s0 =	rddreg [dreg:$0x3]  }
0x1dd: {  	s0 =	sadd.s32 @!p0 $0x100000, s0  }
0x1de: {  	[sflag:s0] =	ssyncadd.tile.s32 @!p0 $0x1;
	_ =	shalt  }
.Lfunc_end2:
_tile_overlayer_lowered:
.L_overlay_start_2:
0x1df: {  	(tag) =	ssettag $0x2  }
0x1e0: {  	s0 =	rddreg [dreg:$0x0];
	s2 =	stileid.u32  }
0x1e1: {  	s1 =	rddreg [dreg:$0x1];
	p0 =	sne.s32 s2, $0x0  }
0x1e2: {  	s3 =	rddreg [dreg:$0x2];
	[bflag:$0x3] =	sbarrier.arrive $0xFFFF;
	s2 =	simm.s32 @!p0 $0x1C09  }
0x1e3: {  	[timem:s3], [sflag:s2] =	dma.local @!p0 [hbm:s0], s1  }
0x1e4: {  	s0 =	simm.s32 @!p0 $0x9  }
0x1e5: {  	_ =	swait.ge @!p0 [sflag:s0], s1  }
0x1e6: {  	s1 =	ssub.s32 @!p0 $0x0, s1;
	[sflag:s0] =	ssyncset.done @!p0 $0x0  }
0x1e7: {  	[sflag:s0] =	ssyncadd.s32 @!p0 s1  }
0x1e8: {  	[bflag:$0x3] =	sbarrier.arrive $0xFFFF  }
0x1e9: {  	_ =	shalt  }

</sc_bundles>
